<compile_context>
chip_gen: v7x
topology: tpu7x:2x2x1
jax: 0.10.2.dev20260603
libtpu: 0.0.44.dev20260713+nightly
codegen_flags: <defaults>
</compile_context>

<pallas_src>
import functools

import jax
import jax.numpy as jnp
from jax import lax
from jax.experimental import pallas as pl
from jax.experimental.pallas import tpu as pltpu
from jax.experimental.pallas import tpu_sc as plsc

_GDN = lax.GatherDimensionNumbers(
    offset_dims=(), collapsed_slice_dims=(0,), start_index_map=(0,)
)


def _bcast0(v):
    return lax.gather(v, jnp.zeros((16, 1), jnp.int32), _GDN, (1,),
                      mode=lax.GatherScatterMode.PROMISE_IN_BOUNDS)


S = 10000
D = 128
NW = 32
SPW = 312
LAST = S - (NW - 1) * SPW
C = 320
NVEC = D // 16


def _make_kernel(N):
    mesh = plsc.VectorSubcoreMesh(core_axis_name="c", subcore_axis_name="s")

    @functools.partial(
        pl.kernel,
        out_type=jax.ShapeDtypeStruct((S, D), jnp.float32),
        mesh=mesh,
        scratch_types=[
            pltpu.VMEM((C * D,), jnp.float32),
            pltpu.VMEM((C * D,), jnp.float32),
            pltpu.VMEM((C + 16,), jnp.int32),
            pltpu.VMEM((C + 16,), jnp.int32),
            pltpu.VMEM((LAST + 1, D), jnp.float32),
            pltpu.VMEM((48,), jnp.int32),
            pltpu.SemaphoreType.DMA,
            pltpu.SemaphoreType.DMA,
            pltpu.SemaphoreType.DMA,
            pltpu.SemaphoreType.DMA,
        ],
        compiler_params=pltpu.CompilerParams(needs_layout_passes=False),
    )
    def seg_max(feats_hbm, batch_hbm, offs_hbm, out_hbm,
                fbuf0, fbuf1, ibuf0, ibuf1, table, offs_v,
                semf0, semf1, semi0, semi1):
        w = lax.axis_index("s") * 2 + lax.axis_index("c")
        seg_base = w * SPW

        zero = jnp.zeros((16,), jnp.float32)
        iota16 = lax.iota(jnp.int32, 16)
        iotas = [iota16 + j * 16 for j in range(NVEC)]
        segb_vec = jnp.full((16,), seg_base, jnp.int32)

        def zbody(i, _):
            zi = jnp.full((16,), 0, jnp.int32) + i
            for j in range(NVEC):
                plsc.store_scatter(table, [zi, iotas[j]], zero)
            return 0

        lax.fori_loop(0, LAST, zbody, 0)

        pltpu.sync_copy(offs_hbm, offs_v)
        r0 = offs_v[pl.ds(w, 16)][0]
        r1 = offs_v[pl.ds(w + 1, 16)][0]
        r0a = (r0 // 8) * 8
        nchunks = (r1 - r0a + C - 1) // C

        def chunk_base(c):
            return jnp.minimum(r0a + c * C, N - C)

        H = C * D // 2

        def start(c, fb, ib, semf, semi):
            base = chunk_base(c)
            pltpu.async_copy(feats_hbm.at[pl.ds(base * D, H)],
                             fb.at[pl.ds(0, H)], semf)
            pltpu.async_copy(feats_hbm.at[pl.ds(base * D + H, H)],
                             fb.at[pl.ds(H, H)], semf)
            pltpu.async_copy(batch_hbm.at[pl.ds(base, C)], ib.at[pl.ds(0, C)], semi)

        def drain(fb, ib, semf, semi):
            pltpu.make_async_copy(feats_hbm.at[pl.ds(0, C * D)], fb, semf).wait()
            pltpu.make_async_copy(batch_hbm.at[pl.ds(0, C)], ib.at[pl.ds(0, C)], semi).wait()

        def process(c, fb, ib, carry):
            base_u = r0a + c * C
            base = chunk_base(c)
            i0 = jnp.maximum(r0, jnp.minimum(base_u, r1)) - base
            i1 = jnp.minimum(r1, base_u + C) - base

            def ids_at(i):
                cur = _bcast0(ib[pl.ds(i, 16)])
                return cur, cur - segb_vec

            def step(i, prev, prow, cur, accs):
                row = [fb[pl.ds(i * D + j * 16, 16)] for j in range(NVEC)]
                bound = cur != prev
                for j in range(NVEC):
                    plsc.store_scatter(table, [prow, iotas[j]], accs[j],
                                       mask=bound)
                new_accs = tuple(
                    jnp.where(bound, row[j], jnp.maximum(accs[j], row[j]))
                    for j in range(NVEC)
                )
                return new_accs

            cur0, row0 = ids_at(i0)

            def body(g, lc):
                prev, prow, cur_p, row_p = lc[0], lc[1], lc[2], lc[3]
                accs = lc[4:]
                a = i0 + 4 * g
                accs = step(a, prev, prow, cur_p, accs)
                for u in range(1, 4):
                    i_u = jnp.minimum(a + u, i1 - 1)
                    cur_u, row_u = ids_at(i_u)
                    accs = step(i_u, cur_p, row_p, cur_u, accs)
                    cur_p, row_p = cur_u, row_u
                cur_n, row_n = ids_at(jnp.minimum(a + 4, i1 - 1))
                return (cur_p, row_p, cur_n, row_n) + accs

            out = lax.fori_loop(0, (i1 - i0 + 3) // 4, body,
                                (carry[0], carry[1], cur0, row0)
                                + tuple(carry[2:]))
            nonempty = i0 < i1
            nprev = jnp.where(nonempty, out[0], carry[0])
            nprow = jnp.where(nonempty, out[1], carry[1])
            return (nprev, nprow) + tuple(out[4:])

        start(jnp.int32(0), fbuf0, ibuf0, semf0, semi0)

        def pair_body(g, carry):
            c0 = 2 * g
            start(c0 + 1, fbuf1, ibuf1, semf1, semi1)
            drain(fbuf0, ibuf0, semf0, semi0)
            carry = process(c0, fbuf0, ibuf0, carry)
            start(c0 + 2, fbuf0, ibuf0, semf0, semi0)
            drain(fbuf1, ibuf1, semf1, semi1)
            return process(c0 + 1, fbuf1, ibuf1, carry)

        init = (jnp.full((16,), -1, jnp.int32),
                jnp.full((16,), LAST, jnp.int32)) + tuple(
            jnp.full((16,), -jnp.inf, jnp.float32) for _ in range(NVEC)
        )
        npairs = (nchunks + 1) // 2
        final = lax.fori_loop(0, npairs, pair_body, init)
        drain(fbuf0, ibuf0, semf0, semi0)
        for j in range(NVEC):
            plsc.store_scatter(table, [final[1], iotas[j]], final[2 + j])

        @pl.when(w < NW - 1)
        def _():
            pltpu.sync_copy(table.at[pl.ds(0, SPW)],
                            out_hbm.at[pl.ds(seg_base, SPW)])

        @pl.when(w == NW - 1)
        def _():
            pltpu.sync_copy(table.at[pl.ds(0, LAST)],
                            out_hbm.at[pl.ds(seg_base, LAST)])

    return seg_max


def kernel(feats, batch):
    N = feats.shape[0]
    bounds = jnp.concatenate(
        [jnp.arange(NW, dtype=jnp.int32) * SPW, jnp.full((1,), S, jnp.int32)]
    )
    offs = jnp.searchsorted(batch, bounds, side="left").astype(jnp.int32)
    offs = jnp.concatenate([offs, jnp.zeros((48 - NW - 1,), jnp.int32)])
    return _make_kernel(N)(feats.reshape(-1), batch, offs)

# --- scband reference (transcript-rebuilt; emitter-appended) ---
"""Pipeline reference for scband-pool-max-6871947674130 (READ-ONLY COPY).

The authoritative reference and input builder live on the scoring server;
editing this copy changes nothing except your own understanding.
"""

import jax, jax.numpy as jnp
import numpy as np

NUM_SEGMENTS = 10000
N = 320000
D = 128

def setup_inputs(seed: int = 0) -> dict:
    key = jax.random.key(seed)
    k1, k2 = jax.random.split(key)
    feats = jax.random.normal(k1, (N, D), dtype=jnp.float32)
    batch = jnp.sort(jax.random.randint(k2, (N,), 0, NUM_SEGMENTS, dtype=jnp.int32))
    return {"feats": feats, "batch": batch}

def reference(feats, batch):
    # scatter_max(feats, batch, dim=0): per-segment max over rows.
    m = jax.ops.segment_max(feats, batch, num_segments=NUM_SEGMENTS)
    # torch_scatter fills empty segments with 0; jax segment_max yields -inf there.
    m = jnp.where(jnp.isneginf(m), jnp.zeros_like(m), m)
    return m

if __name__ == "__main__":
    import jax
    _d = setup_inputs()
    print(jax.jit(kernel)(*tuple(_d.values())))

</pallas_src>

<mosaic_0001>
#map = affine_map<(d0, d1) -> (0)>
#map1 = affine_map<(d0, d1) -> (0, 0)>
module attributes {stable_mosaic.version = 14 : i64} {
  func.func @seg_max(%arg0: i32, %arg1: i32, %arg2: memref<40960000xf32, #tpu.memory_space<hbm>>, %arg3: memref<320000xi32, #tpu.memory_space<hbm>>, %arg4: memref<48xi32, #tpu.memory_space<hbm>>, %arg5: memref<10000x128xf32, #tpu.memory_space<hbm>>, %arg6: memref<40960xf32, #tpu.memory_space<vmem>>, %arg7: memref<40960xf32, #tpu.memory_space<vmem>>, %arg8: memref<336xi32, #tpu.memory_space<vmem>>, %arg9: memref<336xi32, #tpu.memory_space<vmem>>, %arg10: memref<329x128xf32, #tpu.memory_space<vmem>>, %arg11: memref<48xi32, #tpu.memory_space<vmem>>, %arg12: memref<!tpu.dma_semaphore, #tpu.memory_space<semaphore_mem>>, %arg13: memref<!tpu.dma_semaphore, #tpu.memory_space<semaphore_mem>>, %arg14: memref<!tpu.dma_semaphore, #tpu.memory_space<semaphore_mem>>, %arg15: memref<!tpu.dma_semaphore, #tpu.memory_space<semaphore_mem>>) attributes {dimension_semantics = [#tpu.dimension_semantics<core_parallel>, #tpu.dimension_semantics<subcore_parallel>], iteration_bounds = array<i64: 2, 16>, scalar_prefetch = 0 : i64, scratch_operands = 10 : i64, tpu.core_type = #tpu.core_type<sc_vector_subcore>, window_params = [{transform_indices = #map}, {transform_indices = #map}, {transform_indices = #map}, {transform_indices = #map1}]} {
    %mul3A = arith.constant 2 : i32
    %mul3A_0 = arith.muli %arg1, %mul3A : i32
    %add3A = arith.addi %mul3A_0, %arg0 : i32
    %mul3A_1 = arith.constant 312 : i32
    %mul3A_2 = arith.muli %add3A, %mul3A_1 : i32
    %broadcast_in_dim3A = arith.constant 0.000000e+00 : f32
    %broadcast_in_dim3A_3 = vector.broadcast %broadcast_in_dim3A : f32 to vector<16xf32>
    %iota3A = tpu.iota {dimensions = array<i32: 0>} : vector<16xi32>
    %add3A_4 = arith.constant 0 : i32
    %add3A_5 = vector.broadcast %add3A_4 : i32 to vector<16xi32>
    %add3A_6 = arith.addi %iota3A, %add3A_5 : vector<16xi32>
    %add3A_7 = arith.constant 16 : i32
    %add3A_8 = vector.broadcast %add3A_7 : i32 to vector<16xi32>
    %add3A_9 = arith.addi %iota3A, %add3A_8 : vector<16xi32>
    %add3A_10 = arith.constant 32 : i32
    %add3A_11 = vector.broadcast %add3A_10 : i32 to vector<16xi32>
    %add3A_12 = arith.addi %iota3A, %add3A_11 : vector<16xi32>
    %add3A_13 = arith.constant 48 : i32
    %add3A_14 = vector.broadcast %add3A_13 : i32 to vector<16xi32>
    %add3A_15 = arith.addi %iota3A, %add3A_14 : vector<16xi32>
    %add3A_16 = arith.constant 64 : i32
    %add3A_17 = vector.broadcast %add3A_16 : i32 to vector<16xi32>
    %add3A_18 = arith.addi %iota3A, %add3A_17 : vector<16xi32>
    %add3A_19 = arith.constant 80 : i32
    %add3A_20 = vector.broadcast %add3A_19 : i32 to vector<16xi32>
    %add3A_21 = arith.addi %iota3A, %add3A_20 : vector<16xi32>
    %add3A_22 = arith.constant 96 : i32
    %add3A_23 = vector.broadcast %add3A_22 : i32 to vector<16xi32>
    %add3A_24 = arith.addi %iota3A, %add3A_23 : vector<16xi32>
    %add3A_25 = arith.constant 112 : i32
    %add3A_26 = vector.broadcast %add3A_25 : i32 to vector<16xi32>
    %add3A_27 = arith.addi %iota3A, %add3A_26 : vector<16xi32>
    %broadcast_in_dim3A_28 = vector.broadcast %mul3A_2 : i32 to vector<16xi32>
    %scan3A = arith.constant 0 : i32
    %scan3A_29 = arith.constant 0 : i32
    %scan3A_30 = arith.constant 328 : i32
    %scan3A_31 = arith.addi %scan3A_29, %scan3A_30 : i32
    %scan3A_32 = arith.constant 1 : i32
    %scan3A_33 = scf.for %scan3A_190 = %scan3A_29 to %scan3A_31 step %scan3A_32 iter_args(%scan3A_191 = %scan3A) -> (i32)  : i32 {
      %broadcast_in_dim3A_192 = arith.constant 0 : i32
      %broadcast_in_dim3A_193 = vector.broadcast %broadcast_in_dim3A_192 : i32 to vector<16xi32>
      %add3A_194 = vector.broadcast %scan3A_190 : i32 to vector<16xi32>
      %add3A_195 = arith.addi %broadcast_in_dim3A_193, %add3A_194 : vector<16xi32>
      tpu.vector_store_idx %arg10[%add3A_195, %add3A_6], %broadcast_in_dim3A_3 : memref<329x128xf32, #tpu.memory_space<vmem>>[vector<16xi32>, vector<16xi32>], vector<16xf32>,
      tpu.vector_store_idx %arg10[%add3A_195, %add3A_9], %broadcast_in_dim3A_3 : memref<329x128xf32, #tpu.memory_space<vmem>>[vector<16xi32>, vector<16xi32>], vector<16xf32>,
      tpu.vector_store_idx %arg10[%add3A_195, %add3A_12], %broadcast_in_dim3A_3 : memref<329x128xf32, #tpu.memory_space<vmem>>[vector<16xi32>, vector<16xi32>], vector<16xf32>,
      tpu.vector_store_idx %arg10[%add3A_195, %add3A_15], %broadcast_in_dim3A_3 : memref<329x128xf32, #tpu.memory_space<vmem>>[vector<16xi32>, vector<16xi32>], vector<16xf32>,
      tpu.vector_store_idx %arg10[%add3A_195, %add3A_18], %broadcast_in_dim3A_3 : memref<329x128xf32, #tpu.memory_space<vmem>>[vector<16xi32>, vector<16xi32>], vector<16xf32>,
      tpu.vector_store_idx %arg10[%add3A_195, %add3A_21], %broadcast_in_dim3A_3 : memref<329x128xf32, #tpu.memory_space<vmem>>[vector<16xi32>, vector<16xi32>], vector<16xf32>,
      tpu.vector_store_idx %arg10[%add3A_195, %add3A_24], %broadcast_in_dim3A_3 : memref<329x128xf32, #tpu.memory_space<vmem>>[vector<16xi32>, vector<16xi32>], vector<16xf32>,
      tpu.vector_store_idx %arg10[%add3A_195, %add3A_27], %broadcast_in_dim3A_3 : memref<329x128xf32, #tpu.memory_space<vmem>>[vector<16xi32>, vector<16xi32>], vector<16xf32>,
      %scan3A_196 = arith.constant 0 : i32
      scf.yield %scan3A_196 : i32
    }
    %scan3A_34 = arith.constant 328 : i32
    "tpu.region"() ({
      %run_scoped3A = tpu.sem_alloc : memref<!tpu.dma_semaphore, #tpu.memory_space<semaphore_mem>>
      tpu.enqueue_dma source(%arg4 : memref<48xi32, #tpu.memory_space<hbm>>) target(%arg11 : memref<48xi32, #tpu.memory_space<vmem>>) target_semaphore(%run_scoped3A : memref<!tpu.dma_semaphore, #tpu.memory_space<semaphore_mem>>)
      tpu.wait_dma2 semaphore(%run_scoped3A : memref<!tpu.dma_semaphore, #tpu.memory_space<semaphore_mem>>) src(%arg4 : memref<48xi32, #tpu.memory_space<hbm>>) dst(%arg11 : memref<48xi32, #tpu.memory_space<vmem>>)
      tpu.yield
    }) : () -> ()
    %get3A = arith.index_cast %add3A : i32 to index
    %get3A_35 = tpu.vector_load %arg11[%get3A] {strides = array<i32>} : memref<48xi32, #tpu.memory_space<vmem>>, vector<16xi32>,
    %slice3A = vector.extract_strided_slice %get3A_35 {offsets = [0], sizes = [1], strides = [1]} : vector<16xi32> to vector<1xi32>
    %squeeze3A = vector.extract %slice3A[0] : i32 from vector<1xi32>
    %add3A_36 = arith.constant 1 : i32
    %add3A_37 = arith.addi %add3A, %add3A_36 : i32
    %get3A_38 = arith.index_cast %add3A_37 : i32 to index
    %get3A_39 = tpu.vector_load %arg11[%get3A_38] {strides = array<i32>} : memref<48xi32, #tpu.memory_space<vmem>>, vector<16xi32>,
    %slice3A_40 = vector.extract_strided_slice %get3A_39 {offsets = [0], sizes = [1], strides = [1]} : vector<16xi32> to vector<1xi32>
    %squeeze3A_41 = vector.extract %slice3A_40[0] : i32 from vector<1xi32>
    %jit3A = arith.constant 8 : i32
    %div3A = arith.divsi %squeeze3A, %jit3A : i32
    %sign3A = arith.constant 0 : i32
    %sign3A_42 = arith.cmpi sgt, %squeeze3A, %sign3A : i32
    %sign3A_43 = arith.extui %sign3A_42 : i1 to i32
    %sign3A_44 = arith.constant 0 : i32
    %sign3A_45 = arith.cmpi slt, %squeeze3A, %sign3A_44 : i32
    %sign3A_46 = arith.extui %sign3A_45 : i1 to i32
    %sign3A_47 = arith.subi %sign3A_43, %sign3A_46 : i32
    %sign3A_48 = arith.constant 0 : i32
    %sign3A_49 = arith.cmpi sgt, %jit3A, %sign3A_48 : i32
    %sign3A_50 = arith.extui %sign3A_49 : i1 to i32
    %sign3A_51 = arith.constant 0 : i32
    %sign3A_52 = arith.cmpi slt, %jit3A, %sign3A_51 : i32
    %sign3A_53 = arith.extui %sign3A_52 : i1 to i32
    %sign3A_54 = arith.subi %sign3A_50, %sign3A_53 : i32
    %ne3A = arith.cmpi ne, %sign3A_47, %sign3A_54 : i32
    %rem3A = arith.remsi %squeeze3A, %jit3A : i32
    %ne3A_55 = arith.constant 0 : i32
    %ne3A_56 = arith.cmpi ne, %rem3A, %ne3A_55 : i32
    %and3A = arith.andi %ne3A, %ne3A_56 : i1
    %sub3A = arith.constant 1 : i32
    %sub3A_57 = arith.subi %div3A, %sub3A : i32
    %select_n3A = arith.select %and3A, %sub3A_57, %div3A : i32
    %mul3A_58 = arith.constant 8 : i32
    %mul3A_59 = arith.muli %select_n3A, %mul3A_58 : i32
    %sub3A_60 = arith.subi %squeeze3A_41, %mul3A_59 : i32
    %add3A_61 = arith.constant 320 : i32
    %add3A_62 = arith.addi %sub3A_60, %add3A_61 : i32
    %sub3A_63 = arith.constant 1 : i32
    %sub3A_64 = arith.subi %add3A_62, %sub3A_63 : i32
    %jit3A_65 = arith.constant 320 : i32
    %div3A_66 = arith.divsi %sub3A_64, %jit3A_65 : i32
    %sign3A_67 = arith.constant 0 : i32
    %sign3A_68 = arith.cmpi sgt, %sub3A_64, %sign3A_67 : i32
    %sign3A_69 = arith.extui %sign3A_68 : i1 to i32
    %sign3A_70 = arith.constant 0 : i32
    %sign3A_71 = arith.cmpi slt, %sub3A_64, %sign3A_70 : i32
    %sign3A_72 = arith.extui %sign3A_71 : i1 to i32
    %sign3A_73 = arith.subi %sign3A_69, %sign3A_72 : i32
    %sign3A_74 = arith.constant 0 : i32
    %sign3A_75 = arith.cmpi sgt, %jit3A_65, %sign3A_74 : i32
    %sign3A_76 = arith.extui %sign3A_75 : i1 to i32
    %sign3A_77 = arith.constant 0 : i32
    %sign3A_78 = arith.cmpi slt, %jit3A_65, %sign3A_77 : i32
    %sign3A_79 = arith.extui %sign3A_78 : i1 to i32
    %sign3A_80 = arith.subi %sign3A_76, %sign3A_79 : i32
    %ne3A_81 = arith.cmpi ne, %sign3A_73, %sign3A_80 : i32
    %rem3A_82 = arith.remsi %sub3A_64, %jit3A_65 : i32
    %ne3A_83 = arith.constant 0 : i32
    %ne3A_84 = arith.cmpi ne, %rem3A_82, %ne3A_83 : i32
    %and3A_85 = arith.andi %ne3A_81, %ne3A_84 : i1
    %sub3A_86 = arith.constant 1 : i32
    %sub3A_87 = arith.subi %div3A_66, %sub3A_86 : i32
    %select_n3A_88 = arith.select %and3A_85, %sub3A_87, %div3A_66 : i32
    %mul3A_89 = arith.constant 0 : i32
    %mul3A_90 = arith.constant 320 : i32
    %mul3A_91 = arith.muli %mul3A_89, %mul3A_90 : i32
    %add3A_92 = arith.addi %mul3A_59, %mul3A_91 : i32
    %min3A = arith.constant 319680 : i32
    %min3A_93 = arith.minsi %add3A_92, %min3A : i32
    %mul3A_94 = arith.constant 128 : i32
    %mul3A_95 = arith.muli %min3A_93, %mul3A_94 : i32
    %dma_start3A = arith.constant 0 : i32
    %dma_start3A_96 = tpu.memref_slice %arg6[%dma_start3A] : memref<40960xf32, #tpu.memory_space<vmem>> -> memref<20480xf32, #tpu.memory_space<vmem>>
    %dma_start3A_97 = tpu.memref_slice %arg2[%mul3A_95] : memref<40960000xf32, #tpu.memory_space<hbm>> -> memref<20480xf32, #tpu.memory_space<hbm>>
    %dma_start3A_98 = arith.constant 0 : i32
    %dma_start3A_99 = tpu.memref_slice %arg6[%dma_start3A_98] : memref<40960xf32, #tpu.memory_space<vmem>> -> memref<20480xf32, #tpu.memory_space<vmem>>
    %dma_start3A_100 = tpu.memref_slice %arg2[%mul3A_95] : memref<40960000xf32, #tpu.memory_space<hbm>> -> memref<20480xf32, #tpu.memory_space<hbm>>
    tpu.enqueue_dma source(%dma_start3A_100 : memref<20480xf32, #tpu.memory_space<hbm>>) target(%dma_start3A_99 : memref<20480xf32, #tpu.memory_space<vmem>>) target_semaphore(%arg12 : memref<!tpu.dma_semaphore, #tpu.memory_space<semaphore_mem>>)
    %mul3A_101 = arith.constant 128 : i32
    %mul3A_102 = arith.muli %min3A_93, %mul3A_101 : i32
    %add3A_103 = arith.constant 20480 : i32
    %add3A_104 = arith.addi %mul3A_102, %add3A_103 : i32
    %dma_start3A_105 = arith.constant 20480 : i32
    %dma_start3A_106 = tpu.memref_slice %arg6[%dma_start3A_105] : memref<40960xf32, #tpu.memory_space<vmem>> -> memref<20480xf32, #tpu.memory_space<vmem>>
    %dma_start3A_107 = tpu.memref_slice %arg2[%add3A_104] : memref<40960000xf32, #tpu.memory_space<hbm>> -> memref<20480xf32, #tpu.memory_space<hbm>>
    %dma_start3A_108 = arith.constant 20480 : i32
    %dma_start3A_109 = tpu.memref_slice %arg6[%dma_start3A_108] : memref<40960xf32, #tpu.memory_space<vmem>> -> memref<20480xf32, #tpu.memory_space<vmem>>
    %dma_start3A_110 = tpu.memref_slice %arg2[%add3A_104] : memref<40960000xf32, #tpu.memory_space<hbm>> -> memref<20480xf32, #tpu.memory_space<hbm>>
    tpu.enqueue_dma source(%dma_start3A_110 : memref<20480xf32, #tpu.memory_space<hbm>>) target(%dma_start3A_109 : memref<20480xf32, #tpu.memory_space<vmem>>) target_semaphore(%arg12 : memref<!tpu.dma_semaphore, #tpu.memory_space<semaphore_mem>>)
    %dma_start3A_111 = arith.constant 0 : i32
    %dma_start3A_112 = tpu.memref_slice %arg8[%dma_start3A_111] : memref<336xi32, #tpu.memory_space<vmem>> -> memref<320xi32, #tpu.memory_space<vmem>>
    %dma_start3A_113 = tpu.memref_slice %arg3[%min3A_93] : memref<320000xi32, #tpu.memory_space<hbm>> -> memref<320xi32, #tpu.memory_space<hbm>>
    %dma_start3A_114 = arith.constant 0 : i32
    %dma_start3A_115 = tpu.memref_slice %arg8[%dma_start3A_114] : memref<336xi32, #tpu.memory_space<vmem>> -> memref<320xi32, #tpu.memory_space<vmem>>
    %dma_start3A_116 = tpu.memref_slice %arg3[%min3A_93] : memref<320000xi32, #tpu.memory_space<hbm>> -> memref<320xi32, #tpu.memory_space<hbm>>
    tpu.enqueue_dma source(%dma_start3A_116 : memref<320xi32, #tpu.memory_space<hbm>>) target(%dma_start3A_115 : memref<320xi32, #tpu.memory_space<vmem>>) target_semaphore(%arg14 : memref<!tpu.dma_semaphore, #tpu.memory_space<semaphore_mem>>)
    %broadcast_in_dim3A_117 = arith.constant -1 : i32
    %broadcast_in_dim3A_118 = vector.broadcast %broadcast_in_dim3A_117 : i32 to vector<16xi32>
    %broadcast_in_dim3A_119 = arith.constant 328 : i32
    %broadcast_in_dim3A_120 = vector.broadcast %broadcast_in_dim3A_119 : i32 to vector<16xi32>
    %broadcast_in_dim3A_121 = arith.constant 0xFF800000 : f32
    %broadcast_in_dim3A_122 = vector.broadcast %broadcast_in_dim3A_121 : f32 to vector<16xf32>
    %broadcast_in_dim3A_123 = arith.constant 0xFF800000 : f32
    %broadcast_in_dim3A_124 = vector.broadcast %broadcast_in_dim3A_123 : f32 to vector<16xf32>
    %broadcast_in_dim3A_125 = arith.constant 0xFF800000 : f32
    %broadcast_in_dim3A_126 = vector.broadcast %broadcast_in_dim3A_125 : f32 to vector<16xf32>
    %broadcast_in_dim3A_127 = arith.constant 0xFF800000 : f32
    %broadcast_in_dim3A_128 = vector.broadcast %broadcast_in_dim3A_127 : f32 to vector<16xf32>
    %broadcast_in_dim3A_129 = arith.constant 0xFF800000 : f32
    %broadcast_in_dim3A_130 = vector.broadcast %broadcast_in_dim3A_129 : f32 to vector<16xf32>
    %broadcast_in_dim3A_131 = arith.constant 0xFF800000 : f32
    %broadcast_in_dim3A_132 = vector.broadcast %broadcast_in_dim3A_131 : f32 to vector<16xf32>
    %broadcast_in_dim3A_133 = arith.constant 0xFF800000 : f32
    %broadcast_in_dim3A_134 = vector.broadcast %broadcast_in_dim3A_133 : f32 to vector<16xf32>
    %broadcast_in_dim3A_135 = arith.constant 0xFF800000 : f32
    %broadcast_in_dim3A_136 = vector.broadcast %broadcast_in_dim3A_135 : f32 to vector<16xf32>
    %add3A_137 = arith.constant 1 : i32
    %add3A_138 = arith.addi %select_n3A_88, %add3A_137 : i32
    %jit3A_139 = arith.constant 2 : i32
    %div3A_140 = arith.divsi %add3A_138, %jit3A_139 : i32
    %sign3A_141 = arith.constant 0 : i32
    %sign3A_142 = arith.cmpi sgt, %add3A_138, %sign3A_141 : i32
    %sign3A_143 = arith.extui %sign3A_142 : i1 to i32
    %sign3A_144 = arith.constant 0 : i32
    %sign3A_145 = arith.cmpi slt, %add3A_138, %sign3A_144 : i32
    %sign3A_146 = arith.extui %sign3A_145 : i1 to i32
    %sign3A_147 = arith.subi %sign3A_143, %sign3A_146 : i32
    %sign3A_148 = arith.constant 0 : i32
    %sign3A_149 = arith.cmpi sgt, %jit3A_139, %sign3A_148 : i32
    %sign3A_150 = arith.extui %sign3A_149 : i1 to i32
    %sign3A_151 = arith.constant 0 : i32
    %sign3A_152 = arith.cmpi slt, %jit3A_139, %sign3A_151 : i32
    %sign3A_153 = arith.extui %sign3A_152 : i1 to i32
    %sign3A_154 = arith.subi %sign3A_150, %sign3A_153 : i32
    %ne3A_155 = arith.cmpi ne, %sign3A_147, %sign3A_154 : i32
    %rem3A_156 = arith.remsi %add3A_138, %jit3A_139 : i32
    %ne3A_157 = arith.constant 0 : i32
    %ne3A_158 = arith.cmpi ne, %rem3A_156, %ne3A_157 : i32
    %and3A_159 = arith.andi %ne3A_155, %ne3A_158 : i1
    %sub3A_160 = arith.constant 1 : i32
    %sub3A_161 = arith.subi %div3A_140, %sub3A_160 : i32
    %select_n3A_162 = arith.select %and3A_159, %sub3A_161, %div3A_140 : i32
    %while3A = arith.constant 0 : i32
    %while3A_163 = arith.subi %select_n3A_162, %while3A : i32
    %while3A_164 = arith.addi %while3A, %while3A_163 : i32
    %while3A_165 = arith.constant 1 : i32
    %while3A_166 = arith.divsi %while3A_163, %while3A_165 : i32
    %while3A_167 = arith.muli %while3A_166, %while3A_165 : i32
    %while3A_168 = arith.addi %while3A, %while3A_167 : i32
    %while3A_169 = arith.constant 1 : i32
    %while3A_170:10 = scf.for %while3A_190 = %while3A to %while3A_168 step %while3A_169 iter_args(%while3A_191 = %broadcast_in_dim3A_118, %while3A_192 = %broadcast_in_dim3A_120, %while3A_193 = %broadcast_in_dim3A_122, %while3A_194 = %broadcast_in_dim3A_124, %while3A_195 = %broadcast_in_dim3A_126, %while3A_196 = %broadcast_in_dim3A_128, %while3A_197 = %broadcast_in_dim3A_130, %while3A_198 = %broadcast_in_dim3A_132, %while3A_199 = %broadcast_in_dim3A_134, %while3A_200 = %broadcast_in_dim3A_136) -> (vector<16xi32>, vector<16xi32>, vector<16xf32>, vector<16xf32>, vector<16xf32>, vector<16xf32>, vector<16xf32>, vector<16xf32>, vector<16xf32>, vector<16xf32>)  : i32 {
      %mul3A_201 = arith.constant 2 : i32
      %mul3A_202 = arith.muli %mul3A_201, %while3A_190 : i32
      %add3A_203 = arith.constant 1 : i32
      %add3A_204 = arith.addi %mul3A_202, %add3A_203 : i32
      %mul3A_205 = arith.constant 320 : i32
      %mul3A_206 = arith.muli %add3A_204, %mul3A_205 : i32
      %add3A_207 = arith.addi %mul3A_59, %mul3A_206 : i32
      %min3A_208 = arith.constant 319680 : i32
      %min3A_209 = arith.minsi %add3A_207, %min3A_208 : i32
      %mul3A_210 = arith.constant 128 : i32
      %mul3A_211 = arith.muli %min3A_209, %mul3A_210 : i32
      %dma_start3A_212 = arith.constant 0 : i32
      %dma_start3A_213 = tpu.memref_slice %arg7[%dma_start3A_212] : memref<40960xf32, #tpu.memory_space<vmem>> -> memref<20480xf32, #tpu.memory_space<vmem>>
      %dma_start3A_214 = tpu.memref_slice %arg2[%mul3A_211] : memref<40960000xf32, #tpu.memory_space<hbm>> -> memref<20480xf32, #tpu.memory_space<hbm>>
      %dma_start3A_215 = arith.constant 0 : i32
      %dma_start3A_216 = tpu.memref_slice %arg7[%dma_start3A_215] : memref<40960xf32, #tpu.memory_space<vmem>> -> memref<20480xf32, #tpu.memory_space<vmem>>
      %dma_start3A_217 = tpu.memref_slice %arg2[%mul3A_211] : memref<40960000xf32, #tpu.memory_space<hbm>> -> memref<20480xf32, #tpu.memory_space<hbm>>
      tpu.enqueue_dma source(%dma_start3A_217 : memref<20480xf32, #tpu.memory_space<hbm>>) target(%dma_start3A_216 : memref<20480xf32, #tpu.memory_space<vmem>>) target_semaphore(%arg13 : memref<!tpu.dma_semaphore, #tpu.memory_space<semaphore_mem>>)
      %mul3A_218 = arith.constant 128 : i32
      %mul3A_219 = arith.muli %min3A_209, %mul3A_218 : i32
      %add3A_220 = arith.constant 20480 : i32
      %add3A_221 = arith.addi %mul3A_219, %add3A_220 : i32
      %dma_start3A_222 = arith.constant 20480 : i32
      %dma_start3A_223 = tpu.memref_slice %arg7[%dma_start3A_222] : memref<40960xf32, #tpu.memory_space<vmem>> -> memref<20480xf32, #tpu.memory_space<vmem>>
      %dma_start3A_224 = tpu.memref_slice %arg2[%add3A_221] : memref<40960000xf32, #tpu.memory_space<hbm>> -> memref<20480xf32, #tpu.memory_space<hbm>>
      %dma_start3A_225 = arith.constant 20480 : i32
      %dma_start3A_226 = tpu.memref_slice %arg7[%dma_start3A_225] : memref<40960xf32, #tpu.memory_space<vmem>> -> memref<20480xf32, #tpu.memory_space<vmem>>
      %dma_start3A_227 = tpu.memref_slice %arg2[%add3A_221] : memref<40960000xf32, #tpu.memory_space<hbm>> -> memref<20480xf32, #tpu.memory_space<hbm>>
      tpu.enqueue_dma source(%dma_start3A_227 : memref<20480xf32, #tpu.memory_space<hbm>>) target(%dma_start3A_226 : memref<20480xf32, #tpu.memory_space<vmem>>) target_semaphore(%arg13 : memref<!tpu.dma_semaphore, #tpu.memory_space<semaphore_mem>>)
      %dma_start3A_228 = arith.constant 0 : i32
      %dma_start3A_229 = tpu.memref_slice %arg9[%dma_start3A_228] : memref<336xi32, #tpu.memory_space<vmem>> -> memref<320xi32, #tpu.memory_space<vmem>>
      %dma_start3A_230 = tpu.memref_slice %arg3[%min3A_209] : memref<320000xi32, #tpu.memory_space<hbm>> -> memref<320xi32, #tpu.memory_space<hbm>>
      %dma_start3A_231 = arith.constant 0 : i32
      %dma_start3A_232 = tpu.memref_slice %arg9[%dma_start3A_231] : memref<336xi32, #tpu.memory_space<vmem>> -> memref<320xi32, #tpu.memory_space<vmem>>
      %dma_start3A_233 = tpu.memref_slice %arg3[%min3A_209] : memref<320000xi32, #tpu.memory_space<hbm>> -> memref<320xi32, #tpu.memory_space<hbm>>
      tpu.enqueue_dma source(%dma_start3A_233 : memref<320xi32, #tpu.memory_space<hbm>>) target(%dma_start3A_232 : memref<320xi32, #tpu.memory_space<vmem>>) target_semaphore(%arg15 : memref<!tpu.dma_semaphore, #tpu.memory_space<semaphore_mem>>)
      %dma_wait3A_234 = arith.constant 0 : i32
      %dma_wait3A_235 = tpu.memref_slice %arg2[%dma_wait3A_234] : memref<40960000xf32, #tpu.memory_space<hbm>> -> memref<40960xf32, #tpu.memory_space<hbm>>
      %dma_wait3A_236 = arith.constant 0 : i32
      %dma_wait3A_237 = tpu.memref_slice %arg2[%dma_wait3A_236] : memref<40960000xf32, #tpu.memory_space<hbm>> -> memref<40960xf32, #tpu.memory_space<hbm>>
      tpu.wait_dma2 semaphore(%arg12 : memref<!tpu.dma_semaphore, #tpu.memory_space<semaphore_mem>>) src(%dma_wait3A_237 : memref<40960xf32, #tpu.memory_space<hbm>>) dst(%arg6 : memref<40960xf32, #tpu.memory_space<vmem>>)
      %dma_wait3A_238 = arith.constant 0 : i32
      %dma_wait3A_239 = tpu.memref_slice %arg8[%dma_wait3A_238] : memref<336xi32, #tpu.memory_space<vmem>> -> memref<320xi32, #tpu.memory_space<vmem>>
      %dma_wait3A_240 = arith.constant 0 : i32
      %dma_wait3A_241 = tpu.memref_slice %arg3[%dma_wait3A_240] : memref<320000xi32, #tpu.memory_space<hbm>> -> memref<320xi32, #tpu.memory_space<hbm>>
      %dma_wait3A_242 = arith.constant 0 : i32
      %dma_wait3A_243 = tpu.memref_slice %arg8[%dma_wait3A_242] : memref<336xi32, #tpu.memory_space<vmem>> -> memref<320xi32, #tpu.memory_space<vmem>>
      %dma_wait3A_244 = arith.constant 0 : i32
      %dma_wait3A_245 = tpu.memref_slice %arg3[%dma_wait3A_244] : memref<320000xi32, #tpu.memory_space<hbm>> -> memref<320xi32, #tpu.memory_space<hbm>>
      tpu.wait_dma2 semaphore(%arg14 : memref<!tpu.dma_semaphore, #tpu.memory_space<semaphore_mem>>) src(%dma_wait3A_245 : memref<320xi32, #tpu.memory_space<hbm>>) dst(%dma_wait3A_243 : memref<320xi32, #tpu.memory_space<vmem>>)
      %mul3A_246 = arith.constant 320 : i32
      %mul3A_247 = arith.muli %mul3A_202, %mul3A_246 : i32
      %add3A_248 = arith.addi %mul3A_59, %mul3A_247 : i32
      %mul3A_249 = arith.constant 320 : i32
      %mul3A_250 = arith.muli %mul3A_202, %mul3A_249 : i32
      %add3A_251 = arith.addi %mul3A_59, %mul3A_250 : i32
      %min3A_252 = arith.constant 319680 : i32
      %min3A_253 = arith.minsi %add3A_251, %min3A_252 : i32
      %min3A_254 = arith.minsi %add3A_248, %squeeze3A_41 : i32
      %max3A = arith.maxsi %squeeze3A, %min3A_254 : i32
      %sub3A_255 = arith.subi %max3A, %min3A_253 : i32
      %add3A_256 = arith.constant 320 : i32
      %add3A_257 = arith.addi %add3A_248, %add3A_256 : i32
      %min3A_258 = arith.minsi %squeeze3A_41, %add3A_257 : i32
      %sub3A_259 = arith.subi %min3A_258, %min3A_253 : i32
      %get3A_260 = arith.index_cast %sub3A_255 : i32 to index
      %get3A_261 = tpu.vector_load %arg8[%get3A_260] {strides = array<i32>} : memref<336xi32, #tpu.memory_space<vmem>>, vector<16xi32>,
      %broadcast_in_dim3A_262 = arith.constant 0 : i32
      %broadcast_in_dim3A_263 = vector.broadcast %broadcast_in_dim3A_262 : i32 to vector<16x1xi32>
      %gather3A = vector.shape_cast %broadcast_in_dim3A_263 : vector<16x1xi32> to vector<16xi32>
      %gather3A_264 = tpu.dynamic_gather %get3A_261[%gather3A] in [0] : vector<16xi32>, vector<16xi32> -> vector<16xi32>
      %sub3A_265 = arith.subi %gather3A_264, %broadcast_in_dim3A_28 : vector<16xi32>
      %sub3A_266 = arith.subi %sub3A_259, %sub3A_255 : i32
      %add3A_267 = arith.constant 3 : i32
      %add3A_268 = arith.addi %sub3A_266, %add3A_267 : i32
      %jit3A_269 = arith.constant 4 : i32
      %div3A_270 = arith.divsi %add3A_268, %jit3A_269 : i32
      %sign3A_271 = arith.constant 0 : i32
      %sign3A_272 = arith.cmpi sgt, %add3A_268, %sign3A_271 : i32
      %sign3A_273 = arith.extui %sign3A_272 : i1 to i32
      %sign3A_274 = arith.constant 0 : i32
      %sign3A_275 = arith.cmpi slt, %add3A_268, %sign3A_274 : i32
      %sign3A_276 = arith.extui %sign3A_275 : i1 to i32
      %sign3A_277 = arith.subi %sign3A_273, %sign3A_276 : i32
      %sign3A_278 = arith.constant 0 : i32
      %sign3A_279 = arith.cmpi sgt, %jit3A_269, %sign3A_278 : i32
      %sign3A_280 = arith.extui %sign3A_279 : i1 to i32
      %sign3A_281 = arith.constant 0 : i32
      %sign3A_282 = arith.cmpi slt, %jit3A_269, %sign3A_281 : i32
      %sign3A_283 = arith.extui %sign3A_282 : i1 to i32
      %sign3A_284 = arith.subi %sign3A_280, %sign3A_283 : i32
      %ne3A_285 = arith.cmpi ne, %sign3A_277, %sign3A_284 : i32
      %rem3A_286 = arith.remsi %add3A_268, %jit3A_269 : i32
      %ne3A_287 = arith.constant 0 : i32
      %ne3A_288 = arith.cmpi ne, %rem3A_286, %ne3A_287 : i32
      %and3A_289 = arith.andi %ne3A_285, %ne3A_288 : i1
      %sub3A_290 = arith.constant 1 : i32
      %sub3A_291 = arith.subi %div3A_270, %sub3A_290 : i32
      %select_n3A_292 = arith.select %and3A_289, %sub3A_291, %div3A_270 : i32
      %while3A_293 = arith.constant 0 : i32
      %while3A_294 = arith.subi %select_n3A_292, %while3A_293 : i32
      %while3A_295 = arith.addi %while3A_293, %while3A_294 : i32
      %while3A_296 = arith.constant 1 : i32
      %while3A_297 = arith.divsi %while3A_294, %while3A_296 : i32
      %while3A_298 = arith.muli %while3A_297, %while3A_296 : i32
      %while3A_299 = arith.addi %while3A_293, %while3A_298 : i32
      %while3A_300 = arith.constant 1 : i32
      %while3A_301:12 = scf.for %while3A_415 = %while3A_293 to %while3A_299 step %while3A_300 iter_args(%while3A_416 = %while3A_191, %while3A_417 = %while3A_192, %while3A_418 = %gather3A_264, %while3A_419 = %sub3A_265, %while3A_420 = %while3A_193, %while3A_421 = %while3A_194, %while3A_422 = %while3A_195, %while3A_423 = %while3A_196, %while3A_424 = %while3A_197, %while3A_425 = %while3A_198, %while3A_426 = %while3A_199, %while3A_427 = %while3A_200) -> (vector<16xi32>, vector<16xi32>, vector<16xi32>, vector<16xi32>, vector<16xf32>, vector<16xf32>, vector<16xf32>, vector<16xf32>, vector<16xf32>, vector<16xf32>, vector<16xf32>, vector<16xf32>)  : i32 {
        %mul3A_428 = arith.constant 4 : i32
        %mul3A_429 = arith.muli %mul3A_428, %while3A_415 : i32
        %add3A_430 = arith.addi %sub3A_255, %mul3A_429 : i32
        %mul3A_431 = arith.constant 128 : i32
        %mul3A_432 = arith.muli %add3A_430, %mul3A_431 : i32
        %add3A_433 = arith.constant 0 : i32
        %add3A_434 = arith.addi %mul3A_432, %add3A_433 : i32
        %get3A_435 = arith.index_cast %add3A_434 : i32 to index
        %get3A_436 = tpu.vector_load %arg6[%get3A_435] {strides = array<i32>} : memref<40960xf32, #tpu.memory_space<vmem>>, vector<16xf32>,
        %mul3A_437 = arith.constant 128 : i32
        %mul3A_438 = arith.muli %add3A_430, %mul3A_437 : i32
        %add3A_439 = arith.constant 16 : i32
        %add3A_440 = arith.addi %mul3A_438, %add3A_439 : i32
        %get3A_441 = arith.index_cast %add3A_440 : i32 to index
        %get3A_442 = tpu.vector_load %arg6[%get3A_441] {strides = array<i32>} : memref<40960xf32, #tpu.memory_space<vmem>>, vector<16xf32>,
        %mul3A_443 = arith.constant 128 : i32
        %mul3A_444 = arith.muli %add3A_430, %mul3A_443 : i32
        %add3A_445 = arith.constant 32 : i32
        %add3A_446 = arith.addi %mul3A_444, %add3A_445 : i32
        %get3A_447 = arith.index_cast %add3A_446 : i32 to index
        %get3A_448 = tpu.vector_load %arg6[%get3A_447] {strides = array<i32>} : memref<40960xf32, #tpu.memory_space<vmem>>, vector<16xf32>,
        %mul3A_449 = arith.constant 128 : i32
        %mul3A_450 = arith.muli %add3A_430, %mul3A_449 : i32
        %add3A_451 = arith.constant 48 : i32
        %add3A_452 = arith.addi %mul3A_450, %add3A_451 : i32
        %get3A_453 = arith.index_cast %add3A_452 : i32 to index
        %get3A_454 = tpu.vector_load %arg6[%get3A_453] {strides = array<i32>} : memref<40960xf32, #tpu.memory_space<vmem>>, vector<16xf32>,
        %mul3A_455 = arith.constant 128 : i32
        %mul3A_456 = arith.muli %add3A_430, %mul3A_455 : i32
        %add3A_457 = arith.constant 64 : i32
        %add3A_458 = arith.addi %mul3A_456, %add3A_457 : i32
        %get3A_459 = arith.index_cast %add3A_458 : i32 to index
        %get3A_460 = tpu.vector_load %arg6[%get3A_459] {strides = array<i32>} : memref<40960xf32, #tpu.memory_space<vmem>>, vector<16xf32>,
        %mul3A_461 = arith.constant 128 : i32
        %mul3A_462 = arith.muli %add3A_430, %mul3A_461 : i32
        %add3A_463 = arith.constant 80 : i32
        %add3A_464 = arith.addi %mul3A_462, %add3A_463 : i32
        %get3A_465 = arith.index_cast %add3A_464 : i32 to index
        %get3A_466 = tpu.vector_load %arg6[%get3A_465] {strides = array<i32>} : memref<40960xf32, #tpu.memory_space<vmem>>, vector<16xf32>,
        %mul3A_467 = arith.constant 128 : i32
        %mul3A_468 = arith.muli %add3A_430, %mul3A_467 : i32
        %add3A_469 = arith.constant 96 : i32
        %add3A_470 = arith.addi %mul3A_468, %add3A_469 : i32
        %get3A_471 = arith.index_cast %add3A_470 : i32 to index
        %get3A_472 = tpu.vector_load %arg6[%get3A_471] {strides = array<i32>} : memref<40960xf32, #tpu.memory_space<vmem>>, vector<16xf32>,
        %mul3A_473 = arith.constant 128 : i32
        %mul3A_474 = arith.muli %add3A_430, %mul3A_473 : i32
        %add3A_475 = arith.constant 112 : i32
        %add3A_476 = arith.addi %mul3A_474, %add3A_475 : i32
        %get3A_477 = arith.index_cast %add3A_476 : i32 to index
        %get3A_478 = tpu.vector_load %arg6[%get3A_477] {strides = array<i32>} : memref<40960xf32, #tpu.memory_space<vmem>>, vector<16xf32>,
        %ne3A_479 = arith.cmpi ne, %while3A_418, %while3A_416 : vector<16xi32>
        tpu.vector_store_idx %arg10[%while3A_417, %add3A_6], %while3A_420 masked %ne3A_479 : memref<329x128xf32, #tpu.memory_space<vmem>>[vector<16xi32>, vector<16xi32>], vector<16xf32>, vector<16xi1>
        tpu.vector_store_idx %arg10[%while3A_417, %add3A_9], %while3A_421 masked %ne3A_479 : memref<329x128xf32, #tpu.memory_space<vmem>>[vector<16xi32>, vector<16xi32>], vector<16xf32>, vector<16xi1>
        tpu.vector_store_idx %arg10[%while3A_417, %add3A_12], %while3A_422 masked %ne3A_479 : memref<329x128xf32, #tpu.memory_space<vmem>>[vector<16xi32>, vector<16xi32>], vector<16xf32>, vector<16xi1>
        tpu.vector_store_idx %arg10[%while3A_417, %add3A_15], %while3A_423 masked %ne3A_479 : memref<329x128xf32, #tpu.memory_space<vmem>>[vector<16xi32>, vector<16xi32>], vector<16xf32>, vector<16xi1>
        tpu.vector_store_idx %arg10[%while3A_417, %add3A_18], %while3A_424 masked %ne3A_479 : memref<329x128xf32, #tpu.memory_space<vmem>>[vector<16xi32>, vector<16xi32>], vector<16xf32>, vector<16xi1>
        tpu.vector_store_idx %arg10[%while3A_417, %add3A_21], %while3A_425 masked %ne3A_479 : memref<329x128xf32, #tpu.memory_space<vmem>>[vector<16xi32>, vector<16xi32>], vector<16xf32>, vector<16xi1>
        tpu.vector_store_idx %arg10[%while3A_417, %add3A_24], %while3A_426 masked %ne3A_479 : memref<329x128xf32, #tpu.memory_space<vmem>>[vector<16xi32>, vector<16xi32>], vector<16xf32>, vector<16xi1>
        tpu.vector_store_idx %arg10[%while3A_417, %add3A_27], %while3A_427 masked %ne3A_479 : memref<329x128xf32, #tpu.memory_space<vmem>>[vector<16xi32>, vector<16xi32>], vector<16xf32>, vector<16xi1>
        %max3A_480 = arith.maximumf %while3A_420, %get3A_436 : vector<16xf32>
        %select_n3A_481 = arith.select %ne3A_479, %get3A_436, %max3A_480 : vector<16xi1>, vector<16xf32>
        %max3A_482 = arith.maximumf %while3A_421, %get3A_442 : vector<16xf32>
        %select_n3A_483 = arith.select %ne3A_479, %get3A_442, %max3A_482 : vector<16xi1>, vector<16xf32>
        %max3A_484 = arith.maximumf %while3A_422, %get3A_448 : vector<16xf32>
        %select_n3A_485 = arith.select %ne3A_479, %get3A_448, %max3A_484 : vector<16xi1>, vector<16xf32>
        %max3A_486 = arith.maximumf %while3A_423, %get3A_454 : vector<16xf32>
        %select_n3A_487 = arith.select %ne3A_479, %get3A_454, %max3A_486 : vector<16xi1>, vector<16xf32>
        %max3A_488 = arith.maximumf %while3A_424, %get3A_460 : vector<16xf32>
        %select_n3A_489 = arith.select %ne3A_479, %get3A_460, %max3A_488 : vector<16xi1>, vector<16xf32>
        %max3A_490 = arith.maximumf %while3A_425, %get3A_466 : vector<16xf32>
        %select_n3A_491 = arith.select %ne3A_479, %get3A_466, %max3A_490 : vector<16xi1>, vector<16xf32>
        %max3A_492 = arith.maximumf %while3A_426, %get3A_472 : vector<16xf32>
        %select_n3A_493 = arith.select %ne3A_479, %get3A_472, %max3A_492 : vector<16xi1>, vector<16xf32>
        %max3A_494 = arith.maximumf %while3A_427, %get3A_478 : vector<16xf32>
        %select_n3A_495 = arith.select %ne3A_479, %get3A_478, %max3A_494 : vector<16xi1>, vector<16xf32>
        %add3A_496 = arith.constant 1 : i32
        %add3A_497 = arith.addi %add3A_430, %add3A_496 : i32
        %sub3A_498 = arith.constant 1 : i32
        %sub3A_499 = arith.subi %sub3A_259, %sub3A_498 : i32
        %min3A_500 = arith.minsi %add3A_497, %sub3A_499 : i32
        %get3A_501 = arith.index_cast %min3A_500 : i32 to index
        %get3A_502 = tpu.vector_load %arg8[%get3A_501] {strides = array<i32>} : memref<336xi32, #tpu.memory_space<vmem>>, vector<16xi32>,
        %broadcast_in_dim3A_503 = arith.constant 0 : i32
        %broadcast_in_dim3A_504 = vector.broadcast %broadcast_in_dim3A_503 : i32 to vector<16x1xi32>
        %gather3A_505 = vector.shape_cast %broadcast_in_dim3A_504 : vector<16x1xi32> to vector<16xi32>
        %gather3A_506 = tpu.dynamic_gather %get3A_502[%gather3A_505] in [0] : vector<16xi32>, vector<16xi32> -> vector<16xi32>
        %sub3A_507 = arith.subi %gather3A_506, %broadcast_in_dim3A_28 : vector<16xi32>
        %mul3A_508 = arith.constant 128 : i32
        %mul3A_509 = arith.muli %min3A_500, %mul3A_508 : i32
        %add3A_510 = arith.constant 0 : i32
        %add3A_511 = arith.addi %mul3A_509, %add3A_510 : i32
        %get3A_512 = arith.index_cast %add3A_511 : i32 to index
        %get3A_513 = tpu.vector_load %arg6[%get3A_512] {strides = array<i32>} : memref<40960xf32, #tpu.memory_space<vmem>>, vector<16xf32>,
        %mul3A_514 = arith.constant 128 : i32
        %mul3A_515 = arith.muli %min3A_500, %mul3A_514 : i32
        %add3A_516 = arith.constant 16 : i32
        %add3A_517 = arith.addi %mul3A_515, %add3A_516 : i32
        %get3A_518 = arith.index_cast %add3A_517 : i32 to index
        %get3A_519 = tpu.vector_load %arg6[%get3A_518] {strides = array<i32>} : memref<40960xf32, #tpu.memory_space<vmem>>, vector<16xf32>,
        %mul3A_520 = arith.constant 128 : i32
        %mul3A_521 = arith.muli %min3A_500, %mul3A_520 : i32
        %add3A_522 = arith.constant 32 : i32
        %add3A_523 = arith.addi %mul3A_521, %add3A_522 : i32
        %get3A_524 = arith.index_cast %add3A_523 : i32 to index
        %get3A_525 = tpu.vector_load %arg6[%get3A_524] {strides = array<i32>} : memref<40960xf32, #tpu.memory_space<vmem>>, vector<16xf32>,
        %mul3A_526 = arith.constant 128 : i32
        %mul3A_527 = arith.muli %min3A_500, %mul3A_526 : i32
        %add3A_528 = arith.constant 48 : i32
        %add3A_529 = arith.addi %mul3A_527, %add3A_528 : i32
        %get3A_530 = arith.index_cast %add3A_529 : i32 to index
        %get3A_531 = tpu.vector_load %arg6[%get3A_530] {strides = array<i32>} : memref<40960xf32, #tpu.memory_space<vmem>>, vector<16xf32>,
        %mul3A_532 = arith.constant 128 : i32
        %mul3A_533 = arith.muli %min3A_500, %mul3A_532 : i32
        %add3A_534 = arith.constant 64 : i32
        %add3A_535 = arith.addi %mul3A_533, %add3A_534 : i32
        %get3A_536 = arith.index_cast %add3A_535 : i32 to index
        %get3A_537 = tpu.vector_load %arg6[%get3A_536] {strides = array<i32>} : memref<40960xf32, #tpu.memory_space<vmem>>, vector<16xf32>,
        %mul3A_538 = arith.constant 128 : i32
        %mul3A_539 = arith.muli %min3A_500, %mul3A_538 : i32
        %add3A_540 = arith.constant 80 : i32
        %add3A_541 = arith.addi %mul3A_539, %add3A_540 : i32
        %get3A_542 = arith.index_cast %add3A_541 : i32 to index
        %get3A_543 = tpu.vector_load %arg6[%get3A_542] {strides = array<i32>} : memref<40960xf32, #tpu.memory_space<vmem>>, vector<16xf32>,
        %mul3A_544 = arith.constant 128 : i32
        %mul3A_545 = arith.muli %min3A_500, %mul3A_544 : i32
        %add3A_546 = arith.constant 96 : i32
        %add3A_547 = arith.addi %mul3A_545, %add3A_546 : i32
        %get3A_548 = arith.index_cast %add3A_547 : i32 to index
        %get3A_549 = tpu.vector_load %arg6[%get3A_548] {strides = array<i32>} : memref<40960xf32, #tpu.memory_space<vmem>>, vector<16xf32>,
        %mul3A_550 = arith.constant 128 : i32
        %mul3A_551 = arith.muli %min3A_500, %mul3A_550 : i32
        %add3A_552 = arith.constant 112 : i32
        %add3A_553 = arith.addi %mul3A_551, %add3A_552 : i32
        %get3A_554 = arith.index_cast %add3A_553 : i32 to index
        %get3A_555 = tpu.vector_load %arg6[%get3A_554] {strides = array<i32>} : memref<40960xf32, #tpu.memory_space<vmem>>, vector<16xf32>,
        %ne3A_556 = arith.cmpi ne, %gather3A_506, %while3A_418 : vector<16xi32>
        tpu.vector_store_idx %arg10[%while3A_419, %add3A_6], %select_n3A_481 masked %ne3A_556 : memref<329x128xf32, #tpu.memory_space<vmem>>[vector<16xi32>, vector<16xi32>], vector<16xf32>, vector<16xi1>
        tpu.vector_store_idx %arg10[%while3A_419, %add3A_9], %select_n3A_483 masked %ne3A_556 : memref<329x128xf32, #tpu.memory_space<vmem>>[vector<16xi32>, vector<16xi32>], vector<16xf32>, vector<16xi1>
        tpu.vector_store_idx %arg10[%while3A_419, %add3A_12], %select_n3A_485 masked %ne3A_556 : memref<329x128xf32, #tpu.memory_space<vmem>>[vector<16xi32>, vector<16xi32>], vector<16xf32>, vector<16xi1>
        tpu.vector_store_idx %arg10[%while3A_419, %add3A_15], %select_n3A_487 masked %ne3A_556 : memref<329x128xf32, #tpu.memory_space<vmem>>[vector<16xi32>, vector<16xi32>], vector<16xf32>, vector<16xi1>
        tpu.vector_store_idx %arg10[%while3A_419, %add3A_18], %select_n3A_489 masked %ne3A_556 : memref<329x128xf32, #tpu.memory_space<vmem>>[vector<16xi32>, vector<16xi32>], vector<16xf32>, vector<16xi1>
        tpu.vector_store_idx %arg10[%while3A_419, %add3A_21], %select_n3A_491 masked %ne3A_556 : memref<329x128xf32, #tpu.memory_space<vmem>>[vector<16xi32>, vector<16xi32>], vector<16xf32>, vector<16xi1>
        tpu.vector_store_idx %arg10[%while3A_419, %add3A_24], %select_n3A_493 masked %ne3A_556 : memref<329x128xf32, #tpu.memory_space<vmem>>[vector<16xi32>, vector<16xi32>], vector<16xf32>, vector<16xi1>
        tpu.vector_store_idx %arg10[%while3A_419, %add3A_27], %select_n3A_495 masked %ne3A_556 : memref<329x128xf32, #tpu.memory_space<vmem>>[vector<16xi32>, vector<16xi32>], vector<16xf32>, vector<16xi1>
        %max3A_557 = arith.maximumf %select_n3A_481, %get3A_513 : vector<16xf32>
        %select_n3A_558 = arith.select %ne3A_556, %get3A_513, %max3A_557 : vector<16xi1>, vector<16xf32>
        %max3A_559 = arith.maximumf %select_n3A_483, %get3A_519 : vector<16xf32>
        %select_n3A_560 = arith.select %ne3A_556, %get3A_519, %max3A_559 : vector<16xi1>, vector<16xf32>
        %max3A_561 = arith.maximumf %select_n3A_485, %get3A_525 : vector<16xf32>
        %select_n3A_562 = arith.select %ne3A_556, %get3A_525, %max3A_561 : vector<16xi1>, vector<16xf32>
        %max3A_563 = arith.maximumf %select_n3A_487, %get3A_531 : vector<16xf32>
        %select_n3A_564 = arith.select %ne3A_556, %get3A_531, %max3A_563 : vector<16xi1>, vector<16xf32>
        %max3A_565 = arith.maximumf %select_n3A_489, %get3A_537 : vector<16xf32>
        %select_n3A_566 = arith.select %ne3A_556, %get3A_537, %max3A_565 : vector<16xi1>, vector<16xf32>
        %max3A_567 = arith.maximumf %select_n3A_491, %get3A_543 : vector<16xf32>
        %select_n3A_568 = arith.select %ne3A_556, %get3A_543, %max3A_567 : vector<16xi1>, vector<16xf32>
        %max3A_569 = arith.maximumf %select_n3A_493, %get3A_549 : vector<16xf32>
        %select_n3A_570 = arith.select %ne3A_556, %get3A_549, %max3A_569 : vector<16xi1>, vector<16xf32>
        %max3A_571 = arith.maximumf %select_n3A_495, %get3A_555 : vector<16xf32>
        %select_n3A_572 = arith.select %ne3A_556, %get3A_555, %max3A_571 : vector<16xi1>, vector<16xf32>
        %add3A_573 = arith.constant 2 : i32
        %add3A_574 = arith.addi %add3A_430, %add3A_573 : i32
        %sub3A_575 = arith.constant 1 : i32
        %sub3A_576 = arith.subi %sub3A_259, %sub3A_575 : i32
        %min3A_577 = arith.minsi %add3A_574, %sub3A_576 : i32
        %get3A_578 = arith.index_cast %min3A_577 : i32 to index
        %get3A_579 = tpu.vector_load %arg8[%get3A_578] {strides = array<i32>} : memref<336xi32, #tpu.memory_space<vmem>>, vector<16xi32>,
        %broadcast_in_dim3A_580 = arith.constant 0 : i32
        %broadcast_in_dim3A_581 = vector.broadcast %broadcast_in_dim3A_580 : i32 to vector<16x1xi32>
        %gather3A_582 = vector.shape_cast %broadcast_in_dim3A_581 : vector<16x1xi32> to vector<16xi32>
        %gather3A_583 = tpu.dynamic_gather %get3A_579[%gather3A_582] in [0] : vector<16xi32>, vector<16xi32> -> vector<16xi32>
        %sub3A_584 = arith.subi %gather3A_583, %broadcast_in_dim3A_28 : vector<16xi32>
        %mul3A_585 = arith.constant 128 : i32
        %mul3A_586 = arith.muli %min3A_577, %mul3A_585 : i32
        %add3A_587 = arith.constant 0 : i32
        %add3A_588 = arith.addi %mul3A_586, %add3A_587 : i32
        %get3A_589 = arith.index_cast %add3A_588 : i32 to index
        %get3A_590 = tpu.vector_load %arg6[%get3A_589] {strides = array<i32>} : memref<40960xf32, #tpu.memory_space<vmem>>, vector<16xf32>,
        %mul3A_591 = arith.constant 128 : i32
        %mul3A_592 = arith.muli %min3A_577, %mul3A_591 : i32
        %add3A_593 = arith.constant 16 : i32
        %add3A_594 = arith.addi %mul3A_592, %add3A_593 : i32
        %get3A_595 = arith.index_cast %add3A_594 : i32 to index
        %get3A_596 = tpu.vector_load %arg6[%get3A_595] {strides = array<i32>} : memref<40960xf32, #tpu.memory_space<vmem>>, vector<16xf32>,
        %mul3A_597 = arith.constant 128 : i32
        %mul3A_598 = arith.muli %min3A_577, %mul3A_597 : i32
        %add3A_599 = arith.constant 32 : i32
        %add3A_600 = arith.addi %mul3A_598, %add3A_599 : i32
        %get3A_601 = arith.index_cast %add3A_600 : i32 to index
        %get3A_602 = tpu.vector_load %arg6[%get3A_601] {strides = array<i32>} : memref<40960xf32, #tpu.memory_space<vmem>>, vector<16xf32>,
        %mul3A_603 = arith.constant 128 : i32
        %mul3A_604 = arith.muli %min3A_577, %mul3A_603 : i32
        %add3A_605 = arith.constant 48 : i32
        %add3A_606 = arith.addi %mul3A_604, %add3A_605 : i32
        %get3A_607 = arith.index_cast %add3A_606 : i32 to index
        %get3A_608 = tpu.vector_load %arg6[%get3A_607] {strides = array<i32>} : memref<40960xf32, #tpu.memory_space<vmem>>, vector<16xf32>,
        %mul3A_609 = arith.constant 128 : i32
        %mul3A_610 = arith.muli %min3A_577, %mul3A_609 : i32
        %add3A_611 = arith.constant 64 : i32
        %add3A_612 = arith.addi %mul3A_610, %add3A_611 : i32
        %get3A_613 = arith.index_cast %add3A_612 : i32 to index
        %get3A_614 = tpu.vector_load %arg6[%get3A_613] {strides = array<i32>} : memref<40960xf32, #tpu.memory_space<vmem>>, vector<16xf32>,
        %mul3A_615 = arith.constant 128 : i32
        %mul3A_616 = arith.muli %min3A_577, %mul3A_615 : i32
        %add3A_617 = arith.constant 80 : i32
        %add3A_618 = arith.addi %mul3A_616, %add3A_617 : i32
        %get3A_619 = arith.index_cast %add3A_618 : i32 to index
        %get3A_620 = tpu.vector_load %arg6[%get3A_619] {strides = array<i32>} : memref<40960xf32, #tpu.memory_space<vmem>>, vector<16xf32>,
        %mul3A_621 = arith.constant 128 : i32
        %mul3A_622 = arith.muli %min3A_577, %mul3A_621 : i32
        %add3A_623 = arith.constant 96 : i32
        %add3A_624 = arith.addi %mul3A_622, %add3A_623 : i32
        %get3A_625 = arith.index_cast %add3A_624 : i32 to index
        %get3A_626 = tpu.vector_load %arg6[%get3A_625] {strides = array<i32>} : memref<40960xf32, #tpu.memory_space<vmem>>, vector<16xf32>,
        %mul3A_627 = arith.constant 128 : i32
        %mul3A_628 = arith.muli %min3A_577, %mul3A_627 : i32
        %add3A_629 = arith.constant 112 : i32
        %add3A_630 = arith.addi %mul3A_628, %add3A_629 : i32
        %get3A_631 = arith.index_cast %add3A_630 : i32 to index
        %get3A_632 = tpu.vector_load %arg6[%get3A_631] {strides = array<i32>} : memref<40960xf32, #tpu.memory_space<vmem>>, vector<16xf32>,
        %ne3A_633 = arith.cmpi ne, %gather3A_583, %gather3A_506 : vector<16xi32>
        tpu.vector_store_idx %arg10[%sub3A_507, %add3A_6], %select_n3A_558 masked %ne3A_633 : memref<329x128xf32, #tpu.memory_space<vmem>>[vector<16xi32>, vector<16xi32>], vector<16xf32>, vector<16xi1>
        tpu.vector_store_idx %arg10[%sub3A_507, %add3A_9], %select_n3A_560 masked %ne3A_633 : memref<329x128xf32, #tpu.memory_space<vmem>>[vector<16xi32>, vector<16xi32>], vector<16xf32>, vector<16xi1>
        tpu.vector_store_idx %arg10[%sub3A_507, %add3A_12], %select_n3A_562 masked %ne3A_633 : memref<329x128xf32, #tpu.memory_space<vmem>>[vector<16xi32>, vector<16xi32>], vector<16xf32>, vector<16xi1>
        tpu.vector_store_idx %arg10[%sub3A_507, %add3A_15], %select_n3A_564 masked %ne3A_633 : memref<329x128xf32, #tpu.memory_space<vmem>>[vector<16xi32>, vector<16xi32>], vector<16xf32>, vector<16xi1>
        tpu.vector_store_idx %arg10[%sub3A_507, %add3A_18], %select_n3A_566 masked %ne3A_633 : memref<329x128xf32, #tpu.memory_space<vmem>>[vector<16xi32>, vector<16xi32>], vector<16xf32>, vector<16xi1>
        tpu.vector_store_idx %arg10[%sub3A_507, %add3A_21], %select_n3A_568 masked %ne3A_633 : memref<329x128xf32, #tpu.memory_space<vmem>>[vector<16xi32>, vector<16xi32>], vector<16xf32>, vector<16xi1>
        tpu.vector_store_idx %arg10[%sub3A_507, %add3A_24], %select_n3A_570 masked %ne3A_633 : memref<329x128xf32, #tpu.memory_space<vmem>>[vector<16xi32>, vector<16xi32>], vector<16xf32>, vector<16xi1>
        tpu.vector_store_idx %arg10[%sub3A_507, %add3A_27], %select_n3A_572 masked %ne3A_633 : memref<329x128xf32, #tpu.memory_space<vmem>>[vector<16xi32>, vector<16xi32>], vector<16xf32>, vector<16xi1>
        %max3A_634 = arith.maximumf %select_n3A_558, %get3A_590 : vector<16xf32>
        %select_n3A_635 = arith.select %ne3A_633, %get3A_590, %max3A_634 : vector<16xi1>, vector<16xf32>
        %max3A_636 = arith.maximumf %select_n3A_560, %get3A_596 : vector<16xf32>
        %select_n3A_637 = arith.select %ne3A_633, %get3A_596, %max3A_636 : vector<16xi1>, vector<16xf32>
        %max3A_638 = arith.maximumf %select_n3A_562, %get3A_602 : vector<16xf32>
        %select_n3A_639 = arith.select %ne3A_633, %get3A_602, %max3A_638 : vector<16xi1>, vector<16xf32>
        %max3A_640 = arith.maximumf %select_n3A_564, %get3A_608 : vector<16xf32>
        %select_n3A_641 = arith.select %ne3A_633, %get3A_608, %max3A_640 : vector<16xi1>, vector<16xf32>
        %max3A_642 = arith.maximumf %select_n3A_566, %get3A_614 : vector<16xf32>
        %select_n3A_643 = arith.select %ne3A_633, %get3A_614, %max3A_642 : vector<16xi1>, vector<16xf32>
        %max3A_644 = arith.maximumf %select_n3A_568, %get3A_620 : vector<16xf32>
        %select_n3A_645 = arith.select %ne3A_633, %get3A_620, %max3A_644 : vector<16xi1>, vector<16xf32>
        %max3A_646 = arith.maximumf %select_n3A_570, %get3A_626 : vector<16xf32>
        %select_n3A_647 = arith.select %ne3A_633, %get3A_626, %max3A_646 : vector<16xi1>, vector<16xf32>
        %max3A_648 = arith.maximumf %select_n3A_572, %get3A_632 : vector<16xf32>
        %select_n3A_649 = arith.select %ne3A_633, %get3A_632, %max3A_648 : vector<16xi1>, vector<16xf32>
        %add3A_650 = arith.constant 3 : i32
        %add3A_651 = arith.addi %add3A_430, %add3A_650 : i32
        %sub3A_652 = arith.constant 1 : i32
        %sub3A_653 = arith.subi %sub3A_259, %sub3A_652 : i32
        %min3A_654 = arith.minsi %add3A_651, %sub3A_653 : i32
        %get3A_655 = arith.index_cast %min3A_654 : i32 to index
        %get3A_656 = tpu.vector_load %arg8[%get3A_655] {strides = array<i32>} : memref<336xi32, #tpu.memory_space<vmem>>, vector<16xi32>,
        %broadcast_in_dim3A_657 = arith.constant 0 : i32
        %broadcast_in_dim3A_658 = vector.broadcast %broadcast_in_dim3A_657 : i32 to vector<16x1xi32>
        %gather3A_659 = vector.shape_cast %broadcast_in_dim3A_658 : vector<16x1xi32> to vector<16xi32>
        %gather3A_660 = tpu.dynamic_gather %get3A_656[%gather3A_659] in [0] : vector<16xi32>, vector<16xi32> -> vector<16xi32>
        %sub3A_661 = arith.subi %gather3A_660, %broadcast_in_dim3A_28 : vector<16xi32>
        %mul3A_662 = arith.constant 128 : i32
        %mul3A_663 = arith.muli %min3A_654, %mul3A_662 : i32
        %add3A_664 = arith.constant 0 : i32
        %add3A_665 = arith.addi %mul3A_663, %add3A_664 : i32
        %get3A_666 = arith.index_cast %add3A_665 : i32 to index
        %get3A_667 = tpu.vector_load %arg6[%get3A_666] {strides = array<i32>} : memref<40960xf32, #tpu.memory_space<vmem>>, vector<16xf32>,
        %mul3A_668 = arith.constant 128 : i32
        %mul3A_669 = arith.muli %min3A_654, %mul3A_668 : i32
        %add3A_670 = arith.constant 16 : i32
        %add3A_671 = arith.addi %mul3A_669, %add3A_670 : i32
        %get3A_672 = arith.index_cast %add3A_671 : i32 to index
        %get3A_673 = tpu.vector_load %arg6[%get3A_672] {strides = array<i32>} : memref<40960xf32, #tpu.memory_space<vmem>>, vector<16xf32>,
        %mul3A_674 = arith.constant 128 : i32
        %mul3A_675 = arith.muli %min3A_654, %mul3A_674 : i32
        %add3A_676 = arith.constant 32 : i32
        %add3A_677 = arith.addi %mul3A_675, %add3A_676 : i32
        %get3A_678 = arith.index_cast %add3A_677 : i32 to index
        %get3A_679 = tpu.vector_load %arg6[%get3A_678] {strides = array<i32>} : memref<40960xf32, #tpu.memory_space<vmem>>, vector<16xf32>,
        %mul3A_680 = arith.constant 128 : i32
        %mul3A_681 = arith.muli %min3A_654, %mul3A_680 : i32
        %add3A_682 = arith.constant 48 : i32
        %add3A_683 = arith.addi %mul3A_681, %add3A_682 : i32
        %get3A_684 = arith.index_cast %add3A_683 : i32 to index
        %get3A_685 = tpu.vector_load %arg6[%get3A_684] {strides = array<i32>} : memref<40960xf32, #tpu.memory_space<vmem>>, vector<16xf32>,
        %mul3A_686 = arith.constant 128 : i32
        %mul3A_687 = arith.muli %min3A_654, %mul3A_686 : i32
        %add3A_688 = arith.constant 64 : i32
        %add3A_689 = arith.addi %mul3A_687, %add3A_688 : i32
        %get3A_690 = arith.index_cast %add3A_689 : i32 to index
        %get3A_691 = tpu.vector_load %arg6[%get3A_690] {strides = array<i32>} : memref<40960xf32, #tpu.memory_space<vmem>>, vector<16xf32>,
        %mul3A_692 = arith.constant 128 : i32
        %mul3A_693 = arith.muli %min3A_654, %mul3A_692 : i32
        %add3A_694 = arith.constant 80 : i32
        %add3A_695 = arith.addi %mul3A_693, %add3A_694 : i32
        %get3A_696 = arith.index_cast %add3A_695 : i32 to index
        %get3A_697 = tpu.vector_load %arg6[%get3A_696] {strides = array<i32>} : memref<40960xf32, #tpu.memory_space<vmem>>, vector<16xf32>,
        %mul3A_698 = arith.constant 128 : i32
        %mul3A_699 = arith.muli %min3A_654, %mul3A_698 : i32
        %add3A_700 = arith.constant 96 : i32
        %add3A_701 = arith.addi %mul3A_699, %add3A_700 : i32
        %get3A_702 = arith.index_cast %add3A_701 : i32 to index
        %get3A_703 = tpu.vector_load %arg6[%get3A_702] {strides = array<i32>} : memref<40960xf32, #tpu.memory_space<vmem>>, vector<16xf32>,
        %mul3A_704 = arith.constant 128 : i32
        %mul3A_705 = arith.muli %min3A_654, %mul3A_704 : i32
        %add3A_706 = arith.constant 112 : i32
        %add3A_707 = arith.addi %mul3A_705, %add3A_706 : i32
        %get3A_708 = arith.index_cast %add3A_707 : i32 to index
        %get3A_709 = tpu.vector_load %arg6[%get3A_708] {strides = array<i32>} : memref<40960xf32, #tpu.memory_space<vmem>>, vector<16xf32>,
        %ne3A_710 = arith.cmpi ne, %gather3A_660, %gather3A_583 : vector<16xi32>
        tpu.vector_store_idx %arg10[%sub3A_584, %add3A_6], %select_n3A_635 masked %ne3A_710 : memref<329x128xf32, #tpu.memory_space<vmem>>[vector<16xi32>, vector<16xi32>], vector<16xf32>, vector<16xi1>
        tpu.vector_store_idx %arg10[%sub3A_584, %add3A_9], %select_n3A_637 masked %ne3A_710 : memref<329x128xf32, #tpu.memory_space<vmem>>[vector<16xi32>, vector<16xi32>], vector<16xf32>, vector<16xi1>
        tpu.vector_store_idx %arg10[%sub3A_584, %add3A_12], %select_n3A_639 masked %ne3A_710 : memref<329x128xf32, #tpu.memory_space<vmem>>[vector<16xi32>, vector<16xi32>], vector<16xf32>, vector<16xi1>
        tpu.vector_store_idx %arg10[%sub3A_584, %add3A_15], %select_n3A_641 masked %ne3A_710 : memref<329x128xf32, #tpu.memory_space<vmem>>[vector<16xi32>, vector<16xi32>], vector<16xf32>, vector<16xi1>
        tpu.vector_store_idx %arg10[%sub3A_584, %add3A_18], %select_n3A_643 masked %ne3A_710 : memref<329x128xf32, #tpu.memory_space<vmem>>[vector<16xi32>, vector<16xi32>], vector<16xf32>, vector<16xi1>
        tpu.vector_store_idx %arg10[%sub3A_584, %add3A_21], %select_n3A_645 masked %ne3A_710 : memref<329x128xf32, #tpu.memory_space<vmem>>[vector<16xi32>, vector<16xi32>], vector<16xf32>, vector<16xi1>
        tpu.vector_store_idx %arg10[%sub3A_584, %add3A_24], %select_n3A_647 masked %ne3A_710 : memref<329x128xf32, #tpu.memory_space<vmem>>[vector<16xi32>, vector<16xi32>], vector<16xf32>, vector<16xi1>
        tpu.vector_store_idx %arg10[%sub3A_584, %add3A_27], %select_n3A_649 masked %ne3A_710 : memref<329x128xf32, #tpu.memory_space<vmem>>[vector<16xi32>, vector<16xi32>], vector<16xf32>, vector<16xi1>
        %max3A_711 = arith.maximumf %select_n3A_635, %get3A_667 : vector<16xf32>
        %select_n3A_712 = arith.select %ne3A_710, %get3A_667, %max3A_711 : vector<16xi1>, vector<16xf32>
        %max3A_713 = arith.maximumf %select_n3A_637, %get3A_673 : vector<16xf32>
        %select_n3A_714 = arith.select %ne3A_710, %get3A_673, %max3A_713 : vector<16xi1>, vector<16xf32>
        %max3A_715 = arith.maximumf %select_n3A_639, %get3A_679 : vector<16xf32>
        %select_n3A_716 = arith.select %ne3A_710, %get3A_679, %max3A_715 : vector<16xi1>, vector<16xf32>
        %max3A_717 = arith.maximumf %select_n3A_641, %get3A_685 : vector<16xf32>
        %select_n3A_718 = arith.select %ne3A_710, %get3A_685, %max3A_717 : vector<16xi1>, vector<16xf32>
        %max3A_719 = arith.maximumf %select_n3A_643, %get3A_691 : vector<16xf32>
        %select_n3A_720 = arith.select %ne3A_710, %get3A_691, %max3A_719 : vector<16xi1>, vector<16xf32>
        %max3A_721 = arith.maximumf %select_n3A_645, %get3A_697 : vector<16xf32>
        %select_n3A_722 = arith.select %ne3A_710, %get3A_697, %max3A_721 : vector<16xi1>, vector<16xf32>
        %max3A_723 = arith.maximumf %select_n3A_647, %get3A_703 : vector<16xf32>
        %select_n3A_724 = arith.select %ne3A_710, %get3A_703, %max3A_723 : vector<16xi1>, vector<16xf32>
        %max3A_725 = arith.maximumf %select_n3A_649, %get3A_709 : vector<16xf32>
        %select_n3A_726 = arith.select %ne3A_710, %get3A_709, %max3A_725 : vector<16xi1>, vector<16xf32>
        %add3A_727 = arith.constant 4 : i32
        %add3A_728 = arith.addi %add3A_430, %add3A_727 : i32
        %sub3A_729 = arith.constant 1 : i32
        %sub3A_730 = arith.subi %sub3A_259, %sub3A_729 : i32
        %min3A_731 = arith.minsi %add3A_728, %sub3A_730 : i32
        %get3A_732 = arith.index_cast %min3A_731 : i32 to index
        %get3A_733 = tpu.vector_load %arg8[%get3A_732] {strides = array<i32>} : memref<336xi32, #tpu.memory_space<vmem>>, vector<16xi32>,
        %broadcast_in_dim3A_734 = arith.constant 0 : i32
        %broadcast_in_dim3A_735 = vector.broadcast %broadcast_in_dim3A_734 : i32 to vector<16x1xi32>
        %gather3A_736 = vector.shape_cast %broadcast_in_dim3A_735 : vector<16x1xi32> to vector<16xi32>
        %gather3A_737 = tpu.dynamic_gather %get3A_733[%gather3A_736] in [0] : vector<16xi32>, vector<16xi32> -> vector<16xi32>
        %sub3A_738 = arith.subi %gather3A_737, %broadcast_in_dim3A_28 : vector<16xi32>
        scf.yield %gather3A_660, %sub3A_661, %gather3A_737, %sub3A_738, %select_n3A_712, %select_n3A_714, %select_n3A_716, %select_n3A_718, %select_n3A_720, %select_n3A_722, %select_n3A_724, %select_n3A_726 : vector<16xi32>, vector<16xi32>, vector<16xi32>, vector<16xi32>, vector<16xf32>, vector<16xf32>, vector<16xf32>, vector<16xf32>, vector<16xf32>, vector<16xf32>, vector<16xf32>, vector<16xf32>
      }
      %while3A_302 = arith.constant 1 : i32
      %while3A_303:12 = scf.for %while3A_415 = %while3A_299 to %while3A_295 step %while3A_302 iter_args(%while3A_416 = %while3A_301#0, %while3A_417 = %while3A_301#1, %while3A_418 = %while3A_301#2, %while3A_419 = %while3A_301#3, %while3A_420 = %while3A_301#4, %while3A_421 = %while3A_301#5, %while3A_422 = %while3A_301#6, %while3A_423 = %while3A_301#7, %while3A_424 = %while3A_301#8, %while3A_425 = %while3A_301#9, %while3A_426 = %while3A_301#10, %while3A_427 = %while3A_301#11) -> (vector<16xi32>, vector<16xi32>, vector<16xi32>, vector<16xi32>, vector<16xf32>, vector<16xf32>, vector<16xf32>, vector<16xf32>, vector<16xf32>, vector<16xf32>, vector<16xf32>, vector<16xf32>)  : i32 {
        %mul3A_428 = arith.constant 4 : i32
        %mul3A_429 = arith.muli %mul3A_428, %while3A_415 : i32
        %add3A_430 = arith.addi %sub3A_255, %mul3A_429 : i32
        %mul3A_431 = arith.constant 128 : i32
        %mul3A_432 = arith.muli %add3A_430, %mul3A_431 : i32
        %add3A_433 = arith.constant 0 : i32
        %add3A_434 = arith.addi %mul3A_432, %add3A_433 : i32
        %get3A_435 = arith.index_cast %add3A_434 : i32 to index
        %get3A_436 = tpu.vector_load %arg6[%get3A_435] {strides = array<i32>} : memref<40960xf32, #tpu.memory_space<vmem>>, vector<16xf32>,
        %mul3A_437 = arith.constant 128 : i32
        %mul3A_438 = arith.muli %add3A_430, %mul3A_437 : i32
        %add3A_439 = arith.constant 16 : i32
        %add3A_440 = arith.addi %mul3A_438, %add3A_439 : i32
        %get3A_441 = arith.index_cast %add3A_440 : i32 to index
        %get3A_442 = tpu.vector_load %arg6[%get3A_441] {strides = array<i32>} : memref<40960xf32, #tpu.memory_space<vmem>>, vector<16xf32>,
        %mul3A_443 = arith.constant 128 : i32
        %mul3A_444 = arith.muli %add3A_430, %mul3A_443 : i32
        %add3A_445 = arith.constant 32 : i32
        %add3A_446 = arith.addi %mul3A_444, %add3A_445 : i32
        %get3A_447 = arith.index_cast %add3A_446 : i32 to index
        %get3A_448 = tpu.vector_load %arg6[%get3A_447] {strides = array<i32>} : memref<40960xf32, #tpu.memory_space<vmem>>, vector<16xf32>,
        %mul3A_449 = arith.constant 128 : i32
        %mul3A_450 = arith.muli %add3A_430, %mul3A_449 : i32
        %add3A_451 = arith.constant 48 : i32
        %add3A_452 = arith.addi %mul3A_450, %add3A_451 : i32
        %get3A_453 = arith.index_cast %add3A_452 : i32 to index
        %get3A_454 = tpu.vector_load %arg6[%get3A_453] {strides = array<i32>} : memref<40960xf32, #tpu.memory_space<vmem>>, vector<16xf32>,
        %mul3A_455 = arith.constant 128 : i32
        %mul3A_456 = arith.muli %add3A_430, %mul3A_455 : i32
        %add3A_457 = arith.constant 64 : i32
        %add3A_458 = arith.addi %mul3A_456, %add3A_457 : i32
        %get3A_459 = arith.index_cast %add3A_458 : i32 to index
        %get3A_460 = tpu.vector_load %arg6[%get3A_459] {strides = array<i32>} : memref<40960xf32, #tpu.memory_space<vmem>>, vector<16xf32>,
        %mul3A_461 = arith.constant 128 : i32
        %mul3A_462 = arith.muli %add3A_430, %mul3A_461 : i32
        %add3A_463 = arith.constant 80 : i32
        %add3A_464 = arith.addi %mul3A_462, %add3A_463 : i32
        %get3A_465 = arith.index_cast %add3A_464 : i32 to index
        %get3A_466 = tpu.vector_load %arg6[%get3A_465] {strides = array<i32>} : memref<40960xf32, #tpu.memory_space<vmem>>, vector<16xf32>,
        %mul3A_467 = arith.constant 128 : i32
        %mul3A_468 = arith.muli %add3A_430, %mul3A_467 : i32
        %add3A_469 = arith.constant 96 : i32
        %add3A_470 = arith.addi %mul3A_468, %add3A_469 : i32
        %get3A_471 = arith.index_cast %add3A_470 : i32 to index
        %get3A_472 = tpu.vector_load %arg6[%get3A_471] {strides = array<i32>} : memref<40960xf32, #tpu.memory_space<vmem>>, vector<16xf32>,
        %mul3A_473 = arith.constant 128 : i32
        %mul3A_474 = arith.muli %add3A_430, %mul3A_473 : i32
        %add3A_475 = arith.constant 112 : i32
        %add3A_476 = arith.addi %mul3A_474, %add3A_475 : i32
        %get3A_477 = arith.index_cast %add3A_476 : i32 to index
        %get3A_478 = tpu.vector_load %arg6[%get3A_477] {strides = array<i32>} : memref<40960xf32, #tpu.memory_space<vmem>>, vector<16xf32>,
        %ne3A_479 = arith.cmpi ne, %while3A_418, %while3A_416 : vector<16xi32>
        tpu.vector_store_idx %arg10[%while3A_417, %add3A_6], %while3A_420 masked %ne3A_479 : memref<329x128xf32, #tpu.memory_space<vmem>>[vector<16xi32>, vector<16xi32>], vector<16xf32>, vector<16xi1>
        tpu.vector_store_idx %arg10[%while3A_417, %add3A_9], %while3A_421 masked %ne3A_479 : memref<329x128xf32, #tpu.memory_space<vmem>>[vector<16xi32>, vector<16xi32>], vector<16xf32>, vector<16xi1>
        tpu.vector_store_idx %arg10[%while3A_417, %add3A_12], %while3A_422 masked %ne3A_479 : memref<329x128xf32, #tpu.memory_space<vmem>>[vector<16xi32>, vector<16xi32>], vector<16xf32>, vector<16xi1>
        tpu.vector_store_idx %arg10[%while3A_417, %add3A_15], %while3A_423 masked %ne3A_479 : memref<329x128xf32, #tpu.memory_space<vmem>>[vector<16xi32>, vector<16xi32>], vector<16xf32>, vector<16xi1>
        tpu.vector_store_idx %arg10[%while3A_417, %add3A_18], %while3A_424 masked %ne3A_479 : memref<329x128xf32, #tpu.memory_space<vmem>>[vector<16xi32>, vector<16xi32>], vector<16xf32>, vector<16xi1>
        tpu.vector_store_idx %arg10[%while3A_417, %add3A_21], %while3A_425 masked %ne3A_479 : memref<329x128xf32, #tpu.memory_space<vmem>>[vector<16xi32>, vector<16xi32>], vector<16xf32>, vector<16xi1>
        tpu.vector_store_idx %arg10[%while3A_417, %add3A_24], %while3A_426 masked %ne3A_479 : memref<329x128xf32, #tpu.memory_space<vmem>>[vector<16xi32>, vector<16xi32>], vector<16xf32>, vector<16xi1>
        tpu.vector_store_idx %arg10[%while3A_417, %add3A_27], %while3A_427 masked %ne3A_479 : memref<329x128xf32, #tpu.memory_space<vmem>>[vector<16xi32>, vector<16xi32>], vector<16xf32>, vector<16xi1>
        %max3A_480 = arith.maximumf %while3A_420, %get3A_436 : vector<16xf32>
        %select_n3A_481 = arith.select %ne3A_479, %get3A_436, %max3A_480 : vector<16xi1>, vector<16xf32>
        %max3A_482 = arith.maximumf %while3A_421, %get3A_442 : vector<16xf32>
        %select_n3A_483 = arith.select %ne3A_479, %get3A_442, %max3A_482 : vector<16xi1>, vector<16xf32>
        %max3A_484 = arith.maximumf %while3A_422, %get3A_448 : vector<16xf32>
        %select_n3A_485 = arith.select %ne3A_479, %get3A_448, %max3A_484 : vector<16xi1>, vector<16xf32>
        %max3A_486 = arith.maximumf %while3A_423, %get3A_454 : vector<16xf32>
        %select_n3A_487 = arith.select %ne3A_479, %get3A_454, %max3A_486 : vector<16xi1>, vector<16xf32>
        %max3A_488 = arith.maximumf %while3A_424, %get3A_460 : vector<16xf32>
        %select_n3A_489 = arith.select %ne3A_479, %get3A_460, %max3A_488 : vector<16xi1>, vector<16xf32>
        %max3A_490 = arith.maximumf %while3A_425, %get3A_466 : vector<16xf32>
        %select_n3A_491 = arith.select %ne3A_479, %get3A_466, %max3A_490 : vector<16xi1>, vector<16xf32>
        %max3A_492 = arith.maximumf %while3A_426, %get3A_472 : vector<16xf32>
        %select_n3A_493 = arith.select %ne3A_479, %get3A_472, %max3A_492 : vector<16xi1>, vector<16xf32>
        %max3A_494 = arith.maximumf %while3A_427, %get3A_478 : vector<16xf32>
        %select_n3A_495 = arith.select %ne3A_479, %get3A_478, %max3A_494 : vector<16xi1>, vector<16xf32>
        %add3A_496 = arith.constant 1 : i32
        %add3A_497 = arith.addi %add3A_430, %add3A_496 : i32
        %sub3A_498 = arith.constant 1 : i32
        %sub3A_499 = arith.subi %sub3A_259, %sub3A_498 : i32
        %min3A_500 = arith.minsi %add3A_497, %sub3A_499 : i32
        %get3A_501 = arith.index_cast %min3A_500 : i32 to index
        %get3A_502 = tpu.vector_load %arg8[%get3A_501] {strides = array<i32>} : memref<336xi32, #tpu.memory_space<vmem>>, vector<16xi32>,
        %broadcast_in_dim3A_503 = arith.constant 0 : i32
        %broadcast_in_dim3A_504 = vector.broadcast %broadcast_in_dim3A_503 : i32 to vector<16x1xi32>
        %gather3A_505 = vector.shape_cast %broadcast_in_dim3A_504 : vector<16x1xi32> to vector<16xi32>
        %gather3A_506 = tpu.dynamic_gather %get3A_502[%gather3A_505] in [0] : vector<16xi32>, vector<16xi32> -> vector<16xi32>
        %sub3A_507 = arith.subi %gather3A_506, %broadcast_in_dim3A_28 : vector<16xi32>
        %mul3A_508 = arith.constant 128 : i32
        %mul3A_509 = arith.muli %min3A_500, %mul3A_508 : i32
        %add3A_510 = arith.constant 0 : i32
        %add3A_511 = arith.addi %mul3A_509, %add3A_510 : i32
        %get3A_512 = arith.index_cast %add3A_511 : i32 to index
        %get3A_513 = tpu.vector_load %arg6[%get3A_512] {strides = array<i32>} : memref<40960xf32, #tpu.memory_space<vmem>>, vector<16xf32>,
        %mul3A_514 = arith.constant 128 : i32
        %mul3A_515 = arith.muli %min3A_500, %mul3A_514 : i32
        %add3A_516 = arith.constant 16 : i32
        %add3A_517 = arith.addi %mul3A_515, %add3A_516 : i32
        %get3A_518 = arith.index_cast %add3A_517 : i32 to index
        %get3A_519 = tpu.vector_load %arg6[%get3A_518] {strides = array<i32>} : memref<40960xf32, #tpu.memory_space<vmem>>, vector<16xf32>,
        %mul3A_520 = arith.constant 128 : i32
        %mul3A_521 = arith.muli %min3A_500, %mul3A_520 : i32
        %add3A_522 = arith.constant 32 : i32
        %add3A_523 = arith.addi %mul3A_521, %add3A_522 : i32
        %get3A_524 = arith.index_cast %add3A_523 : i32 to index
        %get3A_525 = tpu.vector_load %arg6[%get3A_524] {strides = array<i32>} : memref<40960xf32, #tpu.memory_space<vmem>>, vector<16xf32>,
        %mul3A_526 = arith.constant 128 : i32
        %mul3A_527 = arith.muli %min3A_500, %mul3A_526 : i32
        %add3A_528 = arith.constant 48 : i32
        %add3A_529 = arith.addi %mul3A_527, %add3A_528 : i32
        %get3A_530 = arith.index_cast %add3A_529 : i32 to index
        %get3A_531 = tpu.vector_load %arg6[%get3A_530] {strides = array<i32>} : memref<40960xf32, #tpu.memory_space<vmem>>, vector<16xf32>,
        %mul3A_532 = arith.constant 128 : i32
        %mul3A_533 = arith.muli %min3A_500, %mul3A_532 : i32
        %add3A_534 = arith.constant 64 : i32
        %add3A_535 = arith.addi %mul3A_533, %add3A_534 : i32
        %get3A_536 = arith.index_cast %add3A_535 : i32 to index
        %get3A_537 = tpu.vector_load %arg6[%get3A_536] {strides = array<i32>} : memref<40960xf32, #tpu.memory_space<vmem>>, vector<16xf32>,
        %mul3A_538 = arith.constant 128 : i32
        %mul3A_539 = arith.muli %min3A_500, %mul3A_538 : i32
        %add3A_540 = arith.constant 80 : i32
        %add3A_541 = arith.addi %mul3A_539, %add3A_540 : i32
        %get3A_542 = arith.index_cast %add3A_541 : i32 to index
        %get3A_543 = tpu.vector_load %arg6[%get3A_542] {strides = array<i32>} : memref<40960xf32, #tpu.memory_space<vmem>>, vector<16xf32>,
        %mul3A_544 = arith.constant 128 : i32
        %mul3A_545 = arith.muli %min3A_500, %mul3A_544 : i32
        %add3A_546 = arith.constant 96 : i32
        %add3A_547 = arith.addi %mul3A_545, %add3A_546 : i32
        %get3A_548 = arith.index_cast %add3A_547 : i32 to index
        %get3A_549 = tpu.vector_load %arg6[%get3A_548] {strides = array<i32>} : memref<40960xf32, #tpu.memory_space<vmem>>, vector<16xf32>,
        %mul3A_550 = arith.constant 128 : i32
        %mul3A_551 = arith.muli %min3A_500, %mul3A_550 : i32
        %add3A_552 = arith.constant 112 : i32
        %add3A_553 = arith.addi %mul3A_551, %add3A_552 : i32
        %get3A_554 = arith.index_cast %add3A_553 : i32 to index
        %get3A_555 = tpu.vector_load %arg6[%get3A_554] {strides = array<i32>} : memref<40960xf32, #tpu.memory_space<vmem>>, vector<16xf32>,
        %ne3A_556 = arith.cmpi ne, %gather3A_506, %while3A_418 : vector<16xi32>
        tpu.vector_store_idx %arg10[%while3A_419, %add3A_6], %select_n3A_481 masked %ne3A_556 : memref<329x128xf32, #tpu.memory_space<vmem>>[vector<16xi32>, vector<16xi32>], vector<16xf32>, vector<16xi1>
        tpu.vector_store_idx %arg10[%while3A_419, %add3A_9], %select_n3A_483 masked %ne3A_556 : memref<329x128xf32, #tpu.memory_space<vmem>>[vector<16xi32>, vector<16xi32>], vector<16xf32>, vector<16xi1>
        tpu.vector_store_idx %arg10[%while3A_419, %add3A_12], %select_n3A_485 masked %ne3A_556 : memref<329x128xf32, #tpu.memory_space<vmem>>[vector<16xi32>, vector<16xi32>], vector<16xf32>, vector<16xi1>
        tpu.vector_store_idx %arg10[%while3A_419, %add3A_15], %select_n3A_487 masked %ne3A_556 : memref<329x128xf32, #tpu.memory_space<vmem>>[vector<16xi32>, vector<16xi32>], vector<16xf32>, vector<16xi1>
        tpu.vector_store_idx %arg10[%while3A_419, %add3A_18], %select_n3A_489 masked %ne3A_556 : memref<329x128xf32, #tpu.memory_space<vmem>>[vector<16xi32>, vector<16xi32>], vector<16xf32>, vector<16xi1>
        tpu.vector_store_idx %arg10[%while3A_419, %add3A_21], %select_n3A_491 masked %ne3A_556 : memref<329x128xf32, #tpu.memory_space<vmem>>[vector<16xi32>, vector<16xi32>], vector<16xf32>, vector<16xi1>
        tpu.vector_store_idx %arg10[%while3A_419, %add3A_24], %select_n3A_493 masked %ne3A_556 : memref<329x128xf32, #tpu.memory_space<vmem>>[vector<16xi32>, vector<16xi32>], vector<16xf32>, vector<16xi1>
        tpu.vector_store_idx %arg10[%while3A_419, %add3A_27], %select_n3A_495 masked %ne3A_556 : memref<329x128xf32, #tpu.memory_space<vmem>>[vector<16xi32>, vector<16xi32>], vector<16xf32>, vector<16xi1>
        %max3A_557 = arith.maximumf %select_n3A_481, %get3A_513 : vector<16xf32>
        %select_n3A_558 = arith.select %ne3A_556, %get3A_513, %max3A_557 : vector<16xi1>, vector<16xf32>
        %max3A_559 = arith.maximumf %select_n3A_483, %get3A_519 : vector<16xf32>
        %select_n3A_560 = arith.select %ne3A_556, %get3A_519, %max3A_559 : vector<16xi1>, vector<16xf32>
        %max3A_561 = arith.maximumf %select_n3A_485, %get3A_525 : vector<16xf32>
        %select_n3A_562 = arith.select %ne3A_556, %get3A_525, %max3A_561 : vector<16xi1>, vector<16xf32>
        %max3A_563 = arith.maximumf %select_n3A_487, %get3A_531 : vector<16xf32>
        %select_n3A_564 = arith.select %ne3A_556, %get3A_531, %max3A_563 : vector<16xi1>, vector<16xf32>
        %max3A_565 = arith.maximumf %select_n3A_489, %get3A_537 : vector<16xf32>
        %select_n3A_566 = arith.select %ne3A_556, %get3A_537, %max3A_565 : vector<16xi1>, vector<16xf32>
        %max3A_567 = arith.maximumf %select_n3A_491, %get3A_543 : vector<16xf32>
        %select_n3A_568 = arith.select %ne3A_556, %get3A_543, %max3A_567 : vector<16xi1>, vector<16xf32>
        %max3A_569 = arith.maximumf %select_n3A_493, %get3A_549 : vector<16xf32>
        %select_n3A_570 = arith.select %ne3A_556, %get3A_549, %max3A_569 : vector<16xi1>, vector<16xf32>
        %max3A_571 = arith.maximumf %select_n3A_495, %get3A_555 : vector<16xf32>
        %select_n3A_572 = arith.select %ne3A_556, %get3A_555, %max3A_571 : vector<16xi1>, vector<16xf32>
        %add3A_573 = arith.constant 2 : i32
        %add3A_574 = arith.addi %add3A_430, %add3A_573 : i32
        %sub3A_575 = arith.constant 1 : i32
        %sub3A_576 = arith.subi %sub3A_259, %sub3A_575 : i32
        %min3A_577 = arith.minsi %add3A_574, %sub3A_576 : i32
        %get3A_578 = arith.index_cast %min3A_577 : i32 to index
        %get3A_579 = tpu.vector_load %arg8[%get3A_578] {strides = array<i32>} : memref<336xi32, #tpu.memory_space<vmem>>, vector<16xi32>,
        %broadcast_in_dim3A_580 = arith.constant 0 : i32
        %broadcast_in_dim3A_581 = vector.broadcast %broadcast_in_dim3A_580 : i32 to vector<16x1xi32>
        %gather3A_582 = vector.shape_cast %broadcast_in_dim3A_581 : vector<16x1xi32> to vector<16xi32>
        %gather3A_583 = tpu.dynamic_gather %get3A_579[%gather3A_582] in [0] : vector<16xi32>, vector<16xi32> -> vector<16xi32>
        %sub3A_584 = arith.subi %gather3A_583, %broadcast_in_dim3A_28 : vector<16xi32>
        %mul3A_585 = arith.constant 128 : i32
        %mul3A_586 = arith.muli %min3A_577, %mul3A_585 : i32
        %add3A_587 = arith.constant 0 : i32
        %add3A_588 = arith.addi %mul3A_586, %add3A_587 : i32
        %get3A_589 = arith.index_cast %add3A_588 : i32 to index
        %get3A_590 = tpu.vector_load %arg6[%get3A_589] {strides = array<i32>} : memref<40960xf32, #tpu.memory_space<vmem>>, vector<16xf32>,
        %mul3A_591 = arith.constant 128 : i32
        %mul3A_592 = arith.muli %min3A_577, %mul3A_591 : i32
        %add3A_593 = arith.constant 16 : i32
        %add3A_594 = arith.addi %mul3A_592, %add3A_593 : i32
        %get3A_595 = arith.index_cast %add3A_594 : i32 to index
        %get3A_596 = tpu.vector_load %arg6[%get3A_595] {strides = array<i32>} : memref<40960xf32, #tpu.memory_space<vmem>>, vector<16xf32>,
        %mul3A_597 = arith.constant 128 : i32
        %mul3A_598 = arith.muli %min3A_577, %mul3A_597 : i32
        %add3A_599 = arith.constant 32 : i32
        %add3A_600 = arith.addi %mul3A_598, %add3A_599 : i32
        %get3A_601 = arith.index_cast %add3A_600 : i32 to index
        %get3A_602 = tpu.vector_load %arg6[%get3A_601] {strides = array<i32>} : memref<40960xf32, #tpu.memory_space<vmem>>, vector<16xf32>,
        %mul3A_603 = arith.constant 128 : i32
        %mul3A_604 = arith.muli %min3A_577, %mul3A_603 : i32
        %add3A_605 = arith.constant 48 : i32
        %add3A_606 = arith.addi %mul3A_604, %add3A_605 : i32
        %get3A_607 = arith.index_cast %add3A_606 : i32 to index
        %get3A_608 = tpu.vector_load %arg6[%get3A_607] {strides = array<i32>} : memref<40960xf32, #tpu.memory_space<vmem>>, vector<16xf32>,
        %mul3A_609 = arith.constant 128 : i32
        %mul3A_610 = arith.muli %min3A_577, %mul3A_609 : i32
        %add3A_611 = arith.constant 64 : i32
        %add3A_612 = arith.addi %mul3A_610, %add3A_611 : i32
        %get3A_613 = arith.index_cast %add3A_612 : i32 to index
        %get3A_614 = tpu.vector_load %arg6[%get3A_613] {strides = array<i32>} : memref<40960xf32, #tpu.memory_space<vmem>>, vector<16xf32>,
        %mul3A_615 = arith.constant 128 : i32
        %mul3A_616 = arith.muli %min3A_577, %mul3A_615 : i32
        %add3A_617 = arith.constant 80 : i32
        %add3A_618 = arith.addi %mul3A_616, %add3A_617 : i32
        %get3A_619 = arith.index_cast %add3A_618 : i32 to index
        %get3A_620 = tpu.vector_load %arg6[%get3A_619] {strides = array<i32>} : memref<40960xf32, #tpu.memory_space<vmem>>, vector<16xf32>,
        %mul3A_621 = arith.constant 128 : i32
        %mul3A_622 = arith.muli %min3A_577, %mul3A_621 : i32
        %add3A_623 = arith.constant 96 : i32
        %add3A_624 = arith.addi %mul3A_622, %add3A_623 : i32
        %get3A_625 = arith.index_cast %add3A_624 : i32 to index
        %get3A_626 = tpu.vector_load %arg6[%get3A_625] {strides = array<i32>} : memref<40960xf32, #tpu.memory_space<vmem>>, vector<16xf32>,
        %mul3A_627 = arith.constant 128 : i32
        %mul3A_628 = arith.muli %min3A_577, %mul3A_627 : i32
        %add3A_629 = arith.constant 112 : i32
        %add3A_630 = arith.addi %mul3A_628, %add3A_629 : i32
        %get3A_631 = arith.index_cast %add3A_630 : i32 to index
        %get3A_632 = tpu.vector_load %arg6[%get3A_631] {strides = array<i32>} : memref<40960xf32, #tpu.memory_space<vmem>>, vector<16xf32>,
        %ne3A_633 = arith.cmpi ne, %gather3A_583, %gather3A_506 : vector<16xi32>
        tpu.vector_store_idx %arg10[%sub3A_507, %add3A_6], %select_n3A_558 masked %ne3A_633 : memref<329x128xf32, #tpu.memory_space<vmem>>[vector<16xi32>, vector<16xi32>], vector<16xf32>, vector<16xi1>
        tpu.vector_store_idx %arg10[%sub3A_507, %add3A_9], %select_n3A_560 masked %ne3A_633 : memref<329x128xf32, #tpu.memory_space<vmem>>[vector<16xi32>, vector<16xi32>], vector<16xf32>, vector<16xi1>
        tpu.vector_store_idx %arg10[%sub3A_507, %add3A_12], %select_n3A_562 masked %ne3A_633 : memref<329x128xf32, #tpu.memory_space<vmem>>[vector<16xi32>, vector<16xi32>], vector<16xf32>, vector<16xi1>
        tpu.vector_store_idx %arg10[%sub3A_507, %add3A_15], %select_n3A_564 masked %ne3A_633 : memref<329x128xf32, #tpu.memory_space<vmem>>[vector<16xi32>, vector<16xi32>], vector<16xf32>, vector<16xi1>
        tpu.vector_store_idx %arg10[%sub3A_507, %add3A_18], %select_n3A_566 masked %ne3A_633 : memref<329x128xf32, #tpu.memory_space<vmem>>[vector<16xi32>, vector<16xi32>], vector<16xf32>, vector<16xi1>
        tpu.vector_store_idx %arg10[%sub3A_507, %add3A_21], %select_n3A_568 masked %ne3A_633 : memref<329x128xf32, #tpu.memory_space<vmem>>[vector<16xi32>, vector<16xi32>], vector<16xf32>, vector<16xi1>
        tpu.vector_store_idx %arg10[%sub3A_507, %add3A_24], %select_n3A_570 masked %ne3A_633 : memref<329x128xf32, #tpu.memory_space<vmem>>[vector<16xi32>, vector<16xi32>], vector<16xf32>, vector<16xi1>
        tpu.vector_store_idx %arg10[%sub3A_507, %add3A_27], %select_n3A_572 masked %ne3A_633 : memref<329x128xf32, #tpu.memory_space<vmem>>[vector<16xi32>, vector<16xi32>], vector<16xf32>, vector<16xi1>
        %max3A_634 = arith.maximumf %select_n3A_558, %get3A_590 : vector<16xf32>
        %select_n3A_635 = arith.select %ne3A_633, %get3A_590, %max3A_634 : vector<16xi1>, vector<16xf32>
        %max3A_636 = arith.maximumf %select_n3A_560, %get3A_596 : vector<16xf32>
        %select_n3A_637 = arith.select %ne3A_633, %get3A_596, %max3A_636 : vector<16xi1>, vector<16xf32>
        %max3A_638 = arith.maximumf %select_n3A_562, %get3A_602 : vector<16xf32>
        %select_n3A_639 = arith.select %ne3A_633, %get3A_602, %max3A_638 : vector<16xi1>, vector<16xf32>
        %max3A_640 = arith.maximumf %select_n3A_564, %get3A_608 : vector<16xf32>
        %select_n3A_641 = arith.select %ne3A_633, %get3A_608, %max3A_640 : vector<16xi1>, vector<16xf32>
        %max3A_642 = arith.maximumf %select_n3A_566, %get3A_614 : vector<16xf32>
        %select_n3A_643 = arith.select %ne3A_633, %get3A_614, %max3A_642 : vector<16xi1>, vector<16xf32>
        %max3A_644 = arith.maximumf %select_n3A_568, %get3A_620 : vector<16xf32>
        %select_n3A_645 = arith.select %ne3A_633, %get3A_620, %max3A_644 : vector<16xi1>, vector<16xf32>
        %max3A_646 = arith.maximumf %select_n3A_570, %get3A_626 : vector<16xf32>
        %select_n3A_647 = arith.select %ne3A_633, %get3A_626, %max3A_646 : vector<16xi1>, vector<16xf32>
        %max3A_648 = arith.maximumf %select_n3A_572, %get3A_632 : vector<16xf32>
        %select_n3A_649 = arith.select %ne3A_633, %get3A_632, %max3A_648 : vector<16xi1>, vector<16xf32>
        %add3A_650 = arith.constant 3 : i32
        %add3A_651 = arith.addi %add3A_430, %add3A_650 : i32
        %sub3A_652 = arith.constant 1 : i32
        %sub3A_653 = arith.subi %sub3A_259, %sub3A_652 : i32
        %min3A_654 = arith.minsi %add3A_651, %sub3A_653 : i32
        %get3A_655 = arith.index_cast %min3A_654 : i32 to index
        %get3A_656 = tpu.vector_load %arg8[%get3A_655] {strides = array<i32>} : memref<336xi32, #tpu.memory_space<vmem>>, vector<16xi32>,
        %broadcast_in_dim3A_657 = arith.constant 0 : i32
        %broadcast_in_dim3A_658 = vector.broadcast %broadcast_in_dim3A_657 : i32 to vector<16x1xi32>
        %gather3A_659 = vector.shape_cast %broadcast_in_dim3A_658 : vector<16x1xi32> to vector<16xi32>
        %gather3A_660 = tpu.dynamic_gather %get3A_656[%gather3A_659] in [0] : vector<16xi32>, vector<16xi32> -> vector<16xi32>
        %sub3A_661 = arith.subi %gather3A_660, %broadcast_in_dim3A_28 : vector<16xi32>
        %mul3A_662 = arith.constant 128 : i32
        %mul3A_663 = arith.muli %min3A_654, %mul3A_662 : i32
        %add3A_664 = arith.constant 0 : i32
        %add3A_665 = arith.addi %mul3A_663, %add3A_664 : i32
        %get3A_666 = arith.index_cast %add3A_665 : i32 to index
        %get3A_667 = tpu.vector_load %arg6[%get3A_666] {strides = array<i32>} : memref<40960xf32, #tpu.memory_space<vmem>>, vector<16xf32>,
        %mul3A_668 = arith.constant 128 : i32
        %mul3A_669 = arith.muli %min3A_654, %mul3A_668 : i32
        %add3A_670 = arith.constant 16 : i32
        %add3A_671 = arith.addi %mul3A_669, %add3A_670 : i32
        %get3A_672 = arith.index_cast %add3A_671 : i32 to index
        %get3A_673 = tpu.vector_load %arg6[%get3A_672] {strides = array<i32>} : memref<40960xf32, #tpu.memory_space<vmem>>, vector<16xf32>,
        %mul3A_674 = arith.constant 128 : i32
        %mul3A_675 = arith.muli %min3A_654, %mul3A_674 : i32
        %add3A_676 = arith.constant 32 : i32
        %add3A_677 = arith.addi %mul3A_675, %add3A_676 : i32
        %get3A_678 = arith.index_cast %add3A_677 : i32 to index
        %get3A_679 = tpu.vector_load %arg6[%get3A_678] {strides = array<i32>} : memref<40960xf32, #tpu.memory_space<vmem>>, vector<16xf32>,
        %mul3A_680 = arith.constant 128 : i32
        %mul3A_681 = arith.muli %min3A_654, %mul3A_680 : i32
        %add3A_682 = arith.constant 48 : i32
        %add3A_683 = arith.addi %mul3A_681, %add3A_682 : i32
        %get3A_684 = arith.index_cast %add3A_683 : i32 to index
        %get3A_685 = tpu.vector_load %arg6[%get3A_684] {strides = array<i32>} : memref<40960xf32, #tpu.memory_space<vmem>>, vector<16xf32>,
        %mul3A_686 = arith.constant 128 : i32
        %mul3A_687 = arith.muli %min3A_654, %mul3A_686 : i32
        %add3A_688 = arith.constant 64 : i32
        %add3A_689 = arith.addi %mul3A_687, %add3A_688 : i32
        %get3A_690 = arith.index_cast %add3A_689 : i32 to index
        %get3A_691 = tpu.vector_load %arg6[%get3A_690] {strides = array<i32>} : memref<40960xf32, #tpu.memory_space<vmem>>, vector<16xf32>,
        %mul3A_692 = arith.constant 128 : i32
        %mul3A_693 = arith.muli %min3A_654, %mul3A_692 : i32
        %add3A_694 = arith.constant 80 : i32
        %add3A_695 = arith.addi %mul3A_693, %add3A_694 : i32
        %get3A_696 = arith.index_cast %add3A_695 : i32 to index
        %get3A_697 = tpu.vector_load %arg6[%get3A_696] {strides = array<i32>} : memref<40960xf32, #tpu.memory_space<vmem>>, vector<16xf32>,
        %mul3A_698 = arith.constant 128 : i32
        %mul3A_699 = arith.muli %min3A_654, %mul3A_698 : i32
        %add3A_700 = arith.constant 96 : i32
        %add3A_701 = arith.addi %mul3A_699, %add3A_700 : i32
        %get3A_702 = arith.index_cast %add3A_701 : i32 to index
        %get3A_703 = tpu.vector_load %arg6[%get3A_702] {strides = array<i32>} : memref<40960xf32, #tpu.memory_space<vmem>>, vector<16xf32>,
        %mul3A_704 = arith.constant 128 : i32
        %mul3A_705 = arith.muli %min3A_654, %mul3A_704 : i32
        %add3A_706 = arith.constant 112 : i32
        %add3A_707 = arith.addi %mul3A_705, %add3A_706 : i32
        %get3A_708 = arith.index_cast %add3A_707 : i32 to index
        %get3A_709 = tpu.vector_load %arg6[%get3A_708] {strides = array<i32>} : memref<40960xf32, #tpu.memory_space<vmem>>, vector<16xf32>,
        %ne3A_710 = arith.cmpi ne, %gather3A_660, %gather3A_583 : vector<16xi32>
        tpu.vector_store_idx %arg10[%sub3A_584, %add3A_6], %select_n3A_635 masked %ne3A_710 : memref<329x128xf32, #tpu.memory_space<vmem>>[vector<16xi32>, vector<16xi32>], vector<16xf32>, vector<16xi1>
        tpu.vector_store_idx %arg10[%sub3A_584, %add3A_9], %select_n3A_637 masked %ne3A_710 : memref<329x128xf32, #tpu.memory_space<vmem>>[vector<16xi32>, vector<16xi32>], vector<16xf32>, vector<16xi1>
        tpu.vector_store_idx %arg10[%sub3A_584, %add3A_12], %select_n3A_639 masked %ne3A_710 : memref<329x128xf32, #tpu.memory_space<vmem>>[vector<16xi32>, vector<16xi32>], vector<16xf32>, vector<16xi1>
        tpu.vector_store_idx %arg10[%sub3A_584, %add3A_15], %select_n3A_641 masked %ne3A_710 : memref<329x128xf32, #tpu.memory_space<vmem>>[vector<16xi32>, vector<16xi32>], vector<16xf32>, vector<16xi1>
        tpu.vector_store_idx %arg10[%sub3A_584, %add3A_18], %select_n3A_643 masked %ne3A_710 : memref<329x128xf32, #tpu.memory_space<vmem>>[vector<16xi32>, vector<16xi32>], vector<16xf32>, vector<16xi1>
        tpu.vector_store_idx %arg10[%sub3A_584, %add3A_21], %select_n3A_645 masked %ne3A_710 : memref<329x128xf32, #tpu.memory_space<vmem>>[vector<16xi32>, vector<16xi32>], vector<16xf32>, vector<16xi1>
        tpu.vector_store_idx %arg10[%sub3A_584, %add3A_24], %select_n3A_647 masked %ne3A_710 : memref<329x128xf32, #tpu.memory_space<vmem>>[vector<16xi32>, vector<16xi32>], vector<16xf32>, vector<16xi1>
        tpu.vector_store_idx %arg10[%sub3A_584, %add3A_27], %select_n3A_649 masked %ne3A_710 : memref<329x128xf32, #tpu.memory_space<vmem>>[vector<16xi32>, vector<16xi32>], vector<16xf32>, vector<16xi1>
        %max3A_711 = arith.maximumf %select_n3A_635, %get3A_667 : vector<16xf32>
        %select_n3A_712 = arith.select %ne3A_710, %get3A_667, %max3A_711 : vector<16xi1>, vector<16xf32>
        %max3A_713 = arith.maximumf %select_n3A_637, %get3A_673 : vector<16xf32>
        %select_n3A_714 = arith.select %ne3A_710, %get3A_673, %max3A_713 : vector<16xi1>, vector<16xf32>
        %max3A_715 = arith.maximumf %select_n3A_639, %get3A_679 : vector<16xf32>
        %select_n3A_716 = arith.select %ne3A_710, %get3A_679, %max3A_715 : vector<16xi1>, vector<16xf32>
        %max3A_717 = arith.maximumf %select_n3A_641, %get3A_685 : vector<16xf32>
        %select_n3A_718 = arith.select %ne3A_710, %get3A_685, %max3A_717 : vector<16xi1>, vector<16xf32>
        %max3A_719 = arith.maximumf %select_n3A_643, %get3A_691 : vector<16xf32>
        %select_n3A_720 = arith.select %ne3A_710, %get3A_691, %max3A_719 : vector<16xi1>, vector<16xf32>
        %max3A_721 = arith.maximumf %select_n3A_645, %get3A_697 : vector<16xf32>
        %select_n3A_722 = arith.select %ne3A_710, %get3A_697, %max3A_721 : vector<16xi1>, vector<16xf32>
        %max3A_723 = arith.maximumf %select_n3A_647, %get3A_703 : vector<16xf32>
        %select_n3A_724 = arith.select %ne3A_710, %get3A_703, %max3A_723 : vector<16xi1>, vector<16xf32>
        %max3A_725 = arith.maximumf %select_n3A_649, %get3A_709 : vector<16xf32>
        %select_n3A_726 = arith.select %ne3A_710, %get3A_709, %max3A_725 : vector<16xi1>, vector<16xf32>
        %add3A_727 = arith.constant 4 : i32
        %add3A_728 = arith.addi %add3A_430, %add3A_727 : i32
        %sub3A_729 = arith.constant 1 : i32
        %sub3A_730 = arith.subi %sub3A_259, %sub3A_729 : i32
        %min3A_731 = arith.minsi %add3A_728, %sub3A_730 : i32
        %get3A_732 = arith.index_cast %min3A_731 : i32 to index
        %get3A_733 = tpu.vector_load %arg8[%get3A_732] {strides = array<i32>} : memref<336xi32, #tpu.memory_space<vmem>>, vector<16xi32>,
        %broadcast_in_dim3A_734 = arith.constant 0 : i32
        %broadcast_in_dim3A_735 = vector.broadcast %broadcast_in_dim3A_734 : i32 to vector<16x1xi32>
        %gather3A_736 = vector.shape_cast %broadcast_in_dim3A_735 : vector<16x1xi32> to vector<16xi32>
        %gather3A_737 = tpu.dynamic_gather %get3A_733[%gather3A_736] in [0] : vector<16xi32>, vector<16xi32> -> vector<16xi32>
        %sub3A_738 = arith.subi %gather3A_737, %broadcast_in_dim3A_28 : vector<16xi32>
        scf.yield %gather3A_660, %sub3A_661, %gather3A_737, %sub3A_738, %select_n3A_712, %select_n3A_714, %select_n3A_716, %select_n3A_718, %select_n3A_720, %select_n3A_722, %select_n3A_724, %select_n3A_726 : vector<16xi32>, vector<16xi32>, vector<16xi32>, vector<16xi32>, vector<16xf32>, vector<16xf32>, vector<16xf32>, vector<16xf32>, vector<16xf32>, vector<16xf32>, vector<16xf32>, vector<16xf32>
      }
      %lt3A_304 = arith.cmpi slt, %sub3A_255, %sub3A_259 : i32
      %select_n3A_305 = arith.select %lt3A_304, %while3A_303#0, %while3A_191 : vector<16xi32>
      %select_n3A_306 = arith.select %lt3A_304, %while3A_303#1, %while3A_192 : vector<16xi32>
      %add3A_307 = arith.constant 2 : i32
      %add3A_308 = arith.addi %mul3A_202, %add3A_307 : i32
      %mul3A_309 = arith.constant 320 : i32
      %mul3A_310 = arith.muli %add3A_308, %mul3A_309 : i32
      %add3A_311 = arith.addi %mul3A_59, %mul3A_310 : i32
      %min3A_312 = arith.constant 319680 : i32
      %min3A_313 = arith.minsi %add3A_311, %min3A_312 : i32
      %mul3A_314 = arith.constant 128 : i32
      %mul3A_315 = arith.muli %min3A_313, %mul3A_314 : i32
      %dma_start3A_316 = arith.constant 0 : i32
      %dma_start3A_317 = tpu.memref_slice %arg6[%dma_start3A_316] : memref<40960xf32, #tpu.memory_space<vmem>> -> memref<20480xf32, #tpu.memory_space<vmem>>
      %dma_start3A_318 = tpu.memref_slice %arg2[%mul3A_315] : memref<40960000xf32, #tpu.memory_space<hbm>> -> memref<20480xf32, #tpu.memory_space<hbm>>
      %dma_start3A_319 = arith.constant 0 : i32
      %dma_start3A_320 = tpu.memref_slice %arg6[%dma_start3A_319] : memref<40960xf32, #tpu.memory_space<vmem>> -> memref<20480xf32, #tpu.memory_space<vmem>>
      %dma_start3A_321 = tpu.memref_slice %arg2[%mul3A_315] : memref<40960000xf32, #tpu.memory_space<hbm>> -> memref<20480xf32, #tpu.memory_space<hbm>>
      tpu.enqueue_dma source(%dma_start3A_321 : memref<20480xf32, #tpu.memory_space<hbm>>) target(%dma_start3A_320 : memref<20480xf32, #tpu.memory_space<vmem>>) target_semaphore(%arg12 : memref<!tpu.dma_semaphore, #tpu.memory_space<semaphore_mem>>)
      %mul3A_322 = arith.constant 128 : i32
      %mul3A_323 = arith.muli %min3A_313, %mul3A_322 : i32
      %add3A_324 = arith.constant 20480 : i32
      %add3A_325 = arith.addi %mul3A_323, %add3A_324 : i32
      %dma_start3A_326 = arith.constant 20480 : i32
      %dma_start3A_327 = tpu.memref_slice %arg6[%dma_start3A_326] : memref<40960xf32, #tpu.memory_space<vmem>> -> memref<20480xf32, #tpu.memory_space<vmem>>
      %dma_start3A_328 = tpu.memref_slice %arg2[%add3A_325] : memref<40960000xf32, #tpu.memory_space<hbm>> -> memref<20480xf32, #tpu.memory_space<hbm>>
      %dma_start3A_329 = arith.constant 20480 : i32
      %dma_start3A_330 = tpu.memref_slice %arg6[%dma_start3A_329] : memref<40960xf32, #tpu.memory_space<vmem>> -> memref<20480xf32, #tpu.memory_space<vmem>>
      %dma_start3A_331 = tpu.memref_slice %arg2[%add3A_325] : memref<40960000xf32, #tpu.memory_space<hbm>> -> memref<20480xf32, #tpu.memory_space<hbm>>
      tpu.enqueue_dma source(%dma_start3A_331 : memref<20480xf32, #tpu.memory_space<hbm>>) target(%dma_start3A_330 : memref<20480xf32, #tpu.memory_space<vmem>>) target_semaphore(%arg12 : memref<!tpu.dma_semaphore, #tpu.memory_space<semaphore_mem>>)
      %dma_start3A_332 = arith.constant 0 : i32
      %dma_start3A_333 = tpu.memref_slice %arg8[%dma_start3A_332] : memref<336xi32, #tpu.memory_space<vmem>> -> memref<320xi32, #tpu.memory_space<vmem>>
      %dma_start3A_334 = tpu.memref_slice %arg3[%min3A_313] : memref<320000xi32, #tpu.memory_space<hbm>> -> memref<320xi32, #tpu.memory_space<hbm>>
      %dma_start3A_335 = arith.constant 0 : i32
      %dma_start3A_336 = tpu.memref_slice %arg8[%dma_start3A_335] : memref<336xi32, #tpu.memory_space<vmem>> -> memref<320xi32, #tpu.memory_space<vmem>>
      %dma_start3A_337 = tpu.memref_slice %arg3[%min3A_313] : memref<320000xi32, #tpu.memory_space<hbm>> -> memref<320xi32, #tpu.memory_space<hbm>>
      tpu.enqueue_dma source(%dma_start3A_337 : memref<320xi32, #tpu.memory_space<hbm>>) target(%dma_start3A_336 : memref<320xi32, #tpu.memory_space<vmem>>) target_semaphore(%arg14 : memref<!tpu.dma_semaphore, #tpu.memory_space<semaphore_mem>>)
      %dma_wait3A_338 = arith.constant 0 : i32
      %dma_wait3A_339 = tpu.memref_slice %arg2[%dma_wait3A_338] : memref<40960000xf32, #tpu.memory_space<hbm>> -> memref<40960xf32, #tpu.memory_space<hbm>>
      %dma_wait3A_340 = arith.constant 0 : i32
      %dma_wait3A_341 = tpu.memref_slice %arg2[%dma_wait3A_340] : memref<40960000xf32, #tpu.memory_space<hbm>> -> memref<40960xf32, #tpu.memory_space<hbm>>
      tpu.wait_dma2 semaphore(%arg13 : memref<!tpu.dma_semaphore, #tpu.memory_space<semaphore_mem>>) src(%dma_wait3A_341 : memref<40960xf32, #tpu.memory_space<hbm>>) dst(%arg7 : memref<40960xf32, #tpu.memory_space<vmem>>)
      %dma_wait3A_342 = arith.constant 0 : i32
      %dma_wait3A_343 = tpu.memref_slice %arg9[%dma_wait3A_342] : memref<336xi32, #tpu.memory_space<vmem>> -> memref<320xi32, #tpu.memory_space<vmem>>
      %dma_wait3A_344 = arith.constant 0 : i32
      %dma_wait3A_345 = tpu.memref_slice %arg3[%dma_wait3A_344] : memref<320000xi32, #tpu.memory_space<hbm>> -> memref<320xi32, #tpu.memory_space<hbm>>
      %dma_wait3A_346 = arith.constant 0 : i32
      %dma_wait3A_347 = tpu.memref_slice %arg9[%dma_wait3A_346] : memref<336xi32, #tpu.memory_space<vmem>> -> memref<320xi32, #tpu.memory_space<vmem>>
      %dma_wait3A_348 = arith.constant 0 : i32
      %dma_wait3A_349 = tpu.memref_slice %arg3[%dma_wait3A_348] : memref<320000xi32, #tpu.memory_space<hbm>> -> memref<320xi32, #tpu.memory_space<hbm>>
      tpu.wait_dma2 semaphore(%arg15 : memref<!tpu.dma_semaphore, #tpu.memory_space<semaphore_mem>>) src(%dma_wait3A_349 : memref<320xi32, #tpu.memory_space<hbm>>) dst(%dma_wait3A_347 : memref<320xi32, #tpu.memory_space<vmem>>)
      %add3A_350 = arith.constant 1 : i32
      %add3A_351 = arith.addi %mul3A_202, %add3A_350 : i32
      %mul3A_352 = arith.constant 320 : i32
      %mul3A_353 = arith.muli %add3A_351, %mul3A_352 : i32
      %add3A_354 = arith.addi %mul3A_59, %mul3A_353 : i32
      %mul3A_355 = arith.constant 320 : i32
      %mul3A_356 = arith.muli %add3A_351, %mul3A_355 : i32
      %add3A_357 = arith.addi %mul3A_59, %mul3A_356 : i32
      %min3A_358 = arith.constant 319680 : i32
      %min3A_359 = arith.minsi %add3A_357, %min3A_358 : i32
      %min3A_360 = arith.minsi %add3A_354, %squeeze3A_41 : i32
      %max3A_361 = arith.maxsi %squeeze3A, %min3A_360 : i32
      %sub3A_362 = arith.subi %max3A_361, %min3A_359 : i32
      %add3A_363 = arith.constant 320 : i32
      %add3A_364 = arith.addi %add3A_354, %add3A_363 : i32
      %min3A_365 = arith.minsi %squeeze3A_41, %add3A_364 : i32
      %sub3A_366 = arith.subi %min3A_365, %min3A_359 : i32
      %get3A_367 = arith.index_cast %sub3A_362 : i32 to index
      %get3A_368 = tpu.vector_load %arg9[%get3A_367] {strides = array<i32>} : memref<336xi32, #tpu.memory_space<vmem>>, vector<16xi32>,
      %broadcast_in_dim3A_369 = arith.constant 0 : i32
      %broadcast_in_dim3A_370 = vector.broadcast %broadcast_in_dim3A_369 : i32 to vector<16x1xi32>
      %gather3A_371 = vector.shape_cast %broadcast_in_dim3A_370 : vector<16x1xi32> to vector<16xi32>
      %gather3A_372 = tpu.dynamic_gather %get3A_368[%gather3A_371] in [0] : vector<16xi32>, vector<16xi32> -> vector<16xi32>
      %sub3A_373 = arith.subi %gather3A_372, %broadcast_in_dim3A_28 : vector<16xi32>
      %sub3A_374 = arith.subi %sub3A_366, %sub3A_362 : i32
      %add3A_375 = arith.constant 3 : i32
      %add3A_376 = arith.addi %sub3A_374, %add3A_375 : i32
      %jit3A_377 = arith.constant 4 : i32
      %div3A_378 = arith.divsi %add3A_376, %jit3A_377 : i32
      %sign3A_379 = arith.constant 0 : i32
      %sign3A_380 = arith.cmpi sgt, %add3A_376, %sign3A_379 : i32
      %sign3A_381 = arith.extui %sign3A_380 : i1 to i32
      %sign3A_382 = arith.constant 0 : i32
      %sign3A_383 = arith.cmpi slt, %add3A_376, %sign3A_382 : i32
      %sign3A_384 = arith.extui %sign3A_383 : i1 to i32
      %sign3A_385 = arith.subi %sign3A_381, %sign3A_384 : i32
      %sign3A_386 = arith.constant 0 : i32
      %sign3A_387 = arith.cmpi sgt, %jit3A_377, %sign3A_386 : i32
      %sign3A_388 = arith.extui %sign3A_387 : i1 to i32
      %sign3A_389 = arith.constant 0 : i32
      %sign3A_390 = arith.cmpi slt, %jit3A_377, %sign3A_389 : i32
      %sign3A_391 = arith.extui %sign3A_390 : i1 to i32
      %sign3A_392 = arith.subi %sign3A_388, %sign3A_391 : i32
      %ne3A_393 = arith.cmpi ne, %sign3A_385, %sign3A_392 : i32
      %rem3A_394 = arith.remsi %add3A_376, %jit3A_377 : i32
      %ne3A_395 = arith.constant 0 : i32
      %ne3A_396 = arith.cmpi ne, %rem3A_394, %ne3A_395 : i32
      %and3A_397 = arith.andi %ne3A_393, %ne3A_396 : i1
      %sub3A_398 = arith.constant 1 : i32
      %sub3A_399 = arith.subi %div3A_378, %sub3A_398 : i32
      %select_n3A_400 = arith.select %and3A_397, %sub3A_399, %div3A_378 : i32
      %while3A_401 = arith.constant 0 : i32
      %while3A_402 = arith.subi %select_n3A_400, %while3A_401 : i32
      %while3A_403 = arith.addi %while3A_401, %while3A_402 : i32
      %while3A_404 = arith.constant 1 : i32
      %while3A_405 = arith.divsi %while3A_402, %while3A_404 : i32
      %while3A_406 = arith.muli %while3A_405, %while3A_404 : i32
      %while3A_407 = arith.addi %while3A_401, %while3A_406 : i32
      %while3A_408 = arith.constant 1 : i32
      %while3A_409:12 = scf.for %while3A_415 = %while3A_401 to %while3A_407 step %while3A_408 iter_args(%while3A_416 = %select_n3A_305, %while3A_417 = %select_n3A_306, %while3A_418 = %gather3A_372, %while3A_419 = %sub3A_373, %while3A_420 = %while3A_303#4, %while3A_421 = %while3A_303#5, %while3A_422 = %while3A_303#6, %while3A_423 = %while3A_303#7, %while3A_424 = %while3A_303#8, %while3A_425 = %while3A_303#9, %while3A_426 = %while3A_303#10, %while3A_427 = %while3A_303#11) -> (vector<16xi32>, vector<16xi32>, vector<16xi32>, vector<16xi32>, vector<16xf32>, vector<16xf32>, vector<16xf32>, vector<16xf32>, vector<16xf32>, vector<16xf32>, vector<16xf32>, vector<16xf32>)  : i32 {
        %mul3A_428 = arith.constant 4 : i32
        %mul3A_429 = arith.muli %mul3A_428, %while3A_415 : i32
        %add3A_430 = arith.addi %sub3A_362, %mul3A_429 : i32
        %mul3A_431 = arith.constant 128 : i32
        %mul3A_432 = arith.muli %add3A_430, %mul3A_431 : i32
        %add3A_433 = arith.constant 0 : i32
        %add3A_434 = arith.addi %mul3A_432, %add3A_433 : i32
        %get3A_435 = arith.index_cast %add3A_434 : i32 to index
        %get3A_436 = tpu.vector_load %arg7[%get3A_435] {strides = array<i32>} : memref<40960xf32, #tpu.memory_space<vmem>>, vector<16xf32>,
        %mul3A_437 = arith.constant 128 : i32
        %mul3A_438 = arith.muli %add3A_430, %mul3A_437 : i32
        %add3A_439 = arith.constant 16 : i32
        %add3A_440 = arith.addi %mul3A_438, %add3A_439 : i32
        %get3A_441 = arith.index_cast %add3A_440 : i32 to index
        %get3A_442 = tpu.vector_load %arg7[%get3A_441] {strides = array<i32>} : memref<40960xf32, #tpu.memory_space<vmem>>, vector<16xf32>,
        %mul3A_443 = arith.constant 128 : i32
        %mul3A_444 = arith.muli %add3A_430, %mul3A_443 : i32
        %add3A_445 = arith.constant 32 : i32
        %add3A_446 = arith.addi %mul3A_444, %add3A_445 : i32
        %get3A_447 = arith.index_cast %add3A_446 : i32 to index
        %get3A_448 = tpu.vector_load %arg7[%get3A_447] {strides = array<i32>} : memref<40960xf32, #tpu.memory_space<vmem>>, vector<16xf32>,
        %mul3A_449 = arith.constant 128 : i32
        %mul3A_450 = arith.muli %add3A_430, %mul3A_449 : i32
        %add3A_451 = arith.constant 48 : i32
        %add3A_452 = arith.addi %mul3A_450, %add3A_451 : i32
        %get3A_453 = arith.index_cast %add3A_452 : i32 to index
        %get3A_454 = tpu.vector_load %arg7[%get3A_453] {strides = array<i32>} : memref<40960xf32, #tpu.memory_space<vmem>>, vector<16xf32>,
        %mul3A_455 = arith.constant 128 : i32
        %mul3A_456 = arith.muli %add3A_430, %mul3A_455 : i32
        %add3A_457 = arith.constant 64 : i32
        %add3A_458 = arith.addi %mul3A_456, %add3A_457 : i32
        %get3A_459 = arith.index_cast %add3A_458 : i32 to index
        %get3A_460 = tpu.vector_load %arg7[%get3A_459] {strides = array<i32>} : memref<40960xf32, #tpu.memory_space<vmem>>, vector<16xf32>,
        %mul3A_461 = arith.constant 128 : i32
        %mul3A_462 = arith.muli %add3A_430, %mul3A_461 : i32
        %add3A_463 = arith.constant 80 : i32
        %add3A_464 = arith.addi %mul3A_462, %add3A_463 : i32
        %get3A_465 = arith.index_cast %add3A_464 : i32 to index
        %get3A_466 = tpu.vector_load %arg7[%get3A_465] {strides = array<i32>} : memref<40960xf32, #tpu.memory_space<vmem>>, vector<16xf32>,
        %mul3A_467 = arith.constant 128 : i32
        %mul3A_468 = arith.muli %add3A_430, %mul3A_467 : i32
        %add3A_469 = arith.constant 96 : i32
        %add3A_470 = arith.addi %mul3A_468, %add3A_469 : i32
        %get3A_471 = arith.index_cast %add3A_470 : i32 to index
        %get3A_472 = tpu.vector_load %arg7[%get3A_471] {strides = array<i32>} : memref<40960xf32, #tpu.memory_space<vmem>>, vector<16xf32>,
        %mul3A_473 = arith.constant 128 : i32
        %mul3A_474 = arith.muli %add3A_430, %mul3A_473 : i32
        %add3A_475 = arith.constant 112 : i32
        %add3A_476 = arith.addi %mul3A_474, %add3A_475 : i32
        %get3A_477 = arith.index_cast %add3A_476 : i32 to index
        %get3A_478 = tpu.vector_load %arg7[%get3A_477] {strides = array<i32>} : memref<40960xf32, #tpu.memory_space<vmem>>, vector<16xf32>,
        %ne3A_479 = arith.cmpi ne, %while3A_418, %while3A_416 : vector<16xi32>
        tpu.vector_store_idx %arg10[%while3A_417, %add3A_6], %while3A_420 masked %ne3A_479 : memref<329x128xf32, #tpu.memory_space<vmem>>[vector<16xi32>, vector<16xi32>], vector<16xf32>, vector<16xi1>
        tpu.vector_store_idx %arg10[%while3A_417, %add3A_9], %while3A_421 masked %ne3A_479 : memref<329x128xf32, #tpu.memory_space<vmem>>[vector<16xi32>, vector<16xi32>], vector<16xf32>, vector<16xi1>
        tpu.vector_store_idx %arg10[%while3A_417, %add3A_12], %while3A_422 masked %ne3A_479 : memref<329x128xf32, #tpu.memory_space<vmem>>[vector<16xi32>, vector<16xi32>], vector<16xf32>, vector<16xi1>
        tpu.vector_store_idx %arg10[%while3A_417, %add3A_15], %while3A_423 masked %ne3A_479 : memref<329x128xf32, #tpu.memory_space<vmem>>[vector<16xi32>, vector<16xi32>], vector<16xf32>, vector<16xi1>
        tpu.vector_store_idx %arg10[%while3A_417, %add3A_18], %while3A_424 masked %ne3A_479 : memref<329x128xf32, #tpu.memory_space<vmem>>[vector<16xi32>, vector<16xi32>], vector<16xf32>, vector<16xi1>
        tpu.vector_store_idx %arg10[%while3A_417, %add3A_21], %while3A_425 masked %ne3A_479 : memref<329x128xf32, #tpu.memory_space<vmem>>[vector<16xi32>, vector<16xi32>], vector<16xf32>, vector<16xi1>
        tpu.vector_store_idx %arg10[%while3A_417, %add3A_24], %while3A_426 masked %ne3A_479 : memref<329x128xf32, #tpu.memory_space<vmem>>[vector<16xi32>, vector<16xi32>], vector<16xf32>, vector<16xi1>
        tpu.vector_store_idx %arg10[%while3A_417, %add3A_27], %while3A_427 masked %ne3A_479 : memref<329x128xf32, #tpu.memory_space<vmem>>[vector<16xi32>, vector<16xi32>], vector<16xf32>, vector<16xi1>
        %max3A_480 = arith.maximumf %while3A_420, %get3A_436 : vector<16xf32>
        %select_n3A_481 = arith.select %ne3A_479, %get3A_436, %max3A_480 : vector<16xi1>, vector<16xf32>
        %max3A_482 = arith.maximumf %while3A_421, %get3A_442 : vector<16xf32>
        %select_n3A_483 = arith.select %ne3A_479, %get3A_442, %max3A_482 : vector<16xi1>, vector<16xf32>
        %max3A_484 = arith.maximumf %while3A_422, %get3A_448 : vector<16xf32>
        %select_n3A_485 = arith.select %ne3A_479, %get3A_448, %max3A_484 : vector<16xi1>, vector<16xf32>
        %max3A_486 = arith.maximumf %while3A_423, %get3A_454 : vector<16xf32>
        %select_n3A_487 = arith.select %ne3A_479, %get3A_454, %max3A_486 : vector<16xi1>, vector<16xf32>
        %max3A_488 = arith.maximumf %while3A_424, %get3A_460 : vector<16xf32>
        %select_n3A_489 = arith.select %ne3A_479, %get3A_460, %max3A_488 : vector<16xi1>, vector<16xf32>
        %max3A_490 = arith.maximumf %while3A_425, %get3A_466 : vector<16xf32>
        %select_n3A_491 = arith.select %ne3A_479, %get3A_466, %max3A_490 : vector<16xi1>, vector<16xf32>
        %max3A_492 = arith.maximumf %while3A_426, %get3A_472 : vector<16xf32>
        %select_n3A_493 = arith.select %ne3A_479, %get3A_472, %max3A_492 : vector<16xi1>, vector<16xf32>
        %max3A_494 = arith.maximumf %while3A_427, %get3A_478 : vector<16xf32>
        %select_n3A_495 = arith.select %ne3A_479, %get3A_478, %max3A_494 : vector<16xi1>, vector<16xf32>
        %add3A_496 = arith.constant 1 : i32
        %add3A_497 = arith.addi %add3A_430, %add3A_496 : i32
        %sub3A_498 = arith.constant 1 : i32
        %sub3A_499 = arith.subi %sub3A_366, %sub3A_498 : i32
        %min3A_500 = arith.minsi %add3A_497, %sub3A_499 : i32
        %get3A_501 = arith.index_cast %min3A_500 : i32 to index
        %get3A_502 = tpu.vector_load %arg9[%get3A_501] {strides = array<i32>} : memref<336xi32, #tpu.memory_space<vmem>>, vector<16xi32>,
        %broadcast_in_dim3A_503 = arith.constant 0 : i32
        %broadcast_in_dim3A_504 = vector.broadcast %broadcast_in_dim3A_503 : i32 to vector<16x1xi32>
        %gather3A_505 = vector.shape_cast %broadcast_in_dim3A_504 : vector<16x1xi32> to vector<16xi32>
        %gather3A_506 = tpu.dynamic_gather %get3A_502[%gather3A_505] in [0] : vector<16xi32>, vector<16xi32> -> vector<16xi32>
        %sub3A_507 = arith.subi %gather3A_506, %broadcast_in_dim3A_28 : vector<16xi32>
        %mul3A_508 = arith.constant 128 : i32
        %mul3A_509 = arith.muli %min3A_500, %mul3A_508 : i32
        %add3A_510 = arith.constant 0 : i32
        %add3A_511 = arith.addi %mul3A_509, %add3A_510 : i32
        %get3A_512 = arith.index_cast %add3A_511 : i32 to index
        %get3A_513 = tpu.vector_load %arg7[%get3A_512] {strides = array<i32>} : memref<40960xf32, #tpu.memory_space<vmem>>, vector<16xf32>,
        %mul3A_514 = arith.constant 128 : i32
        %mul3A_515 = arith.muli %min3A_500, %mul3A_514 : i32
        %add3A_516 = arith.constant 16 : i32
        %add3A_517 = arith.addi %mul3A_515, %add3A_516 : i32
        %get3A_518 = arith.index_cast %add3A_517 : i32 to index
        %get3A_519 = tpu.vector_load %arg7[%get3A_518] {strides = array<i32>} : memref<40960xf32, #tpu.memory_space<vmem>>, vector<16xf32>,
        %mul3A_520 = arith.constant 128 : i32
        %mul3A_521 = arith.muli %min3A_500, %mul3A_520 : i32
        %add3A_522 = arith.constant 32 : i32
        %add3A_523 = arith.addi %mul3A_521, %add3A_522 : i32
        %get3A_524 = arith.index_cast %add3A_523 : i32 to index
        %get3A_525 = tpu.vector_load %arg7[%get3A_524] {strides = array<i32>} : memref<40960xf32, #tpu.memory_space<vmem>>, vector<16xf32>,
        %mul3A_526 = arith.constant 128 : i32
        %mul3A_527 = arith.muli %min3A_500, %mul3A_526 : i32
        %add3A_528 = arith.constant 48 : i32
        %add3A_529 = arith.addi %mul3A_527, %add3A_528 : i32
        %get3A_530 = arith.index_cast %add3A_529 : i32 to index
        %get3A_531 = tpu.vector_load %arg7[%get3A_530] {strides = array<i32>} : memref<40960xf32, #tpu.memory_space<vmem>>, vector<16xf32>,
        %mul3A_532 = arith.constant 128 : i32
        %mul3A_533 = arith.muli %min3A_500, %mul3A_532 : i32
        %add3A_534 = arith.constant 64 : i32
        %add3A_535 = arith.addi %mul3A_533, %add3A_534 : i32
        %get3A_536 = arith.index_cast %add3A_535 : i32 to index
        %get3A_537 = tpu.vector_load %arg7[%get3A_536] {strides = array<i32>} : memref<40960xf32, #tpu.memory_space<vmem>>, vector<16xf32>,
        %mul3A_538 = arith.constant 128 : i32
        %mul3A_539 = arith.muli %min3A_500, %mul3A_538 : i32
        %add3A_540 = arith.constant 80 : i32
        %add3A_541 = arith.addi %mul3A_539, %add3A_540 : i32
        %get3A_542 = arith.index_cast %add3A_541 : i32 to index
        %get3A_543 = tpu.vector_load %arg7[%get3A_542] {strides = array<i32>} : memref<40960xf32, #tpu.memory_space<vmem>>, vector<16xf32>,
        %mul3A_544 = arith.constant 128 : i32
        %mul3A_545 = arith.muli %min3A_500, %mul3A_544 : i32
        %add3A_546 = arith.constant 96 : i32
        %add3A_547 = arith.addi %mul3A_545, %add3A_546 : i32
        %get3A_548 = arith.index_cast %add3A_547 : i32 to index
        %get3A_549 = tpu.vector_load %arg7[%get3A_548] {strides = array<i32>} : memref<40960xf32, #tpu.memory_space<vmem>>, vector<16xf32>,
        %mul3A_550 = arith.constant 128 : i32
        %mul3A_551 = arith.muli %min3A_500, %mul3A_550 : i32
        %add3A_552 = arith.constant 112 : i32
        %add3A_553 = arith.addi %mul3A_551, %add3A_552 : i32
        %get3A_554 = arith.index_cast %add3A_553 : i32 to index
        %get3A_555 = tpu.vector_load %arg7[%get3A_554] {strides = array<i32>} : memref<40960xf32, #tpu.memory_space<vmem>>, vector<16xf32>,
        %ne3A_556 = arith.cmpi ne, %gather3A_506, %while3A_418 : vector<16xi32>
        tpu.vector_store_idx %arg10[%while3A_419, %add3A_6], %select_n3A_481 masked %ne3A_556 : memref<329x128xf32, #tpu.memory_space<vmem>>[vector<16xi32>, vector<16xi32>], vector<16xf32>, vector<16xi1>
        tpu.vector_store_idx %arg10[%while3A_419, %add3A_9], %select_n3A_483 masked %ne3A_556 : memref<329x128xf32, #tpu.memory_space<vmem>>[vector<16xi32>, vector<16xi32>], vector<16xf32>, vector<16xi1>
        tpu.vector_store_idx %arg10[%while3A_419, %add3A_12], %select_n3A_485 masked %ne3A_556 : memref<329x128xf32, #tpu.memory_space<vmem>>[vector<16xi32>, vector<16xi32>], vector<16xf32>, vector<16xi1>
        tpu.vector_store_idx %arg10[%while3A_419, %add3A_15], %select_n3A_487 masked %ne3A_556 : memref<329x128xf32, #tpu.memory_space<vmem>>[vector<16xi32>, vector<16xi32>], vector<16xf32>, vector<16xi1>
        tpu.vector_store_idx %arg10[%while3A_419, %add3A_18], %select_n3A_489 masked %ne3A_556 : memref<329x128xf32, #tpu.memory_space<vmem>>[vector<16xi32>, vector<16xi32>], vector<16xf32>, vector<16xi1>
        tpu.vector_store_idx %arg10[%while3A_419, %add3A_21], %select_n3A_491 masked %ne3A_556 : memref<329x128xf32, #tpu.memory_space<vmem>>[vector<16xi32>, vector<16xi32>], vector<16xf32>, vector<16xi1>
        tpu.vector_store_idx %arg10[%while3A_419, %add3A_24], %select_n3A_493 masked %ne3A_556 : memref<329x128xf32, #tpu.memory_space<vmem>>[vector<16xi32>, vector<16xi32>], vector<16xf32>, vector<16xi1>
        tpu.vector_store_idx %arg10[%while3A_419, %add3A_27], %select_n3A_495 masked %ne3A_556 : memref<329x128xf32, #tpu.memory_space<vmem>>[vector<16xi32>, vector<16xi32>], vector<16xf32>, vector<16xi1>
        %max3A_557 = arith.maximumf %select_n3A_481, %get3A_513 : vector<16xf32>
        %select_n3A_558 = arith.select %ne3A_556, %get3A_513, %max3A_557 : vector<16xi1>, vector<16xf32>
        %max3A_559 = arith.maximumf %select_n3A_483, %get3A_519 : vector<16xf32>
        %select_n3A_560 = arith.select %ne3A_556, %get3A_519, %max3A_559 : vector<16xi1>, vector<16xf32>
        %max3A_561 = arith.maximumf %select_n3A_485, %get3A_525 : vector<16xf32>
        %select_n3A_562 = arith.select %ne3A_556, %get3A_525, %max3A_561 : vector<16xi1>, vector<16xf32>
        %max3A_563 = arith.maximumf %select_n3A_487, %get3A_531 : vector<16xf32>
        %select_n3A_564 = arith.select %ne3A_556, %get3A_531, %max3A_563 : vector<16xi1>, vector<16xf32>
        %max3A_565 = arith.maximumf %select_n3A_489, %get3A_537 : vector<16xf32>
        %select_n3A_566 = arith.select %ne3A_556, %get3A_537, %max3A_565 : vector<16xi1>, vector<16xf32>
        %max3A_567 = arith.maximumf %select_n3A_491, %get3A_543 : vector<16xf32>
        %select_n3A_568 = arith.select %ne3A_556, %get3A_543, %max3A_567 : vector<16xi1>, vector<16xf32>
        %max3A_569 = arith.maximumf %select_n3A_493, %get3A_549 : vector<16xf32>
        %select_n3A_570 = arith.select %ne3A_556, %get3A_549, %max3A_569 : vector<16xi1>, vector<16xf32>
        %max3A_571 = arith.maximumf %select_n3A_495, %get3A_555 : vector<16xf32>
        %select_n3A_572 = arith.select %ne3A_556, %get3A_555, %max3A_571 : vector<16xi1>, vector<16xf32>
        %add3A_573 = arith.constant 2 : i32
        %add3A_574 = arith.addi %add3A_430, %add3A_573 : i32
        %sub3A_575 = arith.constant 1 : i32
        %sub3A_576 = arith.subi %sub3A_366, %sub3A_575 : i32
        %min3A_577 = arith.minsi %add3A_574, %sub3A_576 : i32
        %get3A_578 = arith.index_cast %min3A_577 : i32 to index
        %get3A_579 = tpu.vector_load %arg9[%get3A_578] {strides = array<i32>} : memref<336xi32, #tpu.memory_space<vmem>>, vector<16xi32>,
        %broadcast_in_dim3A_580 = arith.constant 0 : i32
        %broadcast_in_dim3A_581 = vector.broadcast %broadcast_in_dim3A_580 : i32 to vector<16x1xi32>
        %gather3A_582 = vector.shape_cast %broadcast_in_dim3A_581 : vector<16x1xi32> to vector<16xi32>
        %gather3A_583 = tpu.dynamic_gather %get3A_579[%gather3A_582] in [0] : vector<16xi32>, vector<16xi32> -> vector<16xi32>
        %sub3A_584 = arith.subi %gather3A_583, %broadcast_in_dim3A_28 : vector<16xi32>
        %mul3A_585 = arith.constant 128 : i32
        %mul3A_586 = arith.muli %min3A_577, %mul3A_585 : i32
        %add3A_587 = arith.constant 0 : i32
        %add3A_588 = arith.addi %mul3A_586, %add3A_587 : i32
        %get3A_589 = arith.index_cast %add3A_588 : i32 to index
        %get3A_590 = tpu.vector_load %arg7[%get3A_589] {strides = array<i32>} : memref<40960xf32, #tpu.memory_space<vmem>>, vector<16xf32>,
        %mul3A_591 = arith.constant 128 : i32
        %mul3A_592 = arith.muli %min3A_577, %mul3A_591 : i32
        %add3A_593 = arith.constant 16 : i32
        %add3A_594 = arith.addi %mul3A_592, %add3A_593 : i32
        %get3A_595 = arith.index_cast %add3A_594 : i32 to index
        %get3A_596 = tpu.vector_load %arg7[%get3A_595] {strides = array<i32>} : memref<40960xf32, #tpu.memory_space<vmem>>, vector<16xf32>,
        %mul3A_597 = arith.constant 128 : i32
        %mul3A_598 = arith.muli %min3A_577, %mul3A_597 : i32
        %add3A_599 = arith.constant 32 : i32
        %add3A_600 = arith.addi %mul3A_598, %add3A_599 : i32
        %get3A_601 = arith.index_cast %add3A_600 : i32 to index
        %get3A_602 = tpu.vector_load %arg7[%get3A_601] {strides = array<i32>} : memref<40960xf32, #tpu.memory_space<vmem>>, vector<16xf32>,
        %mul3A_603 = arith.constant 128 : i32
        %mul3A_604 = arith.muli %min3A_577, %mul3A_603 : i32
        %add3A_605 = arith.constant 48 : i32
        %add3A_606 = arith.addi %mul3A_604, %add3A_605 : i32
        %get3A_607 = arith.index_cast %add3A_606 : i32 to index
        %get3A_608 = tpu.vector_load %arg7[%get3A_607] {strides = array<i32>} : memref<40960xf32, #tpu.memory_space<vmem>>, vector<16xf32>,
        %mul3A_609 = arith.constant 128 : i32
        %mul3A_610 = arith.muli %min3A_577, %mul3A_609 : i32
        %add3A_611 = arith.constant 64 : i32
        %add3A_612 = arith.addi %mul3A_610, %add3A_611 : i32
        %get3A_613 = arith.index_cast %add3A_612 : i32 to index
        %get3A_614 = tpu.vector_load %arg7[%get3A_613] {strides = array<i32>} : memref<40960xf32, #tpu.memory_space<vmem>>, vector<16xf32>,
        %mul3A_615 = arith.constant 128 : i32
        %mul3A_616 = arith.muli %min3A_577, %mul3A_615 : i32
        %add3A_617 = arith.constant 80 : i32
        %add3A_618 = arith.addi %mul3A_616, %add3A_617 : i32
        %get3A_619 = arith.index_cast %add3A_618 : i32 to index
        %get3A_620 = tpu.vector_load %arg7[%get3A_619] {strides = array<i32>} : memref<40960xf32, #tpu.memory_space<vmem>>, vector<16xf32>,
        %mul3A_621 = arith.constant 128 : i32
        %mul3A_622 = arith.muli %min3A_577, %mul3A_621 : i32
        %add3A_623 = arith.constant 96 : i32
        %add3A_624 = arith.addi %mul3A_622, %add3A_623 : i32
        %get3A_625 = arith.index_cast %add3A_624 : i32 to index
        %get3A_626 = tpu.vector_load %arg7[%get3A_625] {strides = array<i32>} : memref<40960xf32, #tpu.memory_space<vmem>>, vector<16xf32>,
        %mul3A_627 = arith.constant 128 : i32
        %mul3A_628 = arith.muli %min3A_577, %mul3A_627 : i32
        %add3A_629 = arith.constant 112 : i32
        %add3A_630 = arith.addi %mul3A_628, %add3A_629 : i32
        %get3A_631 = arith.index_cast %add3A_630 : i32 to index
        %get3A_632 = tpu.vector_load %arg7[%get3A_631] {strides = array<i32>} : memref<40960xf32, #tpu.memory_space<vmem>>, vector<16xf32>,
        %ne3A_633 = arith.cmpi ne, %gather3A_583, %gather3A_506 : vector<16xi32>
        tpu.vector_store_idx %arg10[%sub3A_507, %add3A_6], %select_n3A_558 masked %ne3A_633 : memref<329x128xf32, #tpu.memory_space<vmem>>[vector<16xi32>, vector<16xi32>], vector<16xf32>, vector<16xi1>
        tpu.vector_store_idx %arg10[%sub3A_507, %add3A_9], %select_n3A_560 masked %ne3A_633 : memref<329x128xf32, #tpu.memory_space<vmem>>[vector<16xi32>, vector<16xi32>], vector<16xf32>, vector<16xi1>
        tpu.vector_store_idx %arg10[%sub3A_507, %add3A_12], %select_n3A_562 masked %ne3A_633 : memref<329x128xf32, #tpu.memory_space<vmem>>[vector<16xi32>, vector<16xi32>], vector<16xf32>, vector<16xi1>
        tpu.vector_store_idx %arg10[%sub3A_507, %add3A_15], %select_n3A_564 masked %ne3A_633 : memref<329x128xf32, #tpu.memory_space<vmem>>[vector<16xi32>, vector<16xi32>], vector<16xf32>, vector<16xi1>
        tpu.vector_store_idx %arg10[%sub3A_507, %add3A_18], %select_n3A_566 masked %ne3A_633 : memref<329x128xf32, #tpu.memory_space<vmem>>[vector<16xi32>, vector<16xi32>], vector<16xf32>, vector<16xi1>
        tpu.vector_store_idx %arg10[%sub3A_507, %add3A_21], %select_n3A_568 masked %ne3A_633 : memref<329x128xf32, #tpu.memory_space<vmem>>[vector<16xi32>, vector<16xi32>], vector<16xf32>, vector<16xi1>
        tpu.vector_store_idx %arg10[%sub3A_507, %add3A_24], %select_n3A_570 masked %ne3A_633 : memref<329x128xf32, #tpu.memory_space<vmem>>[vector<16xi32>, vector<16xi32>], vector<16xf32>, vector<16xi1>
        tpu.vector_store_idx %arg10[%sub3A_507, %add3A_27], %select_n3A_572 masked %ne3A_633 : memref<329x128xf32, #tpu.memory_space<vmem>>[vector<16xi32>, vector<16xi32>], vector<16xf32>, vector<16xi1>
        %max3A_634 = arith.maximumf %select_n3A_558, %get3A_590 : vector<16xf32>
        %select_n3A_635 = arith.select %ne3A_633, %get3A_590, %max3A_634 : vector<16xi1>, vector<16xf32>
        %max3A_636 = arith.maximumf %select_n3A_560, %get3A_596 : vector<16xf32>
        %select_n3A_637 = arith.select %ne3A_633, %get3A_596, %max3A_636 : vector<16xi1>, vector<16xf32>
        %max3A_638 = arith.maximumf %select_n3A_562, %get3A_602 : vector<16xf32>
        %select_n3A_639 = arith.select %ne3A_633, %get3A_602, %max3A_638 : vector<16xi1>, vector<16xf32>
        %max3A_640 = arith.maximumf %select_n3A_564, %get3A_608 : vector<16xf32>
        %select_n3A_641 = arith.select %ne3A_633, %get3A_608, %max3A_640 : vector<16xi1>, vector<16xf32>
        %max3A_642 = arith.maximumf %select_n3A_566, %get3A_614 : vector<16xf32>
        %select_n3A_643 = arith.select %ne3A_633, %get3A_614, %max3A_642 : vector<16xi1>, vector<16xf32>
        %max3A_644 = arith.maximumf %select_n3A_568, %get3A_620 : vector<16xf32>
        %select_n3A_645 = arith.select %ne3A_633, %get3A_620, %max3A_644 : vector<16xi1>, vector<16xf32>
        %max3A_646 = arith.maximumf %select_n3A_570, %get3A_626 : vector<16xf32>
        %select_n3A_647 = arith.select %ne3A_633, %get3A_626, %max3A_646 : vector<16xi1>, vector<16xf32>
        %max3A_648 = arith.maximumf %select_n3A_572, %get3A_632 : vector<16xf32>
        %select_n3A_649 = arith.select %ne3A_633, %get3A_632, %max3A_648 : vector<16xi1>, vector<16xf32>
        %add3A_650 = arith.constant 3 : i32
        %add3A_651 = arith.addi %add3A_430, %add3A_650 : i32
        %sub3A_652 = arith.constant 1 : i32
        %sub3A_653 = arith.subi %sub3A_366, %sub3A_652 : i32
        %min3A_654 = arith.minsi %add3A_651, %sub3A_653 : i32
        %get3A_655 = arith.index_cast %min3A_654 : i32 to index
        %get3A_656 = tpu.vector_load %arg9[%get3A_655] {strides = array<i32>} : memref<336xi32, #tpu.memory_space<vmem>>, vector<16xi32>,
        %broadcast_in_dim3A_657 = arith.constant 0 : i32
        %broadcast_in_dim3A_658 = vector.broadcast %broadcast_in_dim3A_657 : i32 to vector<16x1xi32>
        %gather3A_659 = vector.shape_cast %broadcast_in_dim3A_658 : vector<16x1xi32> to vector<16xi32>
        %gather3A_660 = tpu.dynamic_gather %get3A_656[%gather3A_659] in [0] : vector<16xi32>, vector<16xi32> -> vector<16xi32>
        %sub3A_661 = arith.subi %gather3A_660, %broadcast_in_dim3A_28 : vector<16xi32>
        %mul3A_662 = arith.constant 128 : i32
        %mul3A_663 = arith.muli %min3A_654, %mul3A_662 : i32
        %add3A_664 = arith.constant 0 : i32
        %add3A_665 = arith.addi %mul3A_663, %add3A_664 : i32
        %get3A_666 = arith.index_cast %add3A_665 : i32 to index
        %get3A_667 = tpu.vector_load %arg7[%get3A_666] {strides = array<i32>} : memref<40960xf32, #tpu.memory_space<vmem>>, vector<16xf32>,
        %mul3A_668 = arith.constant 128 : i32
        %mul3A_669 = arith.muli %min3A_654, %mul3A_668 : i32
        %add3A_670 = arith.constant 16 : i32
        %add3A_671 = arith.addi %mul3A_669, %add3A_670 : i32
        %get3A_672 = arith.index_cast %add3A_671 : i32 to index
        %get3A_673 = tpu.vector_load %arg7[%get3A_672] {strides = array<i32>} : memref<40960xf32, #tpu.memory_space<vmem>>, vector<16xf32>,
        %mul3A_674 = arith.constant 128 : i32
        %mul3A_675 = arith.muli %min3A_654, %mul3A_674 : i32
        %add3A_676 = arith.constant 32 : i32
        %add3A_677 = arith.addi %mul3A_675, %add3A_676 : i32
        %get3A_678 = arith.index_cast %add3A_677 : i32 to index
        %get3A_679 = tpu.vector_load %arg7[%get3A_678] {strides = array<i32>} : memref<40960xf32, #tpu.memory_space<vmem>>, vector<16xf32>,
        %mul3A_680 = arith.constant 128 : i32
        %mul3A_681 = arith.muli %min3A_654, %mul3A_680 : i32
        %add3A_682 = arith.constant 48 : i32
        %add3A_683 = arith.addi %mul3A_681, %add3A_682 : i32
        %get3A_684 = arith.index_cast %add3A_683 : i32 to index
        %get3A_685 = tpu.vector_load %arg7[%get3A_684] {strides = array<i32>} : memref<40960xf32, #tpu.memory_space<vmem>>, vector<16xf32>,
        %mul3A_686 = arith.constant 128 : i32
        %mul3A_687 = arith.muli %min3A_654, %mul3A_686 : i32
        %add3A_688 = arith.constant 64 : i32
        %add3A_689 = arith.addi %mul3A_687, %add3A_688 : i32
        %get3A_690 = arith.index_cast %add3A_689 : i32 to index
        %get3A_691 = tpu.vector_load %arg7[%get3A_690] {strides = array<i32>} : memref<40960xf32, #tpu.memory_space<vmem>>, vector<16xf32>,
        %mul3A_692 = arith.constant 128 : i32
        %mul3A_693 = arith.muli %min3A_654, %mul3A_692 : i32
        %add3A_694 = arith.constant 80 : i32
        %add3A_695 = arith.addi %mul3A_693, %add3A_694 : i32
        %get3A_696 = arith.index_cast %add3A_695 : i32 to index
        %get3A_697 = tpu.vector_load %arg7[%get3A_696] {strides = array<i32>} : memref<40960xf32, #tpu.memory_space<vmem>>, vector<16xf32>,
        %mul3A_698 = arith.constant 128 : i32
        %mul3A_699 = arith.muli %min3A_654, %mul3A_698 : i32
        %add3A_700 = arith.constant 96 : i32
        %add3A_701 = arith.addi %mul3A_699, %add3A_700 : i32
        %get3A_702 = arith.index_cast %add3A_701 : i32 to index
        %get3A_703 = tpu.vector_load %arg7[%get3A_702] {strides = array<i32>} : memref<40960xf32, #tpu.memory_space<vmem>>, vector<16xf32>,
        %mul3A_704 = arith.constant 128 : i32
        %mul3A_705 = arith.muli %min3A_654, %mul3A_704 : i32
        %add3A_706 = arith.constant 112 : i32
        %add3A_707 = arith.addi %mul3A_705, %add3A_706 : i32
        %get3A_708 = arith.index_cast %add3A_707 : i32 to index
        %get3A_709 = tpu.vector_load %arg7[%get3A_708] {strides = array<i32>} : memref<40960xf32, #tpu.memory_space<vmem>>, vector<16xf32>,
        %ne3A_710 = arith.cmpi ne, %gather3A_660, %gather3A_583 : vector<16xi32>
        tpu.vector_store_idx %arg10[%sub3A_584, %add3A_6], %select_n3A_635 masked %ne3A_710 : memref<329x128xf32, #tpu.memory_space<vmem>>[vector<16xi32>, vector<16xi32>], vector<16xf32>, vector<16xi1>
        tpu.vector_store_idx %arg10[%sub3A_584, %add3A_9], %select_n3A_637 masked %ne3A_710 : memref<329x128xf32, #tpu.memory_space<vmem>>[vector<16xi32>, vector<16xi32>], vector<16xf32>, vector<16xi1>
        tpu.vector_store_idx %arg10[%sub3A_584, %add3A_12], %select_n3A_639 masked %ne3A_710 : memref<329x128xf32, #tpu.memory_space<vmem>>[vector<16xi32>, vector<16xi32>], vector<16xf32>, vector<16xi1>
        tpu.vector_store_idx %arg10[%sub3A_584, %add3A_15], %select_n3A_641 masked %ne3A_710 : memref<329x128xf32, #tpu.memory_space<vmem>>[vector<16xi32>, vector<16xi32>], vector<16xf32>, vector<16xi1>
        tpu.vector_store_idx %arg10[%sub3A_584, %add3A_18], %select_n3A_643 masked %ne3A_710 : memref<329x128xf32, #tpu.memory_space<vmem>>[vector<16xi32>, vector<16xi32>], vector<16xf32>, vector<16xi1>
        tpu.vector_store_idx %arg10[%sub3A_584, %add3A_21], %select_n3A_645 masked %ne3A_710 : memref<329x128xf32, #tpu.memory_space<vmem>>[vector<16xi32>, vector<16xi32>], vector<16xf32>, vector<16xi1>
        tpu.vector_store_idx %arg10[%sub3A_584, %add3A_24], %select_n3A_647 masked %ne3A_710 : memref<329x128xf32, #tpu.memory_space<vmem>>[vector<16xi32>, vector<16xi32>], vector<16xf32>, vector<16xi1>
        tpu.vector_store_idx %arg10[%sub3A_584, %add3A_27], %select_n3A_649 masked %ne3A_710 : memref<329x128xf32, #tpu.memory_space<vmem>>[vector<16xi32>, vector<16xi32>], vector<16xf32>, vector<16xi1>
        %max3A_711 = arith.maximumf %select_n3A_635, %get3A_667 : vector<16xf32>
        %select_n3A_712 = arith.select %ne3A_710, %get3A_667, %max3A_711 : vector<16xi1>, vector<16xf32>
        %max3A_713 = arith.maximumf %select_n3A_637, %get3A_673 : vector<16xf32>
        %select_n3A_714 = arith.select %ne3A_710, %get3A_673, %max3A_713 : vector<16xi1>, vector<16xf32>
        %max3A_715 = arith.maximumf %select_n3A_639, %get3A_679 : vector<16xf32>
        %select_n3A_716 = arith.select %ne3A_710, %get3A_679, %max3A_715 : vector<16xi1>, vector<16xf32>
        %max3A_717 = arith.maximumf %select_n3A_641, %get3A_685 : vector<16xf32>
        %select_n3A_718 = arith.select %ne3A_710, %get3A_685, %max3A_717 : vector<16xi1>, vector<16xf32>
        %max3A_719 = arith.maximumf %select_n3A_643, %get3A_691 : vector<16xf32>
        %select_n3A_720 = arith.select %ne3A_710, %get3A_691, %max3A_719 : vector<16xi1>, vector<16xf32>
        %max3A_721 = arith.maximumf %select_n3A_645, %get3A_697 : vector<16xf32>
        %select_n3A_722 = arith.select %ne3A_710, %get3A_697, %max3A_721 : vector<16xi1>, vector<16xf32>
        %max3A_723 = arith.maximumf %select_n3A_647, %get3A_703 : vector<16xf32>
        %select_n3A_724 = arith.select %ne3A_710, %get3A_703, %max3A_723 : vector<16xi1>, vector<16xf32>
        %max3A_725 = arith.maximumf %select_n3A_649, %get3A_709 : vector<16xf32>
        %select_n3A_726 = arith.select %ne3A_710, %get3A_709, %max3A_725 : vector<16xi1>, vector<16xf32>
        %add3A_727 = arith.constant 4 : i32
        %add3A_728 = arith.addi %add3A_430, %add3A_727 : i32
        %sub3A_729 = arith.constant 1 : i32
        %sub3A_730 = arith.subi %sub3A_366, %sub3A_729 : i32
        %min3A_731 = arith.minsi %add3A_728, %sub3A_730 : i32
        %get3A_732 = arith.index_cast %min3A_731 : i32 to index
        %get3A_733 = tpu.vector_load %arg9[%get3A_732] {strides = array<i32>} : memref<336xi32, #tpu.memory_space<vmem>>, vector<16xi32>,
        %broadcast_in_dim3A_734 = arith.constant 0 : i32
        %broadcast_in_dim3A_735 = vector.broadcast %broadcast_in_dim3A_734 : i32 to vector<16x1xi32>
        %gather3A_736 = vector.shape_cast %broadcast_in_dim3A_735 : vector<16x1xi32> to vector<16xi32>
        %gather3A_737 = tpu.dynamic_gather %get3A_733[%gather3A_736] in [0] : vector<16xi32>, vector<16xi32> -> vector<16xi32>
        %sub3A_738 = arith.subi %gather3A_737, %broadcast_in_dim3A_28 : vector<16xi32>
        scf.yield %gather3A_660, %sub3A_661, %gather3A_737, %sub3A_738, %select_n3A_712, %select_n3A_714, %select_n3A_716, %select_n3A_718, %select_n3A_720, %select_n3A_722, %select_n3A_724, %select_n3A_726 : vector<16xi32>, vector<16xi32>, vector<16xi32>, vector<16xi32>, vector<16xf32>, vector<16xf32>, vector<16xf32>, vector<16xf32>, vector<16xf32>, vector<16xf32>, vector<16xf32>, vector<16xf32>
      }
      %while3A_410 = arith.constant 1 : i32
      %while3A_411:12 = scf.for %while3A_415 = %while3A_407 to %while3A_403 step %while3A_410 iter_args(%while3A_416 = %while3A_409#0, %while3A_417 = %while3A_409#1, %while3A_418 = %while3A_409#2, %while3A_419 = %while3A_409#3, %while3A_420 = %while3A_409#4, %while3A_421 = %while3A_409#5, %while3A_422 = %while3A_409#6, %while3A_423 = %while3A_409#7, %while3A_424 = %while3A_409#8, %while3A_425 = %while3A_409#9, %while3A_426 = %while3A_409#10, %while3A_427 = %while3A_409#11) -> (vector<16xi32>, vector<16xi32>, vector<16xi32>, vector<16xi32>, vector<16xf32>, vector<16xf32>, vector<16xf32>, vector<16xf32>, vector<16xf32>, vector<16xf32>, vector<16xf32>, vector<16xf32>)  : i32 {
        %mul3A_428 = arith.constant 4 : i32
        %mul3A_429 = arith.muli %mul3A_428, %while3A_415 : i32
        %add3A_430 = arith.addi %sub3A_362, %mul3A_429 : i32
        %mul3A_431 = arith.constant 128 : i32
        %mul3A_432 = arith.muli %add3A_430, %mul3A_431 : i32
        %add3A_433 = arith.constant 0 : i32
        %add3A_434 = arith.addi %mul3A_432, %add3A_433 : i32
        %get3A_435 = arith.index_cast %add3A_434 : i32 to index
        %get3A_436 = tpu.vector_load %arg7[%get3A_435] {strides = array<i32>} : memref<40960xf32, #tpu.memory_space<vmem>>, vector<16xf32>,
        %mul3A_437 = arith.constant 128 : i32
        %mul3A_438 = arith.muli %add3A_430, %mul3A_437 : i32
        %add3A_439 = arith.constant 16 : i32
        %add3A_440 = arith.addi %mul3A_438, %add3A_439 : i32
        %get3A_441 = arith.index_cast %add3A_440 : i32 to index
        %get3A_442 = tpu.vector_load %arg7[%get3A_441] {strides = array<i32>} : memref<40960xf32, #tpu.memory_space<vmem>>, vector<16xf32>,
        %mul3A_443 = arith.constant 128 : i32
        %mul3A_444 = arith.muli %add3A_430, %mul3A_443 : i32
        %add3A_445 = arith.constant 32 : i32
        %add3A_446 = arith.addi %mul3A_444, %add3A_445 : i32
        %get3A_447 = arith.index_cast %add3A_446 : i32 to index
        %get3A_448 = tpu.vector_load %arg7[%get3A_447] {strides = array<i32>} : memref<40960xf32, #tpu.memory_space<vmem>>, vector<16xf32>,
        %mul3A_449 = arith.constant 128 : i32
        %mul3A_450 = arith.muli %add3A_430, %mul3A_449 : i32
        %add3A_451 = arith.constant 48 : i32
        %add3A_452 = arith.addi %mul3A_450, %add3A_451 : i32
        %get3A_453 = arith.index_cast %add3A_452 : i32 to index
        %get3A_454 = tpu.vector_load %arg7[%get3A_453] {strides = array<i32>} : memref<40960xf32, #tpu.memory_space<vmem>>, vector<16xf32>,
        %mul3A_455 = arith.constant 128 : i32
        %mul3A_456 = arith.muli %add3A_430, %mul3A_455 : i32
        %add3A_457 = arith.constant 64 : i32
        %add3A_458 = arith.addi %mul3A_456, %add3A_457 : i32
        %get3A_459 = arith.index_cast %add3A_458 : i32 to index
        %get3A_460 = tpu.vector_load %arg7[%get3A_459] {strides = array<i32>} : memref<40960xf32, #tpu.memory_space<vmem>>, vector<16xf32>,
        %mul3A_461 = arith.constant 128 : i32
        %mul3A_462 = arith.muli %add3A_430, %mul3A_461 : i32
        %add3A_463 = arith.constant 80 : i32
        %add3A_464 = arith.addi %mul3A_462, %add3A_463 : i32
        %get3A_465 = arith.index_cast %add3A_464 : i32 to index
        %get3A_466 = tpu.vector_load %arg7[%get3A_465] {strides = array<i32>} : memref<40960xf32, #tpu.memory_space<vmem>>, vector<16xf32>,
        %mul3A_467 = arith.constant 128 : i32
        %mul3A_468 = arith.muli %add3A_430, %mul3A_467 : i32
        %add3A_469 = arith.constant 96 : i32
        %add3A_470 = arith.addi %mul3A_468, %add3A_469 : i32
        %get3A_471 = arith.index_cast %add3A_470 : i32 to index
        %get3A_472 = tpu.vector_load %arg7[%get3A_471] {strides = array<i32>} : memref<40960xf32, #tpu.memory_space<vmem>>, vector<16xf32>,
        %mul3A_473 = arith.constant 128 : i32
        %mul3A_474 = arith.muli %add3A_430, %mul3A_473 : i32
        %add3A_475 = arith.constant 112 : i32
        %add3A_476 = arith.addi %mul3A_474, %add3A_475 : i32
        %get3A_477 = arith.index_cast %add3A_476 : i32 to index
        %get3A_478 = tpu.vector_load %arg7[%get3A_477] {strides = array<i32>} : memref<40960xf32, #tpu.memory_space<vmem>>, vector<16xf32>,
        %ne3A_479 = arith.cmpi ne, %while3A_418, %while3A_416 : vector<16xi32>
        tpu.vector_store_idx %arg10[%while3A_417, %add3A_6], %while3A_420 masked %ne3A_479 : memref<329x128xf32, #tpu.memory_space<vmem>>[vector<16xi32>, vector<16xi32>], vector<16xf32>, vector<16xi1>
        tpu.vector_store_idx %arg10[%while3A_417, %add3A_9], %while3A_421 masked %ne3A_479 : memref<329x128xf32, #tpu.memory_space<vmem>>[vector<16xi32>, vector<16xi32>], vector<16xf32>, vector<16xi1>
        tpu.vector_store_idx %arg10[%while3A_417, %add3A_12], %while3A_422 masked %ne3A_479 : memref<329x128xf32, #tpu.memory_space<vmem>>[vector<16xi32>, vector<16xi32>], vector<16xf32>, vector<16xi1>
        tpu.vector_store_idx %arg10[%while3A_417, %add3A_15], %while3A_423 masked %ne3A_479 : memref<329x128xf32, #tpu.memory_space<vmem>>[vector<16xi32>, vector<16xi32>], vector<16xf32>, vector<16xi1>
        tpu.vector_store_idx %arg10[%while3A_417, %add3A_18], %while3A_424 masked %ne3A_479 : memref<329x128xf32, #tpu.memory_space<vmem>>[vector<16xi32>, vector<16xi32>], vector<16xf32>, vector<16xi1>
        tpu.vector_store_idx %arg10[%while3A_417, %add3A_21], %while3A_425 masked %ne3A_479 : memref<329x128xf32, #tpu.memory_space<vmem>>[vector<16xi32>, vector<16xi32>], vector<16xf32>, vector<16xi1>
        tpu.vector_store_idx %arg10[%while3A_417, %add3A_24], %while3A_426 masked %ne3A_479 : memref<329x128xf32, #tpu.memory_space<vmem>>[vector<16xi32>, vector<16xi32>], vector<16xf32>, vector<16xi1>
        tpu.vector_store_idx %arg10[%while3A_417, %add3A_27], %while3A_427 masked %ne3A_479 : memref<329x128xf32, #tpu.memory_space<vmem>>[vector<16xi32>, vector<16xi32>], vector<16xf32>, vector<16xi1>
        %max3A_480 = arith.maximumf %while3A_420, %get3A_436 : vector<16xf32>
        %select_n3A_481 = arith.select %ne3A_479, %get3A_436, %max3A_480 : vector<16xi1>, vector<16xf32>
        %max3A_482 = arith.maximumf %while3A_421, %get3A_442 : vector<16xf32>
        %select_n3A_483 = arith.select %ne3A_479, %get3A_442, %max3A_482 : vector<16xi1>, vector<16xf32>
        %max3A_484 = arith.maximumf %while3A_422, %get3A_448 : vector<16xf32>
        %select_n3A_485 = arith.select %ne3A_479, %get3A_448, %max3A_484 : vector<16xi1>, vector<16xf32>
        %max3A_486 = arith.maximumf %while3A_423, %get3A_454 : vector<16xf32>
        %select_n3A_487 = arith.select %ne3A_479, %get3A_454, %max3A_486 : vector<16xi1>, vector<16xf32>
        %max3A_488 = arith.maximumf %while3A_424, %get3A_460 : vector<16xf32>
        %select_n3A_489 = arith.select %ne3A_479, %get3A_460, %max3A_488 : vector<16xi1>, vector<16xf32>
        %max3A_490 = arith.maximumf %while3A_425, %get3A_466 : vector<16xf32>
        %select_n3A_491 = arith.select %ne3A_479, %get3A_466, %max3A_490 : vector<16xi1>, vector<16xf32>
        %max3A_492 = arith.maximumf %while3A_426, %get3A_472 : vector<16xf32>
        %select_n3A_493 = arith.select %ne3A_479, %get3A_472, %max3A_492 : vector<16xi1>, vector<16xf32>
        %max3A_494 = arith.maximumf %while3A_427, %get3A_478 : vector<16xf32>
        %select_n3A_495 = arith.select %ne3A_479, %get3A_478, %max3A_494 : vector<16xi1>, vector<16xf32>
        %add3A_496 = arith.constant 1 : i32
        %add3A_497 = arith.addi %add3A_430, %add3A_496 : i32
        %sub3A_498 = arith.constant 1 : i32
        %sub3A_499 = arith.subi %sub3A_366, %sub3A_498 : i32
        %min3A_500 = arith.minsi %add3A_497, %sub3A_499 : i32
        %get3A_501 = arith.index_cast %min3A_500 : i32 to index
        %get3A_502 = tpu.vector_load %arg9[%get3A_501] {strides = array<i32>} : memref<336xi32, #tpu.memory_space<vmem>>, vector<16xi32>,
        %broadcast_in_dim3A_503 = arith.constant 0 : i32
        %broadcast_in_dim3A_504 = vector.broadcast %broadcast_in_dim3A_503 : i32 to vector<16x1xi32>
        %gather3A_505 = vector.shape_cast %broadcast_in_dim3A_504 : vector<16x1xi32> to vector<16xi32>
        %gather3A_506 = tpu.dynamic_gather %get3A_502[%gather3A_505] in [0] : vector<16xi32>, vector<16xi32> -> vector<16xi32>
        %sub3A_507 = arith.subi %gather3A_506, %broadcast_in_dim3A_28 : vector<16xi32>
        %mul3A_508 = arith.constant 128 : i32
        %mul3A_509 = arith.muli %min3A_500, %mul3A_508 : i32
        %add3A_510 = arith.constant 0 : i32
        %add3A_511 = arith.addi %mul3A_509, %add3A_510 : i32
        %get3A_512 = arith.index_cast %add3A_511 : i32 to index
        %get3A_513 = tpu.vector_load %arg7[%get3A_512] {strides = array<i32>} : memref<40960xf32, #tpu.memory_space<vmem>>, vector<16xf32>,
        %mul3A_514 = arith.constant 128 : i32
        %mul3A_515 = arith.muli %min3A_500, %mul3A_514 : i32
        %add3A_516 = arith.constant 16 : i32
        %add3A_517 = arith.addi %mul3A_515, %add3A_516 : i32
        %get3A_518 = arith.index_cast %add3A_517 : i32 to index
        %get3A_519 = tpu.vector_load %arg7[%get3A_518] {strides = array<i32>} : memref<40960xf32, #tpu.memory_space<vmem>>, vector<16xf32>,
        %mul3A_520 = arith.constant 128 : i32
        %mul3A_521 = arith.muli %min3A_500, %mul3A_520 : i32
        %add3A_522 = arith.constant 32 : i32
        %add3A_523 = arith.addi %mul3A_521, %add3A_522 : i32
        %get3A_524 = arith.index_cast %add3A_523 : i32 to index
        %get3A_525 = tpu.vector_load %arg7[%get3A_524] {strides = array<i32>} : memref<40960xf32, #tpu.memory_space<vmem>>, vector<16xf32>,
        %mul3A_526 = arith.constant 128 : i32
        %mul3A_527 = arith.muli %min3A_500, %mul3A_526 : i32
        %add3A_528 = arith.constant 48 : i32
        %add3A_529 = arith.addi %mul3A_527, %add3A_528 : i32
        %get3A_530 = arith.index_cast %add3A_529 : i32 to index
        %get3A_531 = tpu.vector_load %arg7[%get3A_530] {strides = array<i32>} : memref<40960xf32, #tpu.memory_space<vmem>>, vector<16xf32>,
        %mul3A_532 = arith.constant 128 : i32
        %mul3A_533 = arith.muli %min3A_500, %mul3A_532 : i32
        %add3A_534 = arith.constant 64 : i32
        %add3A_535 = arith.addi %mul3A_533, %add3A_534 : i32
        %get3A_536 = arith.index_cast %add3A_535 : i32 to index
        %get3A_537 = tpu.vector_load %arg7[%get3A_536] {strides = array<i32>} : memref<40960xf32, #tpu.memory_space<vmem>>, vector<16xf32>,
        %mul3A_538 = arith.constant 128 : i32
        %mul3A_539 = arith.muli %min3A_500, %mul3A_538 : i32
        %add3A_540 = arith.constant 80 : i32
        %add3A_541 = arith.addi %mul3A_539, %add3A_540 : i32
        %get3A_542 = arith.index_cast %add3A_541 : i32 to index
        %get3A_543 = tpu.vector_load %arg7[%get3A_542] {strides = array<i32>} : memref<40960xf32, #tpu.memory_space<vmem>>, vector<16xf32>,
        %mul3A_544 = arith.constant 128 : i32
        %mul3A_545 = arith.muli %min3A_500, %mul3A_544 : i32
        %add3A_546 = arith.constant 96 : i32
        %add3A_547 = arith.addi %mul3A_545, %add3A_546 : i32
        %get3A_548 = arith.index_cast %add3A_547 : i32 to index
        %get3A_549 = tpu.vector_load %arg7[%get3A_548] {strides = array<i32>} : memref<40960xf32, #tpu.memory_space<vmem>>, vector<16xf32>,
        %mul3A_550 = arith.constant 128 : i32
        %mul3A_551 = arith.muli %min3A_500, %mul3A_550 : i32
        %add3A_552 = arith.constant 112 : i32
        %add3A_553 = arith.addi %mul3A_551, %add3A_552 : i32
        %get3A_554 = arith.index_cast %add3A_553 : i32 to index
        %get3A_555 = tpu.vector_load %arg7[%get3A_554] {strides = array<i32>} : memref<40960xf32, #tpu.memory_space<vmem>>, vector<16xf32>,
        %ne3A_556 = arith.cmpi ne, %gather3A_506, %while3A_418 : vector<16xi32>
        tpu.vector_store_idx %arg10[%while3A_419, %add3A_6], %select_n3A_481 masked %ne3A_556 : memref<329x128xf32, #tpu.memory_space<vmem>>[vector<16xi32>, vector<16xi32>], vector<16xf32>, vector<16xi1>
        tpu.vector_store_idx %arg10[%while3A_419, %add3A_9], %select_n3A_483 masked %ne3A_556 : memref<329x128xf32, #tpu.memory_space<vmem>>[vector<16xi32>, vector<16xi32>], vector<16xf32>, vector<16xi1>
        tpu.vector_store_idx %arg10[%while3A_419, %add3A_12], %select_n3A_485 masked %ne3A_556 : memref<329x128xf32, #tpu.memory_space<vmem>>[vector<16xi32>, vector<16xi32>], vector<16xf32>, vector<16xi1>
        tpu.vector_store_idx %arg10[%while3A_419, %add3A_15], %select_n3A_487 masked %ne3A_556 : memref<329x128xf32, #tpu.memory_space<vmem>>[vector<16xi32>, vector<16xi32>], vector<16xf32>, vector<16xi1>
        tpu.vector_store_idx %arg10[%while3A_419, %add3A_18], %select_n3A_489 masked %ne3A_556 : memref<329x128xf32, #tpu.memory_space<vmem>>[vector<16xi32>, vector<16xi32>], vector<16xf32>, vector<16xi1>
        tpu.vector_store_idx %arg10[%while3A_419, %add3A_21], %select_n3A_491 masked %ne3A_556 : memref<329x128xf32, #tpu.memory_space<vmem>>[vector<16xi32>, vector<16xi32>], vector<16xf32>, vector<16xi1>
        tpu.vector_store_idx %arg10[%while3A_419, %add3A_24], %select_n3A_493 masked %ne3A_556 : memref<329x128xf32, #tpu.memory_space<vmem>>[vector<16xi32>, vector<16xi32>], vector<16xf32>, vector<16xi1>
        tpu.vector_store_idx %arg10[%while3A_419, %add3A_27], %select_n3A_495 masked %ne3A_556 : memref<329x128xf32, #tpu.memory_space<vmem>>[vector<16xi32>, vector<16xi32>], vector<16xf32>, vector<16xi1>
        %max3A_557 = arith.maximumf %select_n3A_481, %get3A_513 : vector<16xf32>
        %select_n3A_558 = arith.select %ne3A_556, %get3A_513, %max3A_557 : vector<16xi1>, vector<16xf32>
        %max3A_559 = arith.maximumf %select_n3A_483, %get3A_519 : vector<16xf32>
        %select_n3A_560 = arith.select %ne3A_556, %get3A_519, %max3A_559 : vector<16xi1>, vector<16xf32>
        %max3A_561 = arith.maximumf %select_n3A_485, %get3A_525 : vector<16xf32>
        %select_n3A_562 = arith.select %ne3A_556, %get3A_525, %max3A_561 : vector<16xi1>, vector<16xf32>
        %max3A_563 = arith.maximumf %select_n3A_487, %get3A_531 : vector<16xf32>
        %select_n3A_564 = arith.select %ne3A_556, %get3A_531, %max3A_563 : vector<16xi1>, vector<16xf32>
        %max3A_565 = arith.maximumf %select_n3A_489, %get3A_537 : vector<16xf32>
        %select_n3A_566 = arith.select %ne3A_556, %get3A_537, %max3A_565 : vector<16xi1>, vector<16xf32>
        %max3A_567 = arith.maximumf %select_n3A_491, %get3A_543 : vector<16xf32>
        %select_n3A_568 = arith.select %ne3A_556, %get3A_543, %max3A_567 : vector<16xi1>, vector<16xf32>
        %max3A_569 = arith.maximumf %select_n3A_493, %get3A_549 : vector<16xf32>
        %select_n3A_570 = arith.select %ne3A_556, %get3A_549, %max3A_569 : vector<16xi1>, vector<16xf32>
        %max3A_571 = arith.maximumf %select_n3A_495, %get3A_555 : vector<16xf32>
        %select_n3A_572 = arith.select %ne3A_556, %get3A_555, %max3A_571 : vector<16xi1>, vector<16xf32>
        %add3A_573 = arith.constant 2 : i32
        %add3A_574 = arith.addi %add3A_430, %add3A_573 : i32
        %sub3A_575 = arith.constant 1 : i32
        %sub3A_576 = arith.subi %sub3A_366, %sub3A_575 : i32
        %min3A_577 = arith.minsi %add3A_574, %sub3A_576 : i32
        %get3A_578 = arith.index_cast %min3A_577 : i32 to index
        %get3A_579 = tpu.vector_load %arg9[%get3A_578] {strides = array<i32>} : memref<336xi32, #tpu.memory_space<vmem>>, vector<16xi32>,
        %broadcast_in_dim3A_580 = arith.constant 0 : i32
        %broadcast_in_dim3A_581 = vector.broadcast %broadcast_in_dim3A_580 : i32 to vector<16x1xi32>
        %gather3A_582 = vector.shape_cast %broadcast_in_dim3A_581 : vector<16x1xi32> to vector<16xi32>
        %gather3A_583 = tpu.dynamic_gather %get3A_579[%gather3A_582] in [0] : vector<16xi32>, vector<16xi32> -> vector<16xi32>
        %sub3A_584 = arith.subi %gather3A_583, %broadcast_in_dim3A_28 : vector<16xi32>
        %mul3A_585 = arith.constant 128 : i32
        %mul3A_586 = arith.muli %min3A_577, %mul3A_585 : i32
        %add3A_587 = arith.constant 0 : i32
        %add3A_588 = arith.addi %mul3A_586, %add3A_587 : i32
        %get3A_589 = arith.index_cast %add3A_588 : i32 to index
        %get3A_590 = tpu.vector_load %arg7[%get3A_589] {strides = array<i32>} : memref<40960xf32, #tpu.memory_space<vmem>>, vector<16xf32>,
        %mul3A_591 = arith.constant 128 : i32
        %mul3A_592 = arith.muli %min3A_577, %mul3A_591 : i32
        %add3A_593 = arith.constant 16 : i32
        %add3A_594 = arith.addi %mul3A_592, %add3A_593 : i32
        %get3A_595 = arith.index_cast %add3A_594 : i32 to index
        %get3A_596 = tpu.vector_load %arg7[%get3A_595] {strides = array<i32>} : memref<40960xf32, #tpu.memory_space<vmem>>, vector<16xf32>,
        %mul3A_597 = arith.constant 128 : i32
        %mul3A_598 = arith.muli %min3A_577, %mul3A_597 : i32
        %add3A_599 = arith.constant 32 : i32
        %add3A_600 = arith.addi %mul3A_598, %add3A_599 : i32
        %get3A_601 = arith.index_cast %add3A_600 : i32 to index
        %get3A_602 = tpu.vector_load %arg7[%get3A_601] {strides = array<i32>} : memref<40960xf32, #tpu.memory_space<vmem>>, vector<16xf32>,
        %mul3A_603 = arith.constant 128 : i32
        %mul3A_604 = arith.muli %min3A_577, %mul3A_603 : i32
        %add3A_605 = arith.constant 48 : i32
        %add3A_606 = arith.addi %mul3A_604, %add3A_605 : i32
        %get3A_607 = arith.index_cast %add3A_606 : i32 to index
        %get3A_608 = tpu.vector_load %arg7[%get3A_607] {strides = array<i32>} : memref<40960xf32, #tpu.memory_space<vmem>>, vector<16xf32>,
        %mul3A_609 = arith.constant 128 : i32
        %mul3A_610 = arith.muli %min3A_577, %mul3A_609 : i32
        %add3A_611 = arith.constant 64 : i32
        %add3A_612 = arith.addi %mul3A_610, %add3A_611 : i32
        %get3A_613 = arith.index_cast %add3A_612 : i32 to index
        %get3A_614 = tpu.vector_load %arg7[%get3A_613] {strides = array<i32>} : memref<40960xf32, #tpu.memory_space<vmem>>, vector<16xf32>,
        %mul3A_615 = arith.constant 128 : i32
        %mul3A_616 = arith.muli %min3A_577, %mul3A_615 : i32
        %add3A_617 = arith.constant 80 : i32
        %add3A_618 = arith.addi %mul3A_616, %add3A_617 : i32
        %get3A_619 = arith.index_cast %add3A_618 : i32 to index
        %get3A_620 = tpu.vector_load %arg7[%get3A_619] {strides = array<i32>} : memref<40960xf32, #tpu.memory_space<vmem>>, vector<16xf32>,
        %mul3A_621 = arith.constant 128 : i32
        %mul3A_622 = arith.muli %min3A_577, %mul3A_621 : i32
        %add3A_623 = arith.constant 96 : i32
        %add3A_624 = arith.addi %mul3A_622, %add3A_623 : i32
        %get3A_625 = arith.index_cast %add3A_624 : i32 to index
        %get3A_626 = tpu.vector_load %arg7[%get3A_625] {strides = array<i32>} : memref<40960xf32, #tpu.memory_space<vmem>>, vector<16xf32>,
        %mul3A_627 = arith.constant 128 : i32
        %mul3A_628 = arith.muli %min3A_577, %mul3A_627 : i32
        %add3A_629 = arith.constant 112 : i32
        %add3A_630 = arith.addi %mul3A_628, %add3A_629 : i32
        %get3A_631 = arith.index_cast %add3A_630 : i32 to index
        %get3A_632 = tpu.vector_load %arg7[%get3A_631] {strides = array<i32>} : memref<40960xf32, #tpu.memory_space<vmem>>, vector<16xf32>,
        %ne3A_633 = arith.cmpi ne, %gather3A_583, %gather3A_506 : vector<16xi32>
        tpu.vector_store_idx %arg10[%sub3A_507, %add3A_6], %select_n3A_558 masked %ne3A_633 : memref<329x128xf32, #tpu.memory_space<vmem>>[vector<16xi32>, vector<16xi32>], vector<16xf32>, vector<16xi1>
        tpu.vector_store_idx %arg10[%sub3A_507, %add3A_9], %select_n3A_560 masked %ne3A_633 : memref<329x128xf32, #tpu.memory_space<vmem>>[vector<16xi32>, vector<16xi32>], vector<16xf32>, vector<16xi1>
        tpu.vector_store_idx %arg10[%sub3A_507, %add3A_12], %select_n3A_562 masked %ne3A_633 : memref<329x128xf32, #tpu.memory_space<vmem>>[vector<16xi32>, vector<16xi32>], vector<16xf32>, vector<16xi1>
        tpu.vector_store_idx %arg10[%sub3A_507, %add3A_15], %select_n3A_564 masked %ne3A_633 : memref<329x128xf32, #tpu.memory_space<vmem>>[vector<16xi32>, vector<16xi32>], vector<16xf32>, vector<16xi1>
        tpu.vector_store_idx %arg10[%sub3A_507, %add3A_18], %select_n3A_566 masked %ne3A_633 : memref<329x128xf32, #tpu.memory_space<vmem>>[vector<16xi32>, vector<16xi32>], vector<16xf32>, vector<16xi1>
        tpu.vector_store_idx %arg10[%sub3A_507, %add3A_21], %select_n3A_568 masked %ne3A_633 : memref<329x128xf32, #tpu.memory_space<vmem>>[vector<16xi32>, vector<16xi32>], vector<16xf32>, vector<16xi1>
        tpu.vector_store_idx %arg10[%sub3A_507, %add3A_24], %select_n3A_570 masked %ne3A_633 : memref<329x128xf32, #tpu.memory_space<vmem>>[vector<16xi32>, vector<16xi32>], vector<16xf32>, vector<16xi1>
        tpu.vector_store_idx %arg10[%sub3A_507, %add3A_27], %select_n3A_572 masked %ne3A_633 : memref<329x128xf32, #tpu.memory_space<vmem>>[vector<16xi32>, vector<16xi32>], vector<16xf32>, vector<16xi1>
        %max3A_634 = arith.maximumf %select_n3A_558, %get3A_590 : vector<16xf32>
        %select_n3A_635 = arith.select %ne3A_633, %get3A_590, %max3A_634 : vector<16xi1>, vector<16xf32>
        %max3A_636 = arith.maximumf %select_n3A_560, %get3A_596 : vector<16xf32>
        %select_n3A_637 = arith.select %ne3A_633, %get3A_596, %max3A_636 : vector<16xi1>, vector<16xf32>
        %max3A_638 = arith.maximumf %select_n3A_562, %get3A_602 : vector<16xf32>
        %select_n3A_639 = arith.select %ne3A_633, %get3A_602, %max3A_638 : vector<16xi1>, vector<16xf32>
        %max3A_640 = arith.maximumf %select_n3A_564, %get3A_608 : vector<16xf32>
        %select_n3A_641 = arith.select %ne3A_633, %get3A_608, %max3A_640 : vector<16xi1>, vector<16xf32>
        %max3A_642 = arith.maximumf %select_n3A_566, %get3A_614 : vector<16xf32>
        %select_n3A_643 = arith.select %ne3A_633, %get3A_614, %max3A_642 : vector<16xi1>, vector<16xf32>
        %max3A_644 = arith.maximumf %select_n3A_568, %get3A_620 : vector<16xf32>
        %select_n3A_645 = arith.select %ne3A_633, %get3A_620, %max3A_644 : vector<16xi1>, vector<16xf32>
        %max3A_646 = arith.maximumf %select_n3A_570, %get3A_626 : vector<16xf32>
        %select_n3A_647 = arith.select %ne3A_633, %get3A_626, %max3A_646 : vector<16xi1>, vector<16xf32>
        %max3A_648 = arith.maximumf %select_n3A_572, %get3A_632 : vector<16xf32>
        %select_n3A_649 = arith.select %ne3A_633, %get3A_632, %max3A_648 : vector<16xi1>, vector<16xf32>
        %add3A_650 = arith.constant 3 : i32
        %add3A_651 = arith.addi %add3A_430, %add3A_650 : i32
        %sub3A_652 = arith.constant 1 : i32
        %sub3A_653 = arith.subi %sub3A_366, %sub3A_652 : i32
        %min3A_654 = arith.minsi %add3A_651, %sub3A_653 : i32
        %get3A_655 = arith.index_cast %min3A_654 : i32 to index
        %get3A_656 = tpu.vector_load %arg9[%get3A_655] {strides = array<i32>} : memref<336xi32, #tpu.memory_space<vmem>>, vector<16xi32>,
        %broadcast_in_dim3A_657 = arith.constant 0 : i32
        %broadcast_in_dim3A_658 = vector.broadcast %broadcast_in_dim3A_657 : i32 to vector<16x1xi32>
        %gather3A_659 = vector.shape_cast %broadcast_in_dim3A_658 : vector<16x1xi32> to vector<16xi32>
        %gather3A_660 = tpu.dynamic_gather %get3A_656[%gather3A_659] in [0] : vector<16xi32>, vector<16xi32> -> vector<16xi32>
        %sub3A_661 = arith.subi %gather3A_660, %broadcast_in_dim3A_28 : vector<16xi32>
        %mul3A_662 = arith.constant 128 : i32
        %mul3A_663 = arith.muli %min3A_654, %mul3A_662 : i32
        %add3A_664 = arith.constant 0 : i32
        %add3A_665 = arith.addi %mul3A_663, %add3A_664 : i32
        %get3A_666 = arith.index_cast %add3A_665 : i32 to index
        %get3A_667 = tpu.vector_load %arg7[%get3A_666] {strides = array<i32>} : memref<40960xf32, #tpu.memory_space<vmem>>, vector<16xf32>,
        %mul3A_668 = arith.constant 128 : i32
        %mul3A_669 = arith.muli %min3A_654, %mul3A_668 : i32
        %add3A_670 = arith.constant 16 : i32
        %add3A_671 = arith.addi %mul3A_669, %add3A_670 : i32
        %get3A_672 = arith.index_cast %add3A_671 : i32 to index
        %get3A_673 = tpu.vector_load %arg7[%get3A_672] {strides = array<i32>} : memref<40960xf32, #tpu.memory_space<vmem>>, vector<16xf32>,
        %mul3A_674 = arith.constant 128 : i32
        %mul3A_675 = arith.muli %min3A_654, %mul3A_674 : i32
        %add3A_676 = arith.constant 32 : i32
        %add3A_677 = arith.addi %mul3A_675, %add3A_676 : i32
        %get3A_678 = arith.index_cast %add3A_677 : i32 to index
        %get3A_679 = tpu.vector_load %arg7[%get3A_678] {strides = array<i32>} : memref<40960xf32, #tpu.memory_space<vmem>>, vector<16xf32>,
        %mul3A_680 = arith.constant 128 : i32
        %mul3A_681 = arith.muli %min3A_654, %mul3A_680 : i32
        %add3A_682 = arith.constant 48 : i32
        %add3A_683 = arith.addi %mul3A_681, %add3A_682 : i32
        %get3A_684 = arith.index_cast %add3A_683 : i32 to index
        %get3A_685 = tpu.vector_load %arg7[%get3A_684] {strides = array<i32>} : memref<40960xf32, #tpu.memory_space<vmem>>, vector<16xf32>,
        %mul3A_686 = arith.constant 128 : i32
        %mul3A_687 = arith.muli %min3A_654, %mul3A_686 : i32
        %add3A_688 = arith.constant 64 : i32
        %add3A_689 = arith.addi %mul3A_687, %add3A_688 : i32
        %get3A_690 = arith.index_cast %add3A_689 : i32 to index
        %get3A_691 = tpu.vector_load %arg7[%get3A_690] {strides = array<i32>} : memref<40960xf32, #tpu.memory_space<vmem>>, vector<16xf32>,
        %mul3A_692 = arith.constant 128 : i32
        %mul3A_693 = arith.muli %min3A_654, %mul3A_692 : i32
        %add3A_694 = arith.constant 80 : i32
        %add3A_695 = arith.addi %mul3A_693, %add3A_694 : i32
        %get3A_696 = arith.index_cast %add3A_695 : i32 to index
        %get3A_697 = tpu.vector_load %arg7[%get3A_696] {strides = array<i32>} : memref<40960xf32, #tpu.memory_space<vmem>>, vector<16xf32>,
        %mul3A_698 = arith.constant 128 : i32
        %mul3A_699 = arith.muli %min3A_654, %mul3A_698 : i32
        %add3A_700 = arith.constant 96 : i32
        %add3A_701 = arith.addi %mul3A_699, %add3A_700 : i32
        %get3A_702 = arith.index_cast %add3A_701 : i32 to index
        %get3A_703 = tpu.vector_load %arg7[%get3A_702] {strides = array<i32>} : memref<40960xf32, #tpu.memory_space<vmem>>, vector<16xf32>,
        %mul3A_704 = arith.constant 128 : i32
        %mul3A_705 = arith.muli %min3A_654, %mul3A_704 : i32
        %add3A_706 = arith.constant 112 : i32
        %add3A_707 = arith.addi %mul3A_705, %add3A_706 : i32
        %get3A_708 = arith.index_cast %add3A_707 : i32 to index
        %get3A_709 = tpu.vector_load %arg7[%get3A_708] {strides = array<i32>} : memref<40960xf32, #tpu.memory_space<vmem>>, vector<16xf32>,
        %ne3A_710 = arith.cmpi ne, %gather3A_660, %gather3A_583 : vector<16xi32>
        tpu.vector_store_idx %arg10[%sub3A_584, %add3A_6], %select_n3A_635 masked %ne3A_710 : memref<329x128xf32, #tpu.memory_space<vmem>>[vector<16xi32>, vector<16xi32>], vector<16xf32>, vector<16xi1>
        tpu.vector_store_idx %arg10[%sub3A_584, %add3A_9], %select_n3A_637 masked %ne3A_710 : memref<329x128xf32, #tpu.memory_space<vmem>>[vector<16xi32>, vector<16xi32>], vector<16xf32>, vector<16xi1>
        tpu.vector_store_idx %arg10[%sub3A_584, %add3A_12], %select_n3A_639 masked %ne3A_710 : memref<329x128xf32, #tpu.memory_space<vmem>>[vector<16xi32>, vector<16xi32>], vector<16xf32>, vector<16xi1>
        tpu.vector_store_idx %arg10[%sub3A_584, %add3A_15], %select_n3A_641 masked %ne3A_710 : memref<329x128xf32, #tpu.memory_space<vmem>>[vector<16xi32>, vector<16xi32>], vector<16xf32>, vector<16xi1>
        tpu.vector_store_idx %arg10[%sub3A_584, %add3A_18], %select_n3A_643 masked %ne3A_710 : memref<329x128xf32, #tpu.memory_space<vmem>>[vector<16xi32>, vector<16xi32>], vector<16xf32>, vector<16xi1>
        tpu.vector_store_idx %arg10[%sub3A_584, %add3A_21], %select_n3A_645 masked %ne3A_710 : memref<329x128xf32, #tpu.memory_space<vmem>>[vector<16xi32>, vector<16xi32>], vector<16xf32>, vector<16xi1>
        tpu.vector_store_idx %arg10[%sub3A_584, %add3A_24], %select_n3A_647 masked %ne3A_710 : memref<329x128xf32, #tpu.memory_space<vmem>>[vector<16xi32>, vector<16xi32>], vector<16xf32>, vector<16xi1>
        tpu.vector_store_idx %arg10[%sub3A_584, %add3A_27], %select_n3A_649 masked %ne3A_710 : memref<329x128xf32, #tpu.memory_space<vmem>>[vector<16xi32>, vector<16xi32>], vector<16xf32>, vector<16xi1>
        %max3A_711 = arith.maximumf %select_n3A_635, %get3A_667 : vector<16xf32>
        %select_n3A_712 = arith.select %ne3A_710, %get3A_667, %max3A_711 : vector<16xi1>, vector<16xf32>
        %max3A_713 = arith.maximumf %select_n3A_637, %get3A_673 : vector<16xf32>
        %select_n3A_714 = arith.select %ne3A_710, %get3A_673, %max3A_713 : vector<16xi1>, vector<16xf32>
        %max3A_715 = arith.maximumf %select_n3A_639, %get3A_679 : vector<16xf32>
        %select_n3A_716 = arith.select %ne3A_710, %get3A_679, %max3A_715 : vector<16xi1>, vector<16xf32>
        %max3A_717 = arith.maximumf %select_n3A_641, %get3A_685 : vector<16xf32>
        %select_n3A_718 = arith.select %ne3A_710, %get3A_685, %max3A_717 : vector<16xi1>, vector<16xf32>
        %max3A_719 = arith.maximumf %select_n3A_643, %get3A_691 : vector<16xf32>
        %select_n3A_720 = arith.select %ne3A_710, %get3A_691, %max3A_719 : vector<16xi1>, vector<16xf32>
        %max3A_721 = arith.maximumf %select_n3A_645, %get3A_697 : vector<16xf32>
        %select_n3A_722 = arith.select %ne3A_710, %get3A_697, %max3A_721 : vector<16xi1>, vector<16xf32>
        %max3A_723 = arith.maximumf %select_n3A_647, %get3A_703 : vector<16xf32>
        %select_n3A_724 = arith.select %ne3A_710, %get3A_703, %max3A_723 : vector<16xi1>, vector<16xf32>
        %max3A_725 = arith.maximumf %select_n3A_649, %get3A_709 : vector<16xf32>
        %select_n3A_726 = arith.select %ne3A_710, %get3A_709, %max3A_725 : vector<16xi1>, vector<16xf32>
        %add3A_727 = arith.constant 4 : i32
        %add3A_728 = arith.addi %add3A_430, %add3A_727 : i32
        %sub3A_729 = arith.constant 1 : i32
        %sub3A_730 = arith.subi %sub3A_366, %sub3A_729 : i32
        %min3A_731 = arith.minsi %add3A_728, %sub3A_730 : i32
        %get3A_732 = arith.index_cast %min3A_731 : i32 to index
        %get3A_733 = tpu.vector_load %arg9[%get3A_732] {strides = array<i32>} : memref<336xi32, #tpu.memory_space<vmem>>, vector<16xi32>,
        %broadcast_in_dim3A_734 = arith.constant 0 : i32
        %broadcast_in_dim3A_735 = vector.broadcast %broadcast_in_dim3A_734 : i32 to vector<16x1xi32>
        %gather3A_736 = vector.shape_cast %broadcast_in_dim3A_735 : vector<16x1xi32> to vector<16xi32>
        %gather3A_737 = tpu.dynamic_gather %get3A_733[%gather3A_736] in [0] : vector<16xi32>, vector<16xi32> -> vector<16xi32>
        %sub3A_738 = arith.subi %gather3A_737, %broadcast_in_dim3A_28 : vector<16xi32>
        scf.yield %gather3A_660, %sub3A_661, %gather3A_737, %sub3A_738, %select_n3A_712, %select_n3A_714, %select_n3A_716, %select_n3A_718, %select_n3A_720, %select_n3A_722, %select_n3A_724, %select_n3A_726 : vector<16xi32>, vector<16xi32>, vector<16xi32>, vector<16xi32>, vector<16xf32>, vector<16xf32>, vector<16xf32>, vector<16xf32>, vector<16xf32>, vector<16xf32>, vector<16xf32>, vector<16xf32>
      }
      %lt3A_412 = arith.cmpi slt, %sub3A_362, %sub3A_366 : i32
      %select_n3A_413 = arith.select %lt3A_412, %while3A_411#0, %select_n3A_305 : vector<16xi32>
      %select_n3A_414 = arith.select %lt3A_412, %while3A_411#1, %select_n3A_306 : vector<16xi32>
      scf.yield %select_n3A_413, %select_n3A_414, %while3A_411#4, %while3A_411#5, %while3A_411#6, %while3A_411#7, %while3A_411#8, %while3A_411#9, %while3A_411#10, %while3A_411#11 : vector<16xi32>, vector<16xi32>, vector<16xf32>, vector<16xf32>, vector<16xf32>, vector<16xf32>, vector<16xf32>, vector<16xf32>, vector<16xf32>, vector<16xf32>
    }
    %while3A_171 = arith.constant 1 : i32
    %while3A_172:10 = scf.for %while3A_190 = %while3A_168 to %while3A_164 step %while3A_171 iter_args(%while3A_191 = %while3A_170#0, %while3A_192 = %while3A_170#1, %while3A_193 = %while3A_170#2, %while3A_194 = %while3A_170#3, %while3A_195 = %while3A_170#4, %while3A_196 = %while3A_170#5, %while3A_197 = %while3A_170#6, %while3A_198 = %while3A_170#7, %while3A_199 = %while3A_170#8, %while3A_200 = %while3A_170#9) -> (vector<16xi32>, vector<16xi32>, vector<16xf32>, vector<16xf32>, vector<16xf32>, vector<16xf32>, vector<16xf32>, vector<16xf32>, vector<16xf32>, vector<16xf32>)  : i32 {
      %mul3A_201 = arith.constant 2 : i32
      %mul3A_202 = arith.muli %mul3A_201, %while3A_190 : i32
      %add3A_203 = arith.constant 1 : i32
      %add3A_204 = arith.addi %mul3A_202, %add3A_203 : i32
      %mul3A_205 = arith.constant 320 : i32
      %mul3A_206 = arith.muli %add3A_204, %mul3A_205 : i32
      %add3A_207 = arith.addi %mul3A_59, %mul3A_206 : i32
      %min3A_208 = arith.constant 319680 : i32
      %min3A_209 = arith.minsi %add3A_207, %min3A_208 : i32
      %mul3A_210 = arith.constant 128 : i32
      %mul3A_211 = arith.muli %min3A_209, %mul3A_210 : i32
      %dma_start3A_212 = arith.constant 0 : i32
      %dma_start3A_213 = tpu.memref_slice %arg7[%dma_start3A_212] : memref<40960xf32, #tpu.memory_space<vmem>> -> memref<20480xf32, #tpu.memory_space<vmem>>
      %dma_start3A_214 = tpu.memref_slice %arg2[%mul3A_211] : memref<40960000xf32, #tpu.memory_space<hbm>> -> memref<20480xf32, #tpu.memory_space<hbm>>
      %dma_start3A_215 = arith.constant 0 : i32
      %dma_start3A_216 = tpu.memref_slice %arg7[%dma_start3A_215] : memref<40960xf32, #tpu.memory_space<vmem>> -> memref<20480xf32, #tpu.memory_space<vmem>>
      %dma_start3A_217 = tpu.memref_slice %arg2[%mul3A_211] : memref<40960000xf32, #tpu.memory_space<hbm>> -> memref<20480xf32, #tpu.memory_space<hbm>>
      tpu.enqueue_dma source(%dma_start3A_217 : memref<20480xf32, #tpu.memory_space<hbm>>) target(%dma_start3A_216 : memref<20480xf32, #tpu.memory_space<vmem>>) target_semaphore(%arg13 : memref<!tpu.dma_semaphore, #tpu.memory_space<semaphore_mem>>)
      %mul3A_218 = arith.constant 128 : i32
      %mul3A_219 = arith.muli %min3A_209, %mul3A_218 : i32
      %add3A_220 = arith.constant 20480 : i32
      %add3A_221 = arith.addi %mul3A_219, %add3A_220 : i32
      %dma_start3A_222 = arith.constant 20480 : i32
      %dma_start3A_223 = tpu.memref_slice %arg7[%dma_start3A_222] : memref<40960xf32, #tpu.memory_space<vmem>> -> memref<20480xf32, #tpu.memory_space<vmem>>
      %dma_start3A_224 = tpu.memref_slice %arg2[%add3A_221] : memref<40960000xf32, #tpu.memory_space<hbm>> -> memref<20480xf32, #tpu.memory_space<hbm>>
      %dma_start3A_225 = arith.constant 20480 : i32
      %dma_start3A_226 = tpu.memref_slice %arg7[%dma_start3A_225] : memref<40960xf32, #tpu.memory_space<vmem>> -> memref<20480xf32, #tpu.memory_space<vmem>>
      %dma_start3A_227 = tpu.memref_slice %arg2[%add3A_221] : memref<40960000xf32, #tpu.memory_space<hbm>> -> memref<20480xf32, #tpu.memory_space<hbm>>
      tpu.enqueue_dma source(%dma_start3A_227 : memref<20480xf32, #tpu.memory_space<hbm>>) target(%dma_start3A_226 : memref<20480xf32, #tpu.memory_space<vmem>>) target_semaphore(%arg13 : memref<!tpu.dma_semaphore, #tpu.memory_space<semaphore_mem>>)
      %dma_start3A_228 = arith.constant 0 : i32
      %dma_start3A_229 = tpu.memref_slice %arg9[%dma_start3A_228] : memref<336xi32, #tpu.memory_space<vmem>> -> memref<320xi32, #tpu.memory_space<vmem>>
      %dma_start3A_230 = tpu.memref_slice %arg3[%min3A_209] : memref<320000xi32, #tpu.memory_space<hbm>> -> memref<320xi32, #tpu.memory_space<hbm>>
      %dma_start3A_231 = arith.constant 0 : i32
      %dma_start3A_232 = tpu.memref_slice %arg9[%dma_start3A_231] : memref<336xi32, #tpu.memory_space<vmem>> -> memref<320xi32, #tpu.memory_space<vmem>>
      %dma_start3A_233 = tpu.memref_slice %arg3[%min3A_209] : memref<320000xi32, #tpu.memory_space<hbm>> -> memref<320xi32, #tpu.memory_space<hbm>>
      tpu.enqueue_dma source(%dma_start3A_233 : memref<320xi32, #tpu.memory_space<hbm>>) target(%dma_start3A_232 : memref<320xi32, #tpu.memory_space<vmem>>) target_semaphore(%arg15 : memref<!tpu.dma_semaphore, #tpu.memory_space<semaphore_mem>>)
      %dma_wait3A_234 = arith.constant 0 : i32
      %dma_wait3A_235 = tpu.memref_slice %arg2[%dma_wait3A_234] : memref<40960000xf32, #tpu.memory_space<hbm>> -> memref<40960xf32, #tpu.memory_space<hbm>>
      %dma_wait3A_236 = arith.constant 0 : i32
      %dma_wait3A_237 = tpu.memref_slice %arg2[%dma_wait3A_236] : memref<40960000xf32, #tpu.memory_space<hbm>> -> memref<40960xf32, #tpu.memory_space<hbm>>
      tpu.wait_dma2 semaphore(%arg12 : memref<!tpu.dma_semaphore, #tpu.memory_space<semaphore_mem>>) src(%dma_wait3A_237 : memref<40960xf32, #tpu.memory_space<hbm>>) dst(%arg6 : memref<40960xf32, #tpu.memory_space<vmem>>)
      %dma_wait3A_238 = arith.constant 0 : i32
      %dma_wait3A_239 = tpu.memref_slice %arg8[%dma_wait3A_238] : memref<336xi32, #tpu.memory_space<vmem>> -> memref<320xi32, #tpu.memory_space<vmem>>
      %dma_wait3A_240 = arith.constant 0 : i32
      %dma_wait3A_241 = tpu.memref_slice %arg3[%dma_wait3A_240] : memref<320000xi32, #tpu.memory_space<hbm>> -> memref<320xi32, #tpu.memory_space<hbm>>
      %dma_wait3A_242 = arith.constant 0 : i32
      %dma_wait3A_243 = tpu.memref_slice %arg8[%dma_wait3A_242] : memref<336xi32, #tpu.memory_space<vmem>> -> memref<320xi32, #tpu.memory_space<vmem>>
      %dma_wait3A_244 = arith.constant 0 : i32
      %dma_wait3A_245 = tpu.memref_slice %arg3[%dma_wait3A_244] : memref<320000xi32, #tpu.memory_space<hbm>> -> memref<320xi32, #tpu.memory_space<hbm>>
      tpu.wait_dma2 semaphore(%arg14 : memref<!tpu.dma_semaphore, #tpu.memory_space<semaphore_mem>>) src(%dma_wait3A_245 : memref<320xi32, #tpu.memory_space<hbm>>) dst(%dma_wait3A_243 : memref<320xi32, #tpu.memory_space<vmem>>)
      %mul3A_246 = arith.constant 320 : i32
      %mul3A_247 = arith.muli %mul3A_202, %mul3A_246 : i32
      %add3A_248 = arith.addi %mul3A_59, %mul3A_247 : i32
      %mul3A_249 = arith.constant 320 : i32
      %mul3A_250 = arith.muli %mul3A_202, %mul3A_249 : i32
      %add3A_251 = arith.addi %mul3A_59, %mul3A_250 : i32
      %min3A_252 = arith.constant 319680 : i32
      %min3A_253 = arith.minsi %add3A_251, %min3A_252 : i32
      %min3A_254 = arith.minsi %add3A_248, %squeeze3A_41 : i32
      %max3A = arith.maxsi %squeeze3A, %min3A_254 : i32
      %sub3A_255 = arith.subi %max3A, %min3A_253 : i32
      %add3A_256 = arith.constant 320 : i32
      %add3A_257 = arith.addi %add3A_248, %add3A_256 : i32
      %min3A_258 = arith.minsi %squeeze3A_41, %add3A_257 : i32
      %sub3A_259 = arith.subi %min3A_258, %min3A_253 : i32
      %get3A_260 = arith.index_cast %sub3A_255 : i32 to index
      %get3A_261 = tpu.vector_load %arg8[%get3A_260] {strides = array<i32>} : memref<336xi32, #tpu.memory_space<vmem>>, vector<16xi32>,
      %broadcast_in_dim3A_262 = arith.constant 0 : i32
      %broadcast_in_dim3A_263 = vector.broadcast %broadcast_in_dim3A_262 : i32 to vector<16x1xi32>
      %gather3A = vector.shape_cast %broadcast_in_dim3A_263 : vector<16x1xi32> to vector<16xi32>
      %gather3A_264 = tpu.dynamic_gather %get3A_261[%gather3A] in [0] : vector<16xi32>, vector<16xi32> -> vector<16xi32>
      %sub3A_265 = arith.subi %gather3A_264, %broadcast_in_dim3A_28 : vector<16xi32>
      %sub3A_266 = arith.subi %sub3A_259, %sub3A_255 : i32
      %add3A_267 = arith.constant 3 : i32
      %add3A_268 = arith.addi %sub3A_266, %add3A_267 : i32
      %jit3A_269 = arith.constant 4 : i32
      %div3A_270 = arith.divsi %add3A_268, %jit3A_269 : i32
      %sign3A_271 = arith.constant 0 : i32
      %sign3A_272 = arith.cmpi sgt, %add3A_268, %sign3A_271 : i32
      %sign3A_273 = arith.extui %sign3A_272 : i1 to i32
      %sign3A_274 = arith.constant 0 : i32
      %sign3A_275 = arith.cmpi slt, %add3A_268, %sign3A_274 : i32
      %sign3A_276 = arith.extui %sign3A_275 : i1 to i32
      %sign3A_277 = arith.subi %sign3A_273, %sign3A_276 : i32
      %sign3A_278 = arith.constant 0 : i32
      %sign3A_279 = arith.cmpi sgt, %jit3A_269, %sign3A_278 : i32
      %sign3A_280 = arith.extui %sign3A_279 : i1 to i32
      %sign3A_281 = arith.constant 0 : i32
      %sign3A_282 = arith.cmpi slt, %jit3A_269, %sign3A_281 : i32
      %sign3A_283 = arith.extui %sign3A_282 : i1 to i32
      %sign3A_284 = arith.subi %sign3A_280, %sign3A_283 : i32
      %ne3A_285 = arith.cmpi ne, %sign3A_277, %sign3A_284 : i32
      %rem3A_286 = arith.remsi %add3A_268, %jit3A_269 : i32
      %ne3A_287 = arith.constant 0 : i32
      %ne3A_288 = arith.cmpi ne, %rem3A_286, %ne3A_287 : i32
      %and3A_289 = arith.andi %ne3A_285, %ne3A_288 : i1
      %sub3A_290 = arith.constant 1 : i32
      %sub3A_291 = arith.subi %div3A_270, %sub3A_290 : i32
      %select_n3A_292 = arith.select %and3A_289, %sub3A_291, %div3A_270 : i32
      %while3A_293 = arith.constant 0 : i32
      %while3A_294 = arith.subi %select_n3A_292, %while3A_293 : i32
      %while3A_295 = arith.addi %while3A_293, %while3A_294 : i32
      %while3A_296 = arith.constant 1 : i32
      %while3A_297 = arith.divsi %while3A_294, %while3A_296 : i32
      %while3A_298 = arith.muli %while3A_297, %while3A_296 : i32
      %while3A_299 = arith.addi %while3A_293, %while3A_298 : i32
      %while3A_300 = arith.constant 1 : i32
      %while3A_301:12 = scf.for %while3A_415 = %while3A_293 to %while3A_299 step %while3A_300 iter_args(%while3A_416 = %while3A_191, %while3A_417 = %while3A_192, %while3A_418 = %gather3A_264, %while3A_419 = %sub3A_265, %while3A_420 = %while3A_193, %while3A_421 = %while3A_194, %while3A_422 = %while3A_195, %while3A_423 = %while3A_196, %while3A_424 = %while3A_197, %while3A_425 = %while3A_198, %while3A_426 = %while3A_199, %while3A_427 = %while3A_200) -> (vector<16xi32>, vector<16xi32>, vector<16xi32>, vector<16xi32>, vector<16xf32>, vector<16xf32>, vector<16xf32>, vector<16xf32>, vector<16xf32>, vector<16xf32>, vector<16xf32>, vector<16xf32>)  : i32 {
        %mul3A_428 = arith.constant 4 : i32
        %mul3A_429 = arith.muli %mul3A_428, %while3A_415 : i32
        %add3A_430 = arith.addi %sub3A_255, %mul3A_429 : i32
        %mul3A_431 = arith.constant 128 : i32
        %mul3A_432 = arith.muli %add3A_430, %mul3A_431 : i32
        %add3A_433 = arith.constant 0 : i32
        %add3A_434 = arith.addi %mul3A_432, %add3A_433 : i32
        %get3A_435 = arith.index_cast %add3A_434 : i32 to index
        %get3A_436 = tpu.vector_load %arg6[%get3A_435] {strides = array<i32>} : memref<40960xf32, #tpu.memory_space<vmem>>, vector<16xf32>,
        %mul3A_437 = arith.constant 128 : i32
        %mul3A_438 = arith.muli %add3A_430, %mul3A_437 : i32
        %add3A_439 = arith.constant 16 : i32
        %add3A_440 = arith.addi %mul3A_438, %add3A_439 : i32
        %get3A_441 = arith.index_cast %add3A_440 : i32 to index
        %get3A_442 = tpu.vector_load %arg6[%get3A_441] {strides = array<i32>} : memref<40960xf32, #tpu.memory_space<vmem>>, vector<16xf32>,
        %mul3A_443 = arith.constant 128 : i32
        %mul3A_444 = arith.muli %add3A_430, %mul3A_443 : i32
        %add3A_445 = arith.constant 32 : i32
        %add3A_446 = arith.addi %mul3A_444, %add3A_445 : i32
        %get3A_447 = arith.index_cast %add3A_446 : i32 to index
        %get3A_448 = tpu.vector_load %arg6[%get3A_447] {strides = array<i32>} : memref<40960xf32, #tpu.memory_space<vmem>>, vector<16xf32>,
        %mul3A_449 = arith.constant 128 : i32
        %mul3A_450 = arith.muli %add3A_430, %mul3A_449 : i32
        %add3A_451 = arith.constant 48 : i32
        %add3A_452 = arith.addi %mul3A_450, %add3A_451 : i32
        %get3A_453 = arith.index_cast %add3A_452 : i32 to index
        %get3A_454 = tpu.vector_load %arg6[%get3A_453] {strides = array<i32>} : memref<40960xf32, #tpu.memory_space<vmem>>, vector<16xf32>,
        %mul3A_455 = arith.constant 128 : i32
        %mul3A_456 = arith.muli %add3A_430, %mul3A_455 : i32
        %add3A_457 = arith.constant 64 : i32
        %add3A_458 = arith.addi %mul3A_456, %add3A_457 : i32
        %get3A_459 = arith.index_cast %add3A_458 : i32 to index
        %get3A_460 = tpu.vector_load %arg6[%get3A_459] {strides = array<i32>} : memref<40960xf32, #tpu.memory_space<vmem>>, vector<16xf32>,
        %mul3A_461 = arith.constant 128 : i32
        %mul3A_462 = arith.muli %add3A_430, %mul3A_461 : i32
        %add3A_463 = arith.constant 80 : i32
        %add3A_464 = arith.addi %mul3A_462, %add3A_463 : i32
        %get3A_465 = arith.index_cast %add3A_464 : i32 to index
        %get3A_466 = tpu.vector_load %arg6[%get3A_465] {strides = array<i32>} : memref<40960xf32, #tpu.memory_space<vmem>>, vector<16xf32>,
        %mul3A_467 = arith.constant 128 : i32
        %mul3A_468 = arith.muli %add3A_430, %mul3A_467 : i32
        %add3A_469 = arith.constant 96 : i32
        %add3A_470 = arith.addi %mul3A_468, %add3A_469 : i32
        %get3A_471 = arith.index_cast %add3A_470 : i32 to index
        %get3A_472 = tpu.vector_load %arg6[%get3A_471] {strides = array<i32>} : memref<40960xf32, #tpu.memory_space<vmem>>, vector<16xf32>,
        %mul3A_473 = arith.constant 128 : i32
        %mul3A_474 = arith.muli %add3A_430, %mul3A_473 : i32
        %add3A_475 = arith.constant 112 : i32
        %add3A_476 = arith.addi %mul3A_474, %add3A_475 : i32
        %get3A_477 = arith.index_cast %add3A_476 : i32 to index
        %get3A_478 = tpu.vector_load %arg6[%get3A_477] {strides = array<i32>} : memref<40960xf32, #tpu.memory_space<vmem>>, vector<16xf32>,
        %ne3A_479 = arith.cmpi ne, %while3A_418, %while3A_416 : vector<16xi32>
        tpu.vector_store_idx %arg10[%while3A_417, %add3A_6], %while3A_420 masked %ne3A_479 : memref<329x128xf32, #tpu.memory_space<vmem>>[vector<16xi32>, vector<16xi32>], vector<16xf32>, vector<16xi1>
        tpu.vector_store_idx %arg10[%while3A_417, %add3A_9], %while3A_421 masked %ne3A_479 : memref<329x128xf32, #tpu.memory_space<vmem>>[vector<16xi32>, vector<16xi32>], vector<16xf32>, vector<16xi1>
        tpu.vector_store_idx %arg10[%while3A_417, %add3A_12], %while3A_422 masked %ne3A_479 : memref<329x128xf32, #tpu.memory_space<vmem>>[vector<16xi32>, vector<16xi32>], vector<16xf32>, vector<16xi1>
        tpu.vector_store_idx %arg10[%while3A_417, %add3A_15], %while3A_423 masked %ne3A_479 : memref<329x128xf32, #tpu.memory_space<vmem>>[vector<16xi32>, vector<16xi32>], vector<16xf32>, vector<16xi1>
        tpu.vector_store_idx %arg10[%while3A_417, %add3A_18], %while3A_424 masked %ne3A_479 : memref<329x128xf32, #tpu.memory_space<vmem>>[vector<16xi32>, vector<16xi32>], vector<16xf32>, vector<16xi1>
        tpu.vector_store_idx %arg10[%while3A_417, %add3A_21], %while3A_425 masked %ne3A_479 : memref<329x128xf32, #tpu.memory_space<vmem>>[vector<16xi32>, vector<16xi32>], vector<16xf32>, vector<16xi1>
        tpu.vector_store_idx %arg10[%while3A_417, %add3A_24], %while3A_426 masked %ne3A_479 : memref<329x128xf32, #tpu.memory_space<vmem>>[vector<16xi32>, vector<16xi32>], vector<16xf32>, vector<16xi1>
        tpu.vector_store_idx %arg10[%while3A_417, %add3A_27], %while3A_427 masked %ne3A_479 : memref<329x128xf32, #tpu.memory_space<vmem>>[vector<16xi32>, vector<16xi32>], vector<16xf32>, vector<16xi1>
        %max3A_480 = arith.maximumf %while3A_420, %get3A_436 : vector<16xf32>
        %select_n3A_481 = arith.select %ne3A_479, %get3A_436, %max3A_480 : vector<16xi1>, vector<16xf32>
        %max3A_482 = arith.maximumf %while3A_421, %get3A_442 : vector<16xf32>
        %select_n3A_483 = arith.select %ne3A_479, %get3A_442, %max3A_482 : vector<16xi1>, vector<16xf32>
        %max3A_484 = arith.maximumf %while3A_422, %get3A_448 : vector<16xf32>
        %select_n3A_485 = arith.select %ne3A_479, %get3A_448, %max3A_484 : vector<16xi1>, vector<16xf32>
        %max3A_486 = arith.maximumf %while3A_423, %get3A_454 : vector<16xf32>
        %select_n3A_487 = arith.select %ne3A_479, %get3A_454, %max3A_486 : vector<16xi1>, vector<16xf32>
        %max3A_488 = arith.maximumf %while3A_424, %get3A_460 : vector<16xf32>
        %select_n3A_489 = arith.select %ne3A_479, %get3A_460, %max3A_488 : vector<16xi1>, vector<16xf32>
        %max3A_490 = arith.maximumf %while3A_425, %get3A_466 : vector<16xf32>
        %select_n3A_491 = arith.select %ne3A_479, %get3A_466, %max3A_490 : vector<16xi1>, vector<16xf32>
        %max3A_492 = arith.maximumf %while3A_426, %get3A_472 : vector<16xf32>
        %select_n3A_493 = arith.select %ne3A_479, %get3A_472, %max3A_492 : vector<16xi1>, vector<16xf32>
        %max3A_494 = arith.maximumf %while3A_427, %get3A_478 : vector<16xf32>
        %select_n3A_495 = arith.select %ne3A_479, %get3A_478, %max3A_494 : vector<16xi1>, vector<16xf32>
        %add3A_496 = arith.constant 1 : i32
        %add3A_497 = arith.addi %add3A_430, %add3A_496 : i32
        %sub3A_498 = arith.constant 1 : i32
        %sub3A_499 = arith.subi %sub3A_259, %sub3A_498 : i32
        %min3A_500 = arith.minsi %add3A_497, %sub3A_499 : i32
        %get3A_501 = arith.index_cast %min3A_500 : i32 to index
        %get3A_502 = tpu.vector_load %arg8[%get3A_501] {strides = array<i32>} : memref<336xi32, #tpu.memory_space<vmem>>, vector<16xi32>,
        %broadcast_in_dim3A_503 = arith.constant 0 : i32
        %broadcast_in_dim3A_504 = vector.broadcast %broadcast_in_dim3A_503 : i32 to vector<16x1xi32>
        %gather3A_505 = vector.shape_cast %broadcast_in_dim3A_504 : vector<16x1xi32> to vector<16xi32>
        %gather3A_506 = tpu.dynamic_gather %get3A_502[%gather3A_505] in [0] : vector<16xi32>, vector<16xi32> -> vector<16xi32>
        %sub3A_507 = arith.subi %gather3A_506, %broadcast_in_dim3A_28 : vector<16xi32>
        %mul3A_508 = arith.constant 128 : i32
        %mul3A_509 = arith.muli %min3A_500, %mul3A_508 : i32
        %add3A_510 = arith.constant 0 : i32
        %add3A_511 = arith.addi %mul3A_509, %add3A_510 : i32
        %get3A_512 = arith.index_cast %add3A_511 : i32 to index
        %get3A_513 = tpu.vector_load %arg6[%get3A_512] {strides = array<i32>} : memref<40960xf32, #tpu.memory_space<vmem>>, vector<16xf32>,
        %mul3A_514 = arith.constant 128 : i32
        %mul3A_515 = arith.muli %min3A_500, %mul3A_514 : i32
        %add3A_516 = arith.constant 16 : i32
        %add3A_517 = arith.addi %mul3A_515, %add3A_516 : i32
        %get3A_518 = arith.index_cast %add3A_517 : i32 to index
        %get3A_519 = tpu.vector_load %arg6[%get3A_518] {strides = array<i32>} : memref<40960xf32, #tpu.memory_space<vmem>>, vector<16xf32>,
        %mul3A_520 = arith.constant 128 : i32
        %mul3A_521 = arith.muli %min3A_500, %mul3A_520 : i32
        %add3A_522 = arith.constant 32 : i32
        %add3A_523 = arith.addi %mul3A_521, %add3A_522 : i32
        %get3A_524 = arith.index_cast %add3A_523 : i32 to index
        %get3A_525 = tpu.vector_load %arg6[%get3A_524] {strides = array<i32>} : memref<40960xf32, #tpu.memory_space<vmem>>, vector<16xf32>,
        %mul3A_526 = arith.constant 128 : i32
        %mul3A_527 = arith.muli %min3A_500, %mul3A_526 : i32
        %add3A_528 = arith.constant 48 : i32
        %add3A_529 = arith.addi %mul3A_527, %add3A_528 : i32
        %get3A_530 = arith.index_cast %add3A_529 : i32 to index
        %get3A_531 = tpu.vector_load %arg6[%get3A_530] {strides = array<i32>} : memref<40960xf32, #tpu.memory_space<vmem>>, vector<16xf32>,
        %mul3A_532 = arith.constant 128 : i32
        %mul3A_533 = arith.muli %min3A_500, %mul3A_532 : i32
        %add3A_534 = arith.constant 64 : i32
        %add3A_535 = arith.addi %mul3A_533, %add3A_534 : i32
        %get3A_536 = arith.index_cast %add3A_535 : i32 to index
        %get3A_537 = tpu.vector_load %arg6[%get3A_536] {strides = array<i32>} : memref<40960xf32, #tpu.memory_space<vmem>>, vector<16xf32>,
        %mul3A_538 = arith.constant 128 : i32
        %mul3A_539 = arith.muli %min3A_500, %mul3A_538 : i32
        %add3A_540 = arith.constant 80 : i32
        %add3A_541 = arith.addi %mul3A_539, %add3A_540 : i32
        %get3A_542 = arith.index_cast %add3A_541 : i32 to index
        %get3A_543 = tpu.vector_load %arg6[%get3A_542] {strides = array<i32>} : memref<40960xf32, #tpu.memory_space<vmem>>, vector<16xf32>,
        %mul3A_544 = arith.constant 128 : i32
        %mul3A_545 = arith.muli %min3A_500, %mul3A_544 : i32
        %add3A_546 = arith.constant 96 : i32
        %add3A_547 = arith.addi %mul3A_545, %add3A_546 : i32
        %get3A_548 = arith.index_cast %add3A_547 : i32 to index
        %get3A_549 = tpu.vector_load %arg6[%get3A_548] {strides = array<i32>} : memref<40960xf32, #tpu.memory_space<vmem>>, vector<16xf32>,
        %mul3A_550 = arith.constant 128 : i32
        %mul3A_551 = arith.muli %min3A_500, %mul3A_550 : i32
        %add3A_552 = arith.constant 112 : i32
        %add3A_553 = arith.addi %mul3A_551, %add3A_552 : i32
        %get3A_554 = arith.index_cast %add3A_553 : i32 to index
        %get3A_555 = tpu.vector_load %arg6[%get3A_554] {strides = array<i32>} : memref<40960xf32, #tpu.memory_space<vmem>>, vector<16xf32>,
        %ne3A_556 = arith.cmpi ne, %gather3A_506, %while3A_418 : vector<16xi32>
        tpu.vector_store_idx %arg10[%while3A_419, %add3A_6], %select_n3A_481 masked %ne3A_556 : memref<329x128xf32, #tpu.memory_space<vmem>>[vector<16xi32>, vector<16xi32>], vector<16xf32>, vector<16xi1>
        tpu.vector_store_idx %arg10[%while3A_419, %add3A_9], %select_n3A_483 masked %ne3A_556 : memref<329x128xf32, #tpu.memory_space<vmem>>[vector<16xi32>, vector<16xi32>], vector<16xf32>, vector<16xi1>
        tpu.vector_store_idx %arg10[%while3A_419, %add3A_12], %select_n3A_485 masked %ne3A_556 : memref<329x128xf32, #tpu.memory_space<vmem>>[vector<16xi32>, vector<16xi32>], vector<16xf32>, vector<16xi1>
        tpu.vector_store_idx %arg10[%while3A_419, %add3A_15], %select_n3A_487 masked %ne3A_556 : memref<329x128xf32, #tpu.memory_space<vmem>>[vector<16xi32>, vector<16xi32>], vector<16xf32>, vector<16xi1>
        tpu.vector_store_idx %arg10[%while3A_419, %add3A_18], %select_n3A_489 masked %ne3A_556 : memref<329x128xf32, #tpu.memory_space<vmem>>[vector<16xi32>, vector<16xi32>], vector<16xf32>, vector<16xi1>
        tpu.vector_store_idx %arg10[%while3A_419, %add3A_21], %select_n3A_491 masked %ne3A_556 : memref<329x128xf32, #tpu.memory_space<vmem>>[vector<16xi32>, vector<16xi32>], vector<16xf32>, vector<16xi1>
        tpu.vector_store_idx %arg10[%while3A_419, %add3A_24], %select_n3A_493 masked %ne3A_556 : memref<329x128xf32, #tpu.memory_space<vmem>>[vector<16xi32>, vector<16xi32>], vector<16xf32>, vector<16xi1>
        tpu.vector_store_idx %arg10[%while3A_419, %add3A_27], %select_n3A_495 masked %ne3A_556 : memref<329x128xf32, #tpu.memory_space<vmem>>[vector<16xi32>, vector<16xi32>], vector<16xf32>, vector<16xi1>
        %max3A_557 = arith.maximumf %select_n3A_481, %get3A_513 : vector<16xf32>
        %select_n3A_558 = arith.select %ne3A_556, %get3A_513, %max3A_557 : vector<16xi1>, vector<16xf32>
        %max3A_559 = arith.maximumf %select_n3A_483, %get3A_519 : vector<16xf32>
        %select_n3A_560 = arith.select %ne3A_556, %get3A_519, %max3A_559 : vector<16xi1>, vector<16xf32>
        %max3A_561 = arith.maximumf %select_n3A_485, %get3A_525 : vector<16xf32>
        %select_n3A_562 = arith.select %ne3A_556, %get3A_525, %max3A_561 : vector<16xi1>, vector<16xf32>
        %max3A_563 = arith.maximumf %select_n3A_487, %get3A_531 : vector<16xf32>
        %select_n3A_564 = arith.select %ne3A_556, %get3A_531, %max3A_563 : vector<16xi1>, vector<16xf32>
        %max3A_565 = arith.maximumf %select_n3A_489, %get3A_537 : vector<16xf32>
        %select_n3A_566 = arith.select %ne3A_556, %get3A_537, %max3A_565 : vector<16xi1>, vector<16xf32>
        %max3A_567 = arith.maximumf %select_n3A_491, %get3A_543 : vector<16xf32>
        %select_n3A_568 = arith.select %ne3A_556, %get3A_543, %max3A_567 : vector<16xi1>, vector<16xf32>
        %max3A_569 = arith.maximumf %select_n3A_493, %get3A_549 : vector<16xf32>
        %select_n3A_570 = arith.select %ne3A_556, %get3A_549, %max3A_569 : vector<16xi1>, vector<16xf32>
        %max3A_571 = arith.maximumf %select_n3A_495, %get3A_555 : vector<16xf32>
        %select_n3A_572 = arith.select %ne3A_556, %get3A_555, %max3A_571 : vector<16xi1>, vector<16xf32>
        %add3A_573 = arith.constant 2 : i32
        %add3A_574 = arith.addi %add3A_430, %add3A_573 : i32
        %sub3A_575 = arith.constant 1 : i32
        %sub3A_576 = arith.subi %sub3A_259, %sub3A_575 : i32
        %min3A_577 = arith.minsi %add3A_574, %sub3A_576 : i32
        %get3A_578 = arith.index_cast %min3A_577 : i32 to index
        %get3A_579 = tpu.vector_load %arg8[%get3A_578] {strides = array<i32>} : memref<336xi32, #tpu.memory_space<vmem>>, vector<16xi32>,
        %broadcast_in_dim3A_580 = arith.constant 0 : i32
        %broadcast_in_dim3A_581 = vector.broadcast %broadcast_in_dim3A_580 : i32 to vector<16x1xi32>
        %gather3A_582 = vector.shape_cast %broadcast_in_dim3A_581 : vector<16x1xi32> to vector<16xi32>
        %gather3A_583 = tpu.dynamic_gather %get3A_579[%gather3A_582] in [0] : vector<16xi32>, vector<16xi32> -> vector<16xi32>
        %sub3A_584 = arith.subi %gather3A_583, %broadcast_in_dim3A_28 : vector<16xi32>
        %mul3A_585 = arith.constant 128 : i32
        %mul3A_586 = arith.muli %min3A_577, %mul3A_585 : i32
        %add3A_587 = arith.constant 0 : i32
        %add3A_588 = arith.addi %mul3A_586, %add3A_587 : i32
        %get3A_589 = arith.index_cast %add3A_588 : i32 to index
        %get3A_590 = tpu.vector_load %arg6[%get3A_589] {strides = array<i32>} : memref<40960xf32, #tpu.memory_space<vmem>>, vector<16xf32>,
        %mul3A_591 = arith.constant 128 : i32
        %mul3A_592 = arith.muli %min3A_577, %mul3A_591 : i32
        %add3A_593 = arith.constant 16 : i32
        %add3A_594 = arith.addi %mul3A_592, %add3A_593 : i32
        %get3A_595 = arith.index_cast %add3A_594 : i32 to index
        %get3A_596 = tpu.vector_load %arg6[%get3A_595] {strides = array<i32>} : memref<40960xf32, #tpu.memory_space<vmem>>, vector<16xf32>,
        %mul3A_597 = arith.constant 128 : i32
        %mul3A_598 = arith.muli %min3A_577, %mul3A_597 : i32
        %add3A_599 = arith.constant 32 : i32
        %add3A_600 = arith.addi %mul3A_598, %add3A_599 : i32
        %get3A_601 = arith.index_cast %add3A_600 : i32 to index
        %get3A_602 = tpu.vector_load %arg6[%get3A_601] {strides = array<i32>} : memref<40960xf32, #tpu.memory_space<vmem>>, vector<16xf32>,
        %mul3A_603 = arith.constant 128 : i32
        %mul3A_604 = arith.muli %min3A_577, %mul3A_603 : i32
        %add3A_605 = arith.constant 48 : i32
        %add3A_606 = arith.addi %mul3A_604, %add3A_605 : i32
        %get3A_607 = arith.index_cast %add3A_606 : i32 to index
        %get3A_608 = tpu.vector_load %arg6[%get3A_607] {strides = array<i32>} : memref<40960xf32, #tpu.memory_space<vmem>>, vector<16xf32>,
        %mul3A_609 = arith.constant 128 : i32
        %mul3A_610 = arith.muli %min3A_577, %mul3A_609 : i32
        %add3A_611 = arith.constant 64 : i32
        %add3A_612 = arith.addi %mul3A_610, %add3A_611 : i32
        %get3A_613 = arith.index_cast %add3A_612 : i32 to index
        %get3A_614 = tpu.vector_load %arg6[%get3A_613] {strides = array<i32>} : memref<40960xf32, #tpu.memory_space<vmem>>, vector<16xf32>,
        %mul3A_615 = arith.constant 128 : i32
        %mul3A_616 = arith.muli %min3A_577, %mul3A_615 : i32
        %add3A_617 = arith.constant 80 : i32
        %add3A_618 = arith.addi %mul3A_616, %add3A_617 : i32
        %get3A_619 = arith.index_cast %add3A_618 : i32 to index
        %get3A_620 = tpu.vector_load %arg6[%get3A_619] {strides = array<i32>} : memref<40960xf32, #tpu.memory_space<vmem>>, vector<16xf32>,
        %mul3A_621 = arith.constant 128 : i32
        %mul3A_622 = arith.muli %min3A_577, %mul3A_621 : i32
        %add3A_623 = arith.constant 96 : i32
        %add3A_624 = arith.addi %mul3A_622, %add3A_623 : i32
        %get3A_625 = arith.index_cast %add3A_624 : i32 to index
        %get3A_626 = tpu.vector_load %arg6[%get3A_625] {strides = array<i32>} : memref<40960xf32, #tpu.memory_space<vmem>>, vector<16xf32>,
        %mul3A_627 = arith.constant 128 : i32
        %mul3A_628 = arith.muli %min3A_577, %mul3A_627 : i32
        %add3A_629 = arith.constant 112 : i32
        %add3A_630 = arith.addi %mul3A_628, %add3A_629 : i32
        %get3A_631 = arith.index_cast %add3A_630 : i32 to index
        %get3A_632 = tpu.vector_load %arg6[%get3A_631] {strides = array<i32>} : memref<40960xf32, #tpu.memory_space<vmem>>, vector<16xf32>,
        %ne3A_633 = arith.cmpi ne, %gather3A_583, %gather3A_506 : vector<16xi32>
        tpu.vector_store_idx %arg10[%sub3A_507, %add3A_6], %select_n3A_558 masked %ne3A_633 : memref<329x128xf32, #tpu.memory_space<vmem>>[vector<16xi32>, vector<16xi32>], vector<16xf32>, vector<16xi1>
        tpu.vector_store_idx %arg10[%sub3A_507, %add3A_9], %select_n3A_560 masked %ne3A_633 : memref<329x128xf32, #tpu.memory_space<vmem>>[vector<16xi32>, vector<16xi32>], vector<16xf32>, vector<16xi1>
        tpu.vector_store_idx %arg10[%sub3A_507, %add3A_12], %select_n3A_562 masked %ne3A_633 : memref<329x128xf32, #tpu.memory_space<vmem>>[vector<16xi32>, vector<16xi32>], vector<16xf32>, vector<16xi1>
        tpu.vector_store_idx %arg10[%sub3A_507, %add3A_15], %select_n3A_564 masked %ne3A_633 : memref<329x128xf32, #tpu.memory_space<vmem>>[vector<16xi32>, vector<16xi32>], vector<16xf32>, vector<16xi1>
        tpu.vector_store_idx %arg10[%sub3A_507, %add3A_18], %select_n3A_566 masked %ne3A_633 : memref<329x128xf32, #tpu.memory_space<vmem>>[vector<16xi32>, vector<16xi32>], vector<16xf32>, vector<16xi1>
        tpu.vector_store_idx %arg10[%sub3A_507, %add3A_21], %select_n3A_568 masked %ne3A_633 : memref<329x128xf32, #tpu.memory_space<vmem>>[vector<16xi32>, vector<16xi32>], vector<16xf32>, vector<16xi1>
        tpu.vector_store_idx %arg10[%sub3A_507, %add3A_24], %select_n3A_570 masked %ne3A_633 : memref<329x128xf32, #tpu.memory_space<vmem>>[vector<16xi32>, vector<16xi32>], vector<16xf32>, vector<16xi1>
        tpu.vector_store_idx %arg10[%sub3A_507, %add3A_27], %select_n3A_572 masked %ne3A_633 : memref<329x128xf32, #tpu.memory_space<vmem>>[vector<16xi32>, vector<16xi32>], vector<16xf32>, vector<16xi1>
        %max3A_634 = arith.maximumf %select_n3A_558, %get3A_590 : vector<16xf32>
        %select_n3A_635 = arith.select %ne3A_633, %get3A_590, %max3A_634 : vector<16xi1>, vector<16xf32>
        %max3A_636 = arith.maximumf %select_n3A_560, %get3A_596 : vector<16xf32>
        %select_n3A_637 = arith.select %ne3A_633, %get3A_596, %max3A_636 : vector<16xi1>, vector<16xf32>
        %max3A_638 = arith.maximumf %select_n3A_562, %get3A_602 : vector<16xf32>
        %select_n3A_639 = arith.select %ne3A_633, %get3A_602, %max3A_638 : vector<16xi1>, vector<16xf32>
        %max3A_640 = arith.maximumf %select_n3A_564, %get3A_608 : vector<16xf32>
        %select_n3A_641 = arith.select %ne3A_633, %get3A_608, %max3A_640 : vector<16xi1>, vector<16xf32>
        %max3A_642 = arith.maximumf %select_n3A_566, %get3A_614 : vector<16xf32>
        %select_n3A_643 = arith.select %ne3A_633, %get3A_614, %max3A_642 : vector<16xi1>, vector<16xf32>
        %max3A_644 = arith.maximumf %select_n3A_568, %get3A_620 : vector<16xf32>
        %select_n3A_645 = arith.select %ne3A_633, %get3A_620, %max3A_644 : vector<16xi1>, vector<16xf32>
        %max3A_646 = arith.maximumf %select_n3A_570, %get3A_626 : vector<16xf32>
        %select_n3A_647 = arith.select %ne3A_633, %get3A_626, %max3A_646 : vector<16xi1>, vector<16xf32>
        %max3A_648 = arith.maximumf %select_n3A_572, %get3A_632 : vector<16xf32>
        %select_n3A_649 = arith.select %ne3A_633, %get3A_632, %max3A_648 : vector<16xi1>, vector<16xf32>
        %add3A_650 = arith.constant 3 : i32
        %add3A_651 = arith.addi %add3A_430, %add3A_650 : i32
        %sub3A_652 = arith.constant 1 : i32
        %sub3A_653 = arith.subi %sub3A_259, %sub3A_652 : i32
        %min3A_654 = arith.minsi %add3A_651, %sub3A_653 : i32
        %get3A_655 = arith.index_cast %min3A_654 : i32 to index
        %get3A_656 = tpu.vector_load %arg8[%get3A_655] {strides = array<i32>} : memref<336xi32, #tpu.memory_space<vmem>>, vector<16xi32>,
        %broadcast_in_dim3A_657 = arith.constant 0 : i32
        %broadcast_in_dim3A_658 = vector.broadcast %broadcast_in_dim3A_657 : i32 to vector<16x1xi32>
        %gather3A_659 = vector.shape_cast %broadcast_in_dim3A_658 : vector<16x1xi32> to vector<16xi32>
        %gather3A_660 = tpu.dynamic_gather %get3A_656[%gather3A_659] in [0] : vector<16xi32>, vector<16xi32> -> vector<16xi32>
        %sub3A_661 = arith.subi %gather3A_660, %broadcast_in_dim3A_28 : vector<16xi32>
        %mul3A_662 = arith.constant 128 : i32
        %mul3A_663 = arith.muli %min3A_654, %mul3A_662 : i32
        %add3A_664 = arith.constant 0 : i32
        %add3A_665 = arith.addi %mul3A_663, %add3A_664 : i32
        %get3A_666 = arith.index_cast %add3A_665 : i32 to index
        %get3A_667 = tpu.vector_load %arg6[%get3A_666] {strides = array<i32>} : memref<40960xf32, #tpu.memory_space<vmem>>, vector<16xf32>,
        %mul3A_668 = arith.constant 128 : i32
        %mul3A_669 = arith.muli %min3A_654, %mul3A_668 : i32
        %add3A_670 = arith.constant 16 : i32
        %add3A_671 = arith.addi %mul3A_669, %add3A_670 : i32
        %get3A_672 = arith.index_cast %add3A_671 : i32 to index
        %get3A_673 = tpu.vector_load %arg6[%get3A_672] {strides = array<i32>} : memref<40960xf32, #tpu.memory_space<vmem>>, vector<16xf32>,
        %mul3A_674 = arith.constant 128 : i32
        %mul3A_675 = arith.muli %min3A_654, %mul3A_674 : i32
        %add3A_676 = arith.constant 32 : i32
        %add3A_677 = arith.addi %mul3A_675, %add3A_676 : i32
        %get3A_678 = arith.index_cast %add3A_677 : i32 to index
        %get3A_679 = tpu.vector_load %arg6[%get3A_678] {strides = array<i32>} : memref<40960xf32, #tpu.memory_space<vmem>>, vector<16xf32>,
        %mul3A_680 = arith.constant 128 : i32
        %mul3A_681 = arith.muli %min3A_654, %mul3A_680 : i32
        %add3A_682 = arith.constant 48 : i32
        %add3A_683 = arith.addi %mul3A_681, %add3A_682 : i32
        %get3A_684 = arith.index_cast %add3A_683 : i32 to index
        %get3A_685 = tpu.vector_load %arg6[%get3A_684] {strides = array<i32>} : memref<40960xf32, #tpu.memory_space<vmem>>, vector<16xf32>,
        %mul3A_686 = arith.constant 128 : i32
        %mul3A_687 = arith.muli %min3A_654, %mul3A_686 : i32
        %add3A_688 = arith.constant 64 : i32
        %add3A_689 = arith.addi %mul3A_687, %add3A_688 : i32
        %get3A_690 = arith.index_cast %add3A_689 : i32 to index
        %get3A_691 = tpu.vector_load %arg6[%get3A_690] {strides = array<i32>} : memref<40960xf32, #tpu.memory_space<vmem>>, vector<16xf32>,
        %mul3A_692 = arith.constant 128 : i32
        %mul3A_693 = arith.muli %min3A_654, %mul3A_692 : i32
        %add3A_694 = arith.constant 80 : i32
        %add3A_695 = arith.addi %mul3A_693, %add3A_694 : i32
        %get3A_696 = arith.index_cast %add3A_695 : i32 to index
        %get3A_697 = tpu.vector_load %arg6[%get3A_696] {strides = array<i32>} : memref<40960xf32, #tpu.memory_space<vmem>>, vector<16xf32>,
        %mul3A_698 = arith.constant 128 : i32
        %mul3A_699 = arith.muli %min3A_654, %mul3A_698 : i32
        %add3A_700 = arith.constant 96 : i32
        %add3A_701 = arith.addi %mul3A_699, %add3A_700 : i32
        %get3A_702 = arith.index_cast %add3A_701 : i32 to index
        %get3A_703 = tpu.vector_load %arg6[%get3A_702] {strides = array<i32>} : memref<40960xf32, #tpu.memory_space<vmem>>, vector<16xf32>,
        %mul3A_704 = arith.constant 128 : i32
        %mul3A_705 = arith.muli %min3A_654, %mul3A_704 : i32
        %add3A_706 = arith.constant 112 : i32
        %add3A_707 = arith.addi %mul3A_705, %add3A_706 : i32
        %get3A_708 = arith.index_cast %add3A_707 : i32 to index
        %get3A_709 = tpu.vector_load %arg6[%get3A_708] {strides = array<i32>} : memref<40960xf32, #tpu.memory_space<vmem>>, vector<16xf32>,
        %ne3A_710 = arith.cmpi ne, %gather3A_660, %gather3A_583 : vector<16xi32>
        tpu.vector_store_idx %arg10[%sub3A_584, %add3A_6], %select_n3A_635 masked %ne3A_710 : memref<329x128xf32, #tpu.memory_space<vmem>>[vector<16xi32>, vector<16xi32>], vector<16xf32>, vector<16xi1>
        tpu.vector_store_idx %arg10[%sub3A_584, %add3A_9], %select_n3A_637 masked %ne3A_710 : memref<329x128xf32, #tpu.memory_space<vmem>>[vector<16xi32>, vector<16xi32>], vector<16xf32>, vector<16xi1>
        tpu.vector_store_idx %arg10[%sub3A_584, %add3A_12], %select_n3A_639 masked %ne3A_710 : memref<329x128xf32, #tpu.memory_space<vmem>>[vector<16xi32>, vector<16xi32>], vector<16xf32>, vector<16xi1>
        tpu.vector_store_idx %arg10[%sub3A_584, %add3A_15], %select_n3A_641 masked %ne3A_710 : memref<329x128xf32, #tpu.memory_space<vmem>>[vector<16xi32>, vector<16xi32>], vector<16xf32>, vector<16xi1>
        tpu.vector_store_idx %arg10[%sub3A_584, %add3A_18], %select_n3A_643 masked %ne3A_710 : memref<329x128xf32, #tpu.memory_space<vmem>>[vector<16xi32>, vector<16xi32>], vector<16xf32>, vector<16xi1>
        tpu.vector_store_idx %arg10[%sub3A_584, %add3A_21], %select_n3A_645 masked %ne3A_710 : memref<329x128xf32, #tpu.memory_space<vmem>>[vector<16xi32>, vector<16xi32>], vector<16xf32>, vector<16xi1>
        tpu.vector_store_idx %arg10[%sub3A_584, %add3A_24], %select_n3A_647 masked %ne3A_710 : memref<329x128xf32, #tpu.memory_space<vmem>>[vector<16xi32>, vector<16xi32>], vector<16xf32>, vector<16xi1>
        tpu.vector_store_idx %arg10[%sub3A_584, %add3A_27], %select_n3A_649 masked %ne3A_710 : memref<329x128xf32, #tpu.memory_space<vmem>>[vector<16xi32>, vector<16xi32>], vector<16xf32>, vector<16xi1>
        %max3A_711 = arith.maximumf %select_n3A_635, %get3A_667 : vector<16xf32>
        %select_n3A_712 = arith.select %ne3A_710, %get3A_667, %max3A_711 : vector<16xi1>, vector<16xf32>
        %max3A_713 = arith.maximumf %select_n3A_637, %get3A_673 : vector<16xf32>
        %select_n3A_714 = arith.select %ne3A_710, %get3A_673, %max3A_713 : vector<16xi1>, vector<16xf32>
        %max3A_715 = arith.maximumf %select_n3A_639, %get3A_679 : vector<16xf32>
        %select_n3A_716 = arith.select %ne3A_710, %get3A_679, %max3A_715 : vector<16xi1>, vector<16xf32>
        %max3A_717 = arith.maximumf %select_n3A_641, %get3A_685 : vector<16xf32>
        %select_n3A_718 = arith.select %ne3A_710, %get3A_685, %max3A_717 : vector<16xi1>, vector<16xf32>
        %max3A_719 = arith.maximumf %select_n3A_643, %get3A_691 : vector<16xf32>
        %select_n3A_720 = arith.select %ne3A_710, %get3A_691, %max3A_719 : vector<16xi1>, vector<16xf32>
        %max3A_721 = arith.maximumf %select_n3A_645, %get3A_697 : vector<16xf32>
        %select_n3A_722 = arith.select %ne3A_710, %get3A_697, %max3A_721 : vector<16xi1>, vector<16xf32>
        %max3A_723 = arith.maximumf %select_n3A_647, %get3A_703 : vector<16xf32>
        %select_n3A_724 = arith.select %ne3A_710, %get3A_703, %max3A_723 : vector<16xi1>, vector<16xf32>
        %max3A_725 = arith.maximumf %select_n3A_649, %get3A_709 : vector<16xf32>
        %select_n3A_726 = arith.select %ne3A_710, %get3A_709, %max3A_725 : vector<16xi1>, vector<16xf32>
        %add3A_727 = arith.constant 4 : i32
        %add3A_728 = arith.addi %add3A_430, %add3A_727 : i32
        %sub3A_729 = arith.constant 1 : i32
        %sub3A_730 = arith.subi %sub3A_259, %sub3A_729 : i32
        %min3A_731 = arith.minsi %add3A_728, %sub3A_730 : i32
        %get3A_732 = arith.index_cast %min3A_731 : i32 to index
        %get3A_733 = tpu.vector_load %arg8[%get3A_732] {strides = array<i32>} : memref<336xi32, #tpu.memory_space<vmem>>, vector<16xi32>,
        %broadcast_in_dim3A_734 = arith.constant 0 : i32
        %broadcast_in_dim3A_735 = vector.broadcast %broadcast_in_dim3A_734 : i32 to vector<16x1xi32>
        %gather3A_736 = vector.shape_cast %broadcast_in_dim3A_735 : vector<16x1xi32> to vector<16xi32>
        %gather3A_737 = tpu.dynamic_gather %get3A_733[%gather3A_736] in [0] : vector<16xi32>, vector<16xi32> -> vector<16xi32>
        %sub3A_738 = arith.subi %gather3A_737, %broadcast_in_dim3A_28 : vector<16xi32>
        scf.yield %gather3A_660, %sub3A_661, %gather3A_737, %sub3A_738, %select_n3A_712, %select_n3A_714, %select_n3A_716, %select_n3A_718, %select_n3A_720, %select_n3A_722, %select_n3A_724, %select_n3A_726 : vector<16xi32>, vector<16xi32>, vector<16xi32>, vector<16xi32>, vector<16xf32>, vector<16xf32>, vector<16xf32>, vector<16xf32>, vector<16xf32>, vector<16xf32>, vector<16xf32>, vector<16xf32>
      }
      %while3A_302 = arith.constant 1 : i32
      %while3A_303:12 = scf.for %while3A_415 = %while3A_299 to %while3A_295 step %while3A_302 iter_args(%while3A_416 = %while3A_301#0, %while3A_417 = %while3A_301#1, %while3A_418 = %while3A_301#2, %while3A_419 = %while3A_301#3, %while3A_420 = %while3A_301#4, %while3A_421 = %while3A_301#5, %while3A_422 = %while3A_301#6, %while3A_423 = %while3A_301#7, %while3A_424 = %while3A_301#8, %while3A_425 = %while3A_301#9, %while3A_426 = %while3A_301#10, %while3A_427 = %while3A_301#11) -> (vector<16xi32>, vector<16xi32>, vector<16xi32>, vector<16xi32>, vector<16xf32>, vector<16xf32>, vector<16xf32>, vector<16xf32>, vector<16xf32>, vector<16xf32>, vector<16xf32>, vector<16xf32>)  : i32 {
        %mul3A_428 = arith.constant 4 : i32
        %mul3A_429 = arith.muli %mul3A_428, %while3A_415 : i32
        %add3A_430 = arith.addi %sub3A_255, %mul3A_429 : i32
        %mul3A_431 = arith.constant 128 : i32
        %mul3A_432 = arith.muli %add3A_430, %mul3A_431 : i32
        %add3A_433 = arith.constant 0 : i32
        %add3A_434 = arith.addi %mul3A_432, %add3A_433 : i32
        %get3A_435 = arith.index_cast %add3A_434 : i32 to index
        %get3A_436 = tpu.vector_load %arg6[%get3A_435] {strides = array<i32>} : memref<40960xf32, #tpu.memory_space<vmem>>, vector<16xf32>,
        %mul3A_437 = arith.constant 128 : i32
        %mul3A_438 = arith.muli %add3A_430, %mul3A_437 : i32
        %add3A_439 = arith.constant 16 : i32
        %add3A_440 = arith.addi %mul3A_438, %add3A_439 : i32
        %get3A_441 = arith.index_cast %add3A_440 : i32 to index
        %get3A_442 = tpu.vector_load %arg6[%get3A_441] {strides = array<i32>} : memref<40960xf32, #tpu.memory_space<vmem>>, vector<16xf32>,
        %mul3A_443 = arith.constant 128 : i32
        %mul3A_444 = arith.muli %add3A_430, %mul3A_443 : i32
        %add3A_445 = arith.constant 32 : i32
        %add3A_446 = arith.addi %mul3A_444, %add3A_445 : i32
        %get3A_447 = arith.index_cast %add3A_446 : i32 to index
        %get3A_448 = tpu.vector_load %arg6[%get3A_447] {strides = array<i32>} : memref<40960xf32, #tpu.memory_space<vmem>>, vector<16xf32>,
        %mul3A_449 = arith.constant 128 : i32
        %mul3A_450 = arith.muli %add3A_430, %mul3A_449 : i32
        %add3A_451 = arith.constant 48 : i32
        %add3A_452 = arith.addi %mul3A_450, %add3A_451 : i32
        %get3A_453 = arith.index_cast %add3A_452 : i32 to index
        %get3A_454 = tpu.vector_load %arg6[%get3A_453] {strides = array<i32>} : memref<40960xf32, #tpu.memory_space<vmem>>, vector<16xf32>,
        %mul3A_455 = arith.constant 128 : i32
        %mul3A_456 = arith.muli %add3A_430, %mul3A_455 : i32
        %add3A_457 = arith.constant 64 : i32
        %add3A_458 = arith.addi %mul3A_456, %add3A_457 : i32
        %get3A_459 = arith.index_cast %add3A_458 : i32 to index
        %get3A_460 = tpu.vector_load %arg6[%get3A_459] {strides = array<i32>} : memref<40960xf32, #tpu.memory_space<vmem>>, vector<16xf32>,
        %mul3A_461 = arith.constant 128 : i32
        %mul3A_462 = arith.muli %add3A_430, %mul3A_461 : i32
        %add3A_463 = arith.constant 80 : i32
        %add3A_464 = arith.addi %mul3A_462, %add3A_463 : i32
        %get3A_465 = arith.index_cast %add3A_464 : i32 to index
        %get3A_466 = tpu.vector_load %arg6[%get3A_465] {strides = array<i32>} : memref<40960xf32, #tpu.memory_space<vmem>>, vector<16xf32>,
        %mul3A_467 = arith.constant 128 : i32
        %mul3A_468 = arith.muli %add3A_430, %mul3A_467 : i32
        %add3A_469 = arith.constant 96 : i32
        %add3A_470 = arith.addi %mul3A_468, %add3A_469 : i32
        %get3A_471 = arith.index_cast %add3A_470 : i32 to index
        %get3A_472 = tpu.vector_load %arg6[%get3A_471] {strides = array<i32>} : memref<40960xf32, #tpu.memory_space<vmem>>, vector<16xf32>,
        %mul3A_473 = arith.constant 128 : i32
        %mul3A_474 = arith.muli %add3A_430, %mul3A_473 : i32
        %add3A_475 = arith.constant 112 : i32
        %add3A_476 = arith.addi %mul3A_474, %add3A_475 : i32
        %get3A_477 = arith.index_cast %add3A_476 : i32 to index
        %get3A_478 = tpu.vector_load %arg6[%get3A_477] {strides = array<i32>} : memref<40960xf32, #tpu.memory_space<vmem>>, vector<16xf32>,
        %ne3A_479 = arith.cmpi ne, %while3A_418, %while3A_416 : vector<16xi32>
        tpu.vector_store_idx %arg10[%while3A_417, %add3A_6], %while3A_420 masked %ne3A_479 : memref<329x128xf32, #tpu.memory_space<vmem>>[vector<16xi32>, vector<16xi32>], vector<16xf32>, vector<16xi1>
        tpu.vector_store_idx %arg10[%while3A_417, %add3A_9], %while3A_421 masked %ne3A_479 : memref<329x128xf32, #tpu.memory_space<vmem>>[vector<16xi32>, vector<16xi32>], vector<16xf32>, vector<16xi1>
        tpu.vector_store_idx %arg10[%while3A_417, %add3A_12], %while3A_422 masked %ne3A_479 : memref<329x128xf32, #tpu.memory_space<vmem>>[vector<16xi32>, vector<16xi32>], vector<16xf32>, vector<16xi1>
        tpu.vector_store_idx %arg10[%while3A_417, %add3A_15], %while3A_423 masked %ne3A_479 : memref<329x128xf32, #tpu.memory_space<vmem>>[vector<16xi32>, vector<16xi32>], vector<16xf32>, vector<16xi1>
        tpu.vector_store_idx %arg10[%while3A_417, %add3A_18], %while3A_424 masked %ne3A_479 : memref<329x128xf32, #tpu.memory_space<vmem>>[vector<16xi32>, vector<16xi32>], vector<16xf32>, vector<16xi1>
        tpu.vector_store_idx %arg10[%while3A_417, %add3A_21], %while3A_425 masked %ne3A_479 : memref<329x128xf32, #tpu.memory_space<vmem>>[vector<16xi32>, vector<16xi32>], vector<16xf32>, vector<16xi1>
        tpu.vector_store_idx %arg10[%while3A_417, %add3A_24], %while3A_426 masked %ne3A_479 : memref<329x128xf32, #tpu.memory_space<vmem>>[vector<16xi32>, vector<16xi32>], vector<16xf32>, vector<16xi1>
        tpu.vector_store_idx %arg10[%while3A_417, %add3A_27], %while3A_427 masked %ne3A_479 : memref<329x128xf32, #tpu.memory_space<vmem>>[vector<16xi32>, vector<16xi32>], vector<16xf32>, vector<16xi1>
        %max3A_480 = arith.maximumf %while3A_420, %get3A_436 : vector<16xf32>
        %select_n3A_481 = arith.select %ne3A_479, %get3A_436, %max3A_480 : vector<16xi1>, vector<16xf32>
        %max3A_482 = arith.maximumf %while3A_421, %get3A_442 : vector<16xf32>
        %select_n3A_483 = arith.select %ne3A_479, %get3A_442, %max3A_482 : vector<16xi1>, vector<16xf32>
        %max3A_484 = arith.maximumf %while3A_422, %get3A_448 : vector<16xf32>
        %select_n3A_485 = arith.select %ne3A_479, %get3A_448, %max3A_484 : vector<16xi1>, vector<16xf32>
        %max3A_486 = arith.maximumf %while3A_423, %get3A_454 : vector<16xf32>
        %select_n3A_487 = arith.select %ne3A_479, %get3A_454, %max3A_486 : vector<16xi1>, vector<16xf32>
        %max3A_488 = arith.maximumf %while3A_424, %get3A_460 : vector<16xf32>
        %select_n3A_489 = arith.select %ne3A_479, %get3A_460, %max3A_488 : vector<16xi1>, vector<16xf32>
        %max3A_490 = arith.maximumf %while3A_425, %get3A_466 : vector<16xf32>
        %select_n3A_491 = arith.select %ne3A_479, %get3A_466, %max3A_490 : vector<16xi1>, vector<16xf32>
        %max3A_492 = arith.maximumf %while3A_426, %get3A_472 : vector<16xf32>
        %select_n3A_493 = arith.select %ne3A_479, %get3A_472, %max3A_492 : vector<16xi1>, vector<16xf32>
        %max3A_494 = arith.maximumf %while3A_427, %get3A_478 : vector<16xf32>
        %select_n3A_495 = arith.select %ne3A_479, %get3A_478, %max3A_494 : vector<16xi1>, vector<16xf32>
        %add3A_496 = arith.constant 1 : i32
        %add3A_497 = arith.addi %add3A_430, %add3A_496 : i32
        %sub3A_498 = arith.constant 1 : i32
        %sub3A_499 = arith.subi %sub3A_259, %sub3A_498 : i32
        %min3A_500 = arith.minsi %add3A_497, %sub3A_499 : i32
        %get3A_501 = arith.index_cast %min3A_500 : i32 to index
        %get3A_502 = tpu.vector_load %arg8[%get3A_501] {strides = array<i32>} : memref<336xi32, #tpu.memory_space<vmem>>, vector<16xi32>,
        %broadcast_in_dim3A_503 = arith.constant 0 : i32
        %broadcast_in_dim3A_504 = vector.broadcast %broadcast_in_dim3A_503 : i32 to vector<16x1xi32>
        %gather3A_505 = vector.shape_cast %broadcast_in_dim3A_504 : vector<16x1xi32> to vector<16xi32>
        %gather3A_506 = tpu.dynamic_gather %get3A_502[%gather3A_505] in [0] : vector<16xi32>, vector<16xi32> -> vector<16xi32>
        %sub3A_507 = arith.subi %gather3A_506, %broadcast_in_dim3A_28 : vector<16xi32>
        %mul3A_508 = arith.constant 128 : i32
        %mul3A_509 = arith.muli %min3A_500, %mul3A_508 : i32
        %add3A_510 = arith.constant 0 : i32
        %add3A_511 = arith.addi %mul3A_509, %add3A_510 : i32
        %get3A_512 = arith.index_cast %add3A_511 : i32 to index
        %get3A_513 = tpu.vector_load %arg6[%get3A_512] {strides = array<i32>} : memref<40960xf32, #tpu.memory_space<vmem>>, vector<16xf32>,
        %mul3A_514 = arith.constant 128 : i32
        %mul3A_515 = arith.muli %min3A_500, %mul3A_514 : i32
        %add3A_516 = arith.constant 16 : i32
        %add3A_517 = arith.addi %mul3A_515, %add3A_516 : i32
        %get3A_518 = arith.index_cast %add3A_517 : i32 to index
        %get3A_519 = tpu.vector_load %arg6[%get3A_518] {strides = array<i32>} : memref<40960xf32, #tpu.memory_space<vmem>>, vector<16xf32>,
        %mul3A_520 = arith.constant 128 : i32
        %mul3A_521 = arith.muli %min3A_500, %mul3A_520 : i32
        %add3A_522 = arith.constant 32 : i32
        %add3A_523 = arith.addi %mul3A_521, %add3A_522 : i32
        %get3A_524 = arith.index_cast %add3A_523 : i32 to index
        %get3A_525 = tpu.vector_load %arg6[%get3A_524] {strides = array<i32>} : memref<40960xf32, #tpu.memory_space<vmem>>, vector<16xf32>,
        %mul3A_526 = arith.constant 128 : i32
        %mul3A_527 = arith.muli %min3A_500, %mul3A_526 : i32
        %add3A_528 = arith.constant 48 : i32
        %add3A_529 = arith.addi %mul3A_527, %add3A_528 : i32
        %get3A_530 = arith.index_cast %add3A_529 : i32 to index
        %get3A_531 = tpu.vector_load %arg6[%get3A_530] {strides = array<i32>} : memref<40960xf32, #tpu.memory_space<vmem>>, vector<16xf32>,
        %mul3A_532 = arith.constant 128 : i32
        %mul3A_533 = arith.muli %min3A_500, %mul3A_532 : i32
        %add3A_534 = arith.constant 64 : i32
        %add3A_535 = arith.addi %mul3A_533, %add3A_534 : i32
        %get3A_536 = arith.index_cast %add3A_535 : i32 to index
        %get3A_537 = tpu.vector_load %arg6[%get3A_536] {strides = array<i32>} : memref<40960xf32, #tpu.memory_space<vmem>>, vector<16xf32>,
        %mul3A_538 = arith.constant 128 : i32
        %mul3A_539 = arith.muli %min3A_500, %mul3A_538 : i32
        %add3A_540 = arith.constant 80 : i32
        %add3A_541 = arith.addi %mul3A_539, %add3A_540 : i32
        %get3A_542 = arith.index_cast %add3A_541 : i32 to index
        %get3A_543 = tpu.vector_load %arg6[%get3A_542] {strides = array<i32>} : memref<40960xf32, #tpu.memory_space<vmem>>, vector<16xf32>,
        %mul3A_544 = arith.constant 128 : i32
        %mul3A_545 = arith.muli %min3A_500, %mul3A_544 : i32
        %add3A_546 = arith.constant 96 : i32
        %add3A_547 = arith.addi %mul3A_545, %add3A_546 : i32
        %get3A_548 = arith.index_cast %add3A_547 : i32 to index
        %get3A_549 = tpu.vector_load %arg6[%get3A_548] {strides = array<i32>} : memref<40960xf32, #tpu.memory_space<vmem>>, vector<16xf32>,
        %mul3A_550 = arith.constant 128 : i32
        %mul3A_551 = arith.muli %min3A_500, %mul3A_550 : i32
        %add3A_552 = arith.constant 112 : i32
        %add3A_553 = arith.addi %mul3A_551, %add3A_552 : i32
        %get3A_554 = arith.index_cast %add3A_553 : i32 to index
        %get3A_555 = tpu.vector_load %arg6[%get3A_554] {strides = array<i32>} : memref<40960xf32, #tpu.memory_space<vmem>>, vector<16xf32>,
        %ne3A_556 = arith.cmpi ne, %gather3A_506, %while3A_418 : vector<16xi32>
        tpu.vector_store_idx %arg10[%while3A_419, %add3A_6], %select_n3A_481 masked %ne3A_556 : memref<329x128xf32, #tpu.memory_space<vmem>>[vector<16xi32>, vector<16xi32>], vector<16xf32>, vector<16xi1>
        tpu.vector_store_idx %arg10[%while3A_419, %add3A_9], %select_n3A_483 masked %ne3A_556 : memref<329x128xf32, #tpu.memory_space<vmem>>[vector<16xi32>, vector<16xi32>], vector<16xf32>, vector<16xi1>
        tpu.vector_store_idx %arg10[%while3A_419, %add3A_12], %select_n3A_485 masked %ne3A_556 : memref<329x128xf32, #tpu.memory_space<vmem>>[vector<16xi32>, vector<16xi32>], vector<16xf32>, vector<16xi1>
        tpu.vector_store_idx %arg10[%while3A_419, %add3A_15], %select_n3A_487 masked %ne3A_556 : memref<329x128xf32, #tpu.memory_space<vmem>>[vector<16xi32>, vector<16xi32>], vector<16xf32>, vector<16xi1>
        tpu.vector_store_idx %arg10[%while3A_419, %add3A_18], %select_n3A_489 masked %ne3A_556 : memref<329x128xf32, #tpu.memory_space<vmem>>[vector<16xi32>, vector<16xi32>], vector<16xf32>, vector<16xi1>
        tpu.vector_store_idx %arg10[%while3A_419, %add3A_21], %select_n3A_491 masked %ne3A_556 : memref<329x128xf32, #tpu.memory_space<vmem>>[vector<16xi32>, vector<16xi32>], vector<16xf32>, vector<16xi1>
        tpu.vector_store_idx %arg10[%while3A_419, %add3A_24], %select_n3A_493 masked %ne3A_556 : memref<329x128xf32, #tpu.memory_space<vmem>>[vector<16xi32>, vector<16xi32>], vector<16xf32>, vector<16xi1>
        tpu.vector_store_idx %arg10[%while3A_419, %add3A_27], %select_n3A_495 masked %ne3A_556 : memref<329x128xf32, #tpu.memory_space<vmem>>[vector<16xi32>, vector<16xi32>], vector<16xf32>, vector<16xi1>
        %max3A_557 = arith.maximumf %select_n3A_481, %get3A_513 : vector<16xf32>
        %select_n3A_558 = arith.select %ne3A_556, %get3A_513, %max3A_557 : vector<16xi1>, vector<16xf32>
        %max3A_559 = arith.maximumf %select_n3A_483, %get3A_519 : vector<16xf32>
        %select_n3A_560 = arith.select %ne3A_556, %get3A_519, %max3A_559 : vector<16xi1>, vector<16xf32>
        %max3A_561 = arith.maximumf %select_n3A_485, %get3A_525 : vector<16xf32>
        %select_n3A_562 = arith.select %ne3A_556, %get3A_525, %max3A_561 : vector<16xi1>, vector<16xf32>
        %max3A_563 = arith.maximumf %select_n3A_487, %get3A_531 : vector<16xf32>
        %select_n3A_564 = arith.select %ne3A_556, %get3A_531, %max3A_563 : vector<16xi1>, vector<16xf32>
        %max3A_565 = arith.maximumf %select_n3A_489, %get3A_537 : vector<16xf32>
        %select_n3A_566 = arith.select %ne3A_556, %get3A_537, %max3A_565 : vector<16xi1>, vector<16xf32>
        %max3A_567 = arith.maximumf %select_n3A_491, %get3A_543 : vector<16xf32>
        %select_n3A_568 = arith.select %ne3A_556, %get3A_543, %max3A_567 : vector<16xi1>, vector<16xf32>
        %max3A_569 = arith.maximumf %select_n3A_493, %get3A_549 : vector<16xf32>
        %select_n3A_570 = arith.select %ne3A_556, %get3A_549, %max3A_569 : vector<16xi1>, vector<16xf32>
        %max3A_571 = arith.maximumf %select_n3A_495, %get3A_555 : vector<16xf32>
        %select_n3A_572 = arith.select %ne3A_556, %get3A_555, %max3A_571 : vector<16xi1>, vector<16xf32>
        %add3A_573 = arith.constant 2 : i32
        %add3A_574 = arith.addi %add3A_430, %add3A_573 : i32
        %sub3A_575 = arith.constant 1 : i32
        %sub3A_576 = arith.subi %sub3A_259, %sub3A_575 : i32
        %min3A_577 = arith.minsi %add3A_574, %sub3A_576 : i32
        %get3A_578 = arith.index_cast %min3A_577 : i32 to index
        %get3A_579 = tpu.vector_load %arg8[%get3A_578] {strides = array<i32>} : memref<336xi32, #tpu.memory_space<vmem>>, vector<16xi32>,
        %broadcast_in_dim3A_580 = arith.constant 0 : i32
        %broadcast_in_dim3A_581 = vector.broadcast %broadcast_in_dim3A_580 : i32 to vector<16x1xi32>
        %gather3A_582 = vector.shape_cast %broadcast_in_dim3A_581 : vector<16x1xi32> to vector<16xi32>
        %gather3A_583 = tpu.dynamic_gather %get3A_579[%gather3A_582] in [0] : vector<16xi32>, vector<16xi32> -> vector<16xi32>
        %sub3A_584 = arith.subi %gather3A_583, %broadcast_in_dim3A_28 : vector<16xi32>
        %mul3A_585 = arith.constant 128 : i32
        %mul3A_586 = arith.muli %min3A_577, %mul3A_585 : i32
        %add3A_587 = arith.constant 0 : i32
        %add3A_588 = arith.addi %mul3A_586, %add3A_587 : i32
        %get3A_589 = arith.index_cast %add3A_588 : i32 to index
        %get3A_590 = tpu.vector_load %arg6[%get3A_589] {strides = array<i32>} : memref<40960xf32, #tpu.memory_space<vmem>>, vector<16xf32>,
        %mul3A_591 = arith.constant 128 : i32
        %mul3A_592 = arith.muli %min3A_577, %mul3A_591 : i32
        %add3A_593 = arith.constant 16 : i32
        %add3A_594 = arith.addi %mul3A_592, %add3A_593 : i32
        %get3A_595 = arith.index_cast %add3A_594 : i32 to index
        %get3A_596 = tpu.vector_load %arg6[%get3A_595] {strides = array<i32>} : memref<40960xf32, #tpu.memory_space<vmem>>, vector<16xf32>,
        %mul3A_597 = arith.constant 128 : i32
        %mul3A_598 = arith.muli %min3A_577, %mul3A_597 : i32
        %add3A_599 = arith.constant 32 : i32
        %add3A_600 = arith.addi %mul3A_598, %add3A_599 : i32
        %get3A_601 = arith.index_cast %add3A_600 : i32 to index
        %get3A_602 = tpu.vector_load %arg6[%get3A_601] {strides = array<i32>} : memref<40960xf32, #tpu.memory_space<vmem>>, vector<16xf32>,
        %mul3A_603 = arith.constant 128 : i32
        %mul3A_604 = arith.muli %min3A_577, %mul3A_603 : i32
        %add3A_605 = arith.constant 48 : i32
        %add3A_606 = arith.addi %mul3A_604, %add3A_605 : i32
        %get3A_607 = arith.index_cast %add3A_606 : i32 to index
        %get3A_608 = tpu.vector_load %arg6[%get3A_607] {strides = array<i32>} : memref<40960xf32, #tpu.memory_space<vmem>>, vector<16xf32>,
        %mul3A_609 = arith.constant 128 : i32
        %mul3A_610 = arith.muli %min3A_577, %mul3A_609 : i32
        %add3A_611 = arith.constant 64 : i32
        %add3A_612 = arith.addi %mul3A_610, %add3A_611 : i32
        %get3A_613 = arith.index_cast %add3A_612 : i32 to index
        %get3A_614 = tpu.vector_load %arg6[%get3A_613] {strides = array<i32>} : memref<40960xf32, #tpu.memory_space<vmem>>, vector<16xf32>,
        %mul3A_615 = arith.constant 128 : i32
        %mul3A_616 = arith.muli %min3A_577, %mul3A_615 : i32
        %add3A_617 = arith.constant 80 : i32
        %add3A_618 = arith.addi %mul3A_616, %add3A_617 : i32
        %get3A_619 = arith.index_cast %add3A_618 : i32 to index
        %get3A_620 = tpu.vector_load %arg6[%get3A_619] {strides = array<i32>} : memref<40960xf32, #tpu.memory_space<vmem>>, vector<16xf32>,
        %mul3A_621 = arith.constant 128 : i32
        %mul3A_622 = arith.muli %min3A_577, %mul3A_621 : i32
        %add3A_623 = arith.constant 96 : i32
        %add3A_624 = arith.addi %mul3A_622, %add3A_623 : i32
        %get3A_625 = arith.index_cast %add3A_624 : i32 to index
        %get3A_626 = tpu.vector_load %arg6[%get3A_625] {strides = array<i32>} : memref<40960xf32, #tpu.memory_space<vmem>>, vector<16xf32>,
        %mul3A_627 = arith.constant 128 : i32
        %mul3A_628 = arith.muli %min3A_577, %mul3A_627 : i32
        %add3A_629 = arith.constant 112 : i32
        %add3A_630 = arith.addi %mul3A_628, %add3A_629 : i32
        %get3A_631 = arith.index_cast %add3A_630 : i32 to index
        %get3A_632 = tpu.vector_load %arg6[%get3A_631] {strides = array<i32>} : memref<40960xf32, #tpu.memory_space<vmem>>, vector<16xf32>,
        %ne3A_633 = arith.cmpi ne, %gather3A_583, %gather3A_506 : vector<16xi32>
        tpu.vector_store_idx %arg10[%sub3A_507, %add3A_6], %select_n3A_558 masked %ne3A_633 : memref<329x128xf32, #tpu.memory_space<vmem>>[vector<16xi32>, vector<16xi32>], vector<16xf32>, vector<16xi1>
        tpu.vector_store_idx %arg10[%sub3A_507, %add3A_9], %select_n3A_560 masked %ne3A_633 : memref<329x128xf32, #tpu.memory_space<vmem>>[vector<16xi32>, vector<16xi32>], vector<16xf32>, vector<16xi1>
        tpu.vector_store_idx %arg10[%sub3A_507, %add3A_12], %select_n3A_562 masked %ne3A_633 : memref<329x128xf32, #tpu.memory_space<vmem>>[vector<16xi32>, vector<16xi32>], vector<16xf32>, vector<16xi1>
        tpu.vector_store_idx %arg10[%sub3A_507, %add3A_15], %select_n3A_564 masked %ne3A_633 : memref<329x128xf32, #tpu.memory_space<vmem>>[vector<16xi32>, vector<16xi32>], vector<16xf32>, vector<16xi1>
        tpu.vector_store_idx %arg10[%sub3A_507, %add3A_18], %select_n3A_566 masked %ne3A_633 : memref<329x128xf32, #tpu.memory_space<vmem>>[vector<16xi32>, vector<16xi32>], vector<16xf32>, vector<16xi1>
        tpu.vector_store_idx %arg10[%sub3A_507, %add3A_21], %select_n3A_568 masked %ne3A_633 : memref<329x128xf32, #tpu.memory_space<vmem>>[vector<16xi32>, vector<16xi32>], vector<16xf32>, vector<16xi1>
        tpu.vector_store_idx %arg10[%sub3A_507, %add3A_24], %select_n3A_570 masked %ne3A_633 : memref<329x128xf32, #tpu.memory_space<vmem>>[vector<16xi32>, vector<16xi32>], vector<16xf32>, vector<16xi1>
        tpu.vector_store_idx %arg10[%sub3A_507, %add3A_27], %select_n3A_572 masked %ne3A_633 : memref<329x128xf32, #tpu.memory_space<vmem>>[vector<16xi32>, vector<16xi32>], vector<16xf32>, vector<16xi1>
        %max3A_634 = arith.maximumf %select_n3A_558, %get3A_590 : vector<16xf32>
        %select_n3A_635 = arith.select %ne3A_633, %get3A_590, %max3A_634 : vector<16xi1>, vector<16xf32>
        %max3A_636 = arith.maximumf %select_n3A_560, %get3A_596 : vector<16xf32>
        %select_n3A_637 = arith.select %ne3A_633, %get3A_596, %max3A_636 : vector<16xi1>, vector<16xf32>
        %max3A_638 = arith.maximumf %select_n3A_562, %get3A_602 : vector<16xf32>
        %select_n3A_639 = arith.select %ne3A_633, %get3A_602, %max3A_638 : vector<16xi1>, vector<16xf32>
        %max3A_640 = arith.maximumf %select_n3A_564, %get3A_608 : vector<16xf32>
        %select_n3A_641 = arith.select %ne3A_633, %get3A_608, %max3A_640 : vector<16xi1>, vector<16xf32>
        %max3A_642 = arith.maximumf %select_n3A_566, %get3A_614 : vector<16xf32>
        %select_n3A_643 = arith.select %ne3A_633, %get3A_614, %max3A_642 : vector<16xi1>, vector<16xf32>
        %max3A_644 = arith.maximumf %select_n3A_568, %get3A_620 : vector<16xf32>
        %select_n3A_645 = arith.select %ne3A_633, %get3A_620, %max3A_644 : vector<16xi1>, vector<16xf32>
        %max3A_646 = arith.maximumf %select_n3A_570, %get3A_626 : vector<16xf32>
        %select_n3A_647 = arith.select %ne3A_633, %get3A_626, %max3A_646 : vector<16xi1>, vector<16xf32>
        %max3A_648 = arith.maximumf %select_n3A_572, %get3A_632 : vector<16xf32>
        %select_n3A_649 = arith.select %ne3A_633, %get3A_632, %max3A_648 : vector<16xi1>, vector<16xf32>
        %add3A_650 = arith.constant 3 : i32
        %add3A_651 = arith.addi %add3A_430, %add3A_650 : i32
        %sub3A_652 = arith.constant 1 : i32
        %sub3A_653 = arith.subi %sub3A_259, %sub3A_652 : i32
        %min3A_654 = arith.minsi %add3A_651, %sub3A_653 : i32
        %get3A_655 = arith.index_cast %min3A_654 : i32 to index
        %get3A_656 = tpu.vector_load %arg8[%get3A_655] {strides = array<i32>} : memref<336xi32, #tpu.memory_space<vmem>>, vector<16xi32>,
        %broadcast_in_dim3A_657 = arith.constant 0 : i32
        %broadcast_in_dim3A_658 = vector.broadcast %broadcast_in_dim3A_657 : i32 to vector<16x1xi32>
        %gather3A_659 = vector.shape_cast %broadcast_in_dim3A_658 : vector<16x1xi32> to vector<16xi32>
        %gather3A_660 = tpu.dynamic_gather %get3A_656[%gather3A_659] in [0] : vector<16xi32>, vector<16xi32> -> vector<16xi32>
        %sub3A_661 = arith.subi %gather3A_660, %broadcast_in_dim3A_28 : vector<16xi32>
        %mul3A_662 = arith.constant 128 : i32
        %mul3A_663 = arith.muli %min3A_654, %mul3A_662 : i32
        %add3A_664 = arith.constant 0 : i32
        %add3A_665 = arith.addi %mul3A_663, %add3A_664 : i32
        %get3A_666 = arith.index_cast %add3A_665 : i32 to index
        %get3A_667 = tpu.vector_load %arg6[%get3A_666] {strides = array<i32>} : memref<40960xf32, #tpu.memory_space<vmem>>, vector<16xf32>,
        %mul3A_668 = arith.constant 128 : i32
        %mul3A_669 = arith.muli %min3A_654, %mul3A_668 : i32
        %add3A_670 = arith.constant 16 : i32
        %add3A_671 = arith.addi %mul3A_669, %add3A_670 : i32
        %get3A_672 = arith.index_cast %add3A_671 : i32 to index
        %get3A_673 = tpu.vector_load %arg6[%get3A_672] {strides = array<i32>} : memref<40960xf32, #tpu.memory_space<vmem>>, vector<16xf32>,
        %mul3A_674 = arith.constant 128 : i32
        %mul3A_675 = arith.muli %min3A_654, %mul3A_674 : i32
        %add3A_676 = arith.constant 32 : i32
        %add3A_677 = arith.addi %mul3A_675, %add3A_676 : i32
        %get3A_678 = arith.index_cast %add3A_677 : i32 to index
        %get3A_679 = tpu.vector_load %arg6[%get3A_678] {strides = array<i32>} : memref<40960xf32, #tpu.memory_space<vmem>>, vector<16xf32>,
        %mul3A_680 = arith.constant 128 : i32
        %mul3A_681 = arith.muli %min3A_654, %mul3A_680 : i32
        %add3A_682 = arith.constant 48 : i32
        %add3A_683 = arith.addi %mul3A_681, %add3A_682 : i32
        %get3A_684 = arith.index_cast %add3A_683 : i32 to index
        %get3A_685 = tpu.vector_load %arg6[%get3A_684] {strides = array<i32>} : memref<40960xf32, #tpu.memory_space<vmem>>, vector<16xf32>,
        %mul3A_686 = arith.constant 128 : i32
        %mul3A_687 = arith.muli %min3A_654, %mul3A_686 : i32
        %add3A_688 = arith.constant 64 : i32
        %add3A_689 = arith.addi %mul3A_687, %add3A_688 : i32
        %get3A_690 = arith.index_cast %add3A_689 : i32 to index
        %get3A_691 = tpu.vector_load %arg6[%get3A_690] {strides = array<i32>} : memref<40960xf32, #tpu.memory_space<vmem>>, vector<16xf32>,
        %mul3A_692 = arith.constant 128 : i32
        %mul3A_693 = arith.muli %min3A_654, %mul3A_692 : i32
        %add3A_694 = arith.constant 80 : i32
        %add3A_695 = arith.addi %mul3A_693, %add3A_694 : i32
        %get3A_696 = arith.index_cast %add3A_695 : i32 to index
        %get3A_697 = tpu.vector_load %arg6[%get3A_696] {strides = array<i32>} : memref<40960xf32, #tpu.memory_space<vmem>>, vector<16xf32>,
        %mul3A_698 = arith.constant 128 : i32
        %mul3A_699 = arith.muli %min3A_654, %mul3A_698 : i32
        %add3A_700 = arith.constant 96 : i32
        %add3A_701 = arith.addi %mul3A_699, %add3A_700 : i32
        %get3A_702 = arith.index_cast %add3A_701 : i32 to index
        %get3A_703 = tpu.vector_load %arg6[%get3A_702] {strides = array<i32>} : memref<40960xf32, #tpu.memory_space<vmem>>, vector<16xf32>,
        %mul3A_704 = arith.constant 128 : i32
        %mul3A_705 = arith.muli %min3A_654, %mul3A_704 : i32
        %add3A_706 = arith.constant 112 : i32
        %add3A_707 = arith.addi %mul3A_705, %add3A_706 : i32
        %get3A_708 = arith.index_cast %add3A_707 : i32 to index
        %get3A_709 = tpu.vector_load %arg6[%get3A_708] {strides = array<i32>} : memref<40960xf32, #tpu.memory_space<vmem>>, vector<16xf32>,
        %ne3A_710 = arith.cmpi ne, %gather3A_660, %gather3A_583 : vector<16xi32>
        tpu.vector_store_idx %arg10[%sub3A_584, %add3A_6], %select_n3A_635 masked %ne3A_710 : memref<329x128xf32, #tpu.memory_space<vmem>>[vector<16xi32>, vector<16xi32>], vector<16xf32>, vector<16xi1>
        tpu.vector_store_idx %arg10[%sub3A_584, %add3A_9], %select_n3A_637 masked %ne3A_710 : memref<329x128xf32, #tpu.memory_space<vmem>>[vector<16xi32>, vector<16xi32>], vector<16xf32>, vector<16xi1>
        tpu.vector_store_idx %arg10[%sub3A_584, %add3A_12], %select_n3A_639 masked %ne3A_710 : memref<329x128xf32, #tpu.memory_space<vmem>>[vector<16xi32>, vector<16xi32>], vector<16xf32>, vector<16xi1>
        tpu.vector_store_idx %arg10[%sub3A_584, %add3A_15], %select_n3A_641 masked %ne3A_710 : memref<329x128xf32, #tpu.memory_space<vmem>>[vector<16xi32>, vector<16xi32>], vector<16xf32>, vector<16xi1>
        tpu.vector_store_idx %arg10[%sub3A_584, %add3A_18], %select_n3A_643 masked %ne3A_710 : memref<329x128xf32, #tpu.memory_space<vmem>>[vector<16xi32>, vector<16xi32>], vector<16xf32>, vector<16xi1>
        tpu.vector_store_idx %arg10[%sub3A_584, %add3A_21], %select_n3A_645 masked %ne3A_710 : memref<329x128xf32, #tpu.memory_space<vmem>>[vector<16xi32>, vector<16xi32>], vector<16xf32>, vector<16xi1>
        tpu.vector_store_idx %arg10[%sub3A_584, %add3A_24], %select_n3A_647 masked %ne3A_710 : memref<329x128xf32, #tpu.memory_space<vmem>>[vector<16xi32>, vector<16xi32>], vector<16xf32>, vector<16xi1>
        tpu.vector_store_idx %arg10[%sub3A_584, %add3A_27], %select_n3A_649 masked %ne3A_710 : memref<329x128xf32, #tpu.memory_space<vmem>>[vector<16xi32>, vector<16xi32>], vector<16xf32>, vector<16xi1>
        %max3A_711 = arith.maximumf %select_n3A_635, %get3A_667 : vector<16xf32>
        %select_n3A_712 = arith.select %ne3A_710, %get3A_667, %max3A_711 : vector<16xi1>, vector<16xf32>
        %max3A_713 = arith.maximumf %select_n3A_637, %get3A_673 : vector<16xf32>
        %select_n3A_714 = arith.select %ne3A_710, %get3A_673, %max3A_713 : vector<16xi1>, vector<16xf32>
        %max3A_715 = arith.maximumf %select_n3A_639, %get3A_679 : vector<16xf32>
        %select_n3A_716 = arith.select %ne3A_710, %get3A_679, %max3A_715 : vector<16xi1>, vector<16xf32>
        %max3A_717 = arith.maximumf %select_n3A_641, %get3A_685 : vector<16xf32>
        %select_n3A_718 = arith.select %ne3A_710, %get3A_685, %max3A_717 : vector<16xi1>, vector<16xf32>
        %max3A_719 = arith.maximumf %select_n3A_643, %get3A_691 : vector<16xf32>
        %select_n3A_720 = arith.select %ne3A_710, %get3A_691, %max3A_719 : vector<16xi1>, vector<16xf32>
        %max3A_721 = arith.maximumf %select_n3A_645, %get3A_697 : vector<16xf32>
        %select_n3A_722 = arith.select %ne3A_710, %get3A_697, %max3A_721 : vector<16xi1>, vector<16xf32>
        %max3A_723 = arith.maximumf %select_n3A_647, %get3A_703 : vector<16xf32>
        %select_n3A_724 = arith.select %ne3A_710, %get3A_703, %max3A_723 : vector<16xi1>, vector<16xf32>
        %max3A_725 = arith.maximumf %select_n3A_649, %get3A_709 : vector<16xf32>
        %select_n3A_726 = arith.select %ne3A_710, %get3A_709, %max3A_725 : vector<16xi1>, vector<16xf32>
        %add3A_727 = arith.constant 4 : i32
        %add3A_728 = arith.addi %add3A_430, %add3A_727 : i32
        %sub3A_729 = arith.constant 1 : i32
        %sub3A_730 = arith.subi %sub3A_259, %sub3A_729 : i32
        %min3A_731 = arith.minsi %add3A_728, %sub3A_730 : i32
        %get3A_732 = arith.index_cast %min3A_731 : i32 to index
        %get3A_733 = tpu.vector_load %arg8[%get3A_732] {strides = array<i32>} : memref<336xi32, #tpu.memory_space<vmem>>, vector<16xi32>,
        %broadcast_in_dim3A_734 = arith.constant 0 : i32
        %broadcast_in_dim3A_735 = vector.broadcast %broadcast_in_dim3A_734 : i32 to vector<16x1xi32>
        %gather3A_736 = vector.shape_cast %broadcast_in_dim3A_735 : vector<16x1xi32> to vector<16xi32>
        %gather3A_737 = tpu.dynamic_gather %get3A_733[%gather3A_736] in [0] : vector<16xi32>, vector<16xi32> -> vector<16xi32>
        %sub3A_738 = arith.subi %gather3A_737, %broadcast_in_dim3A_28 : vector<16xi32>
        scf.yield %gather3A_660, %sub3A_661, %gather3A_737, %sub3A_738, %select_n3A_712, %select_n3A_714, %select_n3A_716, %select_n3A_718, %select_n3A_720, %select_n3A_722, %select_n3A_724, %select_n3A_726 : vector<16xi32>, vector<16xi32>, vector<16xi32>, vector<16xi32>, vector<16xf32>, vector<16xf32>, vector<16xf32>, vector<16xf32>, vector<16xf32>, vector<16xf32>, vector<16xf32>, vector<16xf32>
      }
      %lt3A_304 = arith.cmpi slt, %sub3A_255, %sub3A_259 : i32
      %select_n3A_305 = arith.select %lt3A_304, %while3A_303#0, %while3A_191 : vector<16xi32>
      %select_n3A_306 = arith.select %lt3A_304, %while3A_303#1, %while3A_192 : vector<16xi32>
      %add3A_307 = arith.constant 2 : i32
      %add3A_308 = arith.addi %mul3A_202, %add3A_307 : i32
      %mul3A_309 = arith.constant 320 : i32
      %mul3A_310 = arith.muli %add3A_308, %mul3A_309 : i32
      %add3A_311 = arith.addi %mul3A_59, %mul3A_310 : i32
      %min3A_312 = arith.constant 319680 : i32
      %min3A_313 = arith.minsi %add3A_311, %min3A_312 : i32
      %mul3A_314 = arith.constant 128 : i32
      %mul3A_315 = arith.muli %min3A_313, %mul3A_314 : i32
      %dma_start3A_316 = arith.constant 0 : i32
      %dma_start3A_317 = tpu.memref_slice %arg6[%dma_start3A_316] : memref<40960xf32, #tpu.memory_space<vmem>> -> memref<20480xf32, #tpu.memory_space<vmem>>
      %dma_start3A_318 = tpu.memref_slice %arg2[%mul3A_315] : memref<40960000xf32, #tpu.memory_space<hbm>> -> memref<20480xf32, #tpu.memory_space<hbm>>
      %dma_start3A_319 = arith.constant 0 : i32
      %dma_start3A_320 = tpu.memref_slice %arg6[%dma_start3A_319] : memref<40960xf32, #tpu.memory_space<vmem>> -> memref<20480xf32, #tpu.memory_space<vmem>>
      %dma_start3A_321 = tpu.memref_slice %arg2[%mul3A_315] : memref<40960000xf32, #tpu.memory_space<hbm>> -> memref<20480xf32, #tpu.memory_space<hbm>>
      tpu.enqueue_dma source(%dma_start3A_321 : memref<20480xf32, #tpu.memory_space<hbm>>) target(%dma_start3A_320 : memref<20480xf32, #tpu.memory_space<vmem>>) target_semaphore(%arg12 : memref<!tpu.dma_semaphore, #tpu.memory_space<semaphore_mem>>)
      %mul3A_322 = arith.constant 128 : i32
      %mul3A_323 = arith.muli %min3A_313, %mul3A_322 : i32
      %add3A_324 = arith.constant 20480 : i32
      %add3A_325 = arith.addi %mul3A_323, %add3A_324 : i32
      %dma_start3A_326 = arith.constant 20480 : i32
      %dma_start3A_327 = tpu.memref_slice %arg6[%dma_start3A_326] : memref<40960xf32, #tpu.memory_space<vmem>> -> memref<20480xf32, #tpu.memory_space<vmem>>
      %dma_start3A_328 = tpu.memref_slice %arg2[%add3A_325] : memref<40960000xf32, #tpu.memory_space<hbm>> -> memref<20480xf32, #tpu.memory_space<hbm>>
      %dma_start3A_329 = arith.constant 20480 : i32
      %dma_start3A_330 = tpu.memref_slice %arg6[%dma_start3A_329] : memref<40960xf32, #tpu.memory_space<vmem>> -> memref<20480xf32, #tpu.memory_space<vmem>>
      %dma_start3A_331 = tpu.memref_slice %arg2[%add3A_325] : memref<40960000xf32, #tpu.memory_space<hbm>> -> memref<20480xf32, #tpu.memory_space<hbm>>
      tpu.enqueue_dma source(%dma_start3A_331 : memref<20480xf32, #tpu.memory_space<hbm>>) target(%dma_start3A_330 : memref<20480xf32, #tpu.memory_space<vmem>>) target_semaphore(%arg12 : memref<!tpu.dma_semaphore, #tpu.memory_space<semaphore_mem>>)
      %dma_start3A_332 = arith.constant 0 : i32
      %dma_start3A_333 = tpu.memref_slice %arg8[%dma_start3A_332] : memref<336xi32, #tpu.memory_space<vmem>> -> memref<320xi32, #tpu.memory_space<vmem>>
      %dma_start3A_334 = tpu.memref_slice %arg3[%min3A_313] : memref<320000xi32, #tpu.memory_space<hbm>> -> memref<320xi32, #tpu.memory_space<hbm>>
      %dma_start3A_335 = arith.constant 0 : i32
      %dma_start3A_336 = tpu.memref_slice %arg8[%dma_start3A_335] : memref<336xi32, #tpu.memory_space<vmem>> -> memref<320xi32, #tpu.memory_space<vmem>>
      %dma_start3A_337 = tpu.memref_slice %arg3[%min3A_313] : memref<320000xi32, #tpu.memory_space<hbm>> -> memref<320xi32, #tpu.memory_space<hbm>>
      tpu.enqueue_dma source(%dma_start3A_337 : memref<320xi32, #tpu.memory_space<hbm>>) target(%dma_start3A_336 : memref<320xi32, #tpu.memory_space<vmem>>) target_semaphore(%arg14 : memref<!tpu.dma_semaphore, #tpu.memory_space<semaphore_mem>>)
      %dma_wait3A_338 = arith.constant 0 : i32
      %dma_wait3A_339 = tpu.memref_slice %arg2[%dma_wait3A_338] : memref<40960000xf32, #tpu.memory_space<hbm>> -> memref<40960xf32, #tpu.memory_space<hbm>>
      %dma_wait3A_340 = arith.constant 0 : i32
      %dma_wait3A_341 = tpu.memref_slice %arg2[%dma_wait3A_340] : memref<40960000xf32, #tpu.memory_space<hbm>> -> memref<40960xf32, #tpu.memory_space<hbm>>
      tpu.wait_dma2 semaphore(%arg13 : memref<!tpu.dma_semaphore, #tpu.memory_space<semaphore_mem>>) src(%dma_wait3A_341 : memref<40960xf32, #tpu.memory_space<hbm>>) dst(%arg7 : memref<40960xf32, #tpu.memory_space<vmem>>)
      %dma_wait3A_342 = arith.constant 0 : i32
      %dma_wait3A_343 = tpu.memref_slice %arg9[%dma_wait3A_342] : memref<336xi32, #tpu.memory_space<vmem>> -> memref<320xi32, #tpu.memory_space<vmem>>
      %dma_wait3A_344 = arith.constant 0 : i32
      %dma_wait3A_345 = tpu.memref_slice %arg3[%dma_wait3A_344] : memref<320000xi32, #tpu.memory_space<hbm>> -> memref<320xi32, #tpu.memory_space<hbm>>
      %dma_wait3A_346 = arith.constant 0 : i32
      %dma_wait3A_347 = tpu.memref_slice %arg9[%dma_wait3A_346] : memref<336xi32, #tpu.memory_space<vmem>> -> memref<320xi32, #tpu.memory_space<vmem>>
      %dma_wait3A_348 = arith.constant 0 : i32
      %dma_wait3A_349 = tpu.memref_slice %arg3[%dma_wait3A_348] : memref<320000xi32, #tpu.memory_space<hbm>> -> memref<320xi32, #tpu.memory_space<hbm>>
      tpu.wait_dma2 semaphore(%arg15 : memref<!tpu.dma_semaphore, #tpu.memory_space<semaphore_mem>>) src(%dma_wait3A_349 : memref<320xi32, #tpu.memory_space<hbm>>) dst(%dma_wait3A_347 : memref<320xi32, #tpu.memory_space<vmem>>)
      %add3A_350 = arith.constant 1 : i32
      %add3A_351 = arith.addi %mul3A_202, %add3A_350 : i32
      %mul3A_352 = arith.constant 320 : i32
      %mul3A_353 = arith.muli %add3A_351, %mul3A_352 : i32
      %add3A_354 = arith.addi %mul3A_59, %mul3A_353 : i32
      %mul3A_355 = arith.constant 320 : i32
      %mul3A_356 = arith.muli %add3A_351, %mul3A_355 : i32
      %add3A_357 = arith.addi %mul3A_59, %mul3A_356 : i32
      %min3A_358 = arith.constant 319680 : i32
      %min3A_359 = arith.minsi %add3A_357, %min3A_358 : i32
      %min3A_360 = arith.minsi %add3A_354, %squeeze3A_41 : i32
      %max3A_361 = arith.maxsi %squeeze3A, %min3A_360 : i32
      %sub3A_362 = arith.subi %max3A_361, %min3A_359 : i32
      %add3A_363 = arith.constant 320 : i32
      %add3A_364 = arith.addi %add3A_354, %add3A_363 : i32
      %min3A_365 = arith.minsi %squeeze3A_41, %add3A_364 : i32
      %sub3A_366 = arith.subi %min3A_365, %min3A_359 : i32
      %get3A_367 = arith.index_cast %sub3A_362 : i32 to index
      %get3A_368 = tpu.vector_load %arg9[%get3A_367] {strides = array<i32>} : memref<336xi32, #tpu.memory_space<vmem>>, vector<16xi32>,
      %broadcast_in_dim3A_369 = arith.constant 0 : i32
      %broadcast_in_dim3A_370 = vector.broadcast %broadcast_in_dim3A_369 : i32 to vector<16x1xi32>
      %gather3A_371 = vector.shape_cast %broadcast_in_dim3A_370 : vector<16x1xi32> to vector<16xi32>
      %gather3A_372 = tpu.dynamic_gather %get3A_368[%gather3A_371] in [0] : vector<16xi32>, vector<16xi32> -> vector<16xi32>
      %sub3A_373 = arith.subi %gather3A_372, %broadcast_in_dim3A_28 : vector<16xi32>
      %sub3A_374 = arith.subi %sub3A_366, %sub3A_362 : i32
      %add3A_375 = arith.constant 3 : i32
      %add3A_376 = arith.addi %sub3A_374, %add3A_375 : i32
      %jit3A_377 = arith.constant 4 : i32
      %div3A_378 = arith.divsi %add3A_376, %jit3A_377 : i32
      %sign3A_379 = arith.constant 0 : i32
      %sign3A_380 = arith.cmpi sgt, %add3A_376, %sign3A_379 : i32
      %sign3A_381 = arith.extui %sign3A_380 : i1 to i32
      %sign3A_382 = arith.constant 0 : i32
      %sign3A_383 = arith.cmpi slt, %add3A_376, %sign3A_382 : i32
      %sign3A_384 = arith.extui %sign3A_383 : i1 to i32
      %sign3A_385 = arith.subi %sign3A_381, %sign3A_384 : i32
      %sign3A_386 = arith.constant 0 : i32
      %sign3A_387 = arith.cmpi sgt, %jit3A_377, %sign3A_386 : i32
      %sign3A_388 = arith.extui %sign3A_387 : i1 to i32
      %sign3A_389 = arith.constant 0 : i32
      %sign3A_390 = arith.cmpi slt, %jit3A_377, %sign3A_389 : i32
      %sign3A_391 = arith.extui %sign3A_390 : i1 to i32
      %sign3A_392 = arith.subi %sign3A_388, %sign3A_391 : i32
      %ne3A_393 = arith.cmpi ne, %sign3A_385, %sign3A_392 : i32
      %rem3A_394 = arith.remsi %add3A_376, %jit3A_377 : i32
      %ne3A_395 = arith.constant 0 : i32
      %ne3A_396 = arith.cmpi ne, %rem3A_394, %ne3A_395 : i32
      %and3A_397 = arith.andi %ne3A_393, %ne3A_396 : i1
      %sub3A_398 = arith.constant 1 : i32
      %sub3A_399 = arith.subi %div3A_378, %sub3A_398 : i32
      %select_n3A_400 = arith.select %and3A_397, %sub3A_399, %div3A_378 : i32
      %while3A_401 = arith.constant 0 : i32
      %while3A_402 = arith.subi %select_n3A_400, %while3A_401 : i32
      %while3A_403 = arith.addi %while3A_401, %while3A_402 : i32
      %while3A_404 = arith.constant 1 : i32
      %while3A_405 = arith.divsi %while3A_402, %while3A_404 : i32
      %while3A_406 = arith.muli %while3A_405, %while3A_404 : i32
      %while3A_407 = arith.addi %while3A_401, %while3A_406 : i32
      %while3A_408 = arith.constant 1 : i32
      %while3A_409:12 = scf.for %while3A_415 = %while3A_401 to %while3A_407 step %while3A_408 iter_args(%while3A_416 = %select_n3A_305, %while3A_417 = %select_n3A_306, %while3A_418 = %gather3A_372, %while3A_419 = %sub3A_373, %while3A_420 = %while3A_303#4, %while3A_421 = %while3A_303#5, %while3A_422 = %while3A_303#6, %while3A_423 = %while3A_303#7, %while3A_424 = %while3A_303#8, %while3A_425 = %while3A_303#9, %while3A_426 = %while3A_303#10, %while3A_427 = %while3A_303#11) -> (vector<16xi32>, vector<16xi32>, vector<16xi32>, vector<16xi32>, vector<16xf32>, vector<16xf32>, vector<16xf32>, vector<16xf32>, vector<16xf32>, vector<16xf32>, vector<16xf32>, vector<16xf32>)  : i32 {
        %mul3A_428 = arith.constant 4 : i32
        %mul3A_429 = arith.muli %mul3A_428, %while3A_415 : i32
        %add3A_430 = arith.addi %sub3A_362, %mul3A_429 : i32
        %mul3A_431 = arith.constant 128 : i32
        %mul3A_432 = arith.muli %add3A_430, %mul3A_431 : i32
        %add3A_433 = arith.constant 0 : i32
        %add3A_434 = arith.addi %mul3A_432, %add3A_433 : i32
        %get3A_435 = arith.index_cast %add3A_434 : i32 to index
        %get3A_436 = tpu.vector_load %arg7[%get3A_435] {strides = array<i32>} : memref<40960xf32, #tpu.memory_space<vmem>>, vector<16xf32>,
        %mul3A_437 = arith.constant 128 : i32
        %mul3A_438 = arith.muli %add3A_430, %mul3A_437 : i32
        %add3A_439 = arith.constant 16 : i32
        %add3A_440 = arith.addi %mul3A_438, %add3A_439 : i32
        %get3A_441 = arith.index_cast %add3A_440 : i32 to index
        %get3A_442 = tpu.vector_load %arg7[%get3A_441] {strides = array<i32>} : memref<40960xf32, #tpu.memory_space<vmem>>, vector<16xf32>,
        %mul3A_443 = arith.constant 128 : i32
        %mul3A_444 = arith.muli %add3A_430, %mul3A_443 : i32
        %add3A_445 = arith.constant 32 : i32
        %add3A_446 = arith.addi %mul3A_444, %add3A_445 : i32
        %get3A_447 = arith.index_cast %add3A_446 : i32 to index
        %get3A_448 = tpu.vector_load %arg7[%get3A_447] {strides = array<i32>} : memref<40960xf32, #tpu.memory_space<vmem>>, vector<16xf32>,
        %mul3A_449 = arith.constant 128 : i32
        %mul3A_450 = arith.muli %add3A_430, %mul3A_449 : i32
        %add3A_451 = arith.constant 48 : i32
        %add3A_452 = arith.addi %mul3A_450, %add3A_451 : i32
        %get3A_453 = arith.index_cast %add3A_452 : i32 to index
        %get3A_454 = tpu.vector_load %arg7[%get3A_453] {strides = array<i32>} : memref<40960xf32, #tpu.memory_space<vmem>>, vector<16xf32>,
        %mul3A_455 = arith.constant 128 : i32
        %mul3A_456 = arith.muli %add3A_430, %mul3A_455 : i32
        %add3A_457 = arith.constant 64 : i32
        %add3A_458 = arith.addi %mul3A_456, %add3A_457 : i32
        %get3A_459 = arith.index_cast %add3A_458 : i32 to index
        %get3A_460 = tpu.vector_load %arg7[%get3A_459] {strides = array<i32>} : memref<40960xf32, #tpu.memory_space<vmem>>, vector<16xf32>,
        %mul3A_461 = arith.constant 128 : i32
        %mul3A_462 = arith.muli %add3A_430, %mul3A_461 : i32
        %add3A_463 = arith.constant 80 : i32
        %add3A_464 = arith.addi %mul3A_462, %add3A_463 : i32
        %get3A_465 = arith.index_cast %add3A_464 : i32 to index
        %get3A_466 = tpu.vector_load %arg7[%get3A_465] {strides = array<i32>} : memref<40960xf32, #tpu.memory_space<vmem>>, vector<16xf32>,
        %mul3A_467 = arith.constant 128 : i32
        %mul3A_468 = arith.muli %add3A_430, %mul3A_467 : i32
        %add3A_469 = arith.constant 96 : i32
        %add3A_470 = arith.addi %mul3A_468, %add3A_469 : i32
        %get3A_471 = arith.index_cast %add3A_470 : i32 to index
        %get3A_472 = tpu.vector_load %arg7[%get3A_471] {strides = array<i32>} : memref<40960xf32, #tpu.memory_space<vmem>>, vector<16xf32>,
        %mul3A_473 = arith.constant 128 : i32
        %mul3A_474 = arith.muli %add3A_430, %mul3A_473 : i32
        %add3A_475 = arith.constant 112 : i32
        %add3A_476 = arith.addi %mul3A_474, %add3A_475 : i32
        %get3A_477 = arith.index_cast %add3A_476 : i32 to index
        %get3A_478 = tpu.vector_load %arg7[%get3A_477] {strides = array<i32>} : memref<40960xf32, #tpu.memory_space<vmem>>, vector<16xf32>,
        %ne3A_479 = arith.cmpi ne, %while3A_418, %while3A_416 : vector<16xi32>
        tpu.vector_store_idx %arg10[%while3A_417, %add3A_6], %while3A_420 masked %ne3A_479 : memref<329x128xf32, #tpu.memory_space<vmem>>[vector<16xi32>, vector<16xi32>], vector<16xf32>, vector<16xi1>
        tpu.vector_store_idx %arg10[%while3A_417, %add3A_9], %while3A_421 masked %ne3A_479 : memref<329x128xf32, #tpu.memory_space<vmem>>[vector<16xi32>, vector<16xi32>], vector<16xf32>, vector<16xi1>
        tpu.vector_store_idx %arg10[%while3A_417, %add3A_12], %while3A_422 masked %ne3A_479 : memref<329x128xf32, #tpu.memory_space<vmem>>[vector<16xi32>, vector<16xi32>], vector<16xf32>, vector<16xi1>
        tpu.vector_store_idx %arg10[%while3A_417, %add3A_15], %while3A_423 masked %ne3A_479 : memref<329x128xf32, #tpu.memory_space<vmem>>[vector<16xi32>, vector<16xi32>], vector<16xf32>, vector<16xi1>
        tpu.vector_store_idx %arg10[%while3A_417, %add3A_18], %while3A_424 masked %ne3A_479 : memref<329x128xf32, #tpu.memory_space<vmem>>[vector<16xi32>, vector<16xi32>], vector<16xf32>, vector<16xi1>
        tpu.vector_store_idx %arg10[%while3A_417, %add3A_21], %while3A_425 masked %ne3A_479 : memref<329x128xf32, #tpu.memory_space<vmem>>[vector<16xi32>, vector<16xi32>], vector<16xf32>, vector<16xi1>
        tpu.vector_store_idx %arg10[%while3A_417, %add3A_24], %while3A_426 masked %ne3A_479 : memref<329x128xf32, #tpu.memory_space<vmem>>[vector<16xi32>, vector<16xi32>], vector<16xf32>, vector<16xi1>
        tpu.vector_store_idx %arg10[%while3A_417, %add3A_27], %while3A_427 masked %ne3A_479 : memref<329x128xf32, #tpu.memory_space<vmem>>[vector<16xi32>, vector<16xi32>], vector<16xf32>, vector<16xi1>
        %max3A_480 = arith.maximumf %while3A_420, %get3A_436 : vector<16xf32>
        %select_n3A_481 = arith.select %ne3A_479, %get3A_436, %max3A_480 : vector<16xi1>, vector<16xf32>
        %max3A_482 = arith.maximumf %while3A_421, %get3A_442 : vector<16xf32>
        %select_n3A_483 = arith.select %ne3A_479, %get3A_442, %max3A_482 : vector<16xi1>, vector<16xf32>
        %max3A_484 = arith.maximumf %while3A_422, %get3A_448 : vector<16xf32>
        %select_n3A_485 = arith.select %ne3A_479, %get3A_448, %max3A_484 : vector<16xi1>, vector<16xf32>
        %max3A_486 = arith.maximumf %while3A_423, %get3A_454 : vector<16xf32>
        %select_n3A_487 = arith.select %ne3A_479, %get3A_454, %max3A_486 : vector<16xi1>, vector<16xf32>
        %max3A_488 = arith.maximumf %while3A_424, %get3A_460 : vector<16xf32>
        %select_n3A_489 = arith.select %ne3A_479, %get3A_460, %max3A_488 : vector<16xi1>, vector<16xf32>
        %max3A_490 = arith.maximumf %while3A_425, %get3A_466 : vector<16xf32>
        %select_n3A_491 = arith.select %ne3A_479, %get3A_466, %max3A_490 : vector<16xi1>, vector<16xf32>
        %max3A_492 = arith.maximumf %while3A_426, %get3A_472 : vector<16xf32>
        %select_n3A_493 = arith.select %ne3A_479, %get3A_472, %max3A_492 : vector<16xi1>, vector<16xf32>
        %max3A_494 = arith.maximumf %while3A_427, %get3A_478 : vector<16xf32>
        %select_n3A_495 = arith.select %ne3A_479, %get3A_478, %max3A_494 : vector<16xi1>, vector<16xf32>
        %add3A_496 = arith.constant 1 : i32
        %add3A_497 = arith.addi %add3A_430, %add3A_496 : i32
        %sub3A_498 = arith.constant 1 : i32
        %sub3A_499 = arith.subi %sub3A_366, %sub3A_498 : i32
        %min3A_500 = arith.minsi %add3A_497, %sub3A_499 : i32
        %get3A_501 = arith.index_cast %min3A_500 : i32 to index
        %get3A_502 = tpu.vector_load %arg9[%get3A_501] {strides = array<i32>} : memref<336xi32, #tpu.memory_space<vmem>>, vector<16xi32>,
        %broadcast_in_dim3A_503 = arith.constant 0 : i32
        %broadcast_in_dim3A_504 = vector.broadcast %broadcast_in_dim3A_503 : i32 to vector<16x1xi32>
        %gather3A_505 = vector.shape_cast %broadcast_in_dim3A_504 : vector<16x1xi32> to vector<16xi32>
        %gather3A_506 = tpu.dynamic_gather %get3A_502[%gather3A_505] in [0] : vector<16xi32>, vector<16xi32> -> vector<16xi32>
        %sub3A_507 = arith.subi %gather3A_506, %broadcast_in_dim3A_28 : vector<16xi32>
        %mul3A_508 = arith.constant 128 : i32
        %mul3A_509 = arith.muli %min3A_500, %mul3A_508 : i32
        %add3A_510 = arith.constant 0 : i32
        %add3A_511 = arith.addi %mul3A_509, %add3A_510 : i32
        %get3A_512 = arith.index_cast %add3A_511 : i32 to index
        %get3A_513 = tpu.vector_load %arg7[%get3A_512] {strides = array<i32>} : memref<40960xf32, #tpu.memory_space<vmem>>, vector<16xf32>,
        %mul3A_514 = arith.constant 128 : i32
        %mul3A_515 = arith.muli %min3A_500, %mul3A_514 : i32
        %add3A_516 = arith.constant 16 : i32
        %add3A_517 = arith.addi %mul3A_515, %add3A_516 : i32
        %get3A_518 = arith.index_cast %add3A_517 : i32 to index
        %get3A_519 = tpu.vector_load %arg7[%get3A_518] {strides = array<i32>} : memref<40960xf32, #tpu.memory_space<vmem>>, vector<16xf32>,
        %mul3A_520 = arith.constant 128 : i32
        %mul3A_521 = arith.muli %min3A_500, %mul3A_520 : i32
        %add3A_522 = arith.constant 32 : i32
        %add3A_523 = arith.addi %mul3A_521, %add3A_522 : i32
        %get3A_524 = arith.index_cast %add3A_523 : i32 to index
        %get3A_525 = tpu.vector_load %arg7[%get3A_524] {strides = array<i32>} : memref<40960xf32, #tpu.memory_space<vmem>>, vector<16xf32>,
        %mul3A_526 = arith.constant 128 : i32
        %mul3A_527 = arith.muli %min3A_500, %mul3A_526 : i32
        %add3A_528 = arith.constant 48 : i32
        %add3A_529 = arith.addi %mul3A_527, %add3A_528 : i32
        %get3A_530 = arith.index_cast %add3A_529 : i32 to index
        %get3A_531 = tpu.vector_load %arg7[%get3A_530] {strides = array<i32>} : memref<40960xf32, #tpu.memory_space<vmem>>, vector<16xf32>,
        %mul3A_532 = arith.constant 128 : i32
        %mul3A_533 = arith.muli %min3A_500, %mul3A_532 : i32
        %add3A_534 = arith.constant 64 : i32
        %add3A_535 = arith.addi %mul3A_533, %add3A_534 : i32
        %get3A_536 = arith.index_cast %add3A_535 : i32 to index
        %get3A_537 = tpu.vector_load %arg7[%get3A_536] {strides = array<i32>} : memref<40960xf32, #tpu.memory_space<vmem>>, vector<16xf32>,
        %mul3A_538 = arith.constant 128 : i32
        %mul3A_539 = arith.muli %min3A_500, %mul3A_538 : i32
        %add3A_540 = arith.constant 80 : i32
        %add3A_541 = arith.addi %mul3A_539, %add3A_540 : i32
        %get3A_542 = arith.index_cast %add3A_541 : i32 to index
        %get3A_543 = tpu.vector_load %arg7[%get3A_542] {strides = array<i32>} : memref<40960xf32, #tpu.memory_space<vmem>>, vector<16xf32>,
        %mul3A_544 = arith.constant 128 : i32
        %mul3A_545 = arith.muli %min3A_500, %mul3A_544 : i32
        %add3A_546 = arith.constant 96 : i32
        %add3A_547 = arith.addi %mul3A_545, %add3A_546 : i32
        %get3A_548 = arith.index_cast %add3A_547 : i32 to index
        %get3A_549 = tpu.vector_load %arg7[%get3A_548] {strides = array<i32>} : memref<40960xf32, #tpu.memory_space<vmem>>, vector<16xf32>,
        %mul3A_550 = arith.constant 128 : i32
        %mul3A_551 = arith.muli %min3A_500, %mul3A_550 : i32
        %add3A_552 = arith.constant 112 : i32
        %add3A_553 = arith.addi %mul3A_551, %add3A_552 : i32
        %get3A_554 = arith.index_cast %add3A_553 : i32 to index
        %get3A_555 = tpu.vector_load %arg7[%get3A_554] {strides = array<i32>} : memref<40960xf32, #tpu.memory_space<vmem>>, vector<16xf32>,
        %ne3A_556 = arith.cmpi ne, %gather3A_506, %while3A_418 : vector<16xi32>
        tpu.vector_store_idx %arg10[%while3A_419, %add3A_6], %select_n3A_481 masked %ne3A_556 : memref<329x128xf32, #tpu.memory_space<vmem>>[vector<16xi32>, vector<16xi32>], vector<16xf32>, vector<16xi1>
        tpu.vector_store_idx %arg10[%while3A_419, %add3A_9], %select_n3A_483 masked %ne3A_556 : memref<329x128xf32, #tpu.memory_space<vmem>>[vector<16xi32>, vector<16xi32>], vector<16xf32>, vector<16xi1>
        tpu.vector_store_idx %arg10[%while3A_419, %add3A_12], %select_n3A_485 masked %ne3A_556 : memref<329x128xf32, #tpu.memory_space<vmem>>[vector<16xi32>, vector<16xi32>], vector<16xf32>, vector<16xi1>
        tpu.vector_store_idx %arg10[%while3A_419, %add3A_15], %select_n3A_487 masked %ne3A_556 : memref<329x128xf32, #tpu.memory_space<vmem>>[vector<16xi32>, vector<16xi32>], vector<16xf32>, vector<16xi1>
        tpu.vector_store_idx %arg10[%while3A_419, %add3A_18], %select_n3A_489 masked %ne3A_556 : memref<329x128xf32, #tpu.memory_space<vmem>>[vector<16xi32>, vector<16xi32>], vector<16xf32>, vector<16xi1>
        tpu.vector_store_idx %arg10[%while3A_419, %add3A_21], %select_n3A_491 masked %ne3A_556 : memref<329x128xf32, #tpu.memory_space<vmem>>[vector<16xi32>, vector<16xi32>], vector<16xf32>, vector<16xi1>
        tpu.vector_store_idx %arg10[%while3A_419, %add3A_24], %select_n3A_493 masked %ne3A_556 : memref<329x128xf32, #tpu.memory_space<vmem>>[vector<16xi32>, vector<16xi32>], vector<16xf32>, vector<16xi1>
        tpu.vector_store_idx %arg10[%while3A_419, %add3A_27], %select_n3A_495 masked %ne3A_556 : memref<329x128xf32, #tpu.memory_space<vmem>>[vector<16xi32>, vector<16xi32>], vector<16xf32>, vector<16xi1>
        %max3A_557 = arith.maximumf %select_n3A_481, %get3A_513 : vector<16xf32>
        %select_n3A_558 = arith.select %ne3A_556, %get3A_513, %max3A_557 : vector<16xi1>, vector<16xf32>
        %max3A_559 = arith.maximumf %select_n3A_483, %get3A_519 : vector<16xf32>
        %select_n3A_560 = arith.select %ne3A_556, %get3A_519, %max3A_559 : vector<16xi1>, vector<16xf32>
        %max3A_561 = arith.maximumf %select_n3A_485, %get3A_525 : vector<16xf32>
        %select_n3A_562 = arith.select %ne3A_556, %get3A_525, %max3A_561 : vector<16xi1>, vector<16xf32>
        %max3A_563 = arith.maximumf %select_n3A_487, %get3A_531 : vector<16xf32>
        %select_n3A_564 = arith.select %ne3A_556, %get3A_531, %max3A_563 : vector<16xi1>, vector<16xf32>
        %max3A_565 = arith.maximumf %select_n3A_489, %get3A_537 : vector<16xf32>
        %select_n3A_566 = arith.select %ne3A_556, %get3A_537, %max3A_565 : vector<16xi1>, vector<16xf32>
        %max3A_567 = arith.maximumf %select_n3A_491, %get3A_543 : vector<16xf32>
        %select_n3A_568 = arith.select %ne3A_556, %get3A_543, %max3A_567 : vector<16xi1>, vector<16xf32>
        %max3A_569 = arith.maximumf %select_n3A_493, %get3A_549 : vector<16xf32>
        %select_n3A_570 = arith.select %ne3A_556, %get3A_549, %max3A_569 : vector<16xi1>, vector<16xf32>
        %max3A_571 = arith.maximumf %select_n3A_495, %get3A_555 : vector<16xf32>
        %select_n3A_572 = arith.select %ne3A_556, %get3A_555, %max3A_571 : vector<16xi1>, vector<16xf32>
        %add3A_573 = arith.constant 2 : i32
        %add3A_574 = arith.addi %add3A_430, %add3A_573 : i32
        %sub3A_575 = arith.constant 1 : i32
        %sub3A_576 = arith.subi %sub3A_366, %sub3A_575 : i32
        %min3A_577 = arith.minsi %add3A_574, %sub3A_576 : i32
        %get3A_578 = arith.index_cast %min3A_577 : i32 to index
        %get3A_579 = tpu.vector_load %arg9[%get3A_578] {strides = array<i32>} : memref<336xi32, #tpu.memory_space<vmem>>, vector<16xi32>,
        %broadcast_in_dim3A_580 = arith.constant 0 : i32
        %broadcast_in_dim3A_581 = vector.broadcast %broadcast_in_dim3A_580 : i32 to vector<16x1xi32>
        %gather3A_582 = vector.shape_cast %broadcast_in_dim3A_581 : vector<16x1xi32> to vector<16xi32>
        %gather3A_583 = tpu.dynamic_gather %get3A_579[%gather3A_582] in [0] : vector<16xi32>, vector<16xi32> -> vector<16xi32>
        %sub3A_584 = arith.subi %gather3A_583, %broadcast_in_dim3A_28 : vector<16xi32>
        %mul3A_585 = arith.constant 128 : i32
        %mul3A_586 = arith.muli %min3A_577, %mul3A_585 : i32
        %add3A_587 = arith.constant 0 : i32
        %add3A_588 = arith.addi %mul3A_586, %add3A_587 : i32
        %get3A_589 = arith.index_cast %add3A_588 : i32 to index
        %get3A_590 = tpu.vector_load %arg7[%get3A_589] {strides = array<i32>} : memref<40960xf32, #tpu.memory_space<vmem>>, vector<16xf32>,
        %mul3A_591 = arith.constant 128 : i32
        %mul3A_592 = arith.muli %min3A_577, %mul3A_591 : i32
        %add3A_593 = arith.constant 16 : i32
        %add3A_594 = arith.addi %mul3A_592, %add3A_593 : i32
        %get3A_595 = arith.index_cast %add3A_594 : i32 to index
        %get3A_596 = tpu.vector_load %arg7[%get3A_595] {strides = array<i32>} : memref<40960xf32, #tpu.memory_space<vmem>>, vector<16xf32>,
        %mul3A_597 = arith.constant 128 : i32
        %mul3A_598 = arith.muli %min3A_577, %mul3A_597 : i32
        %add3A_599 = arith.constant 32 : i32
        %add3A_600 = arith.addi %mul3A_598, %add3A_599 : i32
        %get3A_601 = arith.index_cast %add3A_600 : i32 to index
        %get3A_602 = tpu.vector_load %arg7[%get3A_601] {strides = array<i32>} : memref<40960xf32, #tpu.memory_space<vmem>>, vector<16xf32>,
        %mul3A_603 = arith.constant 128 : i32
        %mul3A_604 = arith.muli %min3A_577, %mul3A_603 : i32
        %add3A_605 = arith.constant 48 : i32
        %add3A_606 = arith.addi %mul3A_604, %add3A_605 : i32
        %get3A_607 = arith.index_cast %add3A_606 : i32 to index
        %get3A_608 = tpu.vector_load %arg7[%get3A_607] {strides = array<i32>} : memref<40960xf32, #tpu.memory_space<vmem>>, vector<16xf32>,
        %mul3A_609 = arith.constant 128 : i32
        %mul3A_610 = arith.muli %min3A_577, %mul3A_609 : i32
        %add3A_611 = arith.constant 64 : i32
        %add3A_612 = arith.addi %mul3A_610, %add3A_611 : i32
        %get3A_613 = arith.index_cast %add3A_612 : i32 to index
        %get3A_614 = tpu.vector_load %arg7[%get3A_613] {strides = array<i32>} : memref<40960xf32, #tpu.memory_space<vmem>>, vector<16xf32>,
        %mul3A_615 = arith.constant 128 : i32
        %mul3A_616 = arith.muli %min3A_577, %mul3A_615 : i32
        %add3A_617 = arith.constant 80 : i32
        %add3A_618 = arith.addi %mul3A_616, %add3A_617 : i32
        %get3A_619 = arith.index_cast %add3A_618 : i32 to index
        %get3A_620 = tpu.vector_load %arg7[%get3A_619] {strides = array<i32>} : memref<40960xf32, #tpu.memory_space<vmem>>, vector<16xf32>,
        %mul3A_621 = arith.constant 128 : i32
        %mul3A_622 = arith.muli %min3A_577, %mul3A_621 : i32
        %add3A_623 = arith.constant 96 : i32
        %add3A_624 = arith.addi %mul3A_622, %add3A_623 : i32
        %get3A_625 = arith.index_cast %add3A_624 : i32 to index
        %get3A_626 = tpu.vector_load %arg7[%get3A_625] {strides = array<i32>} : memref<40960xf32, #tpu.memory_space<vmem>>, vector<16xf32>,
        %mul3A_627 = arith.constant 128 : i32
        %mul3A_628 = arith.muli %min3A_577, %mul3A_627 : i32
        %add3A_629 = arith.constant 112 : i32
        %add3A_630 = arith.addi %mul3A_628, %add3A_629 : i32
        %get3A_631 = arith.index_cast %add3A_630 : i32 to index
        %get3A_632 = tpu.vector_load %arg7[%get3A_631] {strides = array<i32>} : memref<40960xf32, #tpu.memory_space<vmem>>, vector<16xf32>,
        %ne3A_633 = arith.cmpi ne, %gather3A_583, %gather3A_506 : vector<16xi32>
        tpu.vector_store_idx %arg10[%sub3A_507, %add3A_6], %select_n3A_558 masked %ne3A_633 : memref<329x128xf32, #tpu.memory_space<vmem>>[vector<16xi32>, vector<16xi32>], vector<16xf32>, vector<16xi1>
        tpu.vector_store_idx %arg10[%sub3A_507, %add3A_9], %select_n3A_560 masked %ne3A_633 : memref<329x128xf32, #tpu.memory_space<vmem>>[vector<16xi32>, vector<16xi32>], vector<16xf32>, vector<16xi1>
        tpu.vector_store_idx %arg10[%sub3A_507, %add3A_12], %select_n3A_562 masked %ne3A_633 : memref<329x128xf32, #tpu.memory_space<vmem>>[vector<16xi32>, vector<16xi32>], vector<16xf32>, vector<16xi1>
        tpu.vector_store_idx %arg10[%sub3A_507, %add3A_15], %select_n3A_564 masked %ne3A_633 : memref<329x128xf32, #tpu.memory_space<vmem>>[vector<16xi32>, vector<16xi32>], vector<16xf32>, vector<16xi1>
        tpu.vector_store_idx %arg10[%sub3A_507, %add3A_18], %select_n3A_566 masked %ne3A_633 : memref<329x128xf32, #tpu.memory_space<vmem>>[vector<16xi32>, vector<16xi32>], vector<16xf32>, vector<16xi1>
        tpu.vector_store_idx %arg10[%sub3A_507, %add3A_21], %select_n3A_568 masked %ne3A_633 : memref<329x128xf32, #tpu.memory_space<vmem>>[vector<16xi32>, vector<16xi32>], vector<16xf32>, vector<16xi1>
        tpu.vector_store_idx %arg10[%sub3A_507, %add3A_24], %select_n3A_570 masked %ne3A_633 : memref<329x128xf32, #tpu.memory_space<vmem>>[vector<16xi32>, vector<16xi32>], vector<16xf32>, vector<16xi1>
        tpu.vector_store_idx %arg10[%sub3A_507, %add3A_27], %select_n3A_572 masked %ne3A_633 : memref<329x128xf32, #tpu.memory_space<vmem>>[vector<16xi32>, vector<16xi32>], vector<16xf32>, vector<16xi1>
        %max3A_634 = arith.maximumf %select_n3A_558, %get3A_590 : vector<16xf32>
        %select_n3A_635 = arith.select %ne3A_633, %get3A_590, %max3A_634 : vector<16xi1>, vector<16xf32>
        %max3A_636 = arith.maximumf %select_n3A_560, %get3A_596 : vector<16xf32>
        %select_n3A_637 = arith.select %ne3A_633, %get3A_596, %max3A_636 : vector<16xi1>, vector<16xf32>
        %max3A_638 = arith.maximumf %select_n3A_562, %get3A_602 : vector<16xf32>
        %select_n3A_639 = arith.select %ne3A_633, %get3A_602, %max3A_638 : vector<16xi1>, vector<16xf32>
        %max3A_640 = arith.maximumf %select_n3A_564, %get3A_608 : vector<16xf32>
        %select_n3A_641 = arith.select %ne3A_633, %get3A_608, %max3A_640 : vector<16xi1>, vector<16xf32>
        %max3A_642 = arith.maximumf %select_n3A_566, %get3A_614 : vector<16xf32>
        %select_n3A_643 = arith.select %ne3A_633, %get3A_614, %max3A_642 : vector<16xi1>, vector<16xf32>
        %max3A_644 = arith.maximumf %select_n3A_568, %get3A_620 : vector<16xf32>
        %select_n3A_645 = arith.select %ne3A_633, %get3A_620, %max3A_644 : vector<16xi1>, vector<16xf32>
        %max3A_646 = arith.maximumf %select_n3A_570, %get3A_626 : vector<16xf32>
        %select_n3A_647 = arith.select %ne3A_633, %get3A_626, %max3A_646 : vector<16xi1>, vector<16xf32>
        %max3A_648 = arith.maximumf %select_n3A_572, %get3A_632 : vector<16xf32>
        %select_n3A_649 = arith.select %ne3A_633, %get3A_632, %max3A_648 : vector<16xi1>, vector<16xf32>
        %add3A_650 = arith.constant 3 : i32
        %add3A_651 = arith.addi %add3A_430, %add3A_650 : i32
        %sub3A_652 = arith.constant 1 : i32
        %sub3A_653 = arith.subi %sub3A_366, %sub3A_652 : i32
        %min3A_654 = arith.minsi %add3A_651, %sub3A_653 : i32
        %get3A_655 = arith.index_cast %min3A_654 : i32 to index
        %get3A_656 = tpu.vector_load %arg9[%get3A_655] {strides = array<i32>} : memref<336xi32, #tpu.memory_space<vmem>>, vector<16xi32>,
        %broadcast_in_dim3A_657 = arith.constant 0 : i32
        %broadcast_in_dim3A_658 = vector.broadcast %broadcast_in_dim3A_657 : i32 to vector<16x1xi32>
        %gather3A_659 = vector.shape_cast %broadcast_in_dim3A_658 : vector<16x1xi32> to vector<16xi32>
        %gather3A_660 = tpu.dynamic_gather %get3A_656[%gather3A_659] in [0] : vector<16xi32>, vector<16xi32> -> vector<16xi32>
        %sub3A_661 = arith.subi %gather3A_660, %broadcast_in_dim3A_28 : vector<16xi32>
        %mul3A_662 = arith.constant 128 : i32
        %mul3A_663 = arith.muli %min3A_654, %mul3A_662 : i32
        %add3A_664 = arith.constant 0 : i32
        %add3A_665 = arith.addi %mul3A_663, %add3A_664 : i32
        %get3A_666 = arith.index_cast %add3A_665 : i32 to index
        %get3A_667 = tpu.vector_load %arg7[%get3A_666] {strides = array<i32>} : memref<40960xf32, #tpu.memory_space<vmem>>, vector<16xf32>,
        %mul3A_668 = arith.constant 128 : i32
        %mul3A_669 = arith.muli %min3A_654, %mul3A_668 : i32
        %add3A_670 = arith.constant 16 : i32
        %add3A_671 = arith.addi %mul3A_669, %add3A_670 : i32
        %get3A_672 = arith.index_cast %add3A_671 : i32 to index
        %get3A_673 = tpu.vector_load %arg7[%get3A_672] {strides = array<i32>} : memref<40960xf32, #tpu.memory_space<vmem>>, vector<16xf32>,
        %mul3A_674 = arith.constant 128 : i32
        %mul3A_675 = arith.muli %min3A_654, %mul3A_674 : i32
        %add3A_676 = arith.constant 32 : i32
        %add3A_677 = arith.addi %mul3A_675, %add3A_676 : i32
        %get3A_678 = arith.index_cast %add3A_677 : i32 to index
        %get3A_679 = tpu.vector_load %arg7[%get3A_678] {strides = array<i32>} : memref<40960xf32, #tpu.memory_space<vmem>>, vector<16xf32>,
        %mul3A_680 = arith.constant 128 : i32
        %mul3A_681 = arith.muli %min3A_654, %mul3A_680 : i32
        %add3A_682 = arith.constant 48 : i32
        %add3A_683 = arith.addi %mul3A_681, %add3A_682 : i32
        %get3A_684 = arith.index_cast %add3A_683 : i32 to index
        %get3A_685 = tpu.vector_load %arg7[%get3A_684] {strides = array<i32>} : memref<40960xf32, #tpu.memory_space<vmem>>, vector<16xf32>,
        %mul3A_686 = arith.constant 128 : i32
        %mul3A_687 = arith.muli %min3A_654, %mul3A_686 : i32
        %add3A_688 = arith.constant 64 : i32
        %add3A_689 = arith.addi %mul3A_687, %add3A_688 : i32
        %get3A_690 = arith.index_cast %add3A_689 : i32 to index
        %get3A_691 = tpu.vector_load %arg7[%get3A_690] {strides = array<i32>} : memref<40960xf32, #tpu.memory_space<vmem>>, vector<16xf32>,
        %mul3A_692 = arith.constant 128 : i32
        %mul3A_693 = arith.muli %min3A_654, %mul3A_692 : i32
        %add3A_694 = arith.constant 80 : i32
        %add3A_695 = arith.addi %mul3A_693, %add3A_694 : i32
        %get3A_696 = arith.index_cast %add3A_695 : i32 to index
        %get3A_697 = tpu.vector_load %arg7[%get3A_696] {strides = array<i32>} : memref<40960xf32, #tpu.memory_space<vmem>>, vector<16xf32>,
        %mul3A_698 = arith.constant 128 : i32
        %mul3A_699 = arith.muli %min3A_654, %mul3A_698 : i32
        %add3A_700 = arith.constant 96 : i32
        %add3A_701 = arith.addi %mul3A_699, %add3A_700 : i32
        %get3A_702 = arith.index_cast %add3A_701 : i32 to index
        %get3A_703 = tpu.vector_load %arg7[%get3A_702] {strides = array<i32>} : memref<40960xf32, #tpu.memory_space<vmem>>, vector<16xf32>,
        %mul3A_704 = arith.constant 128 : i32
        %mul3A_705 = arith.muli %min3A_654, %mul3A_704 : i32
        %add3A_706 = arith.constant 112 : i32
        %add3A_707 = arith.addi %mul3A_705, %add3A_706 : i32
        %get3A_708 = arith.index_cast %add3A_707 : i32 to index
        %get3A_709 = tpu.vector_load %arg7[%get3A_708] {strides = array<i32>} : memref<40960xf32, #tpu.memory_space<vmem>>, vector<16xf32>,
        %ne3A_710 = arith.cmpi ne, %gather3A_660, %gather3A_583 : vector<16xi32>
        tpu.vector_store_idx %arg10[%sub3A_584, %add3A_6], %select_n3A_635 masked %ne3A_710 : memref<329x128xf32, #tpu.memory_space<vmem>>[vector<16xi32>, vector<16xi32>], vector<16xf32>, vector<16xi1>
        tpu.vector_store_idx %arg10[%sub3A_584, %add3A_9], %select_n3A_637 masked %ne3A_710 : memref<329x128xf32, #tpu.memory_space<vmem>>[vector<16xi32>, vector<16xi32>], vector<16xf32>, vector<16xi1>
        tpu.vector_store_idx %arg10[%sub3A_584, %add3A_12], %select_n3A_639 masked %ne3A_710 : memref<329x128xf32, #tpu.memory_space<vmem>>[vector<16xi32>, vector<16xi32>], vector<16xf32>, vector<16xi1>
        tpu.vector_store_idx %arg10[%sub3A_584, %add3A_15], %select_n3A_641 masked %ne3A_710 : memref<329x128xf32, #tpu.memory_space<vmem>>[vector<16xi32>, vector<16xi32>], vector<16xf32>, vector<16xi1>
        tpu.vector_store_idx %arg10[%sub3A_584, %add3A_18], %select_n3A_643 masked %ne3A_710 : memref<329x128xf32, #tpu.memory_space<vmem>>[vector<16xi32>, vector<16xi32>], vector<16xf32>, vector<16xi1>
        tpu.vector_store_idx %arg10[%sub3A_584, %add3A_21], %select_n3A_645 masked %ne3A_710 : memref<329x128xf32, #tpu.memory_space<vmem>>[vector<16xi32>, vector<16xi32>], vector<16xf32>, vector<16xi1>
        tpu.vector_store_idx %arg10[%sub3A_584, %add3A_24], %select_n3A_647 masked %ne3A_710 : memref<329x128xf32, #tpu.memory_space<vmem>>[vector<16xi32>, vector<16xi32>], vector<16xf32>, vector<16xi1>
        tpu.vector_store_idx %arg10[%sub3A_584, %add3A_27], %select_n3A_649 masked %ne3A_710 : memref<329x128xf32, #tpu.memory_space<vmem>>[vector<16xi32>, vector<16xi32>], vector<16xf32>, vector<16xi1>
        %max3A_711 = arith.maximumf %select_n3A_635, %get3A_667 : vector<16xf32>
        %select_n3A_712 = arith.select %ne3A_710, %get3A_667, %max3A_711 : vector<16xi1>, vector<16xf32>
        %max3A_713 = arith.maximumf %select_n3A_637, %get3A_673 : vector<16xf32>
        %select_n3A_714 = arith.select %ne3A_710, %get3A_673, %max3A_713 : vector<16xi1>, vector<16xf32>
        %max3A_715 = arith.maximumf %select_n3A_639, %get3A_679 : vector<16xf32>
        %select_n3A_716 = arith.select %ne3A_710, %get3A_679, %max3A_715 : vector<16xi1>, vector<16xf32>
        %max3A_717 = arith.maximumf %select_n3A_641, %get3A_685 : vector<16xf32>
        %select_n3A_718 = arith.select %ne3A_710, %get3A_685, %max3A_717 : vector<16xi1>, vector<16xf32>
        %max3A_719 = arith.maximumf %select_n3A_643, %get3A_691 : vector<16xf32>
        %select_n3A_720 = arith.select %ne3A_710, %get3A_691, %max3A_719 : vector<16xi1>, vector<16xf32>
        %max3A_721 = arith.maximumf %select_n3A_645, %get3A_697 : vector<16xf32>
        %select_n3A_722 = arith.select %ne3A_710, %get3A_697, %max3A_721 : vector<16xi1>, vector<16xf32>
        %max3A_723 = arith.maximumf %select_n3A_647, %get3A_703 : vector<16xf32>
        %select_n3A_724 = arith.select %ne3A_710, %get3A_703, %max3A_723 : vector<16xi1>, vector<16xf32>
        %max3A_725 = arith.maximumf %select_n3A_649, %get3A_709 : vector<16xf32>
        %select_n3A_726 = arith.select %ne3A_710, %get3A_709, %max3A_725 : vector<16xi1>, vector<16xf32>
        %add3A_727 = arith.constant 4 : i32
        %add3A_728 = arith.addi %add3A_430, %add3A_727 : i32
        %sub3A_729 = arith.constant 1 : i32
        %sub3A_730 = arith.subi %sub3A_366, %sub3A_729 : i32
        %min3A_731 = arith.minsi %add3A_728, %sub3A_730 : i32
        %get3A_732 = arith.index_cast %min3A_731 : i32 to index
        %get3A_733 = tpu.vector_load %arg9[%get3A_732] {strides = array<i32>} : memref<336xi32, #tpu.memory_space<vmem>>, vector<16xi32>,
        %broadcast_in_dim3A_734 = arith.constant 0 : i32
        %broadcast_in_dim3A_735 = vector.broadcast %broadcast_in_dim3A_734 : i32 to vector<16x1xi32>
        %gather3A_736 = vector.shape_cast %broadcast_in_dim3A_735 : vector<16x1xi32> to vector<16xi32>
        %gather3A_737 = tpu.dynamic_gather %get3A_733[%gather3A_736] in [0] : vector<16xi32>, vector<16xi32> -> vector<16xi32>
        %sub3A_738 = arith.subi %gather3A_737, %broadcast_in_dim3A_28 : vector<16xi32>
        scf.yield %gather3A_660, %sub3A_661, %gather3A_737, %sub3A_738, %select_n3A_712, %select_n3A_714, %select_n3A_716, %select_n3A_718, %select_n3A_720, %select_n3A_722, %select_n3A_724, %select_n3A_726 : vector<16xi32>, vector<16xi32>, vector<16xi32>, vector<16xi32>, vector<16xf32>, vector<16xf32>, vector<16xf32>, vector<16xf32>, vector<16xf32>, vector<16xf32>, vector<16xf32>, vector<16xf32>
      }
      %while3A_410 = arith.constant 1 : i32
      %while3A_411:12 = scf.for %while3A_415 = %while3A_407 to %while3A_403 step %while3A_410 iter_args(%while3A_416 = %while3A_409#0, %while3A_417 = %while3A_409#1, %while3A_418 = %while3A_409#2, %while3A_419 = %while3A_409#3, %while3A_420 = %while3A_409#4, %while3A_421 = %while3A_409#5, %while3A_422 = %while3A_409#6, %while3A_423 = %while3A_409#7, %while3A_424 = %while3A_409#8, %while3A_425 = %while3A_409#9, %while3A_426 = %while3A_409#10, %while3A_427 = %while3A_409#11) -> (vector<16xi32>, vector<16xi32>, vector<16xi32>, vector<16xi32>, vector<16xf32>, vector<16xf32>, vector<16xf32>, vector<16xf32>, vector<16xf32>, vector<16xf32>, vector<16xf32>, vector<16xf32>)  : i32 {
        %mul3A_428 = arith.constant 4 : i32
        %mul3A_429 = arith.muli %mul3A_428, %while3A_415 : i32
        %add3A_430 = arith.addi %sub3A_362, %mul3A_429 : i32
        %mul3A_431 = arith.constant 128 : i32
        %mul3A_432 = arith.muli %add3A_430, %mul3A_431 : i32
        %add3A_433 = arith.constant 0 : i32
        %add3A_434 = arith.addi %mul3A_432, %add3A_433 : i32
        %get3A_435 = arith.index_cast %add3A_434 : i32 to index
        %get3A_436 = tpu.vector_load %arg7[%get3A_435] {strides = array<i32>} : memref<40960xf32, #tpu.memory_space<vmem>>, vector<16xf32>,
        %mul3A_437 = arith.constant 128 : i32
        %mul3A_438 = arith.muli %add3A_430, %mul3A_437 : i32
        %add3A_439 = arith.constant 16 : i32
        %add3A_440 = arith.addi %mul3A_438, %add3A_439 : i32
        %get3A_441 = arith.index_cast %add3A_440 : i32 to index
        %get3A_442 = tpu.vector_load %arg7[%get3A_441] {strides = array<i32>} : memref<40960xf32, #tpu.memory_space<vmem>>, vector<16xf32>,
        %mul3A_443 = arith.constant 128 : i32
        %mul3A_444 = arith.muli %add3A_430, %mul3A_443 : i32
        %add3A_445 = arith.constant 32 : i32
        %add3A_446 = arith.addi %mul3A_444, %add3A_445 : i32
        %get3A_447 = arith.index_cast %add3A_446 : i32 to index
        %get3A_448 = tpu.vector_load %arg7[%get3A_447] {strides = array<i32>} : memref<40960xf32, #tpu.memory_space<vmem>>, vector<16xf32>,
        %mul3A_449 = arith.constant 128 : i32
        %mul3A_450 = arith.muli %add3A_430, %mul3A_449 : i32
        %add3A_451 = arith.constant 48 : i32
        %add3A_452 = arith.addi %mul3A_450, %add3A_451 : i32
        %get3A_453 = arith.index_cast %add3A_452 : i32 to index
        %get3A_454 = tpu.vector_load %arg7[%get3A_453] {strides = array<i32>} : memref<40960xf32, #tpu.memory_space<vmem>>, vector<16xf32>,
        %mul3A_455 = arith.constant 128 : i32
        %mul3A_456 = arith.muli %add3A_430, %mul3A_455 : i32
        %add3A_457 = arith.constant 64 : i32
        %add3A_458 = arith.addi %mul3A_456, %add3A_457 : i32
        %get3A_459 = arith.index_cast %add3A_458 : i32 to index
        %get3A_460 = tpu.vector_load %arg7[%get3A_459] {strides = array<i32>} : memref<40960xf32, #tpu.memory_space<vmem>>, vector<16xf32>,
        %mul3A_461 = arith.constant 128 : i32
        %mul3A_462 = arith.muli %add3A_430, %mul3A_461 : i32
        %add3A_463 = arith.constant 80 : i32
        %add3A_464 = arith.addi %mul3A_462, %add3A_463 : i32
        %get3A_465 = arith.index_cast %add3A_464 : i32 to index
        %get3A_466 = tpu.vector_load %arg7[%get3A_465] {strides = array<i32>} : memref<40960xf32, #tpu.memory_space<vmem>>, vector<16xf32>,
        %mul3A_467 = arith.constant 128 : i32
        %mul3A_468 = arith.muli %add3A_430, %mul3A_467 : i32
        %add3A_469 = arith.constant 96 : i32
        %add3A_470 = arith.addi %mul3A_468, %add3A_469 : i32
        %get3A_471 = arith.index_cast %add3A_470 : i32 to index
        %get3A_472 = tpu.vector_load %arg7[%get3A_471] {strides = array<i32>} : memref<40960xf32, #tpu.memory_space<vmem>>, vector<16xf32>,
        %mul3A_473 = arith.constant 128 : i32
        %mul3A_474 = arith.muli %add3A_430, %mul3A_473 : i32
        %add3A_475 = arith.constant 112 : i32
        %add3A_476 = arith.addi %mul3A_474, %add3A_475 : i32
        %get3A_477 = arith.index_cast %add3A_476 : i32 to index
        %get3A_478 = tpu.vector_load %arg7[%get3A_477] {strides = array<i32>} : memref<40960xf32, #tpu.memory_space<vmem>>, vector<16xf32>,
        %ne3A_479 = arith.cmpi ne, %while3A_418, %while3A_416 : vector<16xi32>
        tpu.vector_store_idx %arg10[%while3A_417, %add3A_6], %while3A_420 masked %ne3A_479 : memref<329x128xf32, #tpu.memory_space<vmem>>[vector<16xi32>, vector<16xi32>], vector<16xf32>, vector<16xi1>
        tpu.vector_store_idx %arg10[%while3A_417, %add3A_9], %while3A_421 masked %ne3A_479 : memref<329x128xf32, #tpu.memory_space<vmem>>[vector<16xi32>, vector<16xi32>], vector<16xf32>, vector<16xi1>
        tpu.vector_store_idx %arg10[%while3A_417, %add3A_12], %while3A_422 masked %ne3A_479 : memref<329x128xf32, #tpu.memory_space<vmem>>[vector<16xi32>, vector<16xi32>], vector<16xf32>, vector<16xi1>
        tpu.vector_store_idx %arg10[%while3A_417, %add3A_15], %while3A_423 masked %ne3A_479 : memref<329x128xf32, #tpu.memory_space<vmem>>[vector<16xi32>, vector<16xi32>], vector<16xf32>, vector<16xi1>
        tpu.vector_store_idx %arg10[%while3A_417, %add3A_18], %while3A_424 masked %ne3A_479 : memref<329x128xf32, #tpu.memory_space<vmem>>[vector<16xi32>, vector<16xi32>], vector<16xf32>, vector<16xi1>
        tpu.vector_store_idx %arg10[%while3A_417, %add3A_21], %while3A_425 masked %ne3A_479 : memref<329x128xf32, #tpu.memory_space<vmem>>[vector<16xi32>, vector<16xi32>], vector<16xf32>, vector<16xi1>
        tpu.vector_store_idx %arg10[%while3A_417, %add3A_24], %while3A_426 masked %ne3A_479 : memref<329x128xf32, #tpu.memory_space<vmem>>[vector<16xi32>, vector<16xi32>], vector<16xf32>, vector<16xi1>
        tpu.vector_store_idx %arg10[%while3A_417, %add3A_27], %while3A_427 masked %ne3A_479 : memref<329x128xf32, #tpu.memory_space<vmem>>[vector<16xi32>, vector<16xi32>], vector<16xf32>, vector<16xi1>
        %max3A_480 = arith.maximumf %while3A_420, %get3A_436 : vector<16xf32>
        %select_n3A_481 = arith.select %ne3A_479, %get3A_436, %max3A_480 : vector<16xi1>, vector<16xf32>
        %max3A_482 = arith.maximumf %while3A_421, %get3A_442 : vector<16xf32>
        %select_n3A_483 = arith.select %ne3A_479, %get3A_442, %max3A_482 : vector<16xi1>, vector<16xf32>
        %max3A_484 = arith.maximumf %while3A_422, %get3A_448 : vector<16xf32>
        %select_n3A_485 = arith.select %ne3A_479, %get3A_448, %max3A_484 : vector<16xi1>, vector<16xf32>
        %max3A_486 = arith.maximumf %while3A_423, %get3A_454 : vector<16xf32>
        %select_n3A_487 = arith.select %ne3A_479, %get3A_454, %max3A_486 : vector<16xi1>, vector<16xf32>
        %max3A_488 = arith.maximumf %while3A_424, %get3A_460 : vector<16xf32>
        %select_n3A_489 = arith.select %ne3A_479, %get3A_460, %max3A_488 : vector<16xi1>, vector<16xf32>
        %max3A_490 = arith.maximumf %while3A_425, %get3A_466 : vector<16xf32>
        %select_n3A_491 = arith.select %ne3A_479, %get3A_466, %max3A_490 : vector<16xi1>, vector<16xf32>
        %max3A_492 = arith.maximumf %while3A_426, %get3A_472 : vector<16xf32>
        %select_n3A_493 = arith.select %ne3A_479, %get3A_472, %max3A_492 : vector<16xi1>, vector<16xf32>
        %max3A_494 = arith.maximumf %while3A_427, %get3A_478 : vector<16xf32>
        %select_n3A_495 = arith.select %ne3A_479, %get3A_478, %max3A_494 : vector<16xi1>, vector<16xf32>
        %add3A_496 = arith.constant 1 : i32
        %add3A_497 = arith.addi %add3A_430, %add3A_496 : i32
        %sub3A_498 = arith.constant 1 : i32
        %sub3A_499 = arith.subi %sub3A_366, %sub3A_498 : i32
        %min3A_500 = arith.minsi %add3A_497, %sub3A_499 : i32
        %get3A_501 = arith.index_cast %min3A_500 : i32 to index
        %get3A_502 = tpu.vector_load %arg9[%get3A_501] {strides = array<i32>} : memref<336xi32, #tpu.memory_space<vmem>>, vector<16xi32>,
        %broadcast_in_dim3A_503 = arith.constant 0 : i32
        %broadcast_in_dim3A_504 = vector.broadcast %broadcast_in_dim3A_503 : i32 to vector<16x1xi32>
        %gather3A_505 = vector.shape_cast %broadcast_in_dim3A_504 : vector<16x1xi32> to vector<16xi32>
        %gather3A_506 = tpu.dynamic_gather %get3A_502[%gather3A_505] in [0] : vector<16xi32>, vector<16xi32> -> vector<16xi32>
        %sub3A_507 = arith.subi %gather3A_506, %broadcast_in_dim3A_28 : vector<16xi32>
        %mul3A_508 = arith.constant 128 : i32
        %mul3A_509 = arith.muli %min3A_500, %mul3A_508 : i32
        %add3A_510 = arith.constant 0 : i32
        %add3A_511 = arith.addi %mul3A_509, %add3A_510 : i32
        %get3A_512 = arith.index_cast %add3A_511 : i32 to index
        %get3A_513 = tpu.vector_load %arg7[%get3A_512] {strides = array<i32>} : memref<40960xf32, #tpu.memory_space<vmem>>, vector<16xf32>,
        %mul3A_514 = arith.constant 128 : i32
        %mul3A_515 = arith.muli %min3A_500, %mul3A_514 : i32
        %add3A_516 = arith.constant 16 : i32
        %add3A_517 = arith.addi %mul3A_515, %add3A_516 : i32
        %get3A_518 = arith.index_cast %add3A_517 : i32 to index
        %get3A_519 = tpu.vector_load %arg7[%get3A_518] {strides = array<i32>} : memref<40960xf32, #tpu.memory_space<vmem>>, vector<16xf32>,
        %mul3A_520 = arith.constant 128 : i32
        %mul3A_521 = arith.muli %min3A_500, %mul3A_520 : i32
        %add3A_522 = arith.constant 32 : i32
        %add3A_523 = arith.addi %mul3A_521, %add3A_522 : i32
        %get3A_524 = arith.index_cast %add3A_523 : i32 to index
        %get3A_525 = tpu.vector_load %arg7[%get3A_524] {strides = array<i32>} : memref<40960xf32, #tpu.memory_space<vmem>>, vector<16xf32>,
        %mul3A_526 = arith.constant 128 : i32
        %mul3A_527 = arith.muli %min3A_500, %mul3A_526 : i32
        %add3A_528 = arith.constant 48 : i32
        %add3A_529 = arith.addi %mul3A_527, %add3A_528 : i32
        %get3A_530 = arith.index_cast %add3A_529 : i32 to index
        %get3A_531 = tpu.vector_load %arg7[%get3A_530] {strides = array<i32>} : memref<40960xf32, #tpu.memory_space<vmem>>, vector<16xf32>,
        %mul3A_532 = arith.constant 128 : i32
        %mul3A_533 = arith.muli %min3A_500, %mul3A_532 : i32
        %add3A_534 = arith.constant 64 : i32
        %add3A_535 = arith.addi %mul3A_533, %add3A_534 : i32
        %get3A_536 = arith.index_cast %add3A_535 : i32 to index
        %get3A_537 = tpu.vector_load %arg7[%get3A_536] {strides = array<i32>} : memref<40960xf32, #tpu.memory_space<vmem>>, vector<16xf32>,
        %mul3A_538 = arith.constant 128 : i32
        %mul3A_539 = arith.muli %min3A_500, %mul3A_538 : i32
        %add3A_540 = arith.constant 80 : i32
        %add3A_541 = arith.addi %mul3A_539, %add3A_540 : i32
        %get3A_542 = arith.index_cast %add3A_541 : i32 to index
        %get3A_543 = tpu.vector_load %arg7[%get3A_542] {strides = array<i32>} : memref<40960xf32, #tpu.memory_space<vmem>>, vector<16xf32>,
        %mul3A_544 = arith.constant 128 : i32
        %mul3A_545 = arith.muli %min3A_500, %mul3A_544 : i32
        %add3A_546 = arith.constant 96 : i32
        %add3A_547 = arith.addi %mul3A_545, %add3A_546 : i32
        %get3A_548 = arith.index_cast %add3A_547 : i32 to index
        %get3A_549 = tpu.vector_load %arg7[%get3A_548] {strides = array<i32>} : memref<40960xf32, #tpu.memory_space<vmem>>, vector<16xf32>,
        %mul3A_550 = arith.constant 128 : i32
        %mul3A_551 = arith.muli %min3A_500, %mul3A_550 : i32
        %add3A_552 = arith.constant 112 : i32
        %add3A_553 = arith.addi %mul3A_551, %add3A_552 : i32
        %get3A_554 = arith.index_cast %add3A_553 : i32 to index
        %get3A_555 = tpu.vector_load %arg7[%get3A_554] {strides = array<i32>} : memref<40960xf32, #tpu.memory_space<vmem>>, vector<16xf32>,
        %ne3A_556 = arith.cmpi ne, %gather3A_506, %while3A_418 : vector<16xi32>
        tpu.vector_store_idx %arg10[%while3A_419, %add3A_6], %select_n3A_481 masked %ne3A_556 : memref<329x128xf32, #tpu.memory_space<vmem>>[vector<16xi32>, vector<16xi32>], vector<16xf32>, vector<16xi1>
        tpu.vector_store_idx %arg10[%while3A_419, %add3A_9], %select_n3A_483 masked %ne3A_556 : memref<329x128xf32, #tpu.memory_space<vmem>>[vector<16xi32>, vector<16xi32>], vector<16xf32>, vector<16xi1>
        tpu.vector_store_idx %arg10[%while3A_419, %add3A_12], %select_n3A_485 masked %ne3A_556 : memref<329x128xf32, #tpu.memory_space<vmem>>[vector<16xi32>, vector<16xi32>], vector<16xf32>, vector<16xi1>
        tpu.vector_store_idx %arg10[%while3A_419, %add3A_15], %select_n3A_487 masked %ne3A_556 : memref<329x128xf32, #tpu.memory_space<vmem>>[vector<16xi32>, vector<16xi32>], vector<16xf32>, vector<16xi1>
        tpu.vector_store_idx %arg10[%while3A_419, %add3A_18], %select_n3A_489 masked %ne3A_556 : memref<329x128xf32, #tpu.memory_space<vmem>>[vector<16xi32>, vector<16xi32>], vector<16xf32>, vector<16xi1>
        tpu.vector_store_idx %arg10[%while3A_419, %add3A_21], %select_n3A_491 masked %ne3A_556 : memref<329x128xf32, #tpu.memory_space<vmem>>[vector<16xi32>, vector<16xi32>], vector<16xf32>, vector<16xi1>
        tpu.vector_store_idx %arg10[%while3A_419, %add3A_24], %select_n3A_493 masked %ne3A_556 : memref<329x128xf32, #tpu.memory_space<vmem>>[vector<16xi32>, vector<16xi32>], vector<16xf32>, vector<16xi1>
        tpu.vector_store_idx %arg10[%while3A_419, %add3A_27], %select_n3A_495 masked %ne3A_556 : memref<329x128xf32, #tpu.memory_space<vmem>>[vector<16xi32>, vector<16xi32>], vector<16xf32>, vector<16xi1>
        %max3A_557 = arith.maximumf %select_n3A_481, %get3A_513 : vector<16xf32>
        %select_n3A_558 = arith.select %ne3A_556, %get3A_513, %max3A_557 : vector<16xi1>, vector<16xf32>
        %max3A_559 = arith.maximumf %select_n3A_483, %get3A_519 : vector<16xf32>
        %select_n3A_560 = arith.select %ne3A_556, %get3A_519, %max3A_559 : vector<16xi1>, vector<16xf32>
        %max3A_561 = arith.maximumf %select_n3A_485, %get3A_525 : vector<16xf32>
        %select_n3A_562 = arith.select %ne3A_556, %get3A_525, %max3A_561 : vector<16xi1>, vector<16xf32>
        %max3A_563 = arith.maximumf %select_n3A_487, %get3A_531 : vector<16xf32>
        %select_n3A_564 = arith.select %ne3A_556, %get3A_531, %max3A_563 : vector<16xi1>, vector<16xf32>
        %max3A_565 = arith.maximumf %select_n3A_489, %get3A_537 : vector<16xf32>
        %select_n3A_566 = arith.select %ne3A_556, %get3A_537, %max3A_565 : vector<16xi1>, vector<16xf32>
        %max3A_567 = arith.maximumf %select_n3A_491, %get3A_543 : vector<16xf32>
        %select_n3A_568 = arith.select %ne3A_556, %get3A_543, %max3A_567 : vector<16xi1>, vector<16xf32>
        %max3A_569 = arith.maximumf %select_n3A_493, %get3A_549 : vector<16xf32>
        %select_n3A_570 = arith.select %ne3A_556, %get3A_549, %max3A_569 : vector<16xi1>, vector<16xf32>
        %max3A_571 = arith.maximumf %select_n3A_495, %get3A_555 : vector<16xf32>
        %select_n3A_572 = arith.select %ne3A_556, %get3A_555, %max3A_571 : vector<16xi1>, vector<16xf32>
        %add3A_573 = arith.constant 2 : i32
        %add3A_574 = arith.addi %add3A_430, %add3A_573 : i32
        %sub3A_575 = arith.constant 1 : i32
        %sub3A_576 = arith.subi %sub3A_366, %sub3A_575 : i32
        %min3A_577 = arith.minsi %add3A_574, %sub3A_576 : i32
        %get3A_578 = arith.index_cast %min3A_577 : i32 to index
        %get3A_579 = tpu.vector_load %arg9[%get3A_578] {strides = array<i32>} : memref<336xi32, #tpu.memory_space<vmem>>, vector<16xi32>,
        %broadcast_in_dim3A_580 = arith.constant 0 : i32
        %broadcast_in_dim3A_581 = vector.broadcast %broadcast_in_dim3A_580 : i32 to vector<16x1xi32>
        %gather3A_582 = vector.shape_cast %broadcast_in_dim3A_581 : vector<16x1xi32> to vector<16xi32>
        %gather3A_583 = tpu.dynamic_gather %get3A_579[%gather3A_582] in [0] : vector<16xi32>, vector<16xi32> -> vector<16xi32>
        %sub3A_584 = arith.subi %gather3A_583, %broadcast_in_dim3A_28 : vector<16xi32>
        %mul3A_585 = arith.constant 128 : i32
        %mul3A_586 = arith.muli %min3A_577, %mul3A_585 : i32
        %add3A_587 = arith.constant 0 : i32
        %add3A_588 = arith.addi %mul3A_586, %add3A_587 : i32
        %get3A_589 = arith.index_cast %add3A_588 : i32 to index
        %get3A_590 = tpu.vector_load %arg7[%get3A_589] {strides = array<i32>} : memref<40960xf32, #tpu.memory_space<vmem>>, vector<16xf32>,
        %mul3A_591 = arith.constant 128 : i32
        %mul3A_592 = arith.muli %min3A_577, %mul3A_591 : i32
        %add3A_593 = arith.constant 16 : i32
        %add3A_594 = arith.addi %mul3A_592, %add3A_593 : i32
        %get3A_595 = arith.index_cast %add3A_594 : i32 to index
        %get3A_596 = tpu.vector_load %arg7[%get3A_595] {strides = array<i32>} : memref<40960xf32, #tpu.memory_space<vmem>>, vector<16xf32>,
        %mul3A_597 = arith.constant 128 : i32
        %mul3A_598 = arith.muli %min3A_577, %mul3A_597 : i32
        %add3A_599 = arith.constant 32 : i32
        %add3A_600 = arith.addi %mul3A_598, %add3A_599 : i32
        %get3A_601 = arith.index_cast %add3A_600 : i32 to index
        %get3A_602 = tpu.vector_load %arg7[%get3A_601] {strides = array<i32>} : memref<40960xf32, #tpu.memory_space<vmem>>, vector<16xf32>,
        %mul3A_603 = arith.constant 128 : i32
        %mul3A_604 = arith.muli %min3A_577, %mul3A_603 : i32
        %add3A_605 = arith.constant 48 : i32
        %add3A_606 = arith.addi %mul3A_604, %add3A_605 : i32
        %get3A_607 = arith.index_cast %add3A_606 : i32 to index
        %get3A_608 = tpu.vector_load %arg7[%get3A_607] {strides = array<i32>} : memref<40960xf32, #tpu.memory_space<vmem>>, vector<16xf32>,
        %mul3A_609 = arith.constant 128 : i32
        %mul3A_610 = arith.muli %min3A_577, %mul3A_609 : i32
        %add3A_611 = arith.constant 64 : i32
        %add3A_612 = arith.addi %mul3A_610, %add3A_611 : i32
        %get3A_613 = arith.index_cast %add3A_612 : i32 to index
        %get3A_614 = tpu.vector_load %arg7[%get3A_613] {strides = array<i32>} : memref<40960xf32, #tpu.memory_space<vmem>>, vector<16xf32>,
        %mul3A_615 = arith.constant 128 : i32
        %mul3A_616 = arith.muli %min3A_577, %mul3A_615 : i32
        %add3A_617 = arith.constant 80 : i32
        %add3A_618 = arith.addi %mul3A_616, %add3A_617 : i32
        %get3A_619 = arith.index_cast %add3A_618 : i32 to index
        %get3A_620 = tpu.vector_load %arg7[%get3A_619] {strides = array<i32>} : memref<40960xf32, #tpu.memory_space<vmem>>, vector<16xf32>,
        %mul3A_621 = arith.constant 128 : i32
        %mul3A_622 = arith.muli %min3A_577, %mul3A_621 : i32
        %add3A_623 = arith.constant 96 : i32
        %add3A_624 = arith.addi %mul3A_622, %add3A_623 : i32
        %get3A_625 = arith.index_cast %add3A_624 : i32 to index
        %get3A_626 = tpu.vector_load %arg7[%get3A_625] {strides = array<i32>} : memref<40960xf32, #tpu.memory_space<vmem>>, vector<16xf32>,
        %mul3A_627 = arith.constant 128 : i32
        %mul3A_628 = arith.muli %min3A_577, %mul3A_627 : i32
        %add3A_629 = arith.constant 112 : i32
        %add3A_630 = arith.addi %mul3A_628, %add3A_629 : i32
        %get3A_631 = arith.index_cast %add3A_630 : i32 to index
        %get3A_632 = tpu.vector_load %arg7[%get3A_631] {strides = array<i32>} : memref<40960xf32, #tpu.memory_space<vmem>>, vector<16xf32>,
        %ne3A_633 = arith.cmpi ne, %gather3A_583, %gather3A_506 : vector<16xi32>
        tpu.vector_store_idx %arg10[%sub3A_507, %add3A_6], %select_n3A_558 masked %ne3A_633 : memref<329x128xf32, #tpu.memory_space<vmem>>[vector<16xi32>, vector<16xi32>], vector<16xf32>, vector<16xi1>
        tpu.vector_store_idx %arg10[%sub3A_507, %add3A_9], %select_n3A_560 masked %ne3A_633 : memref<329x128xf32, #tpu.memory_space<vmem>>[vector<16xi32>, vector<16xi32>], vector<16xf32>, vector<16xi1>
        tpu.vector_store_idx %arg10[%sub3A_507, %add3A_12], %select_n3A_562 masked %ne3A_633 : memref<329x128xf32, #tpu.memory_space<vmem>>[vector<16xi32>, vector<16xi32>], vector<16xf32>, vector<16xi1>
        tpu.vector_store_idx %arg10[%sub3A_507, %add3A_15], %select_n3A_564 masked %ne3A_633 : memref<329x128xf32, #tpu.memory_space<vmem>>[vector<16xi32>, vector<16xi32>], vector<16xf32>, vector<16xi1>
        tpu.vector_store_idx %arg10[%sub3A_507, %add3A_18], %select_n3A_566 masked %ne3A_633 : memref<329x128xf32, #tpu.memory_space<vmem>>[vector<16xi32>, vector<16xi32>], vector<16xf32>, vector<16xi1>
        tpu.vector_store_idx %arg10[%sub3A_507, %add3A_21], %select_n3A_568 masked %ne3A_633 : memref<329x128xf32, #tpu.memory_space<vmem>>[vector<16xi32>, vector<16xi32>], vector<16xf32>, vector<16xi1>
        tpu.vector_store_idx %arg10[%sub3A_507, %add3A_24], %select_n3A_570 masked %ne3A_633 : memref<329x128xf32, #tpu.memory_space<vmem>>[vector<16xi32>, vector<16xi32>], vector<16xf32>, vector<16xi1>
        tpu.vector_store_idx %arg10[%sub3A_507, %add3A_27], %select_n3A_572 masked %ne3A_633 : memref<329x128xf32, #tpu.memory_space<vmem>>[vector<16xi32>, vector<16xi32>], vector<16xf32>, vector<16xi1>
        %max3A_634 = arith.maximumf %select_n3A_558, %get3A_590 : vector<16xf32>
        %select_n3A_635 = arith.select %ne3A_633, %get3A_590, %max3A_634 : vector<16xi1>, vector<16xf32>
        %max3A_636 = arith.maximumf %select_n3A_560, %get3A_596 : vector<16xf32>
        %select_n3A_637 = arith.select %ne3A_633, %get3A_596, %max3A_636 : vector<16xi1>, vector<16xf32>
        %max3A_638 = arith.maximumf %select_n3A_562, %get3A_602 : vector<16xf32>
        %select_n3A_639 = arith.select %ne3A_633, %get3A_602, %max3A_638 : vector<16xi1>, vector<16xf32>
        %max3A_640 = arith.maximumf %select_n3A_564, %get3A_608 : vector<16xf32>
        %select_n3A_641 = arith.select %ne3A_633, %get3A_608, %max3A_640 : vector<16xi1>, vector<16xf32>
        %max3A_642 = arith.maximumf %select_n3A_566, %get3A_614 : vector<16xf32>
        %select_n3A_643 = arith.select %ne3A_633, %get3A_614, %max3A_642 : vector<16xi1>, vector<16xf32>
        %max3A_644 = arith.maximumf %select_n3A_568, %get3A_620 : vector<16xf32>
        %select_n3A_645 = arith.select %ne3A_633, %get3A_620, %max3A_644 : vector<16xi1>, vector<16xf32>
        %max3A_646 = arith.maximumf %select_n3A_570, %get3A_626 : vector<16xf32>
        %select_n3A_647 = arith.select %ne3A_633, %get3A_626, %max3A_646 : vector<16xi1>, vector<16xf32>
        %max3A_648 = arith.maximumf %select_n3A_572, %get3A_632 : vector<16xf32>
        %select_n3A_649 = arith.select %ne3A_633, %get3A_632, %max3A_648 : vector<16xi1>, vector<16xf32>
        %add3A_650 = arith.constant 3 : i32
        %add3A_651 = arith.addi %add3A_430, %add3A_650 : i32
        %sub3A_652 = arith.constant 1 : i32
        %sub3A_653 = arith.subi %sub3A_366, %sub3A_652 : i32
        %min3A_654 = arith.minsi %add3A_651, %sub3A_653 : i32
        %get3A_655 = arith.index_cast %min3A_654 : i32 to index
        %get3A_656 = tpu.vector_load %arg9[%get3A_655] {strides = array<i32>} : memref<336xi32, #tpu.memory_space<vmem>>, vector<16xi32>,
        %broadcast_in_dim3A_657 = arith.constant 0 : i32
        %broadcast_in_dim3A_658 = vector.broadcast %broadcast_in_dim3A_657 : i32 to vector<16x1xi32>
        %gather3A_659 = vector.shape_cast %broadcast_in_dim3A_658 : vector<16x1xi32> to vector<16xi32>
        %gather3A_660 = tpu.dynamic_gather %get3A_656[%gather3A_659] in [0] : vector<16xi32>, vector<16xi32> -> vector<16xi32>
        %sub3A_661 = arith.subi %gather3A_660, %broadcast_in_dim3A_28 : vector<16xi32>
        %mul3A_662 = arith.constant 128 : i32
        %mul3A_663 = arith.muli %min3A_654, %mul3A_662 : i32
        %add3A_664 = arith.constant 0 : i32
        %add3A_665 = arith.addi %mul3A_663, %add3A_664 : i32
        %get3A_666 = arith.index_cast %add3A_665 : i32 to index
        %get3A_667 = tpu.vector_load %arg7[%get3A_666] {strides = array<i32>} : memref<40960xf32, #tpu.memory_space<vmem>>, vector<16xf32>,
        %mul3A_668 = arith.constant 128 : i32
        %mul3A_669 = arith.muli %min3A_654, %mul3A_668 : i32
        %add3A_670 = arith.constant 16 : i32
        %add3A_671 = arith.addi %mul3A_669, %add3A_670 : i32
        %get3A_672 = arith.index_cast %add3A_671 : i32 to index
        %get3A_673 = tpu.vector_load %arg7[%get3A_672] {strides = array<i32>} : memref<40960xf32, #tpu.memory_space<vmem>>, vector<16xf32>,
        %mul3A_674 = arith.constant 128 : i32
        %mul3A_675 = arith.muli %min3A_654, %mul3A_674 : i32
        %add3A_676 = arith.constant 32 : i32
        %add3A_677 = arith.addi %mul3A_675, %add3A_676 : i32
        %get3A_678 = arith.index_cast %add3A_677 : i32 to index
        %get3A_679 = tpu.vector_load %arg7[%get3A_678] {strides = array<i32>} : memref<40960xf32, #tpu.memory_space<vmem>>, vector<16xf32>,
        %mul3A_680 = arith.constant 128 : i32
        %mul3A_681 = arith.muli %min3A_654, %mul3A_680 : i32
        %add3A_682 = arith.constant 48 : i32
        %add3A_683 = arith.addi %mul3A_681, %add3A_682 : i32
        %get3A_684 = arith.index_cast %add3A_683 : i32 to index
        %get3A_685 = tpu.vector_load %arg7[%get3A_684] {strides = array<i32>} : memref<40960xf32, #tpu.memory_space<vmem>>, vector<16xf32>,
        %mul3A_686 = arith.constant 128 : i32
        %mul3A_687 = arith.muli %min3A_654, %mul3A_686 : i32
        %add3A_688 = arith.constant 64 : i32
        %add3A_689 = arith.addi %mul3A_687, %add3A_688 : i32
        %get3A_690 = arith.index_cast %add3A_689 : i32 to index
        %get3A_691 = tpu.vector_load %arg7[%get3A_690] {strides = array<i32>} : memref<40960xf32, #tpu.memory_space<vmem>>, vector<16xf32>,
        %mul3A_692 = arith.constant 128 : i32
        %mul3A_693 = arith.muli %min3A_654, %mul3A_692 : i32
        %add3A_694 = arith.constant 80 : i32
        %add3A_695 = arith.addi %mul3A_693, %add3A_694 : i32
        %get3A_696 = arith.index_cast %add3A_695 : i32 to index
        %get3A_697 = tpu.vector_load %arg7[%get3A_696] {strides = array<i32>} : memref<40960xf32, #tpu.memory_space<vmem>>, vector<16xf32>,
        %mul3A_698 = arith.constant 128 : i32
        %mul3A_699 = arith.muli %min3A_654, %mul3A_698 : i32
        %add3A_700 = arith.constant 96 : i32
        %add3A_701 = arith.addi %mul3A_699, %add3A_700 : i32
        %get3A_702 = arith.index_cast %add3A_701 : i32 to index
        %get3A_703 = tpu.vector_load %arg7[%get3A_702] {strides = array<i32>} : memref<40960xf32, #tpu.memory_space<vmem>>, vector<16xf32>,
        %mul3A_704 = arith.constant 128 : i32
        %mul3A_705 = arith.muli %min3A_654, %mul3A_704 : i32
        %add3A_706 = arith.constant 112 : i32
        %add3A_707 = arith.addi %mul3A_705, %add3A_706 : i32
        %get3A_708 = arith.index_cast %add3A_707 : i32 to index
        %get3A_709 = tpu.vector_load %arg7[%get3A_708] {strides = array<i32>} : memref<40960xf32, #tpu.memory_space<vmem>>, vector<16xf32>,
        %ne3A_710 = arith.cmpi ne, %gather3A_660, %gather3A_583 : vector<16xi32>
        tpu.vector_store_idx %arg10[%sub3A_584, %add3A_6], %select_n3A_635 masked %ne3A_710 : memref<329x128xf32, #tpu.memory_space<vmem>>[vector<16xi32>, vector<16xi32>], vector<16xf32>, vector<16xi1>
        tpu.vector_store_idx %arg10[%sub3A_584, %add3A_9], %select_n3A_637 masked %ne3A_710 : memref<329x128xf32, #tpu.memory_space<vmem>>[vector<16xi32>, vector<16xi32>], vector<16xf32>, vector<16xi1>
        tpu.vector_store_idx %arg10[%sub3A_584, %add3A_12], %select_n3A_639 masked %ne3A_710 : memref<329x128xf32, #tpu.memory_space<vmem>>[vector<16xi32>, vector<16xi32>], vector<16xf32>, vector<16xi1>
        tpu.vector_store_idx %arg10[%sub3A_584, %add3A_15], %select_n3A_641 masked %ne3A_710 : memref<329x128xf32, #tpu.memory_space<vmem>>[vector<16xi32>, vector<16xi32>], vector<16xf32>, vector<16xi1>
        tpu.vector_store_idx %arg10[%sub3A_584, %add3A_18], %select_n3A_643 masked %ne3A_710 : memref<329x128xf32, #tpu.memory_space<vmem>>[vector<16xi32>, vector<16xi32>], vector<16xf32>, vector<16xi1>
        tpu.vector_store_idx %arg10[%sub3A_584, %add3A_21], %select_n3A_645 masked %ne3A_710 : memref<329x128xf32, #tpu.memory_space<vmem>>[vector<16xi32>, vector<16xi32>], vector<16xf32>, vector<16xi1>
        tpu.vector_store_idx %arg10[%sub3A_584, %add3A_24], %select_n3A_647 masked %ne3A_710 : memref<329x128xf32, #tpu.memory_space<vmem>>[vector<16xi32>, vector<16xi32>], vector<16xf32>, vector<16xi1>
        tpu.vector_store_idx %arg10[%sub3A_584, %add3A_27], %select_n3A_649 masked %ne3A_710 : memref<329x128xf32, #tpu.memory_space<vmem>>[vector<16xi32>, vector<16xi32>], vector<16xf32>, vector<16xi1>
        %max3A_711 = arith.maximumf %select_n3A_635, %get3A_667 : vector<16xf32>
        %select_n3A_712 = arith.select %ne3A_710, %get3A_667, %max3A_711 : vector<16xi1>, vector<16xf32>
        %max3A_713 = arith.maximumf %select_n3A_637, %get3A_673 : vector<16xf32>
        %select_n3A_714 = arith.select %ne3A_710, %get3A_673, %max3A_713 : vector<16xi1>, vector<16xf32>
        %max3A_715 = arith.maximumf %select_n3A_639, %get3A_679 : vector<16xf32>
        %select_n3A_716 = arith.select %ne3A_710, %get3A_679, %max3A_715 : vector<16xi1>, vector<16xf32>
        %max3A_717 = arith.maximumf %select_n3A_641, %get3A_685 : vector<16xf32>
        %select_n3A_718 = arith.select %ne3A_710, %get3A_685, %max3A_717 : vector<16xi1>, vector<16xf32>
        %max3A_719 = arith.maximumf %select_n3A_643, %get3A_691 : vector<16xf32>
        %select_n3A_720 = arith.select %ne3A_710, %get3A_691, %max3A_719 : vector<16xi1>, vector<16xf32>
        %max3A_721 = arith.maximumf %select_n3A_645, %get3A_697 : vector<16xf32>
        %select_n3A_722 = arith.select %ne3A_710, %get3A_697, %max3A_721 : vector<16xi1>, vector<16xf32>
        %max3A_723 = arith.maximumf %select_n3A_647, %get3A_703 : vector<16xf32>
        %select_n3A_724 = arith.select %ne3A_710, %get3A_703, %max3A_723 : vector<16xi1>, vector<16xf32>
        %max3A_725 = arith.maximumf %select_n3A_649, %get3A_709 : vector<16xf32>
        %select_n3A_726 = arith.select %ne3A_710, %get3A_709, %max3A_725 : vector<16xi1>, vector<16xf32>
        %add3A_727 = arith.constant 4 : i32
        %add3A_728 = arith.addi %add3A_430, %add3A_727 : i32
        %sub3A_729 = arith.constant 1 : i32
        %sub3A_730 = arith.subi %sub3A_366, %sub3A_729 : i32
        %min3A_731 = arith.minsi %add3A_728, %sub3A_730 : i32
        %get3A_732 = arith.index_cast %min3A_731 : i32 to index
        %get3A_733 = tpu.vector_load %arg9[%get3A_732] {strides = array<i32>} : memref<336xi32, #tpu.memory_space<vmem>>, vector<16xi32>,
        %broadcast_in_dim3A_734 = arith.constant 0 : i32
        %broadcast_in_dim3A_735 = vector.broadcast %broadcast_in_dim3A_734 : i32 to vector<16x1xi32>
        %gather3A_736 = vector.shape_cast %broadcast_in_dim3A_735 : vector<16x1xi32> to vector<16xi32>
        %gather3A_737 = tpu.dynamic_gather %get3A_733[%gather3A_736] in [0] : vector<16xi32>, vector<16xi32> -> vector<16xi32>
        %sub3A_738 = arith.subi %gather3A_737, %broadcast_in_dim3A_28 : vector<16xi32>
        scf.yield %gather3A_660, %sub3A_661, %gather3A_737, %sub3A_738, %select_n3A_712, %select_n3A_714, %select_n3A_716, %select_n3A_718, %select_n3A_720, %select_n3A_722, %select_n3A_724, %select_n3A_726 : vector<16xi32>, vector<16xi32>, vector<16xi32>, vector<16xi32>, vector<16xf32>, vector<16xf32>, vector<16xf32>, vector<16xf32>, vector<16xf32>, vector<16xf32>, vector<16xf32>, vector<16xf32>
      }
      %lt3A_412 = arith.cmpi slt, %sub3A_362, %sub3A_366 : i32
      %select_n3A_413 = arith.select %lt3A_412, %while3A_411#0, %select_n3A_305 : vector<16xi32>
      %select_n3A_414 = arith.select %lt3A_412, %while3A_411#1, %select_n3A_306 : vector<16xi32>
      scf.yield %select_n3A_413, %select_n3A_414, %while3A_411#4, %while3A_411#5, %while3A_411#6, %while3A_411#7, %while3A_411#8, %while3A_411#9, %while3A_411#10, %while3A_411#11 : vector<16xi32>, vector<16xi32>, vector<16xf32>, vector<16xf32>, vector<16xf32>, vector<16xf32>, vector<16xf32>, vector<16xf32>, vector<16xf32>, vector<16xf32>
    }
    %dma_wait3A = arith.constant 0 : i32
    %dma_wait3A_173 = tpu.memref_slice %arg2[%dma_wait3A] : memref<40960000xf32, #tpu.memory_space<hbm>> -> memref<40960xf32, #tpu.memory_space<hbm>>
    %dma_wait3A_174 = arith.constant 0 : i32
    %dma_wait3A_175 = tpu.memref_slice %arg2[%dma_wait3A_174] : memref<40960000xf32, #tpu.memory_space<hbm>> -> memref<40960xf32, #tpu.memory_space<hbm>>
    tpu.wait_dma2 semaphore(%arg12 : memref<!tpu.dma_semaphore, #tpu.memory_space<semaphore_mem>>) src(%dma_wait3A_175 : memref<40960xf32, #tpu.memory_space<hbm>>) dst(%arg6 : memref<40960xf32, #tpu.memory_space<vmem>>)
    %dma_wait3A_176 = arith.constant 0 : i32
    %dma_wait3A_177 = tpu.memref_slice %arg8[%dma_wait3A_176] : memref<336xi32, #tpu.memory_space<vmem>> -> memref<320xi32, #tpu.memory_space<vmem>>
    %dma_wait3A_178 = arith.constant 0 : i32
    %dma_wait3A_179 = tpu.memref_slice %arg3[%dma_wait3A_178] : memref<320000xi32, #tpu.memory_space<hbm>> -> memref<320xi32, #tpu.memory_space<hbm>>
    %dma_wait3A_180 = arith.constant 0 : i32
    %dma_wait3A_181 = tpu.memref_slice %arg8[%dma_wait3A_180] : memref<336xi32, #tpu.memory_space<vmem>> -> memref<320xi32, #tpu.memory_space<vmem>>
    %dma_wait3A_182 = arith.constant 0 : i32
    %dma_wait3A_183 = tpu.memref_slice %arg3[%dma_wait3A_182] : memref<320000xi32, #tpu.memory_space<hbm>> -> memref<320xi32, #tpu.memory_space<hbm>>
    tpu.wait_dma2 semaphore(%arg14 : memref<!tpu.dma_semaphore, #tpu.memory_space<semaphore_mem>>) src(%dma_wait3A_183 : memref<320xi32, #tpu.memory_space<hbm>>) dst(%dma_wait3A_181 : memref<320xi32, #tpu.memory_space<vmem>>)
    tpu.vector_store_idx %arg10[%while3A_172#1, %add3A_6], %while3A_172#2 : memref<329x128xf32, #tpu.memory_space<vmem>>[vector<16xi32>, vector<16xi32>], vector<16xf32>,
    tpu.vector_store_idx %arg10[%while3A_172#1, %add3A_9], %while3A_172#3 : memref<329x128xf32, #tpu.memory_space<vmem>>[vector<16xi32>, vector<16xi32>], vector<16xf32>,
    tpu.vector_store_idx %arg10[%while3A_172#1, %add3A_12], %while3A_172#4 : memref<329x128xf32, #tpu.memory_space<vmem>>[vector<16xi32>, vector<16xi32>], vector<16xf32>,
    tpu.vector_store_idx %arg10[%while3A_172#1, %add3A_15], %while3A_172#5 : memref<329x128xf32, #tpu.memory_space<vmem>>[vector<16xi32>, vector<16xi32>], vector<16xf32>,
    tpu.vector_store_idx %arg10[%while3A_172#1, %add3A_18], %while3A_172#6 : memref<329x128xf32, #tpu.memory_space<vmem>>[vector<16xi32>, vector<16xi32>], vector<16xf32>,
    tpu.vector_store_idx %arg10[%while3A_172#1, %add3A_21], %while3A_172#7 : memref<329x128xf32, #tpu.memory_space<vmem>>[vector<16xi32>, vector<16xi32>], vector<16xf32>,
    tpu.vector_store_idx %arg10[%while3A_172#1, %add3A_24], %while3A_172#8 : memref<329x128xf32, #tpu.memory_space<vmem>>[vector<16xi32>, vector<16xi32>], vector<16xf32>,
    tpu.vector_store_idx %arg10[%while3A_172#1, %add3A_27], %while3A_172#9 : memref<329x128xf32, #tpu.memory_space<vmem>>[vector<16xi32>, vector<16xi32>], vector<16xf32>,
    %lt3A = arith.constant 31 : i32
    %lt3A_184 = arith.cmpi slt, %add3A, %lt3A : i32
    %convert_element_type3A = arith.extui %lt3A_184 : i1 to i32
    %cond3A = arith.constant 0 : i32
    %cond3A_185 = arith.cmpi ne, %convert_element_type3A, %cond3A : i32
    scf.if %cond3A_185 {
      "tpu.region"() ({
        %run_scoped3A = tpu.sem_alloc : memref<!tpu.dma_semaphore, #tpu.memory_space<semaphore_mem>>
        %dma_start3A_190 = arith.constant 0 : i32
        %dma_start3A_191 = arith.constant 0 : i32
        %dma_start3A_192 = tpu.memref_slice %arg10[%dma_start3A_190, %dma_start3A_191] : memref<329x128xf32, #tpu.memory_space<vmem>> -> memref<312x128xf32, #tpu.memory_space<vmem>>
        %dma_start3A_193 = arith.constant 0 : i32
        %dma_start3A_194 = tpu.memref_slice %arg5[%mul3A_2, %dma_start3A_193] : memref<10000x128xf32, #tpu.memory_space<hbm>> -> memref<312x128xf32, #tpu.memory_space<hbm>>
        %dma_start3A_195 = arith.constant 0 : i32
        %dma_start3A_196 = tpu.memref_slice %arg5[%mul3A_2, %dma_start3A_195] : memref<10000x128xf32, #tpu.memory_space<hbm>> -> memref<312x128xf32, #tpu.memory_space<hbm>>
        %dma_start3A_197 = arith.constant 0 : i32
        %dma_start3A_198 = arith.constant 0 : i32
        %dma_start3A_199 = tpu.memref_slice %arg10[%dma_start3A_197, %dma_start3A_198] : memref<329x128xf32, #tpu.memory_space<vmem>> -> memref<312x128xf32, #tpu.memory_space<vmem>>
        tpu.enqueue_dma source(%dma_start3A_199 : memref<312x128xf32, #tpu.memory_space<vmem>>) target(%dma_start3A_196 : memref<312x128xf32, #tpu.memory_space<hbm>>) target_semaphore(%run_scoped3A : memref<!tpu.dma_semaphore, #tpu.memory_space<semaphore_mem>>)
        %dma_wait3A_200 = arith.constant 0 : i32
        %dma_wait3A_201 = arith.constant 0 : i32
        %dma_wait3A_202 = tpu.memref_slice %arg10[%dma_wait3A_200, %dma_wait3A_201] : memref<329x128xf32, #tpu.memory_space<vmem>> -> memref<312x128xf32, #tpu.memory_space<vmem>>
        %dma_wait3A_203 = arith.constant 0 : i32
        %dma_wait3A_204 = tpu.memref_slice %arg5[%mul3A_2, %dma_wait3A_203] : memref<10000x128xf32, #tpu.memory_space<hbm>> -> memref<312x128xf32, #tpu.memory_space<hbm>>
        %dma_wait3A_205 = arith.constant 0 : i32
        %dma_wait3A_206 = tpu.memref_slice %arg5[%mul3A_2, %dma_wait3A_205] : memref<10000x128xf32, #tpu.memory_space<hbm>> -> memref<312x128xf32, #tpu.memory_space<hbm>>
        %dma_wait3A_207 = arith.constant 0 : i32
        %dma_wait3A_208 = arith.constant 0 : i32
        %dma_wait3A_209 = tpu.memref_slice %arg10[%dma_wait3A_207, %dma_wait3A_208] : memref<329x128xf32, #tpu.memory_space<vmem>> -> memref<312x128xf32, #tpu.memory_space<vmem>>
        tpu.wait_dma2 semaphore(%run_scoped3A : memref<!tpu.dma_semaphore, #tpu.memory_space<semaphore_mem>>) src(%dma_wait3A_209 : memref<312x128xf32, #tpu.memory_space<vmem>>) dst(%dma_wait3A_206 : memref<312x128xf32, #tpu.memory_space<hbm>>)
        tpu.yield
      }) : () -> ()
    } else {
    }
    %eq3A = arith.constant 31 : i32
    %eq3A_186 = arith.cmpi eq, %add3A, %eq3A : i32
    %convert_element_type3A_187 = arith.extui %eq3A_186 : i1 to i32
    %cond3A_188 = arith.constant 0 : i32
    %cond3A_189 = arith.cmpi ne, %convert_element_type3A_187, %cond3A_188 : i32
    scf.if %cond3A_189 {
      "tpu.region"() ({
        %run_scoped3A = tpu.sem_alloc : memref<!tpu.dma_semaphore, #tpu.memory_space<semaphore_mem>>
        %dma_start3A_190 = arith.constant 0 : i32
        %dma_start3A_191 = arith.constant 0 : i32
        %dma_start3A_192 = tpu.memref_slice %arg10[%dma_start3A_190, %dma_start3A_191] : memref<329x128xf32, #tpu.memory_space<vmem>> -> memref<328x128xf32, #tpu.memory_space<vmem>>
        %dma_start3A_193 = arith.constant 0 : i32
        %dma_start3A_194 = tpu.memref_slice %arg5[%mul3A_2, %dma_start3A_193] : memref<10000x128xf32, #tpu.memory_space<hbm>> -> memref<328x128xf32, #tpu.memory_space<hbm>>
        %dma_start3A_195 = arith.constant 0 : i32
        %dma_start3A_196 = tpu.memref_slice %arg5[%mul3A_2, %dma_start3A_195] : memref<10000x128xf32, #tpu.memory_space<hbm>> -> memref<328x128xf32, #tpu.memory_space<hbm>>
        %dma_start3A_197 = arith.constant 0 : i32
        %dma_start3A_198 = arith.constant 0 : i32
        %dma_start3A_199 = tpu.memref_slice %arg10[%dma_start3A_197, %dma_start3A_198] : memref<329x128xf32, #tpu.memory_space<vmem>> -> memref<328x128xf32, #tpu.memory_space<vmem>>
        tpu.enqueue_dma source(%dma_start3A_199 : memref<328x128xf32, #tpu.memory_space<vmem>>) target(%dma_start3A_196 : memref<328x128xf32, #tpu.memory_space<hbm>>) target_semaphore(%run_scoped3A : memref<!tpu.dma_semaphore, #tpu.memory_space<semaphore_mem>>)
        %dma_wait3A_200 = arith.constant 0 : i32
        %dma_wait3A_201 = arith.constant 0 : i32
        %dma_wait3A_202 = tpu.memref_slice %arg10[%dma_wait3A_200, %dma_wait3A_201] : memref<329x128xf32, #tpu.memory_space<vmem>> -> memref<328x128xf32, #tpu.memory_space<vmem>>
        %dma_wait3A_203 = arith.constant 0 : i32
        %dma_wait3A_204 = tpu.memref_slice %arg5[%mul3A_2, %dma_wait3A_203] : memref<10000x128xf32, #tpu.memory_space<hbm>> -> memref<328x128xf32, #tpu.memory_space<hbm>>
        %dma_wait3A_205 = arith.constant 0 : i32
        %dma_wait3A_206 = tpu.memref_slice %arg5[%mul3A_2, %dma_wait3A_205] : memref<10000x128xf32, #tpu.memory_space<hbm>> -> memref<328x128xf32, #tpu.memory_space<hbm>>
        %dma_wait3A_207 = arith.constant 0 : i32
        %dma_wait3A_208 = arith.constant 0 : i32
        %dma_wait3A_209 = tpu.memref_slice %arg10[%dma_wait3A_207, %dma_wait3A_208] : memref<329x128xf32, #tpu.memory_space<vmem>> -> memref<328x128xf32, #tpu.memory_space<vmem>>
        tpu.wait_dma2 semaphore(%run_scoped3A : memref<!tpu.dma_semaphore, #tpu.memory_space<semaphore_mem>>) src(%dma_wait3A_209 : memref<328x128xf32, #tpu.memory_space<vmem>>) dst(%dma_wait3A_206 : memref<328x128xf32, #tpu.memory_space<hbm>>)
        tpu.yield
      }) : () -> ()
    } else {
    }
    return
  }
}

</mosaic_0001>

<sc_bundles>
// kernel: kernel.3.cloned.1.call-start
scs
__scs_entry_jumppad:
0x0: {  	(pc) =	sbr.rel $0x88, $3  }
0x1: {  	(tag) =	ssettag $0x0;
	lr =	simm.s32 $0x1  }
0x2: {  	[smem:$0x3F9F] =	sst lr;
	_ =	strace $0xD0000000  }
0x3: {  	_ = 	snop  }
0x4: {  	_ = 	snop  }
0x5: {  	_ = 	snop  }
0x6: {  	_ = 	snop  }
0x7: {  	_ = 	snop  }
__scs_overlays_trampoline_lowered:
0x8: {  	[smem:$0x3FAE] =	sst s0  }
0x9: {  	[smem:$0x3FAF] =	sst s1  }
0xa: {  	[smem:$0x3FB0] =	sst s2  }
0xb: {  	[smem:$0x3FB1] =	sst s3  }
0xc: {  	[smem:$0x3FB2] =	sst s4  }
0xd: {  	[smem:$0x3FB3] =	sst s5  }
0xe: {  	[smem:$0x3FB4] =	sst s6  }
0xf: {  	[smem:$0x3FB5] =	sst s7  }
0x10: {  	[smem:$0x3FB6] =	sst s8  }
0x11: {  	[smem:$0x3FB7] =	sst s9;
	s0 =	simm.s32 @!p0 $0x0  }
0x12: {  	s1 =	sld [smem:$0x3F9D];
	s0 =	simm.s32 @p0 $0x1  }
0x13: {  	[smem:$0x3FB8] =	sst s0;
	s0 =	simm.s32 @!p1 $0x0  }
0x14: {  	s2 =	sld [smem:$0x3F9C];
	s0 =	simm.s32 @p1 $0x1  }
0x15: {  	[smem:$0x3FB9] =	sst s0;
	s0 =	simm.s32 @!p2 $0x0  }
0x16: {  	s3 =	sld [smem:$0x3FDB];
	s0 =	simm.s32 @p2 $0x1  }
0x17: {  	s4 =	simm.s32 $0x1BF5;
	[smem:$0x3FBB] =	sst s0  }
0x18: {  	s0 =	sld [smem:$0x3F9E];
	_ =	swait.ge [sflag:s4], $0x0  }
0x19: {  	s7 =	sld [smem:$0x3F9F]  }
0x1a: {  	s8 =	sadd.s32 $0xFFFFE003, lr  }
0x1b: {  	s9 =	sadd.s32 $0xFFFFFEF7, lr;
	s5 =	simm.s32 $0xFFFFFFFF;
	p2 =	slt.u32 s8, $0xFFFFF086  }
0x1c: {  	p1 =	slt.u32 s9, $0xF7A;
	s5 =	simm.s32 @!p2 $0x0  }
0x1d: {  	s5 =	simm.s32 @p1 $0x1;
	p0 =	seq.s32 s7, s2  }
0x1e: {  	s7 =	smul.u32 @!p0 $0xF7A, s2;
	p2 =	seq.s32 @!p0 s5, $0x0  }
0x1f: {  	s9 =	smul.u32 $0xF7A, s1;
	s8 =	simm.s32 @!p0 $0x1BF5;
	p2 =	por !p2, p0  }
0x20: {  	[sflag:s8] =	ssyncset.s32 @!p0 $0xFFFFF086;
	s6 =	sadd.s32 @!p0 s3, s7;
	s7 =	simm.s32 @!p0 $0x108  }
0x21: {  	s3 =	sadd.s32 s3, s9;
	s6 =	sadd.s32 @!p0 $0x88, s6;
	s7 =	simm.s32 @p2 $0x1082  }
0x22: {  	[simem:s7], [sflag:s8] =	dma.local @!p0 [hbm:s6], $0xF7A  }
0x23: {  	s9 =	sor.u32 $0xD0000000, s2;
	s6 =	simm.s32 $0x108;
	_ =	swait.ge @!p0 [sflag:s8], $0x0  }
0x24: {  	s3 =	sadd.s32 $0x88, s3;
	s6 =	simm.s32 @!p1 $0x1082;
	[sflag:s4] =	ssyncset.s32 $0xFFFFF086  }
0x25: {  	[simem:s6], [sflag:s4] =	dma.local [hbm:s3], $0xF7A  }
0x26: {  	[smem:$0x3F9F] =	sst s1;
	(tag) =	ssettag s2;
	_ =	strace s9  }
0x27: {  	s1 =	sld [smem:$0x3FAF]  }
0x28: {  	s2 =	sld [smem:$0x3FB0]  }
0x29: {  	s4 =	sld [smem:$0x3FB2]  }
0x2a: {  	p0 =	seq.s32 s5, $0x0;
	s5 =	sld [smem:$0x3FB3]  }
0x2b: {  	s6 =	sld [smem:$0x3FB4]  }
0x2c: {  	s7 =	sld [smem:$0x3FB5]  }
0x2d: {  	s3 =	simm.s32 $0x108;
	s8 =	sld [smem:$0x3FB6]  }
0x2e: {  	s3 =	simm.s32 @!p0 $0x1082;
	s9 =	sld [smem:$0x3FB7]  }
0x2f: {  	lr =	sadd.s32 s0, s3;
	s0 =	sld [smem:$0x3FAE]  }
0x30: {  	s3 =	sld [smem:$0x3FB1]  }
0x31: {  	[smem:$0x3FBA] =	sst s10  }
0x32: {  	s10 =	sld [smem:$0x3FB8];
	_ =	sdelay $0x3  }
0x33: {  	p0 =	seq.s32 s10, $0x1;
	s10 =	sld [smem:$0x3FBA];
	_ =	sdelay $0x3  }
0x34: {  	[smem:$0x3FBA] =	sst s10  }
0x35: {  	s10 =	sld [smem:$0x3FB9];
	_ =	sdelay $0x3  }
0x36: {  	p1 =	seq.s32 s10, $0x1;
	s10 =	sld [smem:$0x3FBA];
	_ =	sdelay $0x3  }
0x37: {  	[smem:$0x3FBA] =	sst s10  }
0x38: {  	s10 =	sld [smem:$0x3FBB]  }
0x39: {  	_ = 	snop;
	(pc) =	sbr.ind lr, $3  }
0x3a: {  	_ = 	snop  }
0x3b: {  	_ = 	snop  }
0x3c: {  	p2 =	seq.s32 s10, $0x1;
	s10 =	sld [smem:$0x3FBA]  }
0x3d: {  	_ =	shalt  }
0x3e: {  	_ =	shalt  }
0x3f: {  	_ =	shalt  }
0x40: {  	_ =	shalt  }
0x41: {  	_ =	shalt  }
0x42: {  	_ =	shalt  }
0x43: {  	_ =	shalt  }
0x44: {  	_ =	shalt  }
0x45: {  	_ =	shalt  }
0x46: {  	_ =	shalt  }
0x47: {  	_ =	shalt  }
0x48: {  	_ =	shalt  }
0x49: {  	_ =	shalt  }
0x4a: {  	_ =	shalt  }
0x4b: {  	_ =	shalt  }
0x4c: {  	_ =	shalt  }
0x4d: {  	_ =	shalt  }
0x4e: {  	_ =	shalt  }
0x4f: {  	_ =	shalt  }
0x50: {  	_ =	shalt  }
0x51: {  	_ =	shalt  }
0x52: {  	_ =	shalt  }
0x53: {  	_ =	shalt  }
0x54: {  	_ =	shalt  }
0x55: {  	_ =	shalt  }
0x56: {  	_ =	shalt  }
0x57: {  	_ =	shalt  }
0x58: {  	_ =	shalt  }
0x59: {  	_ =	shalt  }
0x5a: {  	_ =	shalt  }
0x5b: {  	_ =	shalt  }
0x5c: {  	_ =	shalt  }
0x5d: {  	_ =	shalt  }
0x5e: {  	_ =	shalt  }
0x5f: {  	_ =	shalt  }
0x60: {  	_ =	shalt  }
0x61: {  	_ =	shalt  }
0x62: {  	_ =	shalt  }
0x63: {  	_ =	shalt  }
0x64: {  	_ =	shalt  }
0x65: {  	_ =	shalt  }
0x66: {  	_ =	shalt  }
0x67: {  	_ =	shalt  }
0x68: {  	_ =	shalt  }
0x69: {  	_ =	shalt  }
0x6a: {  	_ =	shalt  }
0x6b: {  	_ =	shalt  }
0x6c: {  	_ =	shalt  }
0x6d: {  	_ =	shalt  }
0x6e: {  	_ =	shalt  }
0x6f: {  	_ =	shalt  }
0x70: {  	_ =	shalt  }
0x71: {  	_ =	shalt  }
0x72: {  	_ =	shalt  }
0x73: {  	_ =	shalt  }
0x74: {  	_ =	shalt  }
0x75: {  	_ =	shalt  }
0x76: {  	_ =	shalt  }
0x77: {  	_ =	shalt  }
0x78: {  	_ =	shalt  }
0x79: {  	_ =	shalt  }
0x7a: {  	_ =	shalt  }
0x7b: {  	_ =	shalt  }
0x7c: {  	_ =	shalt  }
0x7d: {  	_ =	shalt  }
0x7e: {  	_ =	shalt  }
0x7f: {  	_ =	shalt  }
0x80: {  	_ =	shalt  }
0x81: {  	_ =	shalt  }
0x82: {  	_ =	shalt  }
0x83: {  	_ =	shalt  }
0x84: {  	_ =	shalt  }
0x85: {  	_ =	shalt  }
0x86: {  	_ =	shalt  }
0x87: {  	_ =	shalt  }
.Lfunc_end0:
.L_simem_size_0:
called_computation_lowered:
.L_overlay_start_0:
0x88: {  	s2 =	sld [smem:$0x3FD9]  }
0x89: {  	s3 =	sld [smem:$0x3FFE];
	_ =	sdelay $0x1  }
0x8a: {  	s1 =	srdreg.scid  }
0x8b: {  	s0 =	sand.u32 $0x1, s1  }
0x8c: {  	s17 =	sshll.u32 s0, $0xA;
	s2 =	sadd.s32 s3, s2  }
0x8d: {  	s2 =	sadd.s32 s2, s17  }
0x8e: {  	[smem:$0x3FC6] =	sst s2  }
0x8f: {  	_ = 	snop  }
0x90: {  	s2 =	sld [smem:$0x3FC9]  }
0x91: {  	s18 =	sld [smem:$0x3FC8]  }
0x92: {  	s4 =	sld [smem:$0x3FD0];
	(tm) =	ssettm $0x1  }
0x93: {  	s5 =	sld [smem:$0x3FFB];
	_ =	sdelay $0x3  }
0x94: {  	_ =	strace s5  }
0x95: {  	s5 =	sld [smem:$0x3FFC];
	_ =	sdelay $0x3  }
0x96: {  	_ =	strace s5  }
0x97: {  	s5 =	sld [smem:$0x3FFD];
	_ =	sdelay $0x3  }
0x98: {  	_ =	strace s5  }
0x99: {  	_ =	strace $0x8FFFFFFF  }
0x9a: {  	s19 =	sld [smem:$0x3FDB];
	_ =	sdelay $0x1  }
0x9b: {  	s6 =	simm.s32 $_scs_section_size  }
0x9c: {  	s7 =	simm.s32 $_size__tile_overlayer_lowered;
	s8 =	simm.s32 $_tile_overlayer_lowered  }
0x9d: {  	s22 =	simm.s32 $0x1BFF;
	s21 =	sshll.u32 s8, $0x1;
	s5 =	sadd.s32 s6, s19  }
0x9e: {  	s9 =	simm.s32 $0x0;
	s20 =	sshll.u32 s7, $0x1;
	s7 =	sadd.s32 s21, s5  }
0x9f: {  	[timem:s9], [sflag:s22] =	dma.local [hbm:s7], s20  }
0xa0: {  	_ =	swait.ge [sflag:s22], s20  }
0xa1: {  	s6 =	ssub.s32 $0x0, s20;
	[sflag:s22] =	ssyncset.done $0x0  }
0xa2: {  	[sflag:s22] =	ssyncadd.s32 s6;
	_ =	sdelay $0x1  }
0xa3: {  	s23 =	simm.s32 $0x1B8B  }
0xa4: {  	_ =	swait.ge [sflag:s23], $0x1  }
0xa5: {  	[sflag:s23] =	ssyncset.done $0x0  }
0xa6: {  	s25 =	simm.s32 $0x1B8E;
	s24 =	sld [smem:$0x3FFE];
	[sflag:s23] =	ssyncadd.s32 $0xFFFFFFFF  }
0xa7: {  	s26 =	simm.s32 $execute0_lowered;
	[smem:$0x3FD2] =	sst s25  }
0xa8: {  	s7 =	sshll.u32 s26, $0x1;
	_ =	strace $0x80000046;
	[dreg:$0x1] =	wrdreg $0xFFFFFFFF  }
0xa9: {  	s28 =	simm.s32 $_size_execute0_lowered;
	s5 =	sadd.s32 s5, s7;
	[dreg:$0x0] =	wrdreg $0x0  }
0xaa: {  	s7 =	sshll.u32 s28, $0x1;
	[dreg:$0x2] =	wrdreg s5  }
0xab: {  	[dreg:$0x3] =	wrdreg s7  }
0xac: {  	[dreg:$0x4] =	wrdreg $0xC0  }
0xad: {  	_ =	task [dreg:s9], $0x5FFFF  }
0xae: {  	[dreg:$0x1] =	wrdreg $0xFFFFFFFF  }
0xaf: {  	[dreg:$0x0] =	wrdreg $0x60  }
0xb0: {  	[dreg:$0x2] =	wrdreg s2  }
0xb1: {  	[dreg:$0x3] =	wrdreg s18  }
0xb2: {  	[dreg:$0x4] =	wrdreg s24  }
0xb3: {  	[dreg:$0x5] =	wrdreg s4  }
0xb4: {  	[dreg:$0x6] =	wrdreg $0x9  }
0xb5: {  	_ =	task.clear_ibuf [dreg:s9], $0x7FFFF;
	_ =	strace $0x90000046  }
0xb6: {  	s29 =	simm.s32 $0x9;
	_ =	strace $0x80000048  }
0xb7: {  	_ =	swait.ge [sflag:s29], $0x1  }
0xb8: {  	[sflag:s29] =	ssyncadd.s32 $0xFFFFFFFF  }
0xb9: {  	_ =	strace $0x90000048  }
0xba: {  	_ =	sfence  }
0xbb: {  	s30 =	sld [smem:$0x0];
	_ =	sdelay $0x2  }
0xbc: {  	s31 =	sshll.u32 s1, $0xD;
	s1 =	sshrl.u32 s1, $0x2  }
0xbd: {  	s3 =	sand.u32 $0x4000, s31;
	s1 =	sadd.s32 s1, s30  }
0xbe: {  	s0 =	sor.u32 s3, s0;
	s1 =	sshll.u32 s1, $0x11  }
0xbf: {  	s0 =	sor.u32 s1, s0  }
0xc0: {  	s0 =	sadd.s32 $0x8F2B, s0  }
0xc1: {  	[sflag:s0] =	ssyncadd.remote.s32 $0x1  }
0xc2: {  	_ =	sfence.sel $0xFFFF  }
0xc3: {  	[dreg:$0x0] =	wrdreg $0xFFFFFFFF;
	(pc) =	sbr.abs _section_cstart, $3  }
0xc4: {  	[dreg:$0x1] =	wrdreg $0xFFFFFFFF  }
0xc5: {  	_ =	task.clear_ibuf [dreg:s9], $0x2FFFF;
	_ =	strace $0x9FFFFFFF  }
0xc6: {  	(tm) =	ssettm $0x7FFFFFFF  }
0xc7: {  	_ =	shalt  }
tec
execute0_lowered:
.L_overlay_start_1:
0x0: {  	(tag) =	ssettag $0x1  }
0x1: {  	s1 =	rddreg [dreg:$0x0]  }
0x2: {  	s3 =	rddreg [dreg:$0x1]  }
0x3: {  	s0 =	rddreg [dreg:$0x2]  }
0x4: {  	s2 =	rddreg [dreg:$0x3]  }
0x5: {  	s4 =	srdreg.scid;
	s6 =	stileid.u32;
	s10 =	simm.s32 $0x14300  }
0x6: {  	s13 =	simm.s32 $0x1;
	s14 =	simm.s32 $0x5000;
	s15 =	simm.s32 $0x14000  }
0x7: {  	s18 =	simm.s32 $0x14180;
	s19 =	simm.s32 $0x3;
	s20 =	simm.s32 $0x2  }
0x8: {  	s5 =	sand.u32 $0x1, s4;
	s6 =	sshll.u32 s6, $0x1;
	s4 =	simm.s32 $0x0  }
0x9: {  	s0 =	sadd.s32 $0x800, s0;
	s7 =	ssub.s32 $0x2, s5;
	s8 =	sor.u32 s5, s6  }
0xa: {  	[smem:$0x7FF] =	sst s4;
	s29 =	sshrl.u32 s7, $0x1;
	s6 =	smul.u32 $0x1380, s8  }
.Ltmp0:
0xb: {  	_ =	strace $0x80000047;
	[dreg:$0x6] =	wrdreg s0;
	(pc) =	sbr.rel .LBB2_1-.Ltmp0, $4  }
0xc: {  	v1 =	vlaneseq.u32;
	v2 =	vimm.f32 $0.0e+00;
	s31 =	smul.u32 $0x138, s8;
	[dreg:$0x5] =	wrdreg s8;
	s6 =	sadd.s32 s2, s6  }
0xd: {  	v10 =	vimm.s32 $0x0;
	v3 =	vor.u32 $0x10, v1;
	v4 =	vor.u32 $0x20, v1;
	s30 =	ssub.s32 s7, s29;
	s2 =	sadd.s32 $0x25C80, s2;
	[dreg:$0x7] =	wrdreg s6  }
0xe: {  	s21 =	simm.s32 $0x4;
	v5 =	vor.u32 $0x30, v1;
	v6 =	vor.u32 $0x40, v1;
	v7 =	vor.u32 $0x50, v1;
	s0 =	smax.u32 s30, $0x1;
	[dreg:$0x8] =	wrdreg s2  }
0xf: {  	s11 =	simm.s32 $0x0;
	v8 =	vor.u32 $0x60, v1;
	v9 =	vor.u32 $0x70, v1;
	p0 =	seq.s32 s8, $0x1F;
	v0 =	vmov s31;
	[dreg:$0x9] =	wrdreg s0  }
.LBB2_15:
0x10: {  	v14 =	vshll.u32 v14, $0x7;
	s11 =	rddreg [dreg:$0xa]  }
.LBB2_16:
0x11: {  	_ =	swait.ge [sflag:s13], $0xA000  }
0x12: {  	v15 =	vor.u32 v1, v14;
	[sflag:s13] =	ssyncset.done $0x0  }
0x13: {  	v21 =	vor.u32 v3, v14;
	[sflag:s13] =	ssyncadd.s32 $0xFFFF6000  }
0x14: {  	v22 =	vor.u32 v4, v14;
	_ =	swait.ge [sflag:s19], $0x140  }
0x15: {  	v23 =	vor.u32 v5, v14;
	[sflag:s19] =	ssyncset.done $0x0  }
0x16: {  	v24 =	vor.u32 v6, v14;
	[sflag:s19] =	ssyncadd.s32 $0xFFFFFEC0  }
0x17: {  	v61 =	vor.u32 v7, v14;
	[tilespmem:v15+s10+$0x0] =	vst.idx.msk $0xffff, v20  }
0x18: {  	v62 =	vor.u32 v8, v14;
	[tilespmem:v21+s10+$0x0] =	vst.idx.msk $0xffff, v18  }
0x19: {  	v63 =	vor.u32 v9, v14;
	[tilespmem:v22+s10+$0x0] =	vst.idx.msk $0xffff, v19  }
0x1a: {  	[tilespmem:v23+s10+$0x0] =	vst.idx.msk $0xffff, v17  }
0x1b: {  	[tilespmem:v24+s10+$0x0] =	vst.idx.msk $0xffff, v16  }
0x1c: {  	[tilespmem:v61+s10+$0x0] =	vst.idx.msk $0xffff, v12  }
0x1d: {  	[tilespmem:v62+s10+$0x0] =	vst.idx.msk $0xffff, v13  }
0x1e: {  	s0 =	simm.s32 @p0 $0x0;
	s2 =	simm.s32 @p0 $0x14300;
	s5 =	rddreg [dreg:$0x8];
	[tilespmem:v63+s10+$0x0] =	vst.idx.msk $0xffff, v11  }
0x1f: {  	[hbm4b:s5+s0] =	stream.linear.scatter @p0 [tilespmem:s2], [sflag:$0x5], $0xA400, $0x38;
	[tilespmem:$0x1EB80] =	vst v63  }
0x20: {  	s0 =	simm.s32 @p0 $0x5  }
0x21: {  	_ =	swait.ge @p0 [sflag:s0], $0xA400  }
0x22: {  	s2 =	simm.s32 @!p0 $0x14300;
	[sflag:s0] =	ssyncset.done @p0 $0x0  }
0x23: {  	s5 =	rddreg [dreg:$0x7];
	[sflag:s0] =	ssyncadd.s32 @p0 $0xFFFF5C00;
	s0 =	simm.s32 @!p0 $0x0  }
0x24: {  	[hbm4b:s5+s0] =	stream.linear.scatter @!p0 [tilespmem:s2], [sflag:$0x5], $0x9C00, $0x38;
	[tilespmem:$0x1EB80] =	vst v63  }
0x25: {  	s0 =	simm.s32 @!p0 $0x5  }
0x26: {  	_ =	swait.ge @!p0 [sflag:s0], $0x9C00  }
0x27: {  	s11 =	sadd.s32 $0x1, s11;
	s31 =	rddreg [dreg:$0x9]  }
0x28: {  	p1 =	sne.s32 s11, s31  }
.Ltmp1:
0x29: {  	_ = 	snop;
	(pc) =	sbr.rel @!p1 .LBB2_17-.Ltmp1, $3  }
0x2a: {  	_ =	sdelay $0x1  }
0x2b: {  	[sflag:s0] =	ssyncset.done @!p0 $0x0  }
0x2c: {  	[sflag:s0] =	ssyncadd.s32 @!p0 $0xFFFF6400  }
.LBB2_1:
0x2d: {  	s2 =	simm.s32 $0x0  }
0x2e: {  	v14 =	vor.u32 s2, v1;
	_ =	sdelay $0x1  }
0x2f: {  	v16 =	vor.u32 s2, v3  }
0x30: {  	v13 =	vor.u32 s2, v4  }
0x31: {  	v12 =	vor.u32 s2, v5  }
0x32: {  	[tilespmem:v14+s10+$0x0] =	vst.idx.msk $0xffff, v2;
	v14 =	vor.u32 s2, v6  }
0x33: {  	v15 =	vor.u32 s2, v7  }
0x34: {  	s0 =	simm.s32 $0x1;
	v11 =	vor.u32 s2, v9;
	[tilespmem:v16+s10+$0x0] =	vst.idx.msk $0xffff, v2;
	v16 =	vor.u32 s2, v8  }
.LBB2_2:
0x35: {  	s2 =	sshll.u32 s0, $0x7;
	p1 =	sne.s32 s0, $0x147;
	s0 =	sadd.s32 $0x1, s0;
	[tilespmem:v13+s10+$0x0] =	vst.idx.msk $0xffff, v2  }
0x36: {  	v17 =	vor.u32 s2, v1;
	v18 =	vor.u32 s2, v9;
	[tilespmem:v12+s10+$0x0] =	vst.idx.msk $0xffff, v2  }
0x37: {  	v19 =	vor.u32 s2, v3;
	[tilespmem:v14+s10+$0x0] =	vst.idx.msk $0xffff, v2  }
.Ltmp2:
0x38: {  	v13 =	vor.u32 s2, v4;
	[tilespmem:v15+s10+$0x0] =	vst.idx.msk $0xffff, v2;
	(pc) =	sbr.rel @p1 .LBB2_2-.Ltmp2, $4  }
0x39: {  	v12 =	vor.u32 s2, v5;
	[tilespmem:v16+s10+$0x0] =	vst.idx.msk $0xffff, v2  }
0x3a: {  	v14 =	vor.u32 s2, v6;
	[tilespmem:v11+s10+$0x0] =	vst.idx.msk $0xffff, v2;
	v11 =	vmov v18  }
0x3b: {  	v15 =	vor.u32 s2, v7;
	[tilespmem:v17+s10+$0x0] =	vst.idx.msk $0xffff, v2  }
0x3c: {  	v16 =	vor.u32 s2, v8;
	[tilespmem:v19+s10+$0x0] =	vst.idx.msk $0xffff, v2  }
0x3d: {  	_ =	sdelay $0x3  }
0x3e: {  	[tilespmem:v13+s10+$0x0] =	vst.idx.msk $0xffff, v2  }
0x3f: {  	[tilespmem:v12+s10+$0x0] =	vst.idx.msk $0xffff, v2  }
0x40: {  	[tilespmem:v14+s10+$0x0] =	vst.idx.msk $0xffff, v2  }
0x41: {  	[tilespmem:v15+s10+$0x0] =	vst.idx.msk $0xffff, v2  }
0x42: {  	[tilespmem:v16+s10+$0x0] =	vst.idx.msk $0xffff, v2  }
0x43: {  	s0 =	rddreg [dreg:$0x6];
	s2 =	simm.s32 $0x1EB00;
	s6 =	simm.s32 $0x5;
	[tilespmem:v11+s10+$0x0] =	vst.idx.msk $0xffff, v2  }
0x44: {  	[tilespmem:s2], [sflag:$0x5] =	stream.linear.gather [hbm4b:s0+s4], $0x80, $0x38;
	[tilespmem:$0x1EB80] =	vst v63  }
0x45: {  	_ =	swait.ge [sflag:s6], $0x80  }
0x46: {  	[sflag:s6] =	ssyncset.done $0x0  }
0x47: {  	s7 =	rddreg [dreg:$0x5];
	[sflag:s6] =	ssyncadd.s32 $0xFFFFFF80  }
0x48: {  	v11 =	vld [tilespmem:s7+$0x1EB00];
	_ =	sdelay $0x4  }
0x49: {  	(v2sf) =	vpush v11, $0x0;
	_ =	sdelay $0x1  }
0x4a: {  	v11 =	vld [tilespmem:s7+$0x1EB01];
	_ =	sdelay $0x4  }
0x4b: {  	(v2sf) =	vpush v11, $0x0;
	_ =	sdelay $0x7  }
0x4c: {  	s23 =	spop (v2sf)  }
0x4d: {  	s8 =	sand.u32 $0x7, s23  }
0x4e: {  	s9 =	sshra.s32 s23, $0x1F;
	p1 =	slt.s32 s23, $0x1;
	p2 =	sne.s32 s8, $0x0  }
0x4f: {  	s12 =	sshrl.u32 s9, $0x1D;
	p1 =	por !p1, !p2  }
0x50: {  	s2 =	simm.s32 $0x1;
	s0 =	sadd.s32 s12, s23;
	p1 =	por !p1, !p1  }
0x51: {  	s0 =	sshrl.u32 s0, $0x3;
	s2 =	simm.s32 @!p1 $0x0  }
0x52: {  	s0 =	ssub.s32 s0, s2  }
0x53: {  	s24 =	spop (v2sf);
	s0 =	sshll.u32 s0, $0x3  }
0x54: {  	s16 =	ssub.s32 s24, s0  }
0x55: {  	s5 =	sadd.s32 $0x13F, s16  }
0x56: {  	s6 =	smulhi.u32 $0x66666667, s5;
	s7 =	sshra.s32 s5, $0x1F  }
0x57: {  	s7 =	smul.u32 $0x66666667, s7  }
0x58: {  	p1 =	slt.s32 s0, $0x4E0C0;
	s8 =	smov.u32 s0  }
0x59: {  	s8 =	simm.s32 @!p1 $0x4E0C0;
	s6 =	sadd.s32 s7, s6  }
0x5a: {  	s9 =	sshll.u32 s8, $0x4;
	s7 =	sshrl.u32 s6, $0x1F;
	s6 =	sshra.s32 s6, $0x7  }
0x5b: {  	s2 =	ssub.s32 $0xFFFFFEC1, s16;
	s17 =	sand.u32 $0x1FFFFF80, s9;
	s6 =	sadd.s32 s7, s6  }
0x5c: {  	s25 =	sshll.u32 s8, $0x7;
	s7 =	sadd.s32 s1, s17;
	s22 =	smul.u32 $0xFFFFFEC0, s6  }
0x5d: {  	[tilespmem:s4], [sflag:$0x1] =	stream.linear.gather [hbm4b:s7+s4], $0x5000, $0x38;
	[tilespmem:$0x1EB80] =	vst v63  }
0x5e: {  	p4 =	slt.s32 s5, $0x1;
	s26 =	sadd.s32 $0x5000, s25;
	p3 =	sne.s32 s22, s2  }
0x5f: {  	s2 =	sshrl.u32 s26, $0x3;
	p1 =	por !p4, !p3  }
0x60: {  	s5 =	simm.s32 $0x1;
	s2 =	sadd.s32 s1, s2;
	p1 =	por !p1, !p1  }
0x61: {  	[tilespmem:s14], [sflag:$0x1] =	stream.linear.gather [hbm4b:s2+s4], $0x5000, $0x38;
	[tilespmem:$0x1EB80] =	vst v63  }
0x62: {  	s28 =	sshrl.u32 s8, $0x3;
	s5 =	simm.s32 @!p1 $0x0  }
0x63: {  	s2 =	sadd.s32 s3, s28;
	s5 =	ssub.s32 s6, s5  }
0x64: {  	[tilespmem:s15], [sflag:$0x3] =	stream.linear.gather [hbm4b:s2+s4], $0x140, $0x38;
	[tilespmem:$0x1EB80] =	vst v63  }
0x65: {  	s29 =	sadd.s32 $0x1, s5  }
0x66: {  	s30 =	sand.u32 $0x1, s29  }
0x67: {  	p5 =	slt.s32 s5, $0x0;
	p6 =	seq.s32 s30, $0x1  }
0x68: {  	s31 =	sshrl.u32 s29, $0x1F;
	p1 =	por !p5, !p6  }
0x69: {  	s5 =	simm.s32 $0x1;
	s2 =	sadd.s32 s31, s29;
	p1 =	por !p1, !p1  }
0x6a: {  	s2 =	sshra.s32 s2, $0x1;
	s5 =	simm.s32 @!p1 $0x0  }
0x6b: {  	s26 =	ssub.s32 s2, s5  }
0x6c: {  	p1 =	slt.s32 s26, $0x1  }
.Ltmp3:
0x6d: {  	_ = 	snop;
	(pc) =	sbr.rel @p1 .LBB2_4-.Ltmp3, $1  }
0x6e: {  	_ =	sdelay $0x3  }
.Ltmp4:
0x6f: {  	(pc) =	sbr.rel .LBB2_6-.Ltmp4, $4  }
0x70: {  	v15 =	vimm.s32 $0xFFFFFFFF  }
0x71: {  	v14 =	vimm.s32 $0x148;
	v11 =	vimm.f32 $-Inf;
	v13 =	vimm.f32 $-Inf  }
0x72: {  	[dreg:$0xa] =	wrdreg s11;
	s28 =	sadd.s32 $0x140, s0;
	v12 =	vimm.f32 $-Inf;
	v16 =	vimm.f32 $-Inf;
	v17 =	vimm.f32 $-Inf;
	s29 =	sadd.s32 $0x280, s0  }
0x73: {  	s30 =	simm.s32 $0x0;
	s25 =	smov.u32 s0;
	v19 =	vimm.f32 $-Inf;
	v18 =	vimm.f32 $-Inf;
	v20 =	vimm.f32 $-Inf;
	s31 =	smov.u32 s28  }
.LBB2_11:
0x74: {  	v21 =	vmov v15;
	v23 =	vmov v14  }
.LBB2_14:
0x75: {  	s30 =	sadd.s32 $0x1, s30  }
0x76: {  	p2 =	sne.s32 s30, s26  }
.Ltmp5:
0x77: {  	_ = 	snop;
	(pc) =	sbr.rel @!p2 .LBB2_15-.Ltmp5, $3  }
0x78: {  	_ =	sdelay $0x1  }
0x79: {  	p1 =	sgt.s32 s2, s8  }
0x7a: {  	s25 =	sadd.s32 $0x280, s25;
	s31 =	sadd.s32 $0x280, s31;
	v15 =	vpsel p1, v21, v15;
	v14 =	vpsel p1, v23, v14  }
.LBB2_6:
0x7b: {  	s8 =	smul.u32 $0x280, s30;
	_ =	sdelay $0x1  }
0x7c: {  	s11 =	sadd.s32 s8, s28  }
0x7d: {  	p1 =	slt.s32 s11, $0x4E0C0;
	s2 =	smov.u32 s11  }
0x7e: {  	s2 =	simm.s32 @!p1 $0x4E0C0  }
0x7f: {  	s5 =	sshll.u32 s2, $0x4  }
0x80: {  	s5 =	sand.u32 $0x1FFFFF80, s5  }
0x81: {  	s6 =	simm.s32 $0xA000;
	s12 =	sshll.u32 s2, $0x7;
	s5 =	sadd.s32 s1, s5  }
0x82: {  	[tilespmem:s6], [sflag:$0x2] =	stream.linear.gather [hbm4b:s5+s4], $0x5000, $0x38;
	[tilespmem:$0x1EB80] =	vst v63  }
0x83: {  	s5 =	sadd.s32 $0x5000, s12  }
0x84: {  	s5 =	sshrl.u32 s5, $0x3  }
0x85: {  	s16 =	simm.s32 $0xF000;
	s17 =	sshrl.u32 s2, $0x3;
	s5 =	sadd.s32 s1, s5  }
0x86: {  	[tilespmem:s16], [sflag:$0x2] =	stream.linear.gather [hbm4b:s5+s4], $0x5000, $0x38;
	[tilespmem:$0x1EB80] =	vst v63  }
0x87: {  	s5 =	sadd.s32 s3, s17  }
0x88: {  	[tilespmem:s18], [sflag:$0x4] =	stream.linear.gather [hbm4b:s5+s4], $0x140, $0x38;
	[tilespmem:$0x1EB80] =	vst v63  }
0x89: {  	s5 =	sadd.s32 s0, s8  }
0x8a: {  	s6 =	smov.u32 s24;
	p1 =	slt.s32 s5, s24;
	p2 =	slt.s32 s5, $0x4E0C0  }
0x8b: {  	s7 =	smov.u32 s5;
	s6 =	smov.u32 @p1 s5;
	s5 =	sadd.s32 $0x140, s5  }
0x8c: {  	s7 =	simm.s32 @!p2 $0x4E0C0;
	p1 =	sgt.s32 s23, s6;
	p2 =	slt.s32 s24, s5  }
0x8d: {  	s6 =	smov.u32 @p1 s23;
	s5 =	smov.u32 @p2 s24  }
0x8e: {  	s6 =	ssub.s32 s6, s7;
	s7 =	ssub.s32 s5, s7  }
0x8f: {  	s5 =	ssub.s32 s7, s6  }
0x90: {  	s5 =	sadd.s32 $0x3, s5  }
0x91: {  	s9 =	sand.u32 $0x3, s5  }
0x92: {  	s22 =	sshra.s32 s5, $0x1F;
	p6 =	slt.s32 s5, $0x1;
	p5 =	sne.s32 s9, $0x0  }
0x93: {  	s9 =	sshrl.u32 s22, $0x1E;
	p1 =	por !p6, !p5  }
0x94: {  	s5 =	sadd.s32 s9, s5;
	s9 =	simm.s32 $0x1;
	p1 =	por !p1, !p1  }
0x95: {  	s5 =	sshra.s32 s5, $0x2;
	s9 =	simm.s32 @!p1 $0x0  }
0x96: {  	s9 =	ssub.s32 s5, s9  }
0x97: {  	_ =	swait.ge [sflag:s13], $0xA000;
	p1 =	slt.s32 s9, $0x1  }
.Ltmp6:
0x98: {  	[sflag:s13] =	ssyncset.done $0x0;
	(pc) =	sbr.rel @p1 .LBB2_7-.Ltmp6, $4  }
0x99: {  	[sflag:s13] =	ssyncadd.s32 $0xFFFF6000  }
0x9a: {  	_ =	swait.ge [sflag:s19], $0x140  }
0x9b: {  	[sflag:s19] =	ssyncset.done $0x0  }
0x9c: {  	[sflag:s19] =	ssyncadd.s32 $0xFFFFFEC0  }
0x9d: {  	p1 =	slt.s32 s24, s25;
	s5 =	smov.u32 s25  }
0x9e: {  	s5 =	smov.u32 @p1 s24  }
0x9f: {  	p2 =	slt.s32 s25, $0x4E0C0;
	s12 =	smov.u32 s25;
	v21 =	vld [tilespmem:s6+$0x14000];
	p1 =	sgt.s32 s23, s5  }
0xa0: {  	s12 =	simm.s32 @!p2 $0x4E0C0;
	s5 =	smov.u32 @p1 s23  }
0xa1: {  	s16 =	sshll.u32 s12, $0x9;
	s22 =	sshll.u32 s5, $0x9  }
0xa2: {  	s16 =	ssub.s32 s22, s16  }
0xa3: {  	s5 =	ssub.s32 s5, s12;
	s16 =	sshra.s32 s16, $0x2  }
0xa4: {  	s17 =	sadd.s32 $0xFFFFFFFF, s7;
	v22 =	vmov v14;
	s12 =	sadd.s32 $0x2, s5;
	v23 =	vperm.xlane v21, v10;
	v21 =	vmov v15;
	s5 =	sor.u32 $0x40, s16  }
.LBB2_9:
0xa5: {  	v24 =	vld [tilespmem:s5+$0xFFFFFFC0]  }
0xa6: {  	v25 =	vld [tilespmem:s5+$0xFFFFFFD0];
	vm0 =	vne.s32 v23, v21;
	v21 =	vshll.u32 v22, $0x7  }
0xa7: {  	v26 =	vld [tilespmem:s5+$0xFFFFFFE0];
	v27 =	vor.u32 v1, v21  }
0xa8: {  	v22 =	vld [tilespmem:s5+$0xFFFFFFF0];
	v29 =	vor.u32 v3, v21  }
0xa9: {  	v28 =	vld [tilespmem:s5+$0x0];
	v31 =	vor.u32 v4, v21  }
0xaa: {  	v30 =	vld [tilespmem:s5+$0x10];
	v33 =	vor.u32 v5, v21  }
0xab: {  	v32 =	vld [tilespmem:s5+$0x20];
	v35 =	vor.u32 v6, v21  }
0xac: {  	v34 =	vld [tilespmem:s5+$0x30];
	v51 =	vor.u32 v7, v21;
	[tilespmem:v27+s10+$0x0] =	vst.idx.msk vm0, v20  }
0xad: {  	v52 =	vor.u32 v8, v21;
	[tilespmem:v29+s10+$0x0] =	vst.idx.msk vm0, v18  }
0xae: {  	v21 =	vor.u32 v9, v21;
	[tilespmem:v31+s10+$0x0] =	vst.idx.msk vm0, v19  }
0xaf: {  	[tilespmem:v33+s10+$0x0] =	vst.idx.msk vm0, v17  }
0xb0: {  	[tilespmem:v35+s10+$0x0] =	vst.idx.msk vm0, v16  }
0xb1: {  	s16 =	sadd.s32 $0xFFFFFFFF, s12;
	[tilespmem:v51+s10+$0x0] =	vst.idx.msk vm0, v12  }
0xb2: {  	s22 =	smov.u32 s17;
	p1 =	slt.s32 s16, s17;
	[tilespmem:v52+s10+$0x0] =	vst.idx.msk vm0, v13  }
0xb3: {  	s22 =	smov.u32 @p1 s16;
	[tilespmem:v21+s10+$0x0] =	vst.idx.msk vm0, v11  }
0xb4: {  	v21 =	vld [tilespmem:s22+$0x14000];
	_ =	sdelay $0x3  }
0xb5: {  	s16 =	sshll.u32 s22, $0x9  }
0xb6: {  	s16 =	sshra.s32 s16, $0x2;
	v21 =	vperm.xlane v21, v10  }
0xb7: {  	v53 =	vsub.s32 v23, v0;
	v27 =	vld [tilespmem:s16+$0x0]  }
0xb8: {  	v31 =	vld [tilespmem:s16+$0x10];
	vm1 =	vne.s32 v21, v23;
	v23 =	vshll.u32 v53, $0x7  }
0xb9: {  	v33 =	vld [tilespmem:s16+$0x20];
	v55 =	vor.u32 v1, v23  }
0xba: {  	v20 =	vmax.f32 v20, v24;
	v54 =	vld [tilespmem:s16+$0x30];
	v37 =	vor.u32 v3, v23  }
0xbb: {  	v20 =	vsel vm0, v24, v20;
	v36 =	vld [tilespmem:s16+$0x40];
	v38 =	vor.u32 v4, v23  }
0xbc: {  	v18 =	vmax.f32 v18, v25;
	v19 =	vmax.f32 v19, v26;
	v56 =	vld [tilespmem:s16+$0x50];
	v40 =	vor.u32 v5, v23  }
0xbd: {  	v18 =	vsel vm0, v25, v18;
	v19 =	vsel vm0, v26, v19;
	v39 =	vld [tilespmem:s16+$0x60];
	v58 =	vor.u32 v6, v23  }
0xbe: {  	v17 =	vmax.f32 v17, v22;
	v57 =	vld [tilespmem:s16+$0x70];
	v59 =	vor.u32 v7, v23;
	[tilespmem:v55+s10+$0x0] =	vst.idx.msk vm1, v20  }
0xbf: {  	v17 =	vsel vm0, v22, v17;
	v22 =	vor.u32 v8, v23;
	[tilespmem:v37+s10+$0x0] =	vst.idx.msk vm1, v18  }
0xc0: {  	v16 =	vmax.f32 v16, v28;
	v23 =	vor.u32 v9, v23;
	[tilespmem:v38+s10+$0x0] =	vst.idx.msk vm1, v19  }
0xc1: {  	v16 =	vsel vm0, v28, v16;
	v12 =	vmax.f32 v12, v30;
	[tilespmem:v40+s10+$0x0] =	vst.idx.msk vm1, v17  }
0xc2: {  	v12 =	vsel vm0, v30, v12;
	v13 =	vmax.f32 v13, v32;
	[tilespmem:v58+s10+$0x0] =	vst.idx.msk vm1, v16  }
0xc3: {  	v13 =	vsel vm0, v32, v13;
	v11 =	vmax.f32 v11, v34;
	[tilespmem:v59+s10+$0x0] =	vst.idx.msk vm1, v12  }
0xc4: {  	p1 =	slt.s32 s12, s17;
	v11 =	vsel vm0, v34, v11;
	s16 =	smov.u32 s17;
	[tilespmem:v22+s10+$0x0] =	vst.idx.msk vm1, v13  }
0xc5: {  	s16 =	smov.u32 @p1 s12;
	[tilespmem:v23+s10+$0x0] =	vst.idx.msk vm1, v11  }
0xc6: {  	v22 =	vld [tilespmem:s16+$0x14000];
	_ =	sdelay $0x3  }
0xc7: {  	s16 =	sshll.u32 s16, $0x9  }
0xc8: {  	s16 =	sshra.s32 s16, $0x2;
	v22 =	vperm.xlane v22, v10  }
0xc9: {  	v60 =	vsub.s32 v21, v0;
	v23 =	vld [tilespmem:s16+$0x0]  }
0xca: {  	v61 =	vld [tilespmem:s16+$0x10];
	vm14 =	vne.s32 v22, v21;
	v21 =	vshll.u32 v60, $0x7  }
0xcb: {  	v62 =	vld [tilespmem:s16+$0x20];
	v63 =	vor.u32 v1, v21  }
0xcc: {  	v20 =	vmax.f32 v20, v27;
	v26 =	vld [tilespmem:s16+$0x30];
	v44 =	vor.u32 v3, v21  }
0xcd: {  	v20 =	vsel vm1, v27, v20;
	v34 =	vld [tilespmem:s16+$0x40];
	v46 =	vor.u32 v4, v21  }
0xce: {  	v18 =	vmax.f32 v18, v31;
	v19 =	vmax.f32 v19, v33;
	v45 =	vld [tilespmem:s16+$0x50];
	v47 =	vor.u32 v5, v21  }
0xcf: {  	v18 =	vsel vm1, v31, v18;
	v19 =	vsel vm1, v33, v19;
	v38 =	vld [tilespmem:s16+$0x60];
	v49 =	vor.u32 v6, v21  }
0xd0: {  	v17 =	vmax.f32 v17, v54;
	v48 =	vld [tilespmem:s16+$0x70];
	v50 =	vor.u32 v7, v21;
	[tilespmem:v63+s10+$0x0] =	vst.idx.msk vm14, v20  }
0xd1: {  	v17 =	vsel vm1, v54, v17;
	v51 =	vor.u32 v8, v21;
	[tilespmem:v44+s10+$0x0] =	vst.idx.msk vm14, v18  }
0xd2: {  	v16 =	vmax.f32 v16, v36;
	v21 =	vor.u32 v9, v21;
	[tilespmem:v46+s10+$0x0] =	vst.idx.msk vm14, v19  }
0xd3: {  	v16 =	vsel vm1, v36, v16;
	v12 =	vmax.f32 v12, v56;
	[tilespmem:v47+s10+$0x0] =	vst.idx.msk vm14, v17  }
0xd4: {  	v12 =	vsel vm1, v56, v12;
	v13 =	vmax.f32 v13, v39;
	[tilespmem:v49+s10+$0x0] =	vst.idx.msk vm14, v16  }
0xd5: {  	v13 =	vsel vm1, v39, v13;
	v11 =	vmax.f32 v11, v57;
	s16 =	sadd.s32 $0x1, s12;
	[tilespmem:v50+s10+$0x0] =	vst.idx.msk vm14, v12  }
0xd6: {  	s22 =	smov.u32 s17;
	v11 =	vsel vm1, v57, v11;
	p1 =	slt.s32 s16, s17;
	[tilespmem:v51+s10+$0x0] =	vst.idx.msk vm14, v13  }
0xd7: {  	s22 =	smov.u32 @p1 s16;
	[tilespmem:v21+s10+$0x0] =	vst.idx.msk vm14, v11  }
0xd8: {  	v21 =	vld [tilespmem:s22+$0x14000];
	_ =	sdelay $0x3  }
0xd9: {  	s16 =	sshll.u32 s22, $0x9  }
0xda: {  	s16 =	sshra.s32 s16, $0x2;
	v21 =	vperm.xlane v21, v10  }
0xdb: {  	v53 =	vsub.s32 v22, v0;
	v52 =	vld [tilespmem:s16+$0x0]  }
0xdc: {  	v29 =	vld [tilespmem:s16+$0x10];
	vm15 =	vne.s32 v21, v22;
	v22 =	vshll.u32 v53, $0x7  }
0xdd: {  	v32 =	vld [tilespmem:s16+$0x20];
	v55 =	vor.u32 v1, v22  }
0xde: {  	v20 =	vmax.f32 v20, v23;
	v54 =	vld [tilespmem:s16+$0x30];
	v56 =	vor.u32 v3, v22  }
0xdf: {  	v20 =	vsel vm14, v23, v20;
	v35 =	vld [tilespmem:s16+$0x40];
	v57 =	vor.u32 v4, v22  }
0xe0: {  	v18 =	vmax.f32 v18, v61;
	v19 =	vmax.f32 v19, v62;
	v23 =	vld [tilespmem:s16+$0x50];
	v59 =	vor.u32 v5, v22  }
0xe1: {  	v18 =	vsel vm14, v61, v18;
	v19 =	vsel vm14, v62, v19;
	v58 =	vld [tilespmem:s16+$0x60];
	v61 =	vor.u32 v6, v22  }
0xe2: {  	v17 =	vmax.f32 v17, v26;
	v60 =	vld [tilespmem:s16+$0x70];
	v62 =	vor.u32 v7, v22;
	[tilespmem:v55+s10+$0x0] =	vst.idx.msk vm15, v20  }
0xe3: {  	v17 =	vsel vm14, v26, v17;
	v63 =	vor.u32 v8, v22;
	[tilespmem:v56+s10+$0x0] =	vst.idx.msk vm15, v18  }
0xe4: {  	v16 =	vmax.f32 v16, v34;
	v22 =	vor.u32 v9, v22;
	[tilespmem:v57+s10+$0x0] =	vst.idx.msk vm15, v19  }
0xe5: {  	v16 =	vsel vm14, v34, v16;
	v12 =	vmax.f32 v12, v45;
	[tilespmem:v59+s10+$0x0] =	vst.idx.msk vm15, v17  }
0xe6: {  	v12 =	vsel vm14, v45, v12;
	v13 =	vmax.f32 v13, v38;
	[tilespmem:v61+s10+$0x0] =	vst.idx.msk vm15, v16  }
0xe7: {  	v13 =	vsel vm14, v38, v13;
	v11 =	vmax.f32 v11, v48;
	s16 =	sadd.s32 $0x2, s12;
	[tilespmem:v62+s10+$0x0] =	vst.idx.msk vm15, v12  }
0xe8: {  	v11 =	vsel vm14, v48, v11;
	s22 =	smov.u32 s17;
	p1 =	slt.s32 s16, s17;
	[tilespmem:v63+s10+$0x0] =	vst.idx.msk vm15, v13  }
0xe9: {  	s22 =	smov.u32 @p1 s16;
	[tilespmem:v22+s10+$0x0] =	vst.idx.msk vm15, v11  }
0xea: {  	p1 =	sne.s32 s9, $0x1;
	v20 =	vmax.f32 v20, v52;
	v18 =	vmax.f32 v18, v29;
	v19 =	vmax.f32 v19, v32;
	v26 =	vld [tilespmem:s22+$0x14000]  }
.Ltmp7:
0xeb: {  	v20 =	vsel vm15, v52, v20;
	v18 =	vsel vm15, v29, v18;
	v19 =	vsel vm15, v32, v19;
	(pc) =	sbr.rel @p1 .LBB2_9-.Ltmp7, $4  }
0xec: {  	v17 =	vmax.f32 v17, v54;
	v16 =	vmax.f32 v16, v35;
	v12 =	vmax.f32 v12, v23  }
0xed: {  	v17 =	vsel vm15, v54, v17;
	v16 =	vsel vm15, v35, v16;
	v12 =	vsel vm15, v23, v12  }
0xee: {  	v13 =	vmax.f32 v13, v58;
	v22 =	vsub.s32 v21, v0;
	v11 =	vmax.f32 v11, v60  }
0xef: {  	s5 =	sadd.s32 $0x200, s5;
	s12 =	sadd.s32 $0x4, s12;
	s9 =	sadd.s32 $0xFFFFFFFF, s9;
	v13 =	vsel vm15, v58, v13;
	v11 =	vsel vm15, v60, v11;
	v23 =	vperm.xlane v26, v10  }
.Ltmp8:
0xf0: {  	_ = 	snop;
	(pc) =	sbr.rel .LBB2_10-.Ltmp8, $1  }
0xf1: {  	_ =	sdelay $0x3  }
.LBB2_7:
0xf2: {  	v21 =	vmov v15;
	v22 =	vmov v14  }
.LBB2_10:
0xf3: {  	s5 =	sadd.s32 s8, s29  }
0xf4: {  	p1 =	slt.s32 s5, $0x4E0C0  }
0xf5: {  	s5 =	simm.s32 @!p1 $0x4E0C0  }
0xf6: {  	s12 =	sshll.u32 s5, $0x4  }
0xf7: {  	s8 =	sand.u32 $0x1FFFFF80, s12  }
0xf8: {  	s16 =	sshll.u32 s5, $0x7;
	s8 =	sadd.s32 s1, s8  }
0xf9: {  	[tilespmem:s4], [sflag:$0x1] =	stream.linear.gather [hbm4b:s8+s4], $0x5000, $0x38;
	[tilespmem:$0x1EB80] =	vst v63  }
0xfa: {  	s8 =	sadd.s32 $0x5000, s16  }
0xfb: {  	s8 =	sshrl.u32 s8, $0x3  }
0xfc: {  	s5 =	sshrl.u32 s5, $0x3;
	s8 =	sadd.s32 s1, s8  }
0xfd: {  	[tilespmem:s14], [sflag:$0x1] =	stream.linear.gather [hbm4b:s8+s4], $0x5000, $0x38;
	[tilespmem:$0x1EB80] =	vst v63  }
0xfe: {  	s5 =	sadd.s32 s3, s5  }
0xff: {  	[tilespmem:s15], [sflag:$0x3] =	stream.linear.gather [hbm4b:s5+s4], $0x140, $0x38;
	[tilespmem:$0x1EB80] =	vst v63  }
0x100: {  	p1 =	slt.s32 s11, s24;
	s5 =	smov.u32 s24  }
0x101: {  	s9 =	sadd.s32 $0x140, s11;
	s5 =	smov.u32 @p1 s11  }
0x102: {  	p2 =	slt.s32 s24, s9;
	p1 =	sgt.s32 s23, s5  }
0x103: {  	s9 =	smov.u32 @p2 s24;
	s5 =	smov.u32 @p1 s23  }
0x104: {  	s8 =	ssub.s32 s5, s2;
	s2 =	ssub.s32 s9, s2  }
0x105: {  	s5 =	ssub.s32 s2, s8  }
0x106: {  	s5 =	sadd.s32 $0x3, s5  }
0x107: {  	s17 =	sand.u32 $0x3, s5  }
0x108: {  	s22 =	sshra.s32 s5, $0x1F;
	p5 =	slt.s32 s5, $0x1;
	p4 =	sne.s32 s17, $0x0  }
0x109: {  	s9 =	sshrl.u32 s22, $0x1E;
	p1 =	por !p5, !p4  }
0x10a: {  	s5 =	sadd.s32 s9, s5;
	s9 =	simm.s32 $0x1;
	p1 =	por !p1, !p1  }
0x10b: {  	s5 =	sshra.s32 s5, $0x2;
	s9 =	simm.s32 @!p1 $0x0  }
0x10c: {  	s11 =	ssub.s32 s5, s9  }
0x10d: {  	_ =	swait.ge [sflag:s20], $0xA000;
	p2 =	slt.s32 s11, $0x1  }
.Ltmp9:
0x10e: {  	[sflag:s20] =	ssyncset.done $0x0;
	(pc) =	sbr.rel @p2 .LBB2_11-.Ltmp9, $4  }
0x10f: {  	[sflag:s20] =	ssyncadd.s32 $0xFFFF6000  }
0x110: {  	_ =	swait.ge [sflag:s21], $0x140  }
0x111: {  	p6 =	sgt.s32 s7, s6;
	[sflag:s21] =	ssyncset.done $0x0  }
0x112: {  	v15 =	vpsel p6, v21, v15;
	v14 =	vpsel p6, v22, v14;
	[sflag:s21] =	ssyncadd.s32 $0xFFFFFEC0  }
0x113: {  	p1 =	slt.s32 s24, s31;
	s5 =	smov.u32 s31  }
0x114: {  	s5 =	smov.u32 @p1 s24  }
0x115: {  	p2 =	slt.s32 s31, $0x4E0C0;
	s6 =	smov.u32 s31;
	v21 =	vld [tilespmem:s8+$0x14180];
	p1 =	sgt.s32 s23, s5  }
0x116: {  	s6 =	simm.s32 @!p2 $0x4E0C0;
	s5 =	smov.u32 @p1 s23  }
0x117: {  	s9 =	sshll.u32 s6, $0x9;
	s7 =	sshll.u32 s5, $0x9  }
0x118: {  	s7 =	ssub.s32 s7, s9  }
0x119: {  	s5 =	ssub.s32 s5, s6;
	s7 =	sshra.s32 s7, $0x2  }
0x11a: {  	v23 =	vmov v14;
	s6 =	sadd.s32 $0x2, s5;
	v22 =	vperm.xlane v21, v10;
	v21 =	vmov v15;
	s5 =	sadd.s32 $0xA040, s7;
	s7 =	sadd.s32 $0xFFFFFFFF, s2  }
.LBB2_13:
0x11b: {  	v24 =	vld [tilespmem:s5+$0xFFFFFFC0]  }
0x11c: {  	v25 =	vld [tilespmem:s5+$0xFFFFFFD0];
	vm0 =	vne.s32 v22, v21;
	v21 =	vshll.u32 v23, $0x7  }
0x11d: {  	v26 =	vld [tilespmem:s5+$0xFFFFFFE0];
	v27 =	vor.u32 v1, v21  }
0x11e: {  	v23 =	vld [tilespmem:s5+$0xFFFFFFF0];
	v29 =	vor.u32 v3, v21  }
0x11f: {  	v28 =	vld [tilespmem:s5+$0x0];
	v31 =	vor.u32 v4, v21  }
0x120: {  	v30 =	vld [tilespmem:s5+$0x10];
	v33 =	vor.u32 v5, v21  }
0x121: {  	v32 =	vld [tilespmem:s5+$0x20];
	v35 =	vor.u32 v6, v21  }
0x122: {  	v34 =	vld [tilespmem:s5+$0x30];
	v51 =	vor.u32 v7, v21;
	[tilespmem:v27+s10+$0x0] =	vst.idx.msk vm0, v20  }
0x123: {  	v52 =	vor.u32 v8, v21;
	[tilespmem:v29+s10+$0x0] =	vst.idx.msk vm0, v18  }
0x124: {  	v21 =	vor.u32 v9, v21;
	[tilespmem:v31+s10+$0x0] =	vst.idx.msk vm0, v19  }
0x125: {  	[tilespmem:v33+s10+$0x0] =	vst.idx.msk vm0, v17  }
0x126: {  	[tilespmem:v35+s10+$0x0] =	vst.idx.msk vm0, v16  }
0x127: {  	s9 =	sadd.s32 $0xFFFFFFFF, s6;
	[tilespmem:v51+s10+$0x0] =	vst.idx.msk vm0, v12  }
0x128: {  	s12 =	smov.u32 s7;
	p1 =	slt.s32 s9, s7;
	[tilespmem:v52+s10+$0x0] =	vst.idx.msk vm0, v13  }
0x129: {  	s12 =	smov.u32 @p1 s9;
	[tilespmem:v21+s10+$0x0] =	vst.idx.msk vm0, v11  }
0x12a: {  	v21 =	vld [tilespmem:s12+$0x14180];
	_ =	sdelay $0x3  }
0x12b: {  	s9 =	sshll.u32 s12, $0x9  }
0x12c: {  	s9 =	sshra.s32 s9, $0x2;
	v21 =	vperm.xlane v21, v10  }
0x12d: {  	v53 =	vsub.s32 v22, v0;
	v27 =	vld [tilespmem:s9+$0xA000]  }
0x12e: {  	v31 =	vld [tilespmem:s9+$0xA010];
	vm1 =	vne.s32 v21, v22;
	v22 =	vshll.u32 v53, $0x7  }
0x12f: {  	v33 =	vld [tilespmem:s9+$0xA020];
	v55 =	vor.u32 v1, v22  }
0x130: {  	v20 =	vmax.f32 v20, v24;
	v54 =	vld [tilespmem:s9+$0xA030];
	v37 =	vor.u32 v3, v22  }
0x131: {  	v20 =	vsel vm0, v24, v20;
	v36 =	vld [tilespmem:s9+$0xA040];
	v38 =	vor.u32 v4, v22  }
0x132: {  	v18 =	vmax.f32 v18, v25;
	v19 =	vmax.f32 v19, v26;
	v56 =	vld [tilespmem:s9+$0xA050];
	v40 =	vor.u32 v5, v22  }
0x133: {  	v18 =	vsel vm0, v25, v18;
	v19 =	vsel vm0, v26, v19;
	v39 =	vld [tilespmem:s9+$0xA060];
	v58 =	vor.u32 v6, v22  }
0x134: {  	v17 =	vmax.f32 v17, v23;
	v57 =	vld [tilespmem:s9+$0xA070];
	v59 =	vor.u32 v7, v22;
	[tilespmem:v55+s10+$0x0] =	vst.idx.msk vm1, v20  }
0x135: {  	v17 =	vsel vm0, v23, v17;
	v23 =	vor.u32 v8, v22;
	[tilespmem:v37+s10+$0x0] =	vst.idx.msk vm1, v18  }
0x136: {  	v16 =	vmax.f32 v16, v28;
	v22 =	vor.u32 v9, v22;
	[tilespmem:v38+s10+$0x0] =	vst.idx.msk vm1, v19  }
0x137: {  	v16 =	vsel vm0, v28, v16;
	v12 =	vmax.f32 v12, v30;
	[tilespmem:v40+s10+$0x0] =	vst.idx.msk vm1, v17  }
0x138: {  	v12 =	vsel vm0, v30, v12;
	v13 =	vmax.f32 v13, v32;
	[tilespmem:v58+s10+$0x0] =	vst.idx.msk vm1, v16  }
0x139: {  	v13 =	vsel vm0, v32, v13;
	v11 =	vmax.f32 v11, v34;
	[tilespmem:v59+s10+$0x0] =	vst.idx.msk vm1, v12  }
0x13a: {  	p1 =	slt.s32 s6, s7;
	v11 =	vsel vm0, v34, v11;
	s9 =	smov.u32 s7;
	[tilespmem:v23+s10+$0x0] =	vst.idx.msk vm1, v13  }
0x13b: {  	s9 =	smov.u32 @p1 s6;
	[tilespmem:v22+s10+$0x0] =	vst.idx.msk vm1, v11  }
0x13c: {  	v22 =	vld [tilespmem:s9+$0x14180];
	_ =	sdelay $0x3  }
0x13d: {  	s9 =	sshll.u32 s9, $0x9  }
0x13e: {  	s9 =	sshra.s32 s9, $0x2;
	v22 =	vperm.xlane v22, v10  }
0x13f: {  	v60 =	vsub.s32 v21, v0;
	v23 =	vld [tilespmem:s9+$0xA000]  }
0x140: {  	v61 =	vld [tilespmem:s9+$0xA010];
	vm14 =	vne.s32 v22, v21;
	v21 =	vshll.u32 v60, $0x7  }
0x141: {  	v62 =	vld [tilespmem:s9+$0xA020];
	v63 =	vor.u32 v1, v21  }
0x142: {  	v20 =	vmax.f32 v20, v27;
	v26 =	vld [tilespmem:s9+$0xA030];
	v45 =	vor.u32 v3, v21  }
0x143: {  	v20 =	vsel vm1, v27, v20;
	v44 =	vld [tilespmem:s9+$0xA040];
	v47 =	vor.u32 v4, v21  }
0x144: {  	v18 =	vmax.f32 v18, v31;
	v19 =	vmax.f32 v19, v33;
	v46 =	vld [tilespmem:s9+$0xA050];
	v48 =	vor.u32 v5, v21  }
0x145: {  	v18 =	vsel vm1, v31, v18;
	v19 =	vsel vm1, v33, v19;
	v38 =	vld [tilespmem:s9+$0xA060];
	v50 =	vor.u32 v6, v21  }
0x146: {  	v17 =	vmax.f32 v17, v54;
	v49 =	vld [tilespmem:s9+$0xA070];
	v51 =	vor.u32 v7, v21;
	[tilespmem:v63+s10+$0x0] =	vst.idx.msk vm14, v20  }
0x147: {  	v17 =	vsel vm1, v54, v17;
	v52 =	vor.u32 v8, v21;
	[tilespmem:v45+s10+$0x0] =	vst.idx.msk vm14, v18  }
0x148: {  	v16 =	vmax.f32 v16, v36;
	v21 =	vor.u32 v9, v21;
	[tilespmem:v47+s10+$0x0] =	vst.idx.msk vm14, v19  }
0x149: {  	v16 =	vsel vm1, v36, v16;
	v12 =	vmax.f32 v12, v56;
	[tilespmem:v48+s10+$0x0] =	vst.idx.msk vm14, v17  }
0x14a: {  	v12 =	vsel vm1, v56, v12;
	v13 =	vmax.f32 v13, v39;
	[tilespmem:v50+s10+$0x0] =	vst.idx.msk vm14, v16  }
0x14b: {  	v13 =	vsel vm1, v39, v13;
	v11 =	vmax.f32 v11, v57;
	s9 =	sadd.s32 $0x1, s6;
	[tilespmem:v51+s10+$0x0] =	vst.idx.msk vm14, v12  }
0x14c: {  	s12 =	smov.u32 s7;
	v11 =	vsel vm1, v57, v11;
	p1 =	slt.s32 s9, s7;
	[tilespmem:v52+s10+$0x0] =	vst.idx.msk vm14, v13  }
0x14d: {  	s12 =	smov.u32 @p1 s9;
	[tilespmem:v21+s10+$0x0] =	vst.idx.msk vm14, v11  }
0x14e: {  	v21 =	vld [tilespmem:s12+$0x14180];
	_ =	sdelay $0x3  }
0x14f: {  	s9 =	sshll.u32 s12, $0x9  }
0x150: {  	s9 =	sshra.s32 s9, $0x2;
	v21 =	vperm.xlane v21, v10  }
0x151: {  	v54 =	vsub.s32 v22, v0;
	v53 =	vld [tilespmem:s9+$0xA000]  }
0x152: {  	v29 =	vld [tilespmem:s9+$0xA010];
	vm15 =	vne.s32 v21, v22;
	v22 =	vshll.u32 v54, $0x7  }
0x153: {  	v32 =	vld [tilespmem:s9+$0xA020];
	v56 =	vor.u32 v1, v22  }
0x154: {  	v20 =	vmax.f32 v20, v23;
	v55 =	vld [tilespmem:s9+$0xA030];
	v57 =	vor.u32 v3, v22  }
0x155: {  	v20 =	vsel vm14, v23, v20;
	v35 =	vld [tilespmem:s9+$0xA040];
	v23 =	vor.u32 v4, v22  }
0x156: {  	v18 =	vmax.f32 v18, v61;
	v19 =	vmax.f32 v19, v62;
	v37 =	vld [tilespmem:s9+$0xA050];
	v59 =	vor.u32 v5, v22  }
0x157: {  	v18 =	vsel vm14, v61, v18;
	v19 =	vsel vm14, v62, v19;
	v58 =	vld [tilespmem:s9+$0xA060];
	v61 =	vor.u32 v6, v22  }
0x158: {  	v17 =	vmax.f32 v17, v26;
	v60 =	vld [tilespmem:s9+$0xA070];
	v62 =	vor.u32 v7, v22;
	[tilespmem:v56+s10+$0x0] =	vst.idx.msk vm15, v20  }
0x159: {  	v17 =	vsel vm14, v26, v17;
	v63 =	vor.u32 v8, v22;
	[tilespmem:v57+s10+$0x0] =	vst.idx.msk vm15, v18  }
0x15a: {  	v16 =	vmax.f32 v16, v44;
	v22 =	vor.u32 v9, v22;
	[tilespmem:v23+s10+$0x0] =	vst.idx.msk vm15, v19  }
0x15b: {  	v16 =	vsel vm14, v44, v16;
	v12 =	vmax.f32 v12, v46;
	[tilespmem:v59+s10+$0x0] =	vst.idx.msk vm15, v17  }
0x15c: {  	v12 =	vsel vm14, v46, v12;
	v13 =	vmax.f32 v13, v38;
	[tilespmem:v61+s10+$0x0] =	vst.idx.msk vm15, v16  }
0x15d: {  	v13 =	vsel vm14, v38, v13;
	v11 =	vmax.f32 v11, v49;
	s9 =	sadd.s32 $0x2, s6;
	[tilespmem:v62+s10+$0x0] =	vst.idx.msk vm15, v12  }
0x15e: {  	v11 =	vsel vm14, v49, v11;
	s12 =	smov.u32 s7;
	p1 =	slt.s32 s9, s7;
	[tilespmem:v63+s10+$0x0] =	vst.idx.msk vm15, v13  }
0x15f: {  	s12 =	smov.u32 @p1 s9;
	v20 =	vmax.f32 v20, v53;
	[tilespmem:v22+s10+$0x0] =	vst.idx.msk vm15, v11  }
0x160: {  	p1 =	sne.s32 s11, $0x1;
	v18 =	vmax.f32 v18, v29;
	v20 =	vsel vm15, v53, v20;
	v22 =	vld [tilespmem:s12+$0x14180]  }
.Ltmp10:
0x161: {  	v23 =	vsub.s32 v21, v0;
	v18 =	vsel vm15, v29, v18;
	v19 =	vmax.f32 v19, v32;
	(pc) =	sbr.rel @p1 .LBB2_13-.Ltmp10, $4  }
0x162: {  	v19 =	vsel vm15, v32, v19;
	v17 =	vmax.f32 v17, v55;
	v16 =	vmax.f32 v16, v35  }
0x163: {  	v17 =	vsel vm15, v55, v17;
	v16 =	vsel vm15, v35, v16;
	v12 =	vmax.f32 v12, v37  }
0x164: {  	v12 =	vsel vm15, v37, v12;
	v13 =	vmax.f32 v13, v58;
	v11 =	vmax.f32 v11, v60  }
0x165: {  	s5 =	sadd.s32 $0x200, s5;
	s6 =	sadd.s32 $0x4, s6;
	s11 =	sadd.s32 $0xFFFFFFFF, s11;
	v13 =	vsel vm15, v58, v13;
	v11 =	vsel vm15, v60, v11;
	v22 =	vperm.xlane v22, v10  }
.Ltmp11:
0x166: {  	_ = 	snop;
	(pc) =	sbr.rel .LBB2_14-.Ltmp11, $1  }
0x167: {  	_ =	sdelay $0x3  }
.LBB2_4:
.Ltmp12:
0x168: {  	(pc) =	sbr.rel .LBB2_16-.Ltmp12, $4  }
0x169: {  	_ = 	snop  }
0x16a: {  	v20 =	vimm.f32 $-Inf;
	v14 =	vimm.s32 $0xA400;
	v18 =	vimm.f32 $-Inf  }
0x16b: {  	v19 =	vimm.f32 $-Inf;
	v17 =	vimm.f32 $-Inf;
	v16 =	vimm.f32 $-Inf  }
0x16c: {  	v12 =	vimm.f32 $-Inf;
	v13 =	vimm.f32 $-Inf;
	v11 =	vimm.f32 $-Inf  }
.LBB2_17:
0x16d: {  	_ =	sfence.sel $0x180000  }
0x16e: {  	[bflag:$0x0] =	sbarrier.arrive $0xFFFF  }
0x16f: {  	_ =	strace $0x90000047  }
0x170: {  	s0 =	stileid.u32;
	[bflag:$0x2] =	sbarrier.arrive $0xFFFF  }
0x171: {  	p0 =	sne.s32 s0, $0x0;
	s0 =	rddreg [dreg:$0x4]  }
0x172: {  	s0 =	sadd.s32 @!p0 $0x100000, s0  }
0x173: {  	[sflag:s0] =	ssyncadd.tile.s32 @!p0 $0x1;
	_ =	shalt  }
.Lfunc_end2:
_tile_overlayer_lowered:
.L_overlay_start_2:
0x174: {  	(tag) =	ssettag $0x2  }
0x175: {  	s0 =	rddreg [dreg:$0x0];
	s2 =	stileid.u32  }
0x176: {  	s1 =	rddreg [dreg:$0x1];
	p0 =	sne.s32 s2, $0x0  }
0x177: {  	s3 =	rddreg [dreg:$0x2];
	[bflag:$0x3] =	sbarrier.arrive $0xFFFF;
	s2 =	simm.s32 @!p0 $0x1C05  }
0x178: {  	[timem:s3], [sflag:s2] =	dma.local @!p0 [hbm:s0], s1  }
0x179: {  	s0 =	simm.s32 @!p0 $0x5  }
0x17a: {  	_ =	swait.ge @!p0 [sflag:s0], s1  }
0x17b: {  	s1 =	ssub.s32 @!p0 $0x0, s1;
	[sflag:s0] =	ssyncset.done @!p0 $0x0  }
0x17c: {  	[sflag:s0] =	ssyncadd.s32 @!p0 s1  }
0x17d: {  	[bflag:$0x3] =	sbarrier.arrive $0xFFFF  }
0x17e: {  	_ =	shalt  }

</sc_bundles>
